<compile_context>
chip_gen: v7x
topology: tpu7x:2x2x1
jax: 0.10.2.dev20260603
libtpu: 0.0.44.dev20260713+nightly
codegen_flags: <defaults>
</compile_context>

<pallas_src>
import functools

import jax
import jax.numpy as jnp
from jax import lax
from jax.experimental import pallas as pl
from jax.experimental.pallas import tpu as pltpu
from jax.experimental.pallas import tpu_sc as plsc

_N = 16384
_C = 16
_DIM = 64
_SPAN = 256
_OUT = _SPAN + _DIM
_NC, _NS = 2, 16
_NW = _NC * _NS
_SPW = _N // _NW
_CH = 8
_NCHUNK = _SPW // _CH
_LANES = 16
_NJ = _DIM // _LANES


def _sc_body(span_hbm, scores_hbm, cand_hbm, len_hbm, embed_hbm, out_hbm,
             idx_v, scores_v, len_v, rows_v, tail_v, gsem):
    wid = lax.axis_index("s") * _NC + lax.axis_index("c")
    row0 = wid * _SPW

    pltpu.sync_copy(cand_hbm.at[wid], idx_v)
    pltpu.sync_copy(scores_hbm.at[wid], scores_v)
    pltpu.sync_copy(len_hbm.at[wid], len_v.at[pl.ds(0, _SPW)])

    pltpu.sync_copy(span_hbm.at[wid],
                    out_hbm.at[pl.ds(row0, _SPW), pl.ds(0, _SPAN)])

    @pl.loop(0, _NCHUNK)
    def _chunk(k):
        pltpu.async_copy(embed_hbm.at[idx_v.at[k]], rows_v, gsem).wait()

        lv = len_v[pl.ds(k * _CH, _LANES)]
        maskf = jnp.where(lv > 0, 1.0, 0.0)

        for s in range(_CH):
            sv = scores_v[k * _CH + s, :]
            accs = [jnp.zeros((_LANES,), jnp.float32) for _ in range(_NJ)]
            for c in range(_C):
                w = sv[c]
                r = s * _C + c
                for j in range(_NJ):
                    accs[j] = accs[j] + w * rows_v[r, pl.ds(j * _LANES, _LANES)]
            m = maskf[s]
            for j in range(_NJ):
                tail_v[s, pl.ds(j * _LANES, _LANES)] = accs[j] * m

        pltpu.sync_copy(
            tail_v,
            out_hbm.at[pl.ds(row0 + k * _CH, _CH), pl.ds(_SPAN, _DIM)])


@functools.partial(
    pl.kernel,
    out_type=jax.ShapeDtypeStruct((_N, _OUT), jnp.float32),
    mesh=plsc.VectorSubcoreMesh(core_axis_name="c", subcore_axis_name="s"),
    compiler_params=pltpu.CompilerParams(use_tc_tiling_on_sc=False),
    scratch_types=[
        pltpu.VMEM((_NCHUNK, _CH * _C), jnp.int32),
        pltpu.VMEM((_SPW, _C), jnp.float32),
        pltpu.VMEM((_SPW + _LANES,), jnp.int32),
        pltpu.VMEM((_CH * _C, _DIM), jnp.float32),
        pltpu.VMEM((_CH, _DIM), jnp.float32),
        pltpu.SemaphoreType.DMA,
    ],
)
def _kb_kernel(span_hbm, scores_hbm, cand_hbm, len_hbm, embed_hbm, out_hbm,
               idx_v, scores_v, len_v, rows_v, tail_v, gsem):
    _sc_body(span_hbm, scores_hbm, cand_hbm, len_hbm, embed_hbm, out_hbm,
             idx_v, scores_v, len_v, rows_v, tail_v, gsem)


def kernel(span_vecs, scores, mask_candidates, embed, candidates,
           len_candidates):
    del mask_candidates
    span_r = span_vecs.reshape(_NW, _SPW, _SPAN)
    scores_r = scores.reshape(_NW, _SPW, _C)
    cand_r = candidates.reshape(_NW, _NCHUNK, _CH * _C)
    len_r = len_candidates.reshape(_NW, _SPW)
    out = _kb_kernel(span_r, scores_r, cand_r, len_r, embed)
    return out.reshape(1, _N, _OUT)

# --- scband reference (transcript-rebuilt; emitter-appended) ---
"""Pipeline reference for scband-kbembedder-all-22497038696566 (READ-ONLY COPY).

The authoritative reference and input builder live on the scoring server;
editing this copy changes nothing except your own understanding.
"""

import jax, jax.numpy as jnp
import numpy as np

N = 16384      # number of spans
C = 16         # max_nr_candidates
V = 1000000    # KB entity vocab (dictionary.size)
DIM = 64       # kb embedding dim (config['dim'])
SPAN = 256     # span_extractor_dim


def setup_inputs(seed: int = 0) -> dict:
    key = jax.random.key(seed)
    k1, k2, k3, k4, k5 = jax.random.split(key, 5)
    span_vecs = jax.random.normal(k1, (1, N, SPAN), dtype=jnp.float32)
    candidates = jax.random.randint(k2, (1, N, C), 0, V, dtype=jnp.int32)
    scores = jax.random.uniform(k3, (1, N, C), dtype=jnp.float32)
    len_candidates = jax.random.randint(k4, (1, N), 0, C + 1, dtype=jnp.int32)
    mask_candidates = jnp.ones((1, N, C), dtype=jnp.float32)
    embed = jax.random.normal(k5, (V, DIM), dtype=jnp.float32) * 0.02  # frozen nn.Embedding weight
    return {
        'span_vecs': span_vecs,
        'scores': scores,
        'mask_candidates': mask_candidates,
        'embed': embed,
        'candidates': candidates,
        'len_candidates': len_candidates,
    }


def reference(span_vecs, scores, mask_candidates, embed, candidates, len_candidates):
    # KBEmbedderAll.forward with type='prior', spans_scope='all'
    # idx_spans = (len_candidates > 0).nonzero().squeeze(-1)
    has_cands = len_candidates[0] > 0                          # [N] bool
    # mask_spans_w_cands is all-True after selecting nonzero rows, idx_spans unchanged.
    all_candidates_idx = candidates[0]                         # [N, C] int
    all_candidates = embed[all_candidates_idx]                 # [N, C, DIM] gather (embedding lookup)
    all_scores = scores[0]                                     # [N, C]
    cands_w_spans = jnp.sum(all_candidates * all_scores[..., None], axis=1)  # [N, DIM]
    # pad span_vecs last dim with DIM zeros
    padded = jnp.pad(span_vecs, ((0, 0), (0, 0), (0, DIM)))   # [1, N, SPAN+DIM]
    flat = padded.reshape(-1, SPAN + DIM)                      # [N, SPAN+DIM]
    # scatter-overwrite the last DIM columns of selected rows; unselected rows keep zero pad
    tail = jnp.where(has_cands[:, None], cands_w_spans, flat[:, SPAN:])
    flat = flat.at[:, SPAN:].set(tail)
    return flat.reshape(1, N, SPAN + DIM)

if __name__ == "__main__":
    import jax
    _d = setup_inputs()
    print(jax.jit(kernel)(*tuple(_d.values())))

</pallas_src>

<mosaic_0001>
#map = affine_map<(d0, d1) -> (0, 0, 0)>
#map1 = affine_map<(d0, d1) -> (0, 0)>
module attributes {stable_mosaic.version = 14 : i64} {
  func.func @_kb_kernel(%arg0: i32, %arg1: i32, %arg2: memref<32x512x256xf32, #tpu.memory_space<hbm>>, %arg3: memref<32x512x16xf32, #tpu.memory_space<hbm>>, %arg4: memref<32x64x128xi32, #tpu.memory_space<hbm>>, %arg5: memref<32x512xi32, #tpu.memory_space<hbm>>, %arg6: memref<1000000x64xf32, #tpu.memory_space<hbm>>, %arg7: memref<16384x320xf32, #tpu.memory_space<hbm>>, %arg8: memref<64x128xi32, #tpu.memory_space<vmem>>, %arg9: memref<512x16xf32, #tpu.memory_space<vmem>>, %arg10: memref<528xi32, #tpu.memory_space<vmem>>, %arg11: memref<128x64xf32, #tpu.memory_space<vmem>>, %arg12: memref<8x64xf32, #tpu.memory_space<vmem>>, %arg13: memref<!tpu.dma_semaphore, #tpu.memory_space<semaphore_mem>>) attributes {dimension_semantics = [#tpu.dimension_semantics<core_parallel>, #tpu.dimension_semantics<subcore_parallel>], iteration_bounds = array<i64: 2, 16>, scalar_prefetch = 0 : i64, scratch_operands = 6 : i64, tpu.core_type = #tpu.core_type<sc_vector_subcore>, window_params = [{transform_indices = #map}, {transform_indices = #map}, {transform_indices = #map}, {transform_indices = #map1}, {transform_indices = #map1}, {transform_indices = #map1}]} {
    %mul3A = arith.constant 2 : i32
    %mul3A_0 = arith.muli %arg1, %mul3A : i32
    %add3A = arith.addi %mul3A_0, %arg0 : i32
    %mul3A_1 = arith.constant 512 : i32
    %mul3A_2 = arith.muli %add3A, %mul3A_1 : i32
    "tpu.region"() ({
      %run_scoped3A = tpu.sem_alloc : memref<!tpu.dma_semaphore, #tpu.memory_space<semaphore_mem>>
      %dma_start3A = arith.constant 0 : i32
      %dma_start3A_7 = arith.constant 0 : i32
      %dma_start3A_8 = tpu.memref_slice %arg4[%add3A, %dma_start3A, %dma_start3A_7] : memref<32x64x128xi32, #tpu.memory_space<hbm>> -> memref<1x64x128xi32, #tpu.memory_space<hbm>>
      %dma_start3A_9 = tpu.memref_squeeze %dma_start3A_8 : memref<1x64x128xi32, #tpu.memory_space<hbm>> -> memref<64x128xi32, #tpu.memory_space<hbm>>
      %dma_start3A_10 = arith.constant 0 : i32
      %dma_start3A_11 = arith.constant 0 : i32
      %dma_start3A_12 = tpu.memref_slice %arg4[%add3A, %dma_start3A_10, %dma_start3A_11] : memref<32x64x128xi32, #tpu.memory_space<hbm>> -> memref<1x64x128xi32, #tpu.memory_space<hbm>>
      %dma_start3A_13 = tpu.memref_squeeze %dma_start3A_12 : memref<1x64x128xi32, #tpu.memory_space<hbm>> -> memref<64x128xi32, #tpu.memory_space<hbm>>
      tpu.enqueue_dma source(%dma_start3A_13 : memref<64x128xi32, #tpu.memory_space<hbm>>) target(%arg8 : memref<64x128xi32, #tpu.memory_space<vmem>>) target_semaphore(%run_scoped3A : memref<!tpu.dma_semaphore, #tpu.memory_space<semaphore_mem>>)
      %dma_wait3A = arith.constant 0 : i32
      %dma_wait3A_14 = arith.constant 0 : i32
      %dma_wait3A_15 = tpu.memref_slice %arg4[%add3A, %dma_wait3A, %dma_wait3A_14] : memref<32x64x128xi32, #tpu.memory_space<hbm>> -> memref<1x64x128xi32, #tpu.memory_space<hbm>>
      %dma_wait3A_16 = tpu.memref_squeeze %dma_wait3A_15 : memref<1x64x128xi32, #tpu.memory_space<hbm>> -> memref<64x128xi32, #tpu.memory_space<hbm>>
      %dma_wait3A_17 = arith.constant 0 : i32
      %dma_wait3A_18 = arith.constant 0 : i32
      %dma_wait3A_19 = tpu.memref_slice %arg4[%add3A, %dma_wait3A_17, %dma_wait3A_18] : memref<32x64x128xi32, #tpu.memory_space<hbm>> -> memref<1x64x128xi32, #tpu.memory_space<hbm>>
      %dma_wait3A_20 = tpu.memref_squeeze %dma_wait3A_19 : memref<1x64x128xi32, #tpu.memory_space<hbm>> -> memref<64x128xi32, #tpu.memory_space<hbm>>
      tpu.wait_dma2 semaphore(%run_scoped3A : memref<!tpu.dma_semaphore, #tpu.memory_space<semaphore_mem>>) src(%dma_wait3A_20 : memref<64x128xi32, #tpu.memory_space<hbm>>) dst(%arg8 : memref<64x128xi32, #tpu.memory_space<vmem>>)
      tpu.yield
    }) : () -> ()
    "tpu.region"() ({
      %run_scoped3A = tpu.sem_alloc : memref<!tpu.dma_semaphore, #tpu.memory_space<semaphore_mem>>
      %dma_start3A = arith.constant 0 : i32
      %dma_start3A_7 = arith.constant 0 : i32
      %dma_start3A_8 = tpu.memref_slice %arg3[%add3A, %dma_start3A, %dma_start3A_7] : memref<32x512x16xf32, #tpu.memory_space<hbm>> -> memref<1x512x16xf32, #tpu.memory_space<hbm>>
      %dma_start3A_9 = tpu.memref_squeeze %dma_start3A_8 : memref<1x512x16xf32, #tpu.memory_space<hbm>> -> memref<512x16xf32, #tpu.memory_space<hbm>>
      %dma_start3A_10 = arith.constant 0 : i32
      %dma_start3A_11 = arith.constant 0 : i32
      %dma_start3A_12 = tpu.memref_slice %arg3[%add3A, %dma_start3A_10, %dma_start3A_11] : memref<32x512x16xf32, #tpu.memory_space<hbm>> -> memref<1x512x16xf32, #tpu.memory_space<hbm>>
      %dma_start3A_13 = tpu.memref_squeeze %dma_start3A_12 : memref<1x512x16xf32, #tpu.memory_space<hbm>> -> memref<512x16xf32, #tpu.memory_space<hbm>>
      tpu.enqueue_dma source(%dma_start3A_13 : memref<512x16xf32, #tpu.memory_space<hbm>>) target(%arg9 : memref<512x16xf32, #tpu.memory_space<vmem>>) target_semaphore(%run_scoped3A : memref<!tpu.dma_semaphore, #tpu.memory_space<semaphore_mem>>)
      %dma_wait3A = arith.constant 0 : i32
      %dma_wait3A_14 = arith.constant 0 : i32
      %dma_wait3A_15 = tpu.memref_slice %arg3[%add3A, %dma_wait3A, %dma_wait3A_14] : memref<32x512x16xf32, #tpu.memory_space<hbm>> -> memref<1x512x16xf32, #tpu.memory_space<hbm>>
      %dma_wait3A_16 = tpu.memref_squeeze %dma_wait3A_15 : memref<1x512x16xf32, #tpu.memory_space<hbm>> -> memref<512x16xf32, #tpu.memory_space<hbm>>
      %dma_wait3A_17 = arith.constant 0 : i32
      %dma_wait3A_18 = arith.constant 0 : i32
      %dma_wait3A_19 = tpu.memref_slice %arg3[%add3A, %dma_wait3A_17, %dma_wait3A_18] : memref<32x512x16xf32, #tpu.memory_space<hbm>> -> memref<1x512x16xf32, #tpu.memory_space<hbm>>
      %dma_wait3A_20 = tpu.memref_squeeze %dma_wait3A_19 : memref<1x512x16xf32, #tpu.memory_space<hbm>> -> memref<512x16xf32, #tpu.memory_space<hbm>>
      tpu.wait_dma2 semaphore(%run_scoped3A : memref<!tpu.dma_semaphore, #tpu.memory_space<semaphore_mem>>) src(%dma_wait3A_20 : memref<512x16xf32, #tpu.memory_space<hbm>>) dst(%arg9 : memref<512x16xf32, #tpu.memory_space<vmem>>)
      tpu.yield
    }) : () -> ()
    "tpu.region"() ({
      %run_scoped3A = tpu.sem_alloc : memref<!tpu.dma_semaphore, #tpu.memory_space<semaphore_mem>>
      %dma_start3A = arith.constant 0 : i32
      %dma_start3A_7 = tpu.memref_slice %arg10[%dma_start3A] : memref<528xi32, #tpu.memory_space<vmem>> -> memref<512xi32, #tpu.memory_space<vmem>>
      %dma_start3A_8 = arith.constant 0 : i32
      %dma_start3A_9 = tpu.memref_slice %arg5[%add3A, %dma_start3A_8] : memref<32x512xi32, #tpu.memory_space<hbm>> -> memref<1x512xi32, #tpu.memory_space<hbm>>
      %dma_start3A_10 = tpu.memref_squeeze %dma_start3A_9 : memref<1x512xi32, #tpu.memory_space<hbm>> -> memref<512xi32, #tpu.memory_space<hbm>>
      %dma_start3A_11 = arith.constant 0 : i32
      %dma_start3A_12 = tpu.memref_slice %arg10[%dma_start3A_11] : memref<528xi32, #tpu.memory_space<vmem>> -> memref<512xi32, #tpu.memory_space<vmem>>
      %dma_start3A_13 = arith.constant 0 : i32
      %dma_start3A_14 = tpu.memref_slice %arg5[%add3A, %dma_start3A_13] : memref<32x512xi32, #tpu.memory_space<hbm>> -> memref<1x512xi32, #tpu.memory_space<hbm>>
      %dma_start3A_15 = tpu.memref_squeeze %dma_start3A_14 : memref<1x512xi32, #tpu.memory_space<hbm>> -> memref<512xi32, #tpu.memory_space<hbm>>
      tpu.enqueue_dma source(%dma_start3A_15 : memref<512xi32, #tpu.memory_space<hbm>>) target(%dma_start3A_12 : memref<512xi32, #tpu.memory_space<vmem>>) target_semaphore(%run_scoped3A : memref<!tpu.dma_semaphore, #tpu.memory_space<semaphore_mem>>)
      %dma_wait3A = arith.constant 0 : i32
      %dma_wait3A_16 = tpu.memref_slice %arg10[%dma_wait3A] : memref<528xi32, #tpu.memory_space<vmem>> -> memref<512xi32, #tpu.memory_space<vmem>>
      %dma_wait3A_17 = arith.constant 0 : i32
      %dma_wait3A_18 = tpu.memref_slice %arg5[%add3A, %dma_wait3A_17] : memref<32x512xi32, #tpu.memory_space<hbm>> -> memref<1x512xi32, #tpu.memory_space<hbm>>
      %dma_wait3A_19 = tpu.memref_squeeze %dma_wait3A_18 : memref<1x512xi32, #tpu.memory_space<hbm>> -> memref<512xi32, #tpu.memory_space<hbm>>
      %dma_wait3A_20 = arith.constant 0 : i32
      %dma_wait3A_21 = tpu.memref_slice %arg10[%dma_wait3A_20] : memref<528xi32, #tpu.memory_space<vmem>> -> memref<512xi32, #tpu.memory_space<vmem>>
      %dma_wait3A_22 = arith.constant 0 : i32
      %dma_wait3A_23 = tpu.memref_slice %arg5[%add3A, %dma_wait3A_22] : memref<32x512xi32, #tpu.memory_space<hbm>> -> memref<1x512xi32, #tpu.memory_space<hbm>>
      %dma_wait3A_24 = tpu.memref_squeeze %dma_wait3A_23 : memref<1x512xi32, #tpu.memory_space<hbm>> -> memref<512xi32, #tpu.memory_space<hbm>>
      tpu.wait_dma2 semaphore(%run_scoped3A : memref<!tpu.dma_semaphore, #tpu.memory_space<semaphore_mem>>) src(%dma_wait3A_24 : memref<512xi32, #tpu.memory_space<hbm>>) dst(%dma_wait3A_21 : memref<512xi32, #tpu.memory_space<vmem>>)
      tpu.yield
    }) : () -> ()
    "tpu.region"() ({
      %run_scoped3A = tpu.sem_alloc : memref<!tpu.dma_semaphore, #tpu.memory_space<semaphore_mem>>
      %dma_start3A = arith.constant 0 : i32
      %dma_start3A_7 = tpu.memref_slice %arg7[%mul3A_2, %dma_start3A] : memref<16384x320xf32, #tpu.memory_space<hbm>> -> memref<512x256xf32, #tpu.memory_space<hbm>>
      %dma_start3A_8 = arith.constant 0 : i32
      %dma_start3A_9 = arith.constant 0 : i32
      %dma_start3A_10 = tpu.memref_slice %arg2[%add3A, %dma_start3A_8, %dma_start3A_9] : memref<32x512x256xf32, #tpu.memory_space<hbm>> -> memref<1x512x256xf32, #tpu.memory_space<hbm>>
      %dma_start3A_11 = tpu.memref_squeeze %dma_start3A_10 : memref<1x512x256xf32, #tpu.memory_space<hbm>> -> memref<512x256xf32, #tpu.memory_space<hbm>>
      tpu.enqueue_dma source(%dma_start3A_11 : memref<512x256xf32, #tpu.memory_space<hbm>>) target(%dma_start3A_7 : memref<512x256xf32, #tpu.memory_space<hbm>>) target_semaphore(%run_scoped3A : memref<!tpu.dma_semaphore, #tpu.memory_space<semaphore_mem>>)
      %dma_wait3A = arith.constant 0 : i32
      %dma_wait3A_12 = tpu.memref_slice %arg7[%mul3A_2, %dma_wait3A] : memref<16384x320xf32, #tpu.memory_space<hbm>> -> memref<512x256xf32, #tpu.memory_space<hbm>>
      %dma_wait3A_13 = arith.constant 0 : i32
      %dma_wait3A_14 = arith.constant 0 : i32
      %dma_wait3A_15 = tpu.memref_slice %arg2[%add3A, %dma_wait3A_13, %dma_wait3A_14] : memref<32x512x256xf32, #tpu.memory_space<hbm>> -> memref<1x512x256xf32, #tpu.memory_space<hbm>>
      %dma_wait3A_16 = tpu.memref_squeeze %dma_wait3A_15 : memref<1x512x256xf32, #tpu.memory_space<hbm>> -> memref<512x256xf32, #tpu.memory_space<hbm>>
      tpu.wait_dma2 semaphore(%run_scoped3A : memref<!tpu.dma_semaphore, #tpu.memory_space<semaphore_mem>>) src(%dma_wait3A_16 : memref<512x256xf32, #tpu.memory_space<hbm>>) dst(%dma_wait3A_12 : memref<512x256xf32, #tpu.memory_space<hbm>>)
      tpu.yield
    }) : () -> ()
    %scan3A = arith.constant 0 : i32
    %scan3A_3 = arith.constant 64 : i32
    %scan3A_4 = arith.addi %scan3A, %scan3A_3 : i32
    %scan3A_5 = arith.constant 1 : i32
    scf.for %scan3A_7 = %scan3A to %scan3A_4 step %scan3A_5  : i32 {
      %mul3A_8 = arith.constant 1 : i32
      %mul3A_9 = arith.muli %scan3A_7, %mul3A_8 : i32
      %add3A_10 = arith.constant 0 : i32
      %add3A_11 = arith.addi %add3A_10, %mul3A_9 : i32
      %dma_start3A = arith.constant 0 : i32
      %dma_start3A_12 = tpu.memref_slice %arg8[%add3A_11, %dma_start3A] : memref<64x128xi32, #tpu.memory_space<vmem>> -> memref<1x128xi32, #tpu.memory_space<vmem>>
      %dma_start3A_13 = tpu.memref_squeeze %dma_start3A_12 : memref<1x128xi32, #tpu.memory_space<vmem>> -> memref<128xi32, #tpu.memory_space<vmem>>
      %dma_start3A_14 = arith.constant 0 : i32
      %dma_start3A_15 = arith.constant 0 : i32
      %dma_start3A_16 = tpu.memref_slice %arg6[%dma_start3A_14, %dma_start3A_15] : memref<1000000x64xf32, #tpu.memory_space<hbm>> -> memref<1000000x64xf32, #tpu.memory_space<hbm>>
      tpu.enqueue_indirect_dma source(%dma_start3A_16 : memref<1000000x64xf32, #tpu.memory_space<hbm>>) target(%arg11 : memref<128x64xf32, #tpu.memory_space<vmem>>) offsets(%dma_start3A_13 : memref<128xi32, #tpu.memory_space<vmem>>) semaphore(%arg13 : memref<!tpu.dma_semaphore, #tpu.memory_space<semaphore_mem>>)
      %dma_wait3A = arith.constant 0 : i32
      %dma_wait3A_17 = tpu.memref_slice %arg8[%add3A_11, %dma_wait3A] : memref<64x128xi32, #tpu.memory_space<vmem>> -> memref<1x128xi32, #tpu.memory_space<vmem>>
      %dma_wait3A_18 = tpu.memref_squeeze %dma_wait3A_17 : memref<1x128xi32, #tpu.memory_space<vmem>> -> memref<128xi32, #tpu.memory_space<vmem>>
      %dma_wait3A_19 = arith.constant 0 : i32
      %dma_wait3A_20 = arith.constant 0 : i32
      %dma_wait3A_21 = tpu.memref_slice %arg6[%dma_wait3A_19, %dma_wait3A_20] : memref<1000000x64xf32, #tpu.memory_space<hbm>> -> memref<1000000x64xf32, #tpu.memory_space<hbm>>
      tpu.wait_indirect_dma semaphore(%arg13 : memref<!tpu.dma_semaphore, #tpu.memory_space<semaphore_mem>>) src(%dma_wait3A_21 : memref<1000000x64xf32, #tpu.memory_space<hbm>>) dst(%arg11 : memref<128x64xf32, #tpu.memory_space<vmem>>)
      %mul3A_22 = arith.constant 8 : i32
      %mul3A_23 = arith.muli %add3A_11, %mul3A_22 : i32
      %get3A = arith.index_cast %mul3A_23 : i32 to index
      %get3A_24 = tpu.vector_load %arg10[%get3A] {strides = array<i32>} : memref<528xi32, #tpu.memory_space<vmem>>, vector<16xi32>,
      %get3A_25 = vector.shape_cast %get3A_24 : vector<16xi32> to vector<16xi32>
      %gt3A = arith.constant 0 : i32
      %gt3A_26 = vector.broadcast %gt3A : i32 to vector<16xi32>
      %gt3A_27 = arith.cmpi sgt, %get3A_25, %gt3A_26 : vector<16xi32>
      %jit3A = arith.constant 1.000000e+00 : f32
      %jit3A_28 = arith.constant 0.000000e+00 : f32
      %broadcast_in_dim3A = vector.broadcast %jit3A : f32 to vector<16xf32>
      %broadcast_in_dim3A_29 = vector.broadcast %jit3A_28 : f32 to vector<16xf32>
      %select_n3A = arith.select %gt3A_27, %broadcast_in_dim3A, %broadcast_in_dim3A_29 : vector<16xi1>, vector<16xf32>
      %mul3A_30 = arith.constant 8 : i32
      %mul3A_31 = arith.muli %add3A_11, %mul3A_30 : i32
      %add3A_32 = arith.constant 0 : i32
      %add3A_33 = arith.addi %mul3A_31, %add3A_32 : i32
      %get3A_34 = arith.index_cast %add3A_33 : i32 to index
      %get3A_35 = arith.constant 0 : index
      %get3A_36 = tpu.vector_load %arg9[%get3A_34, %get3A_35] {strides = array<i32>} : memref<512x16xf32, #tpu.memory_space<vmem>>, vector<1x16xf32>,
      %get3A_37 = vector.shape_cast %get3A_36 : vector<1x16xf32> to vector<16xf32>
      %broadcast_in_dim3A_38 = arith.constant 0.000000e+00 : f32
      %broadcast_in_dim3A_39 = vector.broadcast %broadcast_in_dim3A_38 : f32 to vector<16xf32>
      %broadcast_in_dim3A_40 = arith.constant 0.000000e+00 : f32
      %broadcast_in_dim3A_41 = vector.broadcast %broadcast_in_dim3A_40 : f32 to vector<16xf32>
      %broadcast_in_dim3A_42 = arith.constant 0.000000e+00 : f32
      %broadcast_in_dim3A_43 = vector.broadcast %broadcast_in_dim3A_42 : f32 to vector<16xf32>
      %broadcast_in_dim3A_44 = arith.constant 0.000000e+00 : f32
      %broadcast_in_dim3A_45 = vector.broadcast %broadcast_in_dim3A_44 : f32 to vector<16xf32>
      %slice3A = vector.extract_strided_slice %get3A_37 {offsets = [0], sizes = [1], strides = [1]} : vector<16xf32> to vector<1xf32>
      %squeeze3A = vector.extract %slice3A[0] : f32 from vector<1xf32>
      %get3A_46 = arith.constant 0 : i32
      %get3A_47 = arith.index_cast %get3A_46 : i32 to index
      %get3A_48 = arith.constant 0 : index
      %get3A_49 = tpu.vector_load %arg11[%get3A_47, %get3A_48] {strides = array<i32>} : memref<128x64xf32, #tpu.memory_space<vmem>>, vector<1x16xf32>,
      %get3A_50 = vector.shape_cast %get3A_49 : vector<1x16xf32> to vector<16xf32>
      %mul3A_51 = vector.broadcast %squeeze3A : f32 to vector<16xf32>
      %mul3A_52 = arith.mulf %mul3A_51, %get3A_50 : vector<16xf32>
      %add3A_53 = arith.addf %broadcast_in_dim3A_39, %mul3A_52 : vector<16xf32>
      %get3A_54 = arith.constant 0 : i32
      %get3A_55 = arith.index_cast %get3A_54 : i32 to index
      %get3A_56 = arith.constant 16 : index
      %get3A_57 = tpu.vector_load %arg11[%get3A_55, %get3A_56] {strides = array<i32>} : memref<128x64xf32, #tpu.memory_space<vmem>>, vector<1x16xf32>,
      %get3A_58 = vector.shape_cast %get3A_57 : vector<1x16xf32> to vector<16xf32>
      %mul3A_59 = vector.broadcast %squeeze3A : f32 to vector<16xf32>
      %mul3A_60 = arith.mulf %mul3A_59, %get3A_58 : vector<16xf32>
      %add3A_61 = arith.addf %broadcast_in_dim3A_41, %mul3A_60 : vector<16xf32>
      %get3A_62 = arith.constant 0 : i32
      %get3A_63 = arith.index_cast %get3A_62 : i32 to index
      %get3A_64 = arith.constant 32 : index
      %get3A_65 = tpu.vector_load %arg11[%get3A_63, %get3A_64] {strides = array<i32>} : memref<128x64xf32, #tpu.memory_space<vmem>>, vector<1x16xf32>,
      %get3A_66 = vector.shape_cast %get3A_65 : vector<1x16xf32> to vector<16xf32>
      %mul3A_67 = vector.broadcast %squeeze3A : f32 to vector<16xf32>
      %mul3A_68 = arith.mulf %mul3A_67, %get3A_66 : vector<16xf32>
      %add3A_69 = arith.addf %broadcast_in_dim3A_43, %mul3A_68 : vector<16xf32>
      %get3A_70 = arith.constant 0 : i32
      %get3A_71 = arith.index_cast %get3A_70 : i32 to index
      %get3A_72 = arith.constant 48 : index
      %get3A_73 = tpu.vector_load %arg11[%get3A_71, %get3A_72] {strides = array<i32>} : memref<128x64xf32, #tpu.memory_space<vmem>>, vector<1x16xf32>,
      %get3A_74 = vector.shape_cast %get3A_73 : vector<1x16xf32> to vector<16xf32>
      %mul3A_75 = vector.broadcast %squeeze3A : f32 to vector<16xf32>
      %mul3A_76 = arith.mulf %mul3A_75, %get3A_74 : vector<16xf32>
      %add3A_77 = arith.addf %broadcast_in_dim3A_45, %mul3A_76 : vector<16xf32>
      %slice3A_78 = vector.extract_strided_slice %get3A_37 {offsets = [1], sizes = [1], strides = [1]} : vector<16xf32> to vector<1xf32>
      %squeeze3A_79 = vector.extract %slice3A_78[0] : f32 from vector<1xf32>
      %get3A_80 = arith.constant 1 : i32
      %get3A_81 = arith.index_cast %get3A_80 : i32 to index
      %get3A_82 = arith.constant 0 : index
      %get3A_83 = tpu.vector_load %arg11[%get3A_81, %get3A_82] {strides = array<i32>} : memref<128x64xf32, #tpu.memory_space<vmem>>, vector<1x16xf32>,
      %get3A_84 = vector.shape_cast %get3A_83 : vector<1x16xf32> to vector<16xf32>
      %mul3A_85 = vector.broadcast %squeeze3A_79 : f32 to vector<16xf32>
      %mul3A_86 = arith.mulf %mul3A_85, %get3A_84 : vector<16xf32>
      %add3A_87 = arith.addf %add3A_53, %mul3A_86 : vector<16xf32>
      %get3A_88 = arith.constant 1 : i32
      %get3A_89 = arith.index_cast %get3A_88 : i32 to index
      %get3A_90 = arith.constant 16 : index
      %get3A_91 = tpu.vector_load %arg11[%get3A_89, %get3A_90] {strides = array<i32>} : memref<128x64xf32, #tpu.memory_space<vmem>>, vector<1x16xf32>,
      %get3A_92 = vector.shape_cast %get3A_91 : vector<1x16xf32> to vector<16xf32>
      %mul3A_93 = vector.broadcast %squeeze3A_79 : f32 to vector<16xf32>
      %mul3A_94 = arith.mulf %mul3A_93, %get3A_92 : vector<16xf32>
      %add3A_95 = arith.addf %add3A_61, %mul3A_94 : vector<16xf32>
      %get3A_96 = arith.constant 1 : i32
      %get3A_97 = arith.index_cast %get3A_96 : i32 to index
      %get3A_98 = arith.constant 32 : index
      %get3A_99 = tpu.vector_load %arg11[%get3A_97, %get3A_98] {strides = array<i32>} : memref<128x64xf32, #tpu.memory_space<vmem>>, vector<1x16xf32>,
      %get3A_100 = vector.shape_cast %get3A_99 : vector<1x16xf32> to vector<16xf32>
      %mul3A_101 = vector.broadcast %squeeze3A_79 : f32 to vector<16xf32>
      %mul3A_102 = arith.mulf %mul3A_101, %get3A_100 : vector<16xf32>
      %add3A_103 = arith.addf %add3A_69, %mul3A_102 : vector<16xf32>
      %get3A_104 = arith.constant 1 : i32
      %get3A_105 = arith.index_cast %get3A_104 : i32 to index
      %get3A_106 = arith.constant 48 : index
      %get3A_107 = tpu.vector_load %arg11[%get3A_105, %get3A_106] {strides = array<i32>} : memref<128x64xf32, #tpu.memory_space<vmem>>, vector<1x16xf32>,
      %get3A_108 = vector.shape_cast %get3A_107 : vector<1x16xf32> to vector<16xf32>
      %mul3A_109 = vector.broadcast %squeeze3A_79 : f32 to vector<16xf32>
      %mul3A_110 = arith.mulf %mul3A_109, %get3A_108 : vector<16xf32>
      %add3A_111 = arith.addf %add3A_77, %mul3A_110 : vector<16xf32>
      %slice3A_112 = vector.extract_strided_slice %get3A_37 {offsets = [2], sizes = [1], strides = [1]} : vector<16xf32> to vector<1xf32>
      %squeeze3A_113 = vector.extract %slice3A_112[0] : f32 from vector<1xf32>
      %get3A_114 = arith.constant 2 : i32
      %get3A_115 = arith.index_cast %get3A_114 : i32 to index
      %get3A_116 = arith.constant 0 : index
      %get3A_117 = tpu.vector_load %arg11[%get3A_115, %get3A_116] {strides = array<i32>} : memref<128x64xf32, #tpu.memory_space<vmem>>, vector<1x16xf32>,
      %get3A_118 = vector.shape_cast %get3A_117 : vector<1x16xf32> to vector<16xf32>
      %mul3A_119 = vector.broadcast %squeeze3A_113 : f32 to vector<16xf32>
      %mul3A_120 = arith.mulf %mul3A_119, %get3A_118 : vector<16xf32>
      %add3A_121 = arith.addf %add3A_87, %mul3A_120 : vector<16xf32>
      %get3A_122 = arith.constant 2 : i32
      %get3A_123 = arith.index_cast %get3A_122 : i32 to index
      %get3A_124 = arith.constant 16 : index
      %get3A_125 = tpu.vector_load %arg11[%get3A_123, %get3A_124] {strides = array<i32>} : memref<128x64xf32, #tpu.memory_space<vmem>>, vector<1x16xf32>,
      %get3A_126 = vector.shape_cast %get3A_125 : vector<1x16xf32> to vector<16xf32>
      %mul3A_127 = vector.broadcast %squeeze3A_113 : f32 to vector<16xf32>
      %mul3A_128 = arith.mulf %mul3A_127, %get3A_126 : vector<16xf32>
      %add3A_129 = arith.addf %add3A_95, %mul3A_128 : vector<16xf32>
      %get3A_130 = arith.constant 2 : i32
      %get3A_131 = arith.index_cast %get3A_130 : i32 to index
      %get3A_132 = arith.constant 32 : index
      %get3A_133 = tpu.vector_load %arg11[%get3A_131, %get3A_132] {strides = array<i32>} : memref<128x64xf32, #tpu.memory_space<vmem>>, vector<1x16xf32>,
      %get3A_134 = vector.shape_cast %get3A_133 : vector<1x16xf32> to vector<16xf32>
      %mul3A_135 = vector.broadcast %squeeze3A_113 : f32 to vector<16xf32>
      %mul3A_136 = arith.mulf %mul3A_135, %get3A_134 : vector<16xf32>
      %add3A_137 = arith.addf %add3A_103, %mul3A_136 : vector<16xf32>
      %get3A_138 = arith.constant 2 : i32
      %get3A_139 = arith.index_cast %get3A_138 : i32 to index
      %get3A_140 = arith.constant 48 : index
      %get3A_141 = tpu.vector_load %arg11[%get3A_139, %get3A_140] {strides = array<i32>} : memref<128x64xf32, #tpu.memory_space<vmem>>, vector<1x16xf32>,
      %get3A_142 = vector.shape_cast %get3A_141 : vector<1x16xf32> to vector<16xf32>
      %mul3A_143 = vector.broadcast %squeeze3A_113 : f32 to vector<16xf32>
      %mul3A_144 = arith.mulf %mul3A_143, %get3A_142 : vector<16xf32>
      %add3A_145 = arith.addf %add3A_111, %mul3A_144 : vector<16xf32>
      %slice3A_146 = vector.extract_strided_slice %get3A_37 {offsets = [3], sizes = [1], strides = [1]} : vector<16xf32> to vector<1xf32>
      %squeeze3A_147 = vector.extract %slice3A_146[0] : f32 from vector<1xf32>
      %get3A_148 = arith.constant 3 : i32
      %get3A_149 = arith.index_cast %get3A_148 : i32 to index
      %get3A_150 = arith.constant 0 : index
      %get3A_151 = tpu.vector_load %arg11[%get3A_149, %get3A_150] {strides = array<i32>} : memref<128x64xf32, #tpu.memory_space<vmem>>, vector<1x16xf32>,
      %get3A_152 = vector.shape_cast %get3A_151 : vector<1x16xf32> to vector<16xf32>
      %mul3A_153 = vector.broadcast %squeeze3A_147 : f32 to vector<16xf32>
      %mul3A_154 = arith.mulf %mul3A_153, %get3A_152 : vector<16xf32>
      %add3A_155 = arith.addf %add3A_121, %mul3A_154 : vector<16xf32>
      %get3A_156 = arith.constant 3 : i32
      %get3A_157 = arith.index_cast %get3A_156 : i32 to index
      %get3A_158 = arith.constant 16 : index
      %get3A_159 = tpu.vector_load %arg11[%get3A_157, %get3A_158] {strides = array<i32>} : memref<128x64xf32, #tpu.memory_space<vmem>>, vector<1x16xf32>,
      %get3A_160 = vector.shape_cast %get3A_159 : vector<1x16xf32> to vector<16xf32>
      %mul3A_161 = vector.broadcast %squeeze3A_147 : f32 to vector<16xf32>
      %mul3A_162 = arith.mulf %mul3A_161, %get3A_160 : vector<16xf32>
      %add3A_163 = arith.addf %add3A_129, %mul3A_162 : vector<16xf32>
      %get3A_164 = arith.constant 3 : i32
      %get3A_165 = arith.index_cast %get3A_164 : i32 to index
      %get3A_166 = arith.constant 32 : index
      %get3A_167 = tpu.vector_load %arg11[%get3A_165, %get3A_166] {strides = array<i32>} : memref<128x64xf32, #tpu.memory_space<vmem>>, vector<1x16xf32>,
      %get3A_168 = vector.shape_cast %get3A_167 : vector<1x16xf32> to vector<16xf32>
      %mul3A_169 = vector.broadcast %squeeze3A_147 : f32 to vector<16xf32>
      %mul3A_170 = arith.mulf %mul3A_169, %get3A_168 : vector<16xf32>
      %add3A_171 = arith.addf %add3A_137, %mul3A_170 : vector<16xf32>
      %get3A_172 = arith.constant 3 : i32
      %get3A_173 = arith.index_cast %get3A_172 : i32 to index
      %get3A_174 = arith.constant 48 : index
      %get3A_175 = tpu.vector_load %arg11[%get3A_173, %get3A_174] {strides = array<i32>} : memref<128x64xf32, #tpu.memory_space<vmem>>, vector<1x16xf32>,
      %get3A_176 = vector.shape_cast %get3A_175 : vector<1x16xf32> to vector<16xf32>
      %mul3A_177 = vector.broadcast %squeeze3A_147 : f32 to vector<16xf32>
      %mul3A_178 = arith.mulf %mul3A_177, %get3A_176 : vector<16xf32>
      %add3A_179 = arith.addf %add3A_145, %mul3A_178 : vector<16xf32>
      %slice3A_180 = vector.extract_strided_slice %get3A_37 {offsets = [4], sizes = [1], strides = [1]} : vector<16xf32> to vector<1xf32>
      %squeeze3A_181 = vector.extract %slice3A_180[0] : f32 from vector<1xf32>
      %get3A_182 = arith.constant 4 : i32
      %get3A_183 = arith.index_cast %get3A_182 : i32 to index
      %get3A_184 = arith.constant 0 : index
      %get3A_185 = tpu.vector_load %arg11[%get3A_183, %get3A_184] {strides = array<i32>} : memref<128x64xf32, #tpu.memory_space<vmem>>, vector<1x16xf32>,
      %get3A_186 = vector.shape_cast %get3A_185 : vector<1x16xf32> to vector<16xf32>
      %mul3A_187 = vector.broadcast %squeeze3A_181 : f32 to vector<16xf32>
      %mul3A_188 = arith.mulf %mul3A_187, %get3A_186 : vector<16xf32>
      %add3A_189 = arith.addf %add3A_155, %mul3A_188 : vector<16xf32>
      %get3A_190 = arith.constant 4 : i32
      %get3A_191 = arith.index_cast %get3A_190 : i32 to index
      %get3A_192 = arith.constant 16 : index
      %get3A_193 = tpu.vector_load %arg11[%get3A_191, %get3A_192] {strides = array<i32>} : memref<128x64xf32, #tpu.memory_space<vmem>>, vector<1x16xf32>,
      %get3A_194 = vector.shape_cast %get3A_193 : vector<1x16xf32> to vector<16xf32>
      %mul3A_195 = vector.broadcast %squeeze3A_181 : f32 to vector<16xf32>
      %mul3A_196 = arith.mulf %mul3A_195, %get3A_194 : vector<16xf32>
      %add3A_197 = arith.addf %add3A_163, %mul3A_196 : vector<16xf32>
      %get3A_198 = arith.constant 4 : i32
      %get3A_199 = arith.index_cast %get3A_198 : i32 to index
      %get3A_200 = arith.constant 32 : index
      %get3A_201 = tpu.vector_load %arg11[%get3A_199, %get3A_200] {strides = array<i32>} : memref<128x64xf32, #tpu.memory_space<vmem>>, vector<1x16xf32>,
      %get3A_202 = vector.shape_cast %get3A_201 : vector<1x16xf32> to vector<16xf32>
      %mul3A_203 = vector.broadcast %squeeze3A_181 : f32 to vector<16xf32>
      %mul3A_204 = arith.mulf %mul3A_203, %get3A_202 : vector<16xf32>
      %add3A_205 = arith.addf %add3A_171, %mul3A_204 : vector<16xf32>
      %get3A_206 = arith.constant 4 : i32
      %get3A_207 = arith.index_cast %get3A_206 : i32 to index
      %get3A_208 = arith.constant 48 : index
      %get3A_209 = tpu.vector_load %arg11[%get3A_207, %get3A_208] {strides = array<i32>} : memref<128x64xf32, #tpu.memory_space<vmem>>, vector<1x16xf32>,
      %get3A_210 = vector.shape_cast %get3A_209 : vector<1x16xf32> to vector<16xf32>
      %mul3A_211 = vector.broadcast %squeeze3A_181 : f32 to vector<16xf32>
      %mul3A_212 = arith.mulf %mul3A_211, %get3A_210 : vector<16xf32>
      %add3A_213 = arith.addf %add3A_179, %mul3A_212 : vector<16xf32>
      %slice3A_214 = vector.extract_strided_slice %get3A_37 {offsets = [5], sizes = [1], strides = [1]} : vector<16xf32> to vector<1xf32>
      %squeeze3A_215 = vector.extract %slice3A_214[0] : f32 from vector<1xf32>
      %get3A_216 = arith.constant 5 : i32
      %get3A_217 = arith.index_cast %get3A_216 : i32 to index
      %get3A_218 = arith.constant 0 : index
      %get3A_219 = tpu.vector_load %arg11[%get3A_217, %get3A_218] {strides = array<i32>} : memref<128x64xf32, #tpu.memory_space<vmem>>, vector<1x16xf32>,
      %get3A_220 = vector.shape_cast %get3A_219 : vector<1x16xf32> to vector<16xf32>
      %mul3A_221 = vector.broadcast %squeeze3A_215 : f32 to vector<16xf32>
      %mul3A_222 = arith.mulf %mul3A_221, %get3A_220 : vector<16xf32>
      %add3A_223 = arith.addf %add3A_189, %mul3A_222 : vector<16xf32>
      %get3A_224 = arith.constant 5 : i32
      %get3A_225 = arith.index_cast %get3A_224 : i32 to index
      %get3A_226 = arith.constant 16 : index
      %get3A_227 = tpu.vector_load %arg11[%get3A_225, %get3A_226] {strides = array<i32>} : memref<128x64xf32, #tpu.memory_space<vmem>>, vector<1x16xf32>,
      %get3A_228 = vector.shape_cast %get3A_227 : vector<1x16xf32> to vector<16xf32>
      %mul3A_229 = vector.broadcast %squeeze3A_215 : f32 to vector<16xf32>
      %mul3A_230 = arith.mulf %mul3A_229, %get3A_228 : vector<16xf32>
      %add3A_231 = arith.addf %add3A_197, %mul3A_230 : vector<16xf32>
      %get3A_232 = arith.constant 5 : i32
      %get3A_233 = arith.index_cast %get3A_232 : i32 to index
      %get3A_234 = arith.constant 32 : index
      %get3A_235 = tpu.vector_load %arg11[%get3A_233, %get3A_234] {strides = array<i32>} : memref<128x64xf32, #tpu.memory_space<vmem>>, vector<1x16xf32>,
      %get3A_236 = vector.shape_cast %get3A_235 : vector<1x16xf32> to vector<16xf32>
      %mul3A_237 = vector.broadcast %squeeze3A_215 : f32 to vector<16xf32>
      %mul3A_238 = arith.mulf %mul3A_237, %get3A_236 : vector<16xf32>
      %add3A_239 = arith.addf %add3A_205, %mul3A_238 : vector<16xf32>
      %get3A_240 = arith.constant 5 : i32
      %get3A_241 = arith.index_cast %get3A_240 : i32 to index
      %get3A_242 = arith.constant 48 : index
      %get3A_243 = tpu.vector_load %arg11[%get3A_241, %get3A_242] {strides = array<i32>} : memref<128x64xf32, #tpu.memory_space<vmem>>, vector<1x16xf32>,
      %get3A_244 = vector.shape_cast %get3A_243 : vector<1x16xf32> to vector<16xf32>
      %mul3A_245 = vector.broadcast %squeeze3A_215 : f32 to vector<16xf32>
      %mul3A_246 = arith.mulf %mul3A_245, %get3A_244 : vector<16xf32>
      %add3A_247 = arith.addf %add3A_213, %mul3A_246 : vector<16xf32>
      %slice3A_248 = vector.extract_strided_slice %get3A_37 {offsets = [6], sizes = [1], strides = [1]} : vector<16xf32> to vector<1xf32>
      %squeeze3A_249 = vector.extract %slice3A_248[0] : f32 from vector<1xf32>
      %get3A_250 = arith.constant 6 : i32
      %get3A_251 = arith.index_cast %get3A_250 : i32 to index
      %get3A_252 = arith.constant 0 : index
      %get3A_253 = tpu.vector_load %arg11[%get3A_251, %get3A_252] {strides = array<i32>} : memref<128x64xf32, #tpu.memory_space<vmem>>, vector<1x16xf32>,
      %get3A_254 = vector.shape_cast %get3A_253 : vector<1x16xf32> to vector<16xf32>
      %mul3A_255 = vector.broadcast %squeeze3A_249 : f32 to vector<16xf32>
      %mul3A_256 = arith.mulf %mul3A_255, %get3A_254 : vector<16xf32>
      %add3A_257 = arith.addf %add3A_223, %mul3A_256 : vector<16xf32>
      %get3A_258 = arith.constant 6 : i32
      %get3A_259 = arith.index_cast %get3A_258 : i32 to index
      %get3A_260 = arith.constant 16 : index
      %get3A_261 = tpu.vector_load %arg11[%get3A_259, %get3A_260] {strides = array<i32>} : memref<128x64xf32, #tpu.memory_space<vmem>>, vector<1x16xf32>,
      %get3A_262 = vector.shape_cast %get3A_261 : vector<1x16xf32> to vector<16xf32>
      %mul3A_263 = vector.broadcast %squeeze3A_249 : f32 to vector<16xf32>
      %mul3A_264 = arith.mulf %mul3A_263, %get3A_262 : vector<16xf32>
      %add3A_265 = arith.addf %add3A_231, %mul3A_264 : vector<16xf32>
      %get3A_266 = arith.constant 6 : i32
      %get3A_267 = arith.index_cast %get3A_266 : i32 to index
      %get3A_268 = arith.constant 32 : index
      %get3A_269 = tpu.vector_load %arg11[%get3A_267, %get3A_268] {strides = array<i32>} : memref<128x64xf32, #tpu.memory_space<vmem>>, vector<1x16xf32>,
      %get3A_270 = vector.shape_cast %get3A_269 : vector<1x16xf32> to vector<16xf32>
      %mul3A_271 = vector.broadcast %squeeze3A_249 : f32 to vector<16xf32>
      %mul3A_272 = arith.mulf %mul3A_271, %get3A_270 : vector<16xf32>
      %add3A_273 = arith.addf %add3A_239, %mul3A_272 : vector<16xf32>
      %get3A_274 = arith.constant 6 : i32
      %get3A_275 = arith.index_cast %get3A_274 : i32 to index
      %get3A_276 = arith.constant 48 : index
      %get3A_277 = tpu.vector_load %arg11[%get3A_275, %get3A_276] {strides = array<i32>} : memref<128x64xf32, #tpu.memory_space<vmem>>, vector<1x16xf32>,
      %get3A_278 = vector.shape_cast %get3A_277 : vector<1x16xf32> to vector<16xf32>
      %mul3A_279 = vector.broadcast %squeeze3A_249 : f32 to vector<16xf32>
      %mul3A_280 = arith.mulf %mul3A_279, %get3A_278 : vector<16xf32>
      %add3A_281 = arith.addf %add3A_247, %mul3A_280 : vector<16xf32>
      %slice3A_282 = vector.extract_strided_slice %get3A_37 {offsets = [7], sizes = [1], strides = [1]} : vector<16xf32> to vector<1xf32>
      %squeeze3A_283 = vector.extract %slice3A_282[0] : f32 from vector<1xf32>
      %get3A_284 = arith.constant 7 : i32
      %get3A_285 = arith.index_cast %get3A_284 : i32 to index
      %get3A_286 = arith.constant 0 : index
      %get3A_287 = tpu.vector_load %arg11[%get3A_285, %get3A_286] {strides = array<i32>} : memref<128x64xf32, #tpu.memory_space<vmem>>, vector<1x16xf32>,
      %get3A_288 = vector.shape_cast %get3A_287 : vector<1x16xf32> to vector<16xf32>
      %mul3A_289 = vector.broadcast %squeeze3A_283 : f32 to vector<16xf32>
      %mul3A_290 = arith.mulf %mul3A_289, %get3A_288 : vector<16xf32>
      %add3A_291 = arith.addf %add3A_257, %mul3A_290 : vector<16xf32>
      %get3A_292 = arith.constant 7 : i32
      %get3A_293 = arith.index_cast %get3A_292 : i32 to index
      %get3A_294 = arith.constant 16 : index
      %get3A_295 = tpu.vector_load %arg11[%get3A_293, %get3A_294] {strides = array<i32>} : memref<128x64xf32, #tpu.memory_space<vmem>>, vector<1x16xf32>,
      %get3A_296 = vector.shape_cast %get3A_295 : vector<1x16xf32> to vector<16xf32>
      %mul3A_297 = vector.broadcast %squeeze3A_283 : f32 to vector<16xf32>
      %mul3A_298 = arith.mulf %mul3A_297, %get3A_296 : vector<16xf32>
      %add3A_299 = arith.addf %add3A_265, %mul3A_298 : vector<16xf32>
      %get3A_300 = arith.constant 7 : i32
      %get3A_301 = arith.index_cast %get3A_300 : i32 to index
      %get3A_302 = arith.constant 32 : index
      %get3A_303 = tpu.vector_load %arg11[%get3A_301, %get3A_302] {strides = array<i32>} : memref<128x64xf32, #tpu.memory_space<vmem>>, vector<1x16xf32>,
      %get3A_304 = vector.shape_cast %get3A_303 : vector<1x16xf32> to vector<16xf32>
      %mul3A_305 = vector.broadcast %squeeze3A_283 : f32 to vector<16xf32>
      %mul3A_306 = arith.mulf %mul3A_305, %get3A_304 : vector<16xf32>
      %add3A_307 = arith.addf %add3A_273, %mul3A_306 : vector<16xf32>
      %get3A_308 = arith.constant 7 : i32
      %get3A_309 = arith.index_cast %get3A_308 : i32 to index
      %get3A_310 = arith.constant 48 : index
      %get3A_311 = tpu.vector_load %arg11[%get3A_309, %get3A_310] {strides = array<i32>} : memref<128x64xf32, #tpu.memory_space<vmem>>, vector<1x16xf32>,
      %get3A_312 = vector.shape_cast %get3A_311 : vector<1x16xf32> to vector<16xf32>
      %mul3A_313 = vector.broadcast %squeeze3A_283 : f32 to vector<16xf32>
      %mul3A_314 = arith.mulf %mul3A_313, %get3A_312 : vector<16xf32>
      %add3A_315 = arith.addf %add3A_281, %mul3A_314 : vector<16xf32>
      %slice3A_316 = vector.extract_strided_slice %get3A_37 {offsets = [8], sizes = [1], strides = [1]} : vector<16xf32> to vector<1xf32>
      %squeeze3A_317 = vector.extract %slice3A_316[0] : f32 from vector<1xf32>
      %get3A_318 = arith.constant 8 : i32
      %get3A_319 = arith.index_cast %get3A_318 : i32 to index
      %get3A_320 = arith.constant 0 : index
      %get3A_321 = tpu.vector_load %arg11[%get3A_319, %get3A_320] {strides = array<i32>} : memref<128x64xf32, #tpu.memory_space<vmem>>, vector<1x16xf32>,
      %get3A_322 = vector.shape_cast %get3A_321 : vector<1x16xf32> to vector<16xf32>
      %mul3A_323 = vector.broadcast %squeeze3A_317 : f32 to vector<16xf32>
      %mul3A_324 = arith.mulf %mul3A_323, %get3A_322 : vector<16xf32>
      %add3A_325 = arith.addf %add3A_291, %mul3A_324 : vector<16xf32>
      %get3A_326 = arith.constant 8 : i32
      %get3A_327 = arith.index_cast %get3A_326 : i32 to index
      %get3A_328 = arith.constant 16 : index
      %get3A_329 = tpu.vector_load %arg11[%get3A_327, %get3A_328] {strides = array<i32>} : memref<128x64xf32, #tpu.memory_space<vmem>>, vector<1x16xf32>,
      %get3A_330 = vector.shape_cast %get3A_329 : vector<1x16xf32> to vector<16xf32>
      %mul3A_331 = vector.broadcast %squeeze3A_317 : f32 to vector<16xf32>
      %mul3A_332 = arith.mulf %mul3A_331, %get3A_330 : vector<16xf32>
      %add3A_333 = arith.addf %add3A_299, %mul3A_332 : vector<16xf32>
      %get3A_334 = arith.constant 8 : i32
      %get3A_335 = arith.index_cast %get3A_334 : i32 to index
      %get3A_336 = arith.constant 32 : index
      %get3A_337 = tpu.vector_load %arg11[%get3A_335, %get3A_336] {strides = array<i32>} : memref<128x64xf32, #tpu.memory_space<vmem>>, vector<1x16xf32>,
      %get3A_338 = vector.shape_cast %get3A_337 : vector<1x16xf32> to vector<16xf32>
      %mul3A_339 = vector.broadcast %squeeze3A_317 : f32 to vector<16xf32>
      %mul3A_340 = arith.mulf %mul3A_339, %get3A_338 : vector<16xf32>
      %add3A_341 = arith.addf %add3A_307, %mul3A_340 : vector<16xf32>
      %get3A_342 = arith.constant 8 : i32
      %get3A_343 = arith.index_cast %get3A_342 : i32 to index
      %get3A_344 = arith.constant 48 : index
      %get3A_345 = tpu.vector_load %arg11[%get3A_343, %get3A_344] {strides = array<i32>} : memref<128x64xf32, #tpu.memory_space<vmem>>, vector<1x16xf32>,
      %get3A_346 = vector.shape_cast %get3A_345 : vector<1x16xf32> to vector<16xf32>
      %mul3A_347 = vector.broadcast %squeeze3A_317 : f32 to vector<16xf32>
      %mul3A_348 = arith.mulf %mul3A_347, %get3A_346 : vector<16xf32>
      %add3A_349 = arith.addf %add3A_315, %mul3A_348 : vector<16xf32>
      %slice3A_350 = vector.extract_strided_slice %get3A_37 {offsets = [9], sizes = [1], strides = [1]} : vector<16xf32> to vector<1xf32>
      %squeeze3A_351 = vector.extract %slice3A_350[0] : f32 from vector<1xf32>
      %get3A_352 = arith.constant 9 : i32
      %get3A_353 = arith.index_cast %get3A_352 : i32 to index
      %get3A_354 = arith.constant 0 : index
      %get3A_355 = tpu.vector_load %arg11[%get3A_353, %get3A_354] {strides = array<i32>} : memref<128x64xf32, #tpu.memory_space<vmem>>, vector<1x16xf32>,
      %get3A_356 = vector.shape_cast %get3A_355 : vector<1x16xf32> to vector<16xf32>
      %mul3A_357 = vector.broadcast %squeeze3A_351 : f32 to vector<16xf32>
      %mul3A_358 = arith.mulf %mul3A_357, %get3A_356 : vector<16xf32>
      %add3A_359 = arith.addf %add3A_325, %mul3A_358 : vector<16xf32>
      %get3A_360 = arith.constant 9 : i32
      %get3A_361 = arith.index_cast %get3A_360 : i32 to index
      %get3A_362 = arith.constant 16 : index
      %get3A_363 = tpu.vector_load %arg11[%get3A_361, %get3A_362] {strides = array<i32>} : memref<128x64xf32, #tpu.memory_space<vmem>>, vector<1x16xf32>,
      %get3A_364 = vector.shape_cast %get3A_363 : vector<1x16xf32> to vector<16xf32>
      %mul3A_365 = vector.broadcast %squeeze3A_351 : f32 to vector<16xf32>
      %mul3A_366 = arith.mulf %mul3A_365, %get3A_364 : vector<16xf32>
      %add3A_367 = arith.addf %add3A_333, %mul3A_366 : vector<16xf32>
      %get3A_368 = arith.constant 9 : i32
      %get3A_369 = arith.index_cast %get3A_368 : i32 to index
      %get3A_370 = arith.constant 32 : index
      %get3A_371 = tpu.vector_load %arg11[%get3A_369, %get3A_370] {strides = array<i32>} : memref<128x64xf32, #tpu.memory_space<vmem>>, vector<1x16xf32>,
      %get3A_372 = vector.shape_cast %get3A_371 : vector<1x16xf32> to vector<16xf32>
      %mul3A_373 = vector.broadcast %squeeze3A_351 : f32 to vector<16xf32>
      %mul3A_374 = arith.mulf %mul3A_373, %get3A_372 : vector<16xf32>
      %add3A_375 = arith.addf %add3A_341, %mul3A_374 : vector<16xf32>
      %get3A_376 = arith.constant 9 : i32
      %get3A_377 = arith.index_cast %get3A_376 : i32 to index
      %get3A_378 = arith.constant 48 : index
      %get3A_379 = tpu.vector_load %arg11[%get3A_377, %get3A_378] {strides = array<i32>} : memref<128x64xf32, #tpu.memory_space<vmem>>, vector<1x16xf32>,
      %get3A_380 = vector.shape_cast %get3A_379 : vector<1x16xf32> to vector<16xf32>
      %mul3A_381 = vector.broadcast %squeeze3A_351 : f32 to vector<16xf32>
      %mul3A_382 = arith.mulf %mul3A_381, %get3A_380 : vector<16xf32>
      %add3A_383 = arith.addf %add3A_349, %mul3A_382 : vector<16xf32>
      %slice3A_384 = vector.extract_strided_slice %get3A_37 {offsets = [10], sizes = [1], strides = [1]} : vector<16xf32> to vector<1xf32>
      %squeeze3A_385 = vector.extract %slice3A_384[0] : f32 from vector<1xf32>
      %get3A_386 = arith.constant 10 : i32
      %get3A_387 = arith.index_cast %get3A_386 : i32 to index
      %get3A_388 = arith.constant 0 : index
      %get3A_389 = tpu.vector_load %arg11[%get3A_387, %get3A_388] {strides = array<i32>} : memref<128x64xf32, #tpu.memory_space<vmem>>, vector<1x16xf32>,
      %get3A_390 = vector.shape_cast %get3A_389 : vector<1x16xf32> to vector<16xf32>
      %mul3A_391 = vector.broadcast %squeeze3A_385 : f32 to vector<16xf32>
      %mul3A_392 = arith.mulf %mul3A_391, %get3A_390 : vector<16xf32>
      %add3A_393 = arith.addf %add3A_359, %mul3A_392 : vector<16xf32>
      %get3A_394 = arith.constant 10 : i32
      %get3A_395 = arith.index_cast %get3A_394 : i32 to index
      %get3A_396 = arith.constant 16 : index
      %get3A_397 = tpu.vector_load %arg11[%get3A_395, %get3A_396] {strides = array<i32>} : memref<128x64xf32, #tpu.memory_space<vmem>>, vector<1x16xf32>,
      %get3A_398 = vector.shape_cast %get3A_397 : vector<1x16xf32> to vector<16xf32>
      %mul3A_399 = vector.broadcast %squeeze3A_385 : f32 to vector<16xf32>
      %mul3A_400 = arith.mulf %mul3A_399, %get3A_398 : vector<16xf32>
      %add3A_401 = arith.addf %add3A_367, %mul3A_400 : vector<16xf32>
      %get3A_402 = arith.constant 10 : i32
      %get3A_403 = arith.index_cast %get3A_402 : i32 to index
      %get3A_404 = arith.constant 32 : index
      %get3A_405 = tpu.vector_load %arg11[%get3A_403, %get3A_404] {strides = array<i32>} : memref<128x64xf32, #tpu.memory_space<vmem>>, vector<1x16xf32>,
      %get3A_406 = vector.shape_cast %get3A_405 : vector<1x16xf32> to vector<16xf32>
      %mul3A_407 = vector.broadcast %squeeze3A_385 : f32 to vector<16xf32>
      %mul3A_408 = arith.mulf %mul3A_407, %get3A_406 : vector<16xf32>
      %add3A_409 = arith.addf %add3A_375, %mul3A_408 : vector<16xf32>
      %get3A_410 = arith.constant 10 : i32
      %get3A_411 = arith.index_cast %get3A_410 : i32 to index
      %get3A_412 = arith.constant 48 : index
      %get3A_413 = tpu.vector_load %arg11[%get3A_411, %get3A_412] {strides = array<i32>} : memref<128x64xf32, #tpu.memory_space<vmem>>, vector<1x16xf32>,
      %get3A_414 = vector.shape_cast %get3A_413 : vector<1x16xf32> to vector<16xf32>
      %mul3A_415 = vector.broadcast %squeeze3A_385 : f32 to vector<16xf32>
      %mul3A_416 = arith.mulf %mul3A_415, %get3A_414 : vector<16xf32>
      %add3A_417 = arith.addf %add3A_383, %mul3A_416 : vector<16xf32>
      %slice3A_418 = vector.extract_strided_slice %get3A_37 {offsets = [11], sizes = [1], strides = [1]} : vector<16xf32> to vector<1xf32>
      %squeeze3A_419 = vector.extract %slice3A_418[0] : f32 from vector<1xf32>
      %get3A_420 = arith.constant 11 : i32
      %get3A_421 = arith.index_cast %get3A_420 : i32 to index
      %get3A_422 = arith.constant 0 : index
      %get3A_423 = tpu.vector_load %arg11[%get3A_421, %get3A_422] {strides = array<i32>} : memref<128x64xf32, #tpu.memory_space<vmem>>, vector<1x16xf32>,
      %get3A_424 = vector.shape_cast %get3A_423 : vector<1x16xf32> to vector<16xf32>
      %mul3A_425 = vector.broadcast %squeeze3A_419 : f32 to vector<16xf32>
      %mul3A_426 = arith.mulf %mul3A_425, %get3A_424 : vector<16xf32>
      %add3A_427 = arith.addf %add3A_393, %mul3A_426 : vector<16xf32>
      %get3A_428 = arith.constant 11 : i32
      %get3A_429 = arith.index_cast %get3A_428 : i32 to index
      %get3A_430 = arith.constant 16 : index
      %get3A_431 = tpu.vector_load %arg11[%get3A_429, %get3A_430] {strides = array<i32>} : memref<128x64xf32, #tpu.memory_space<vmem>>, vector<1x16xf32>,
      %get3A_432 = vector.shape_cast %get3A_431 : vector<1x16xf32> to vector<16xf32>
      %mul3A_433 = vector.broadcast %squeeze3A_419 : f32 to vector<16xf32>
      %mul3A_434 = arith.mulf %mul3A_433, %get3A_432 : vector<16xf32>
      %add3A_435 = arith.addf %add3A_401, %mul3A_434 : vector<16xf32>
      %get3A_436 = arith.constant 11 : i32
      %get3A_437 = arith.index_cast %get3A_436 : i32 to index
      %get3A_438 = arith.constant 32 : index
      %get3A_439 = tpu.vector_load %arg11[%get3A_437, %get3A_438] {strides = array<i32>} : memref<128x64xf32, #tpu.memory_space<vmem>>, vector<1x16xf32>,
      %get3A_440 = vector.shape_cast %get3A_439 : vector<1x16xf32> to vector<16xf32>
      %mul3A_441 = vector.broadcast %squeeze3A_419 : f32 to vector<16xf32>
      %mul3A_442 = arith.mulf %mul3A_441, %get3A_440 : vector<16xf32>
      %add3A_443 = arith.addf %add3A_409, %mul3A_442 : vector<16xf32>
      %get3A_444 = arith.constant 11 : i32
      %get3A_445 = arith.index_cast %get3A_444 : i32 to index
      %get3A_446 = arith.constant 48 : index
      %get3A_447 = tpu.vector_load %arg11[%get3A_445, %get3A_446] {strides = array<i32>} : memref<128x64xf32, #tpu.memory_space<vmem>>, vector<1x16xf32>,
      %get3A_448 = vector.shape_cast %get3A_447 : vector<1x16xf32> to vector<16xf32>
      %mul3A_449 = vector.broadcast %squeeze3A_419 : f32 to vector<16xf32>
      %mul3A_450 = arith.mulf %mul3A_449, %get3A_448 : vector<16xf32>
      %add3A_451 = arith.addf %add3A_417, %mul3A_450 : vector<16xf32>
      %slice3A_452 = vector.extract_strided_slice %get3A_37 {offsets = [12], sizes = [1], strides = [1]} : vector<16xf32> to vector<1xf32>
      %squeeze3A_453 = vector.extract %slice3A_452[0] : f32 from vector<1xf32>
      %get3A_454 = arith.constant 12 : i32
      %get3A_455 = arith.index_cast %get3A_454 : i32 to index
      %get3A_456 = arith.constant 0 : index
      %get3A_457 = tpu.vector_load %arg11[%get3A_455, %get3A_456] {strides = array<i32>} : memref<128x64xf32, #tpu.memory_space<vmem>>, vector<1x16xf32>,
      %get3A_458 = vector.shape_cast %get3A_457 : vector<1x16xf32> to vector<16xf32>
      %mul3A_459 = vector.broadcast %squeeze3A_453 : f32 to vector<16xf32>
      %mul3A_460 = arith.mulf %mul3A_459, %get3A_458 : vector<16xf32>
      %add3A_461 = arith.addf %add3A_427, %mul3A_460 : vector<16xf32>
      %get3A_462 = arith.constant 12 : i32
      %get3A_463 = arith.index_cast %get3A_462 : i32 to index
      %get3A_464 = arith.constant 16 : index
      %get3A_465 = tpu.vector_load %arg11[%get3A_463, %get3A_464] {strides = array<i32>} : memref<128x64xf32, #tpu.memory_space<vmem>>, vector<1x16xf32>,
      %get3A_466 = vector.shape_cast %get3A_465 : vector<1x16xf32> to vector<16xf32>
      %mul3A_467 = vector.broadcast %squeeze3A_453 : f32 to vector<16xf32>
      %mul3A_468 = arith.mulf %mul3A_467, %get3A_466 : vector<16xf32>
      %add3A_469 = arith.addf %add3A_435, %mul3A_468 : vector<16xf32>
      %get3A_470 = arith.constant 12 : i32
      %get3A_471 = arith.index_cast %get3A_470 : i32 to index
      %get3A_472 = arith.constant 32 : index
      %get3A_473 = tpu.vector_load %arg11[%get3A_471, %get3A_472] {strides = array<i32>} : memref<128x64xf32, #tpu.memory_space<vmem>>, vector<1x16xf32>,
      %get3A_474 = vector.shape_cast %get3A_473 : vector<1x16xf32> to vector<16xf32>
      %mul3A_475 = vector.broadcast %squeeze3A_453 : f32 to vector<16xf32>
      %mul3A_476 = arith.mulf %mul3A_475, %get3A_474 : vector<16xf32>
      %add3A_477 = arith.addf %add3A_443, %mul3A_476 : vector<16xf32>
      %get3A_478 = arith.constant 12 : i32
      %get3A_479 = arith.index_cast %get3A_478 : i32 to index
      %get3A_480 = arith.constant 48 : index
      %get3A_481 = tpu.vector_load %arg11[%get3A_479, %get3A_480] {strides = array<i32>} : memref<128x64xf32, #tpu.memory_space<vmem>>, vector<1x16xf32>,
      %get3A_482 = vector.shape_cast %get3A_481 : vector<1x16xf32> to vector<16xf32>
      %mul3A_483 = vector.broadcast %squeeze3A_453 : f32 to vector<16xf32>
      %mul3A_484 = arith.mulf %mul3A_483, %get3A_482 : vector<16xf32>
      %add3A_485 = arith.addf %add3A_451, %mul3A_484 : vector<16xf32>
      %slice3A_486 = vector.extract_strided_slice %get3A_37 {offsets = [13], sizes = [1], strides = [1]} : vector<16xf32> to vector<1xf32>
      %squeeze3A_487 = vector.extract %slice3A_486[0] : f32 from vector<1xf32>
      %get3A_488 = arith.constant 13 : i32
      %get3A_489 = arith.index_cast %get3A_488 : i32 to index
      %get3A_490 = arith.constant 0 : index
      %get3A_491 = tpu.vector_load %arg11[%get3A_489, %get3A_490] {strides = array<i32>} : memref<128x64xf32, #tpu.memory_space<vmem>>, vector<1x16xf32>,
      %get3A_492 = vector.shape_cast %get3A_491 : vector<1x16xf32> to vector<16xf32>
      %mul3A_493 = vector.broadcast %squeeze3A_487 : f32 to vector<16xf32>
      %mul3A_494 = arith.mulf %mul3A_493, %get3A_492 : vector<16xf32>
      %add3A_495 = arith.addf %add3A_461, %mul3A_494 : vector<16xf32>
      %get3A_496 = arith.constant 13 : i32
      %get3A_497 = arith.index_cast %get3A_496 : i32 to index
      %get3A_498 = arith.constant 16 : index
      %get3A_499 = tpu.vector_load %arg11[%get3A_497, %get3A_498] {strides = array<i32>} : memref<128x64xf32, #tpu.memory_space<vmem>>, vector<1x16xf32>,
      %get3A_500 = vector.shape_cast %get3A_499 : vector<1x16xf32> to vector<16xf32>
      %mul3A_501 = vector.broadcast %squeeze3A_487 : f32 to vector<16xf32>
      %mul3A_502 = arith.mulf %mul3A_501, %get3A_500 : vector<16xf32>
      %add3A_503 = arith.addf %add3A_469, %mul3A_502 : vector<16xf32>
      %get3A_504 = arith.constant 13 : i32
      %get3A_505 = arith.index_cast %get3A_504 : i32 to index
      %get3A_506 = arith.constant 32 : index
      %get3A_507 = tpu.vector_load %arg11[%get3A_505, %get3A_506] {strides = array<i32>} : memref<128x64xf32, #tpu.memory_space<vmem>>, vector<1x16xf32>,
      %get3A_508 = vector.shape_cast %get3A_507 : vector<1x16xf32> to vector<16xf32>
      %mul3A_509 = vector.broadcast %squeeze3A_487 : f32 to vector<16xf32>
      %mul3A_510 = arith.mulf %mul3A_509, %get3A_508 : vector<16xf32>
      %add3A_511 = arith.addf %add3A_477, %mul3A_510 : vector<16xf32>
      %get3A_512 = arith.constant 13 : i32
      %get3A_513 = arith.index_cast %get3A_512 : i32 to index
      %get3A_514 = arith.constant 48 : index
      %get3A_515 = tpu.vector_load %arg11[%get3A_513, %get3A_514] {strides = array<i32>} : memref<128x64xf32, #tpu.memory_space<vmem>>, vector<1x16xf32>,
      %get3A_516 = vector.shape_cast %get3A_515 : vector<1x16xf32> to vector<16xf32>
      %mul3A_517 = vector.broadcast %squeeze3A_487 : f32 to vector<16xf32>
      %mul3A_518 = arith.mulf %mul3A_517, %get3A_516 : vector<16xf32>
      %add3A_519 = arith.addf %add3A_485, %mul3A_518 : vector<16xf32>
      %slice3A_520 = vector.extract_strided_slice %get3A_37 {offsets = [14], sizes = [1], strides = [1]} : vector<16xf32> to vector<1xf32>
      %squeeze3A_521 = vector.extract %slice3A_520[0] : f32 from vector<1xf32>
      %get3A_522 = arith.constant 14 : i32
      %get3A_523 = arith.index_cast %get3A_522 : i32 to index
      %get3A_524 = arith.constant 0 : index
      %get3A_525 = tpu.vector_load %arg11[%get3A_523, %get3A_524] {strides = array<i32>} : memref<128x64xf32, #tpu.memory_space<vmem>>, vector<1x16xf32>,
      %get3A_526 = vector.shape_cast %get3A_525 : vector<1x16xf32> to vector<16xf32>
      %mul3A_527 = vector.broadcast %squeeze3A_521 : f32 to vector<16xf32>
      %mul3A_528 = arith.mulf %mul3A_527, %get3A_526 : vector<16xf32>
      %add3A_529 = arith.addf %add3A_495, %mul3A_528 : vector<16xf32>
      %get3A_530 = arith.constant 14 : i32
      %get3A_531 = arith.index_cast %get3A_530 : i32 to index
      %get3A_532 = arith.constant 16 : index
      %get3A_533 = tpu.vector_load %arg11[%get3A_531, %get3A_532] {strides = array<i32>} : memref<128x64xf32, #tpu.memory_space<vmem>>, vector<1x16xf32>,
      %get3A_534 = vector.shape_cast %get3A_533 : vector<1x16xf32> to vector<16xf32>
      %mul3A_535 = vector.broadcast %squeeze3A_521 : f32 to vector<16xf32>
      %mul3A_536 = arith.mulf %mul3A_535, %get3A_534 : vector<16xf32>
      %add3A_537 = arith.addf %add3A_503, %mul3A_536 : vector<16xf32>
      %get3A_538 = arith.constant 14 : i32
      %get3A_539 = arith.index_cast %get3A_538 : i32 to index
      %get3A_540 = arith.constant 32 : index
      %get3A_541 = tpu.vector_load %arg11[%get3A_539, %get3A_540] {strides = array<i32>} : memref<128x64xf32, #tpu.memory_space<vmem>>, vector<1x16xf32>,
      %get3A_542 = vector.shape_cast %get3A_541 : vector<1x16xf32> to vector<16xf32>
      %mul3A_543 = vector.broadcast %squeeze3A_521 : f32 to vector<16xf32>
      %mul3A_544 = arith.mulf %mul3A_543, %get3A_542 : vector<16xf32>
      %add3A_545 = arith.addf %add3A_511, %mul3A_544 : vector<16xf32>
      %get3A_546 = arith.constant 14 : i32
      %get3A_547 = arith.index_cast %get3A_546 : i32 to index
      %get3A_548 = arith.constant 48 : index
      %get3A_549 = tpu.vector_load %arg11[%get3A_547, %get3A_548] {strides = array<i32>} : memref<128x64xf32, #tpu.memory_space<vmem>>, vector<1x16xf32>,
      %get3A_550 = vector.shape_cast %get3A_549 : vector<1x16xf32> to vector<16xf32>
      %mul3A_551 = vector.broadcast %squeeze3A_521 : f32 to vector<16xf32>
      %mul3A_552 = arith.mulf %mul3A_551, %get3A_550 : vector<16xf32>
      %add3A_553 = arith.addf %add3A_519, %mul3A_552 : vector<16xf32>
      %slice3A_554 = vector.extract_strided_slice %get3A_37 {offsets = [15], sizes = [1], strides = [1]} : vector<16xf32> to vector<1xf32>
      %squeeze3A_555 = vector.extract %slice3A_554[0] : f32 from vector<1xf32>
      %get3A_556 = arith.constant 15 : i32
      %get3A_557 = arith.index_cast %get3A_556 : i32 to index
      %get3A_558 = arith.constant 0 : index
      %get3A_559 = tpu.vector_load %arg11[%get3A_557, %get3A_558] {strides = array<i32>} : memref<128x64xf32, #tpu.memory_space<vmem>>, vector<1x16xf32>,
      %get3A_560 = vector.shape_cast %get3A_559 : vector<1x16xf32> to vector<16xf32>
      %mul3A_561 = vector.broadcast %squeeze3A_555 : f32 to vector<16xf32>
      %mul3A_562 = arith.mulf %mul3A_561, %get3A_560 : vector<16xf32>
      %add3A_563 = arith.addf %add3A_529, %mul3A_562 : vector<16xf32>
      %get3A_564 = arith.constant 15 : i32
      %get3A_565 = arith.index_cast %get3A_564 : i32 to index
      %get3A_566 = arith.constant 16 : index
      %get3A_567 = tpu.vector_load %arg11[%get3A_565, %get3A_566] {strides = array<i32>} : memref<128x64xf32, #tpu.memory_space<vmem>>, vector<1x16xf32>,
      %get3A_568 = vector.shape_cast %get3A_567 : vector<1x16xf32> to vector<16xf32>
      %mul3A_569 = vector.broadcast %squeeze3A_555 : f32 to vector<16xf32>
      %mul3A_570 = arith.mulf %mul3A_569, %get3A_568 : vector<16xf32>
      %add3A_571 = arith.addf %add3A_537, %mul3A_570 : vector<16xf32>
      %get3A_572 = arith.constant 15 : i32
      %get3A_573 = arith.index_cast %get3A_572 : i32 to index
      %get3A_574 = arith.constant 32 : index
      %get3A_575 = tpu.vector_load %arg11[%get3A_573, %get3A_574] {strides = array<i32>} : memref<128x64xf32, #tpu.memory_space<vmem>>, vector<1x16xf32>,
      %get3A_576 = vector.shape_cast %get3A_575 : vector<1x16xf32> to vector<16xf32>
      %mul3A_577 = vector.broadcast %squeeze3A_555 : f32 to vector<16xf32>
      %mul3A_578 = arith.mulf %mul3A_577, %get3A_576 : vector<16xf32>
      %add3A_579 = arith.addf %add3A_545, %mul3A_578 : vector<16xf32>
      %get3A_580 = arith.constant 15 : i32
      %get3A_581 = arith.index_cast %get3A_580 : i32 to index
      %get3A_582 = arith.constant 48 : index
      %get3A_583 = tpu.vector_load %arg11[%get3A_581, %get3A_582] {strides = array<i32>} : memref<128x64xf32, #tpu.memory_space<vmem>>, vector<1x16xf32>,
      %get3A_584 = vector.shape_cast %get3A_583 : vector<1x16xf32> to vector<16xf32>
      %mul3A_585 = vector.broadcast %squeeze3A_555 : f32 to vector<16xf32>
      %mul3A_586 = arith.mulf %mul3A_585, %get3A_584 : vector<16xf32>
      %add3A_587 = arith.addf %add3A_553, %mul3A_586 : vector<16xf32>
      %slice3A_588 = vector.extract_strided_slice %select_n3A {offsets = [0], sizes = [1], strides = [1]} : vector<16xf32> to vector<1xf32>
      %squeeze3A_589 = vector.extract %slice3A_588[0] : f32 from vector<1xf32>
      %mul3A_590 = vector.broadcast %squeeze3A_589 : f32 to vector<16xf32>
      %mul3A_591 = arith.mulf %add3A_563, %mul3A_590 : vector<16xf32>
      %swap3A = arith.constant 0 : i32
      %swap3A_592 = arith.index_cast %swap3A : i32 to index
      %swap3A_593 = arith.constant 0 : index
      %swap3A_594 = tpu.vector_load %arg12[%swap3A_592, %swap3A_593] {strides = array<i32>} : memref<8x64xf32, #tpu.memory_space<vmem>>, vector<1x16xf32>,
      %swap3A_595 = vector.shape_cast %swap3A_594 : vector<1x16xf32> to vector<16xf32>
      %swap3A_596 = vector.shape_cast %mul3A_591 : vector<16xf32> to vector<1x16xf32>
      tpu.vector_store %arg12[%swap3A_592, %swap3A_593], %swap3A_596 {strides = array<i32>} : memref<8x64xf32, #tpu.memory_space<vmem>>, vector<1x16xf32>,
      %mul3A_597 = vector.broadcast %squeeze3A_589 : f32 to vector<16xf32>
      %mul3A_598 = arith.mulf %add3A_571, %mul3A_597 : vector<16xf32>
      %swap3A_599 = arith.constant 0 : i32
      %swap3A_600 = arith.index_cast %swap3A_599 : i32 to index
      %swap3A_601 = arith.constant 16 : index
      %swap3A_602 = tpu.vector_load %arg12[%swap3A_600, %swap3A_601] {strides = array<i32>} : memref<8x64xf32, #tpu.memory_space<vmem>>, vector<1x16xf32>,
      %swap3A_603 = vector.shape_cast %swap3A_602 : vector<1x16xf32> to vector<16xf32>
      %swap3A_604 = vector.shape_cast %mul3A_598 : vector<16xf32> to vector<1x16xf32>
      tpu.vector_store %arg12[%swap3A_600, %swap3A_601], %swap3A_604 {strides = array<i32>} : memref<8x64xf32, #tpu.memory_space<vmem>>, vector<1x16xf32>,
      %mul3A_605 = vector.broadcast %squeeze3A_589 : f32 to vector<16xf32>
      %mul3A_606 = arith.mulf %add3A_579, %mul3A_605 : vector<16xf32>
      %swap3A_607 = arith.constant 0 : i32
      %swap3A_608 = arith.index_cast %swap3A_607 : i32 to index
      %swap3A_609 = arith.constant 32 : index
      %swap3A_610 = tpu.vector_load %arg12[%swap3A_608, %swap3A_609] {strides = array<i32>} : memref<8x64xf32, #tpu.memory_space<vmem>>, vector<1x16xf32>,
      %swap3A_611 = vector.shape_cast %swap3A_610 : vector<1x16xf32> to vector<16xf32>
      %swap3A_612 = vector.shape_cast %mul3A_606 : vector<16xf32> to vector<1x16xf32>
      tpu.vector_store %arg12[%swap3A_608, %swap3A_609], %swap3A_612 {strides = array<i32>} : memref<8x64xf32, #tpu.memory_space<vmem>>, vector<1x16xf32>,
      %mul3A_613 = vector.broadcast %squeeze3A_589 : f32 to vector<16xf32>
      %mul3A_614 = arith.mulf %add3A_587, %mul3A_613 : vector<16xf32>
      %swap3A_615 = arith.constant 0 : i32
      %swap3A_616 = arith.index_cast %swap3A_615 : i32 to index
      %swap3A_617 = arith.constant 48 : index
      %swap3A_618 = tpu.vector_load %arg12[%swap3A_616, %swap3A_617] {strides = array<i32>} : memref<8x64xf32, #tpu.memory_space<vmem>>, vector<1x16xf32>,
      %swap3A_619 = vector.shape_cast %swap3A_618 : vector<1x16xf32> to vector<16xf32>
      %swap3A_620 = vector.shape_cast %mul3A_614 : vector<16xf32> to vector<1x16xf32>
      tpu.vector_store %arg12[%swap3A_616, %swap3A_617], %swap3A_620 {strides = array<i32>} : memref<8x64xf32, #tpu.memory_space<vmem>>, vector<1x16xf32>,
      %mul3A_621 = arith.constant 8 : i32
      %mul3A_622 = arith.muli %add3A_11, %mul3A_621 : i32
      %add3A_623 = arith.constant 1 : i32
      %add3A_624 = arith.addi %mul3A_622, %add3A_623 : i32
      %get3A_625 = arith.index_cast %add3A_624 : i32 to index
      %get3A_626 = arith.constant 0 : index
      %get3A_627 = tpu.vector_load %arg9[%get3A_625, %get3A_626] {strides = array<i32>} : memref<512x16xf32, #tpu.memory_space<vmem>>, vector<1x16xf32>,
      %get3A_628 = vector.shape_cast %get3A_627 : vector<1x16xf32> to vector<16xf32>
      %broadcast_in_dim3A_629 = arith.constant 0.000000e+00 : f32
      %broadcast_in_dim3A_630 = vector.broadcast %broadcast_in_dim3A_629 : f32 to vector<16xf32>
      %broadcast_in_dim3A_631 = arith.constant 0.000000e+00 : f32
      %broadcast_in_dim3A_632 = vector.broadcast %broadcast_in_dim3A_631 : f32 to vector<16xf32>
      %broadcast_in_dim3A_633 = arith.constant 0.000000e+00 : f32
      %broadcast_in_dim3A_634 = vector.broadcast %broadcast_in_dim3A_633 : f32 to vector<16xf32>
      %broadcast_in_dim3A_635 = arith.constant 0.000000e+00 : f32
      %broadcast_in_dim3A_636 = vector.broadcast %broadcast_in_dim3A_635 : f32 to vector<16xf32>
      %slice3A_637 = vector.extract_strided_slice %get3A_628 {offsets = [0], sizes = [1], strides = [1]} : vector<16xf32> to vector<1xf32>
      %squeeze3A_638 = vector.extract %slice3A_637[0] : f32 from vector<1xf32>
      %get3A_639 = arith.constant 16 : i32
      %get3A_640 = arith.index_cast %get3A_639 : i32 to index
      %get3A_641 = arith.constant 0 : index
      %get3A_642 = tpu.vector_load %arg11[%get3A_640, %get3A_641] {strides = array<i32>} : memref<128x64xf32, #tpu.memory_space<vmem>>, vector<1x16xf32>,
      %get3A_643 = vector.shape_cast %get3A_642 : vector<1x16xf32> to vector<16xf32>
      %mul3A_644 = vector.broadcast %squeeze3A_638 : f32 to vector<16xf32>
      %mul3A_645 = arith.mulf %mul3A_644, %get3A_643 : vector<16xf32>
      %add3A_646 = arith.addf %broadcast_in_dim3A_630, %mul3A_645 : vector<16xf32>
      %get3A_647 = arith.constant 16 : i32
      %get3A_648 = arith.index_cast %get3A_647 : i32 to index
      %get3A_649 = arith.constant 16 : index
      %get3A_650 = tpu.vector_load %arg11[%get3A_648, %get3A_649] {strides = array<i32>} : memref<128x64xf32, #tpu.memory_space<vmem>>, vector<1x16xf32>,
      %get3A_651 = vector.shape_cast %get3A_650 : vector<1x16xf32> to vector<16xf32>
      %mul3A_652 = vector.broadcast %squeeze3A_638 : f32 to vector<16xf32>
      %mul3A_653 = arith.mulf %mul3A_652, %get3A_651 : vector<16xf32>
      %add3A_654 = arith.addf %broadcast_in_dim3A_632, %mul3A_653 : vector<16xf32>
      %get3A_655 = arith.constant 16 : i32
      %get3A_656 = arith.index_cast %get3A_655 : i32 to index
      %get3A_657 = arith.constant 32 : index
      %get3A_658 = tpu.vector_load %arg11[%get3A_656, %get3A_657] {strides = array<i32>} : memref<128x64xf32, #tpu.memory_space<vmem>>, vector<1x16xf32>,
      %get3A_659 = vector.shape_cast %get3A_658 : vector<1x16xf32> to vector<16xf32>
      %mul3A_660 = vector.broadcast %squeeze3A_638 : f32 to vector<16xf32>
      %mul3A_661 = arith.mulf %mul3A_660, %get3A_659 : vector<16xf32>
      %add3A_662 = arith.addf %broadcast_in_dim3A_634, %mul3A_661 : vector<16xf32>
      %get3A_663 = arith.constant 16 : i32
      %get3A_664 = arith.index_cast %get3A_663 : i32 to index
      %get3A_665 = arith.constant 48 : index
      %get3A_666 = tpu.vector_load %arg11[%get3A_664, %get3A_665] {strides = array<i32>} : memref<128x64xf32, #tpu.memory_space<vmem>>, vector<1x16xf32>,
      %get3A_667 = vector.shape_cast %get3A_666 : vector<1x16xf32> to vector<16xf32>
      %mul3A_668 = vector.broadcast %squeeze3A_638 : f32 to vector<16xf32>
      %mul3A_669 = arith.mulf %mul3A_668, %get3A_667 : vector<16xf32>
      %add3A_670 = arith.addf %broadcast_in_dim3A_636, %mul3A_669 : vector<16xf32>
      %slice3A_671 = vector.extract_strided_slice %get3A_628 {offsets = [1], sizes = [1], strides = [1]} : vector<16xf32> to vector<1xf32>
      %squeeze3A_672 = vector.extract %slice3A_671[0] : f32 from vector<1xf32>
      %get3A_673 = arith.constant 17 : i32
      %get3A_674 = arith.index_cast %get3A_673 : i32 to index
      %get3A_675 = arith.constant 0 : index
      %get3A_676 = tpu.vector_load %arg11[%get3A_674, %get3A_675] {strides = array<i32>} : memref<128x64xf32, #tpu.memory_space<vmem>>, vector<1x16xf32>,
      %get3A_677 = vector.shape_cast %get3A_676 : vector<1x16xf32> to vector<16xf32>
      %mul3A_678 = vector.broadcast %squeeze3A_672 : f32 to vector<16xf32>
      %mul3A_679 = arith.mulf %mul3A_678, %get3A_677 : vector<16xf32>
      %add3A_680 = arith.addf %add3A_646, %mul3A_679 : vector<16xf32>
      %get3A_681 = arith.constant 17 : i32
      %get3A_682 = arith.index_cast %get3A_681 : i32 to index
      %get3A_683 = arith.constant 16 : index
      %get3A_684 = tpu.vector_load %arg11[%get3A_682, %get3A_683] {strides = array<i32>} : memref<128x64xf32, #tpu.memory_space<vmem>>, vector<1x16xf32>,
      %get3A_685 = vector.shape_cast %get3A_684 : vector<1x16xf32> to vector<16xf32>
      %mul3A_686 = vector.broadcast %squeeze3A_672 : f32 to vector<16xf32>
      %mul3A_687 = arith.mulf %mul3A_686, %get3A_685 : vector<16xf32>
      %add3A_688 = arith.addf %add3A_654, %mul3A_687 : vector<16xf32>
      %get3A_689 = arith.constant 17 : i32
      %get3A_690 = arith.index_cast %get3A_689 : i32 to index
      %get3A_691 = arith.constant 32 : index
      %get3A_692 = tpu.vector_load %arg11[%get3A_690, %get3A_691] {strides = array<i32>} : memref<128x64xf32, #tpu.memory_space<vmem>>, vector<1x16xf32>,
      %get3A_693 = vector.shape_cast %get3A_692 : vector<1x16xf32> to vector<16xf32>
      %mul3A_694 = vector.broadcast %squeeze3A_672 : f32 to vector<16xf32>
      %mul3A_695 = arith.mulf %mul3A_694, %get3A_693 : vector<16xf32>
      %add3A_696 = arith.addf %add3A_662, %mul3A_695 : vector<16xf32>
      %get3A_697 = arith.constant 17 : i32
      %get3A_698 = arith.index_cast %get3A_697 : i32 to index
      %get3A_699 = arith.constant 48 : index
      %get3A_700 = tpu.vector_load %arg11[%get3A_698, %get3A_699] {strides = array<i32>} : memref<128x64xf32, #tpu.memory_space<vmem>>, vector<1x16xf32>,
      %get3A_701 = vector.shape_cast %get3A_700 : vector<1x16xf32> to vector<16xf32>
      %mul3A_702 = vector.broadcast %squeeze3A_672 : f32 to vector<16xf32>
      %mul3A_703 = arith.mulf %mul3A_702, %get3A_701 : vector<16xf32>
      %add3A_704 = arith.addf %add3A_670, %mul3A_703 : vector<16xf32>
      %slice3A_705 = vector.extract_strided_slice %get3A_628 {offsets = [2], sizes = [1], strides = [1]} : vector<16xf32> to vector<1xf32>
      %squeeze3A_706 = vector.extract %slice3A_705[0] : f32 from vector<1xf32>
      %get3A_707 = arith.constant 18 : i32
      %get3A_708 = arith.index_cast %get3A_707 : i32 to index
      %get3A_709 = arith.constant 0 : index
      %get3A_710 = tpu.vector_load %arg11[%get3A_708, %get3A_709] {strides = array<i32>} : memref<128x64xf32, #tpu.memory_space<vmem>>, vector<1x16xf32>,
      %get3A_711 = vector.shape_cast %get3A_710 : vector<1x16xf32> to vector<16xf32>
      %mul3A_712 = vector.broadcast %squeeze3A_706 : f32 to vector<16xf32>
      %mul3A_713 = arith.mulf %mul3A_712, %get3A_711 : vector<16xf32>
      %add3A_714 = arith.addf %add3A_680, %mul3A_713 : vector<16xf32>
      %get3A_715 = arith.constant 18 : i32
      %get3A_716 = arith.index_cast %get3A_715 : i32 to index
      %get3A_717 = arith.constant 16 : index
      %get3A_718 = tpu.vector_load %arg11[%get3A_716, %get3A_717] {strides = array<i32>} : memref<128x64xf32, #tpu.memory_space<vmem>>, vector<1x16xf32>,
      %get3A_719 = vector.shape_cast %get3A_718 : vector<1x16xf32> to vector<16xf32>
      %mul3A_720 = vector.broadcast %squeeze3A_706 : f32 to vector<16xf32>
      %mul3A_721 = arith.mulf %mul3A_720, %get3A_719 : vector<16xf32>
      %add3A_722 = arith.addf %add3A_688, %mul3A_721 : vector<16xf32>
      %get3A_723 = arith.constant 18 : i32
      %get3A_724 = arith.index_cast %get3A_723 : i32 to index
      %get3A_725 = arith.constant 32 : index
      %get3A_726 = tpu.vector_load %arg11[%get3A_724, %get3A_725] {strides = array<i32>} : memref<128x64xf32, #tpu.memory_space<vmem>>, vector<1x16xf32>,
      %get3A_727 = vector.shape_cast %get3A_726 : vector<1x16xf32> to vector<16xf32>
      %mul3A_728 = vector.broadcast %squeeze3A_706 : f32 to vector<16xf32>
      %mul3A_729 = arith.mulf %mul3A_728, %get3A_727 : vector<16xf32>
      %add3A_730 = arith.addf %add3A_696, %mul3A_729 : vector<16xf32>
      %get3A_731 = arith.constant 18 : i32
      %get3A_732 = arith.index_cast %get3A_731 : i32 to index
      %get3A_733 = arith.constant 48 : index
      %get3A_734 = tpu.vector_load %arg11[%get3A_732, %get3A_733] {strides = array<i32>} : memref<128x64xf32, #tpu.memory_space<vmem>>, vector<1x16xf32>,
      %get3A_735 = vector.shape_cast %get3A_734 : vector<1x16xf32> to vector<16xf32>
      %mul3A_736 = vector.broadcast %squeeze3A_706 : f32 to vector<16xf32>
      %mul3A_737 = arith.mulf %mul3A_736, %get3A_735 : vector<16xf32>
      %add3A_738 = arith.addf %add3A_704, %mul3A_737 : vector<16xf32>
      %slice3A_739 = vector.extract_strided_slice %get3A_628 {offsets = [3], sizes = [1], strides = [1]} : vector<16xf32> to vector<1xf32>
      %squeeze3A_740 = vector.extract %slice3A_739[0] : f32 from vector<1xf32>
      %get3A_741 = arith.constant 19 : i32
      %get3A_742 = arith.index_cast %get3A_741 : i32 to index
      %get3A_743 = arith.constant 0 : index
      %get3A_744 = tpu.vector_load %arg11[%get3A_742, %get3A_743] {strides = array<i32>} : memref<128x64xf32, #tpu.memory_space<vmem>>, vector<1x16xf32>,
      %get3A_745 = vector.shape_cast %get3A_744 : vector<1x16xf32> to vector<16xf32>
      %mul3A_746 = vector.broadcast %squeeze3A_740 : f32 to vector<16xf32>
      %mul3A_747 = arith.mulf %mul3A_746, %get3A_745 : vector<16xf32>
      %add3A_748 = arith.addf %add3A_714, %mul3A_747 : vector<16xf32>
      %get3A_749 = arith.constant 19 : i32
      %get3A_750 = arith.index_cast %get3A_749 : i32 to index
      %get3A_751 = arith.constant 16 : index
      %get3A_752 = tpu.vector_load %arg11[%get3A_750, %get3A_751] {strides = array<i32>} : memref<128x64xf32, #tpu.memory_space<vmem>>, vector<1x16xf32>,
      %get3A_753 = vector.shape_cast %get3A_752 : vector<1x16xf32> to vector<16xf32>
      %mul3A_754 = vector.broadcast %squeeze3A_740 : f32 to vector<16xf32>
      %mul3A_755 = arith.mulf %mul3A_754, %get3A_753 : vector<16xf32>
      %add3A_756 = arith.addf %add3A_722, %mul3A_755 : vector<16xf32>
      %get3A_757 = arith.constant 19 : i32
      %get3A_758 = arith.index_cast %get3A_757 : i32 to index
      %get3A_759 = arith.constant 32 : index
      %get3A_760 = tpu.vector_load %arg11[%get3A_758, %get3A_759] {strides = array<i32>} : memref<128x64xf32, #tpu.memory_space<vmem>>, vector<1x16xf32>,
      %get3A_761 = vector.shape_cast %get3A_760 : vector<1x16xf32> to vector<16xf32>
      %mul3A_762 = vector.broadcast %squeeze3A_740 : f32 to vector<16xf32>
      %mul3A_763 = arith.mulf %mul3A_762, %get3A_761 : vector<16xf32>
      %add3A_764 = arith.addf %add3A_730, %mul3A_763 : vector<16xf32>
      %get3A_765 = arith.constant 19 : i32
      %get3A_766 = arith.index_cast %get3A_765 : i32 to index
      %get3A_767 = arith.constant 48 : index
      %get3A_768 = tpu.vector_load %arg11[%get3A_766, %get3A_767] {strides = array<i32>} : memref<128x64xf32, #tpu.memory_space<vmem>>, vector<1x16xf32>,
      %get3A_769 = vector.shape_cast %get3A_768 : vector<1x16xf32> to vector<16xf32>
      %mul3A_770 = vector.broadcast %squeeze3A_740 : f32 to vector<16xf32>
      %mul3A_771 = arith.mulf %mul3A_770, %get3A_769 : vector<16xf32>
      %add3A_772 = arith.addf %add3A_738, %mul3A_771 : vector<16xf32>
      %slice3A_773 = vector.extract_strided_slice %get3A_628 {offsets = [4], sizes = [1], strides = [1]} : vector<16xf32> to vector<1xf32>
      %squeeze3A_774 = vector.extract %slice3A_773[0] : f32 from vector<1xf32>
      %get3A_775 = arith.constant 20 : i32
      %get3A_776 = arith.index_cast %get3A_775 : i32 to index
      %get3A_777 = arith.constant 0 : index
      %get3A_778 = tpu.vector_load %arg11[%get3A_776, %get3A_777] {strides = array<i32>} : memref<128x64xf32, #tpu.memory_space<vmem>>, vector<1x16xf32>,
      %get3A_779 = vector.shape_cast %get3A_778 : vector<1x16xf32> to vector<16xf32>
      %mul3A_780 = vector.broadcast %squeeze3A_774 : f32 to vector<16xf32>
      %mul3A_781 = arith.mulf %mul3A_780, %get3A_779 : vector<16xf32>
      %add3A_782 = arith.addf %add3A_748, %mul3A_781 : vector<16xf32>
      %get3A_783 = arith.constant 20 : i32
      %get3A_784 = arith.index_cast %get3A_783 : i32 to index
      %get3A_785 = arith.constant 16 : index
      %get3A_786 = tpu.vector_load %arg11[%get3A_784, %get3A_785] {strides = array<i32>} : memref<128x64xf32, #tpu.memory_space<vmem>>, vector<1x16xf32>,
      %get3A_787 = vector.shape_cast %get3A_786 : vector<1x16xf32> to vector<16xf32>
      %mul3A_788 = vector.broadcast %squeeze3A_774 : f32 to vector<16xf32>
      %mul3A_789 = arith.mulf %mul3A_788, %get3A_787 : vector<16xf32>
      %add3A_790 = arith.addf %add3A_756, %mul3A_789 : vector<16xf32>
      %get3A_791 = arith.constant 20 : i32
      %get3A_792 = arith.index_cast %get3A_791 : i32 to index
      %get3A_793 = arith.constant 32 : index
      %get3A_794 = tpu.vector_load %arg11[%get3A_792, %get3A_793] {strides = array<i32>} : memref<128x64xf32, #tpu.memory_space<vmem>>, vector<1x16xf32>,
      %get3A_795 = vector.shape_cast %get3A_794 : vector<1x16xf32> to vector<16xf32>
      %mul3A_796 = vector.broadcast %squeeze3A_774 : f32 to vector<16xf32>
      %mul3A_797 = arith.mulf %mul3A_796, %get3A_795 : vector<16xf32>
      %add3A_798 = arith.addf %add3A_764, %mul3A_797 : vector<16xf32>
      %get3A_799 = arith.constant 20 : i32
      %get3A_800 = arith.index_cast %get3A_799 : i32 to index
      %get3A_801 = arith.constant 48 : index
      %get3A_802 = tpu.vector_load %arg11[%get3A_800, %get3A_801] {strides = array<i32>} : memref<128x64xf32, #tpu.memory_space<vmem>>, vector<1x16xf32>,
      %get3A_803 = vector.shape_cast %get3A_802 : vector<1x16xf32> to vector<16xf32>
      %mul3A_804 = vector.broadcast %squeeze3A_774 : f32 to vector<16xf32>
      %mul3A_805 = arith.mulf %mul3A_804, %get3A_803 : vector<16xf32>
      %add3A_806 = arith.addf %add3A_772, %mul3A_805 : vector<16xf32>
      %slice3A_807 = vector.extract_strided_slice %get3A_628 {offsets = [5], sizes = [1], strides = [1]} : vector<16xf32> to vector<1xf32>
      %squeeze3A_808 = vector.extract %slice3A_807[0] : f32 from vector<1xf32>
      %get3A_809 = arith.constant 21 : i32
      %get3A_810 = arith.index_cast %get3A_809 : i32 to index
      %get3A_811 = arith.constant 0 : index
      %get3A_812 = tpu.vector_load %arg11[%get3A_810, %get3A_811] {strides = array<i32>} : memref<128x64xf32, #tpu.memory_space<vmem>>, vector<1x16xf32>,
      %get3A_813 = vector.shape_cast %get3A_812 : vector<1x16xf32> to vector<16xf32>
      %mul3A_814 = vector.broadcast %squeeze3A_808 : f32 to vector<16xf32>
      %mul3A_815 = arith.mulf %mul3A_814, %get3A_813 : vector<16xf32>
      %add3A_816 = arith.addf %add3A_782, %mul3A_815 : vector<16xf32>
      %get3A_817 = arith.constant 21 : i32
      %get3A_818 = arith.index_cast %get3A_817 : i32 to index
      %get3A_819 = arith.constant 16 : index
      %get3A_820 = tpu.vector_load %arg11[%get3A_818, %get3A_819] {strides = array<i32>} : memref<128x64xf32, #tpu.memory_space<vmem>>, vector<1x16xf32>,
      %get3A_821 = vector.shape_cast %get3A_820 : vector<1x16xf32> to vector<16xf32>
      %mul3A_822 = vector.broadcast %squeeze3A_808 : f32 to vector<16xf32>
      %mul3A_823 = arith.mulf %mul3A_822, %get3A_821 : vector<16xf32>
      %add3A_824 = arith.addf %add3A_790, %mul3A_823 : vector<16xf32>
      %get3A_825 = arith.constant 21 : i32
      %get3A_826 = arith.index_cast %get3A_825 : i32 to index
      %get3A_827 = arith.constant 32 : index
      %get3A_828 = tpu.vector_load %arg11[%get3A_826, %get3A_827] {strides = array<i32>} : memref<128x64xf32, #tpu.memory_space<vmem>>, vector<1x16xf32>,
      %get3A_829 = vector.shape_cast %get3A_828 : vector<1x16xf32> to vector<16xf32>
      %mul3A_830 = vector.broadcast %squeeze3A_808 : f32 to vector<16xf32>
      %mul3A_831 = arith.mulf %mul3A_830, %get3A_829 : vector<16xf32>
      %add3A_832 = arith.addf %add3A_798, %mul3A_831 : vector<16xf32>
      %get3A_833 = arith.constant 21 : i32
      %get3A_834 = arith.index_cast %get3A_833 : i32 to index
      %get3A_835 = arith.constant 48 : index
      %get3A_836 = tpu.vector_load %arg11[%get3A_834, %get3A_835] {strides = array<i32>} : memref<128x64xf32, #tpu.memory_space<vmem>>, vector<1x16xf32>,
      %get3A_837 = vector.shape_cast %get3A_836 : vector<1x16xf32> to vector<16xf32>
      %mul3A_838 = vector.broadcast %squeeze3A_808 : f32 to vector<16xf32>
      %mul3A_839 = arith.mulf %mul3A_838, %get3A_837 : vector<16xf32>
      %add3A_840 = arith.addf %add3A_806, %mul3A_839 : vector<16xf32>
      %slice3A_841 = vector.extract_strided_slice %get3A_628 {offsets = [6], sizes = [1], strides = [1]} : vector<16xf32> to vector<1xf32>
      %squeeze3A_842 = vector.extract %slice3A_841[0] : f32 from vector<1xf32>
      %get3A_843 = arith.constant 22 : i32
      %get3A_844 = arith.index_cast %get3A_843 : i32 to index
      %get3A_845 = arith.constant 0 : index
      %get3A_846 = tpu.vector_load %arg11[%get3A_844, %get3A_845] {strides = array<i32>} : memref<128x64xf32, #tpu.memory_space<vmem>>, vector<1x16xf32>,
      %get3A_847 = vector.shape_cast %get3A_846 : vector<1x16xf32> to vector<16xf32>
      %mul3A_848 = vector.broadcast %squeeze3A_842 : f32 to vector<16xf32>
      %mul3A_849 = arith.mulf %mul3A_848, %get3A_847 : vector<16xf32>
      %add3A_850 = arith.addf %add3A_816, %mul3A_849 : vector<16xf32>
      %get3A_851 = arith.constant 22 : i32
      %get3A_852 = arith.index_cast %get3A_851 : i32 to index
      %get3A_853 = arith.constant 16 : index
      %get3A_854 = tpu.vector_load %arg11[%get3A_852, %get3A_853] {strides = array<i32>} : memref<128x64xf32, #tpu.memory_space<vmem>>, vector<1x16xf32>,
      %get3A_855 = vector.shape_cast %get3A_854 : vector<1x16xf32> to vector<16xf32>
      %mul3A_856 = vector.broadcast %squeeze3A_842 : f32 to vector<16xf32>
      %mul3A_857 = arith.mulf %mul3A_856, %get3A_855 : vector<16xf32>
      %add3A_858 = arith.addf %add3A_824, %mul3A_857 : vector<16xf32>
      %get3A_859 = arith.constant 22 : i32
      %get3A_860 = arith.index_cast %get3A_859 : i32 to index
      %get3A_861 = arith.constant 32 : index
      %get3A_862 = tpu.vector_load %arg11[%get3A_860, %get3A_861] {strides = array<i32>} : memref<128x64xf32, #tpu.memory_space<vmem>>, vector<1x16xf32>,
      %get3A_863 = vector.shape_cast %get3A_862 : vector<1x16xf32> to vector<16xf32>
      %mul3A_864 = vector.broadcast %squeeze3A_842 : f32 to vector<16xf32>
      %mul3A_865 = arith.mulf %mul3A_864, %get3A_863 : vector<16xf32>
      %add3A_866 = arith.addf %add3A_832, %mul3A_865 : vector<16xf32>
      %get3A_867 = arith.constant 22 : i32
      %get3A_868 = arith.index_cast %get3A_867 : i32 to index
      %get3A_869 = arith.constant 48 : index
      %get3A_870 = tpu.vector_load %arg11[%get3A_868, %get3A_869] {strides = array<i32>} : memref<128x64xf32, #tpu.memory_space<vmem>>, vector<1x16xf32>,
      %get3A_871 = vector.shape_cast %get3A_870 : vector<1x16xf32> to vector<16xf32>
      %mul3A_872 = vector.broadcast %squeeze3A_842 : f32 to vector<16xf32>
      %mul3A_873 = arith.mulf %mul3A_872, %get3A_871 : vector<16xf32>
      %add3A_874 = arith.addf %add3A_840, %mul3A_873 : vector<16xf32>
      %slice3A_875 = vector.extract_strided_slice %get3A_628 {offsets = [7], sizes = [1], strides = [1]} : vector<16xf32> to vector<1xf32>
      %squeeze3A_876 = vector.extract %slice3A_875[0] : f32 from vector<1xf32>
      %get3A_877 = arith.constant 23 : i32
      %get3A_878 = arith.index_cast %get3A_877 : i32 to index
      %get3A_879 = arith.constant 0 : index
      %get3A_880 = tpu.vector_load %arg11[%get3A_878, %get3A_879] {strides = array<i32>} : memref<128x64xf32, #tpu.memory_space<vmem>>, vector<1x16xf32>,
      %get3A_881 = vector.shape_cast %get3A_880 : vector<1x16xf32> to vector<16xf32>
      %mul3A_882 = vector.broadcast %squeeze3A_876 : f32 to vector<16xf32>
      %mul3A_883 = arith.mulf %mul3A_882, %get3A_881 : vector<16xf32>
      %add3A_884 = arith.addf %add3A_850, %mul3A_883 : vector<16xf32>
      %get3A_885 = arith.constant 23 : i32
      %get3A_886 = arith.index_cast %get3A_885 : i32 to index
      %get3A_887 = arith.constant 16 : index
      %get3A_888 = tpu.vector_load %arg11[%get3A_886, %get3A_887] {strides = array<i32>} : memref<128x64xf32, #tpu.memory_space<vmem>>, vector<1x16xf32>,
      %get3A_889 = vector.shape_cast %get3A_888 : vector<1x16xf32> to vector<16xf32>
      %mul3A_890 = vector.broadcast %squeeze3A_876 : f32 to vector<16xf32>
      %mul3A_891 = arith.mulf %mul3A_890, %get3A_889 : vector<16xf32>
      %add3A_892 = arith.addf %add3A_858, %mul3A_891 : vector<16xf32>
      %get3A_893 = arith.constant 23 : i32
      %get3A_894 = arith.index_cast %get3A_893 : i32 to index
      %get3A_895 = arith.constant 32 : index
      %get3A_896 = tpu.vector_load %arg11[%get3A_894, %get3A_895] {strides = array<i32>} : memref<128x64xf32, #tpu.memory_space<vmem>>, vector<1x16xf32>,
      %get3A_897 = vector.shape_cast %get3A_896 : vector<1x16xf32> to vector<16xf32>
      %mul3A_898 = vector.broadcast %squeeze3A_876 : f32 to vector<16xf32>
      %mul3A_899 = arith.mulf %mul3A_898, %get3A_897 : vector<16xf32>
      %add3A_900 = arith.addf %add3A_866, %mul3A_899 : vector<16xf32>
      %get3A_901 = arith.constant 23 : i32
      %get3A_902 = arith.index_cast %get3A_901 : i32 to index
      %get3A_903 = arith.constant 48 : index
      %get3A_904 = tpu.vector_load %arg11[%get3A_902, %get3A_903] {strides = array<i32>} : memref<128x64xf32, #tpu.memory_space<vmem>>, vector<1x16xf32>,
      %get3A_905 = vector.shape_cast %get3A_904 : vector<1x16xf32> to vector<16xf32>
      %mul3A_906 = vector.broadcast %squeeze3A_876 : f32 to vector<16xf32>
      %mul3A_907 = arith.mulf %mul3A_906, %get3A_905 : vector<16xf32>
      %add3A_908 = arith.addf %add3A_874, %mul3A_907 : vector<16xf32>
      %slice3A_909 = vector.extract_strided_slice %get3A_628 {offsets = [8], sizes = [1], strides = [1]} : vector<16xf32> to vector<1xf32>
      %squeeze3A_910 = vector.extract %slice3A_909[0] : f32 from vector<1xf32>
      %get3A_911 = arith.constant 24 : i32
      %get3A_912 = arith.index_cast %get3A_911 : i32 to index
      %get3A_913 = arith.constant 0 : index
      %get3A_914 = tpu.vector_load %arg11[%get3A_912, %get3A_913] {strides = array<i32>} : memref<128x64xf32, #tpu.memory_space<vmem>>, vector<1x16xf32>,
      %get3A_915 = vector.shape_cast %get3A_914 : vector<1x16xf32> to vector<16xf32>
      %mul3A_916 = vector.broadcast %squeeze3A_910 : f32 to vector<16xf32>
      %mul3A_917 = arith.mulf %mul3A_916, %get3A_915 : vector<16xf32>
      %add3A_918 = arith.addf %add3A_884, %mul3A_917 : vector<16xf32>
      %get3A_919 = arith.constant 24 : i32
      %get3A_920 = arith.index_cast %get3A_919 : i32 to index
      %get3A_921 = arith.constant 16 : index
      %get3A_922 = tpu.vector_load %arg11[%get3A_920, %get3A_921] {strides = array<i32>} : memref<128x64xf32, #tpu.memory_space<vmem>>, vector<1x16xf32>,
      %get3A_923 = vector.shape_cast %get3A_922 : vector<1x16xf32> to vector<16xf32>
      %mul3A_924 = vector.broadcast %squeeze3A_910 : f32 to vector<16xf32>
      %mul3A_925 = arith.mulf %mul3A_924, %get3A_923 : vector<16xf32>
      %add3A_926 = arith.addf %add3A_892, %mul3A_925 : vector<16xf32>
      %get3A_927 = arith.constant 24 : i32
      %get3A_928 = arith.index_cast %get3A_927 : i32 to index
      %get3A_929 = arith.constant 32 : index
      %get3A_930 = tpu.vector_load %arg11[%get3A_928, %get3A_929] {strides = array<i32>} : memref<128x64xf32, #tpu.memory_space<vmem>>, vector<1x16xf32>,
      %get3A_931 = vector.shape_cast %get3A_930 : vector<1x16xf32> to vector<16xf32>
      %mul3A_932 = vector.broadcast %squeeze3A_910 : f32 to vector<16xf32>
      %mul3A_933 = arith.mulf %mul3A_932, %get3A_931 : vector<16xf32>
      %add3A_934 = arith.addf %add3A_900, %mul3A_933 : vector<16xf32>
      %get3A_935 = arith.constant 24 : i32
      %get3A_936 = arith.index_cast %get3A_935 : i32 to index
      %get3A_937 = arith.constant 48 : index
      %get3A_938 = tpu.vector_load %arg11[%get3A_936, %get3A_937] {strides = array<i32>} : memref<128x64xf32, #tpu.memory_space<vmem>>, vector<1x16xf32>,
      %get3A_939 = vector.shape_cast %get3A_938 : vector<1x16xf32> to vector<16xf32>
      %mul3A_940 = vector.broadcast %squeeze3A_910 : f32 to vector<16xf32>
      %mul3A_941 = arith.mulf %mul3A_940, %get3A_939 : vector<16xf32>
      %add3A_942 = arith.addf %add3A_908, %mul3A_941 : vector<16xf32>
      %slice3A_943 = vector.extract_strided_slice %get3A_628 {offsets = [9], sizes = [1], strides = [1]} : vector<16xf32> to vector<1xf32>
      %squeeze3A_944 = vector.extract %slice3A_943[0] : f32 from vector<1xf32>
      %get3A_945 = arith.constant 25 : i32
      %get3A_946 = arith.index_cast %get3A_945 : i32 to index
      %get3A_947 = arith.constant 0 : index
      %get3A_948 = tpu.vector_load %arg11[%get3A_946, %get3A_947] {strides = array<i32>} : memref<128x64xf32, #tpu.memory_space<vmem>>, vector<1x16xf32>,
      %get3A_949 = vector.shape_cast %get3A_948 : vector<1x16xf32> to vector<16xf32>
      %mul3A_950 = vector.broadcast %squeeze3A_944 : f32 to vector<16xf32>
      %mul3A_951 = arith.mulf %mul3A_950, %get3A_949 : vector<16xf32>
      %add3A_952 = arith.addf %add3A_918, %mul3A_951 : vector<16xf32>
      %get3A_953 = arith.constant 25 : i32
      %get3A_954 = arith.index_cast %get3A_953 : i32 to index
      %get3A_955 = arith.constant 16 : index
      %get3A_956 = tpu.vector_load %arg11[%get3A_954, %get3A_955] {strides = array<i32>} : memref<128x64xf32, #tpu.memory_space<vmem>>, vector<1x16xf32>,
      %get3A_957 = vector.shape_cast %get3A_956 : vector<1x16xf32> to vector<16xf32>
      %mul3A_958 = vector.broadcast %squeeze3A_944 : f32 to vector<16xf32>
      %mul3A_959 = arith.mulf %mul3A_958, %get3A_957 : vector<16xf32>
      %add3A_960 = arith.addf %add3A_926, %mul3A_959 : vector<16xf32>
      %get3A_961 = arith.constant 25 : i32
      %get3A_962 = arith.index_cast %get3A_961 : i32 to index
      %get3A_963 = arith.constant 32 : index
      %get3A_964 = tpu.vector_load %arg11[%get3A_962, %get3A_963] {strides = array<i32>} : memref<128x64xf32, #tpu.memory_space<vmem>>, vector<1x16xf32>,
      %get3A_965 = vector.shape_cast %get3A_964 : vector<1x16xf32> to vector<16xf32>
      %mul3A_966 = vector.broadcast %squeeze3A_944 : f32 to vector<16xf32>
      %mul3A_967 = arith.mulf %mul3A_966, %get3A_965 : vector<16xf32>
      %add3A_968 = arith.addf %add3A_934, %mul3A_967 : vector<16xf32>
      %get3A_969 = arith.constant 25 : i32
      %get3A_970 = arith.index_cast %get3A_969 : i32 to index
      %get3A_971 = arith.constant 48 : index
      %get3A_972 = tpu.vector_load %arg11[%get3A_970, %get3A_971] {strides = array<i32>} : memref<128x64xf32, #tpu.memory_space<vmem>>, vector<1x16xf32>,
      %get3A_973 = vector.shape_cast %get3A_972 : vector<1x16xf32> to vector<16xf32>
      %mul3A_974 = vector.broadcast %squeeze3A_944 : f32 to vector<16xf32>
      %mul3A_975 = arith.mulf %mul3A_974, %get3A_973 : vector<16xf32>
      %add3A_976 = arith.addf %add3A_942, %mul3A_975 : vector<16xf32>
      %slice3A_977 = vector.extract_strided_slice %get3A_628 {offsets = [10], sizes = [1], strides = [1]} : vector<16xf32> to vector<1xf32>
      %squeeze3A_978 = vector.extract %slice3A_977[0] : f32 from vector<1xf32>
      %get3A_979 = arith.constant 26 : i32
      %get3A_980 = arith.index_cast %get3A_979 : i32 to index
      %get3A_981 = arith.constant 0 : index
      %get3A_982 = tpu.vector_load %arg11[%get3A_980, %get3A_981] {strides = array<i32>} : memref<128x64xf32, #tpu.memory_space<vmem>>, vector<1x16xf32>,
      %get3A_983 = vector.shape_cast %get3A_982 : vector<1x16xf32> to vector<16xf32>
      %mul3A_984 = vector.broadcast %squeeze3A_978 : f32 to vector<16xf32>
      %mul3A_985 = arith.mulf %mul3A_984, %get3A_983 : vector<16xf32>
      %add3A_986 = arith.addf %add3A_952, %mul3A_985 : vector<16xf32>
      %get3A_987 = arith.constant 26 : i32
      %get3A_988 = arith.index_cast %get3A_987 : i32 to index
      %get3A_989 = arith.constant 16 : index
      %get3A_990 = tpu.vector_load %arg11[%get3A_988, %get3A_989] {strides = array<i32>} : memref<128x64xf32, #tpu.memory_space<vmem>>, vector<1x16xf32>,
      %get3A_991 = vector.shape_cast %get3A_990 : vector<1x16xf32> to vector<16xf32>
      %mul3A_992 = vector.broadcast %squeeze3A_978 : f32 to vector<16xf32>
      %mul3A_993 = arith.mulf %mul3A_992, %get3A_991 : vector<16xf32>
      %add3A_994 = arith.addf %add3A_960, %mul3A_993 : vector<16xf32>
      %get3A_995 = arith.constant 26 : i32
      %get3A_996 = arith.index_cast %get3A_995 : i32 to index
      %get3A_997 = arith.constant 32 : index
      %get3A_998 = tpu.vector_load %arg11[%get3A_996, %get3A_997] {strides = array<i32>} : memref<128x64xf32, #tpu.memory_space<vmem>>, vector<1x16xf32>,
      %get3A_999 = vector.shape_cast %get3A_998 : vector<1x16xf32> to vector<16xf32>
      %mul3A_1000 = vector.broadcast %squeeze3A_978 : f32 to vector<16xf32>
      %mul3A_1001 = arith.mulf %mul3A_1000, %get3A_999 : vector<16xf32>
      %add3A_1002 = arith.addf %add3A_968, %mul3A_1001 : vector<16xf32>
      %get3A_1003 = arith.constant 26 : i32
      %get3A_1004 = arith.index_cast %get3A_1003 : i32 to index
      %get3A_1005 = arith.constant 48 : index
      %get3A_1006 = tpu.vector_load %arg11[%get3A_1004, %get3A_1005] {strides = array<i32>} : memref<128x64xf32, #tpu.memory_space<vmem>>, vector<1x16xf32>,
      %get3A_1007 = vector.shape_cast %get3A_1006 : vector<1x16xf32> to vector<16xf32>
      %mul3A_1008 = vector.broadcast %squeeze3A_978 : f32 to vector<16xf32>
      %mul3A_1009 = arith.mulf %mul3A_1008, %get3A_1007 : vector<16xf32>
      %add3A_1010 = arith.addf %add3A_976, %mul3A_1009 : vector<16xf32>
      %slice3A_1011 = vector.extract_strided_slice %get3A_628 {offsets = [11], sizes = [1], strides = [1]} : vector<16xf32> to vector<1xf32>
      %squeeze3A_1012 = vector.extract %slice3A_1011[0] : f32 from vector<1xf32>
      %get3A_1013 = arith.constant 27 : i32
      %get3A_1014 = arith.index_cast %get3A_1013 : i32 to index
      %get3A_1015 = arith.constant 0 : index
      %get3A_1016 = tpu.vector_load %arg11[%get3A_1014, %get3A_1015] {strides = array<i32>} : memref<128x64xf32, #tpu.memory_space<vmem>>, vector<1x16xf32>,
      %get3A_1017 = vector.shape_cast %get3A_1016 : vector<1x16xf32> to vector<16xf32>
      %mul3A_1018 = vector.broadcast %squeeze3A_1012 : f32 to vector<16xf32>
      %mul3A_1019 = arith.mulf %mul3A_1018, %get3A_1017 : vector<16xf32>
      %add3A_1020 = arith.addf %add3A_986, %mul3A_1019 : vector<16xf32>
      %get3A_1021 = arith.constant 27 : i32
      %get3A_1022 = arith.index_cast %get3A_1021 : i32 to index
      %get3A_1023 = arith.constant 16 : index
      %get3A_1024 = tpu.vector_load %arg11[%get3A_1022, %get3A_1023] {strides = array<i32>} : memref<128x64xf32, #tpu.memory_space<vmem>>, vector<1x16xf32>,
      %get3A_1025 = vector.shape_cast %get3A_1024 : vector<1x16xf32> to vector<16xf32>
      %mul3A_1026 = vector.broadcast %squeeze3A_1012 : f32 to vector<16xf32>
      %mul3A_1027 = arith.mulf %mul3A_1026, %get3A_1025 : vector<16xf32>
      %add3A_1028 = arith.addf %add3A_994, %mul3A_1027 : vector<16xf32>
      %get3A_1029 = arith.constant 27 : i32
      %get3A_1030 = arith.index_cast %get3A_1029 : i32 to index
      %get3A_1031 = arith.constant 32 : index
      %get3A_1032 = tpu.vector_load %arg11[%get3A_1030, %get3A_1031] {strides = array<i32>} : memref<128x64xf32, #tpu.memory_space<vmem>>, vector<1x16xf32>,
      %get3A_1033 = vector.shape_cast %get3A_1032 : vector<1x16xf32> to vector<16xf32>
      %mul3A_1034 = vector.broadcast %squeeze3A_1012 : f32 to vector<16xf32>
      %mul3A_1035 = arith.mulf %mul3A_1034, %get3A_1033 : vector<16xf32>
      %add3A_1036 = arith.addf %add3A_1002, %mul3A_1035 : vector<16xf32>
      %get3A_1037 = arith.constant 27 : i32
      %get3A_1038 = arith.index_cast %get3A_1037 : i32 to index
      %get3A_1039 = arith.constant 48 : index
      %get3A_1040 = tpu.vector_load %arg11[%get3A_1038, %get3A_1039] {strides = array<i32>} : memref<128x64xf32, #tpu.memory_space<vmem>>, vector<1x16xf32>,
      %get3A_1041 = vector.shape_cast %get3A_1040 : vector<1x16xf32> to vector<16xf32>
      %mul3A_1042 = vector.broadcast %squeeze3A_1012 : f32 to vector<16xf32>
      %mul3A_1043 = arith.mulf %mul3A_1042, %get3A_1041 : vector<16xf32>
      %add3A_1044 = arith.addf %add3A_1010, %mul3A_1043 : vector<16xf32>
      %slice3A_1045 = vector.extract_strided_slice %get3A_628 {offsets = [12], sizes = [1], strides = [1]} : vector<16xf32> to vector<1xf32>
      %squeeze3A_1046 = vector.extract %slice3A_1045[0] : f32 from vector<1xf32>
      %get3A_1047 = arith.constant 28 : i32
      %get3A_1048 = arith.index_cast %get3A_1047 : i32 to index
      %get3A_1049 = arith.constant 0 : index
      %get3A_1050 = tpu.vector_load %arg11[%get3A_1048, %get3A_1049] {strides = array<i32>} : memref<128x64xf32, #tpu.memory_space<vmem>>, vector<1x16xf32>,
      %get3A_1051 = vector.shape_cast %get3A_1050 : vector<1x16xf32> to vector<16xf32>
      %mul3A_1052 = vector.broadcast %squeeze3A_1046 : f32 to vector<16xf32>
      %mul3A_1053 = arith.mulf %mul3A_1052, %get3A_1051 : vector<16xf32>
      %add3A_1054 = arith.addf %add3A_1020, %mul3A_1053 : vector<16xf32>
      %get3A_1055 = arith.constant 28 : i32
      %get3A_1056 = arith.index_cast %get3A_1055 : i32 to index
      %get3A_1057 = arith.constant 16 : index
      %get3A_1058 = tpu.vector_load %arg11[%get3A_1056, %get3A_1057] {strides = array<i32>} : memref<128x64xf32, #tpu.memory_space<vmem>>, vector<1x16xf32>,
      %get3A_1059 = vector.shape_cast %get3A_1058 : vector<1x16xf32> to vector<16xf32>
      %mul3A_1060 = vector.broadcast %squeeze3A_1046 : f32 to vector<16xf32>
      %mul3A_1061 = arith.mulf %mul3A_1060, %get3A_1059 : vector<16xf32>
      %add3A_1062 = arith.addf %add3A_1028, %mul3A_1061 : vector<16xf32>
      %get3A_1063 = arith.constant 28 : i32
      %get3A_1064 = arith.index_cast %get3A_1063 : i32 to index
      %get3A_1065 = arith.constant 32 : index
      %get3A_1066 = tpu.vector_load %arg11[%get3A_1064, %get3A_1065] {strides = array<i32>} : memref<128x64xf32, #tpu.memory_space<vmem>>, vector<1x16xf32>,
      %get3A_1067 = vector.shape_cast %get3A_1066 : vector<1x16xf32> to vector<16xf32>
      %mul3A_1068 = vector.broadcast %squeeze3A_1046 : f32 to vector<16xf32>
      %mul3A_1069 = arith.mulf %mul3A_1068, %get3A_1067 : vector<16xf32>
      %add3A_1070 = arith.addf %add3A_1036, %mul3A_1069 : vector<16xf32>
      %get3A_1071 = arith.constant 28 : i32
      %get3A_1072 = arith.index_cast %get3A_1071 : i32 to index
      %get3A_1073 = arith.constant 48 : index
      %get3A_1074 = tpu.vector_load %arg11[%get3A_1072, %get3A_1073] {strides = array<i32>} : memref<128x64xf32, #tpu.memory_space<vmem>>, vector<1x16xf32>,
      %get3A_1075 = vector.shape_cast %get3A_1074 : vector<1x16xf32> to vector<16xf32>
      %mul3A_1076 = vector.broadcast %squeeze3A_1046 : f32 to vector<16xf32>
      %mul3A_1077 = arith.mulf %mul3A_1076, %get3A_1075 : vector<16xf32>
      %add3A_1078 = arith.addf %add3A_1044, %mul3A_1077 : vector<16xf32>
      %slice3A_1079 = vector.extract_strided_slice %get3A_628 {offsets = [13], sizes = [1], strides = [1]} : vector<16xf32> to vector<1xf32>
      %squeeze3A_1080 = vector.extract %slice3A_1079[0] : f32 from vector<1xf32>
      %get3A_1081 = arith.constant 29 : i32
      %get3A_1082 = arith.index_cast %get3A_1081 : i32 to index
      %get3A_1083 = arith.constant 0 : index
      %get3A_1084 = tpu.vector_load %arg11[%get3A_1082, %get3A_1083] {strides = array<i32>} : memref<128x64xf32, #tpu.memory_space<vmem>>, vector<1x16xf32>,
      %get3A_1085 = vector.shape_cast %get3A_1084 : vector<1x16xf32> to vector<16xf32>
      %mul3A_1086 = vector.broadcast %squeeze3A_1080 : f32 to vector<16xf32>
      %mul3A_1087 = arith.mulf %mul3A_1086, %get3A_1085 : vector<16xf32>
      %add3A_1088 = arith.addf %add3A_1054, %mul3A_1087 : vector<16xf32>
      %get3A_1089 = arith.constant 29 : i32
      %get3A_1090 = arith.index_cast %get3A_1089 : i32 to index
      %get3A_1091 = arith.constant 16 : index
      %get3A_1092 = tpu.vector_load %arg11[%get3A_1090, %get3A_1091] {strides = array<i32>} : memref<128x64xf32, #tpu.memory_space<vmem>>, vector<1x16xf32>,
      %get3A_1093 = vector.shape_cast %get3A_1092 : vector<1x16xf32> to vector<16xf32>
      %mul3A_1094 = vector.broadcast %squeeze3A_1080 : f32 to vector<16xf32>
      %mul3A_1095 = arith.mulf %mul3A_1094, %get3A_1093 : vector<16xf32>
      %add3A_1096 = arith.addf %add3A_1062, %mul3A_1095 : vector<16xf32>
      %get3A_1097 = arith.constant 29 : i32
      %get3A_1098 = arith.index_cast %get3A_1097 : i32 to index
      %get3A_1099 = arith.constant 32 : index
      %get3A_1100 = tpu.vector_load %arg11[%get3A_1098, %get3A_1099] {strides = array<i32>} : memref<128x64xf32, #tpu.memory_space<vmem>>, vector<1x16xf32>,
      %get3A_1101 = vector.shape_cast %get3A_1100 : vector<1x16xf32> to vector<16xf32>
      %mul3A_1102 = vector.broadcast %squeeze3A_1080 : f32 to vector<16xf32>
      %mul3A_1103 = arith.mulf %mul3A_1102, %get3A_1101 : vector<16xf32>
      %add3A_1104 = arith.addf %add3A_1070, %mul3A_1103 : vector<16xf32>
      %get3A_1105 = arith.constant 29 : i32
      %get3A_1106 = arith.index_cast %get3A_1105 : i32 to index
      %get3A_1107 = arith.constant 48 : index
      %get3A_1108 = tpu.vector_load %arg11[%get3A_1106, %get3A_1107] {strides = array<i32>} : memref<128x64xf32, #tpu.memory_space<vmem>>, vector<1x16xf32>,
      %get3A_1109 = vector.shape_cast %get3A_1108 : vector<1x16xf32> to vector<16xf32>
      %mul3A_1110 = vector.broadcast %squeeze3A_1080 : f32 to vector<16xf32>
      %mul3A_1111 = arith.mulf %mul3A_1110, %get3A_1109 : vector<16xf32>
      %add3A_1112 = arith.addf %add3A_1078, %mul3A_1111 : vector<16xf32>
      %slice3A_1113 = vector.extract_strided_slice %get3A_628 {offsets = [14], sizes = [1], strides = [1]} : vector<16xf32> to vector<1xf32>
      %squeeze3A_1114 = vector.extract %slice3A_1113[0] : f32 from vector<1xf32>
      %get3A_1115 = arith.constant 30 : i32
      %get3A_1116 = arith.index_cast %get3A_1115 : i32 to index
      %get3A_1117 = arith.constant 0 : index
      %get3A_1118 = tpu.vector_load %arg11[%get3A_1116, %get3A_1117] {strides = array<i32>} : memref<128x64xf32, #tpu.memory_space<vmem>>, vector<1x16xf32>,
      %get3A_1119 = vector.shape_cast %get3A_1118 : vector<1x16xf32> to vector<16xf32>
      %mul3A_1120 = vector.broadcast %squeeze3A_1114 : f32 to vector<16xf32>
      %mul3A_1121 = arith.mulf %mul3A_1120, %get3A_1119 : vector<16xf32>
      %add3A_1122 = arith.addf %add3A_1088, %mul3A_1121 : vector<16xf32>
      %get3A_1123 = arith.constant 30 : i32
      %get3A_1124 = arith.index_cast %get3A_1123 : i32 to index
      %get3A_1125 = arith.constant 16 : index
      %get3A_1126 = tpu.vector_load %arg11[%get3A_1124, %get3A_1125] {strides = array<i32>} : memref<128x64xf32, #tpu.memory_space<vmem>>, vector<1x16xf32>,
      %get3A_1127 = vector.shape_cast %get3A_1126 : vector<1x16xf32> to vector<16xf32>
      %mul3A_1128 = vector.broadcast %squeeze3A_1114 : f32 to vector<16xf32>
      %mul3A_1129 = arith.mulf %mul3A_1128, %get3A_1127 : vector<16xf32>
      %add3A_1130 = arith.addf %add3A_1096, %mul3A_1129 : vector<16xf32>
      %get3A_1131 = arith.constant 30 : i32
      %get3A_1132 = arith.index_cast %get3A_1131 : i32 to index
      %get3A_1133 = arith.constant 32 : index
      %get3A_1134 = tpu.vector_load %arg11[%get3A_1132, %get3A_1133] {strides = array<i32>} : memref<128x64xf32, #tpu.memory_space<vmem>>, vector<1x16xf32>,
      %get3A_1135 = vector.shape_cast %get3A_1134 : vector<1x16xf32> to vector<16xf32>
      %mul3A_1136 = vector.broadcast %squeeze3A_1114 : f32 to vector<16xf32>
      %mul3A_1137 = arith.mulf %mul3A_1136, %get3A_1135 : vector<16xf32>
      %add3A_1138 = arith.addf %add3A_1104, %mul3A_1137 : vector<16xf32>
      %get3A_1139 = arith.constant 30 : i32
      %get3A_1140 = arith.index_cast %get3A_1139 : i32 to index
      %get3A_1141 = arith.constant 48 : index
      %get3A_1142 = tpu.vector_load %arg11[%get3A_1140, %get3A_1141] {strides = array<i32>} : memref<128x64xf32, #tpu.memory_space<vmem>>, vector<1x16xf32>,
      %get3A_1143 = vector.shape_cast %get3A_1142 : vector<1x16xf32> to vector<16xf32>
      %mul3A_1144 = vector.broadcast %squeeze3A_1114 : f32 to vector<16xf32>
      %mul3A_1145 = arith.mulf %mul3A_1144, %get3A_1143 : vector<16xf32>
      %add3A_1146 = arith.addf %add3A_1112, %mul3A_1145 : vector<16xf32>
      %slice3A_1147 = vector.extract_strided_slice %get3A_628 {offsets = [15], sizes = [1], strides = [1]} : vector<16xf32> to vector<1xf32>
      %squeeze3A_1148 = vector.extract %slice3A_1147[0] : f32 from vector<1xf32>
      %get3A_1149 = arith.constant 31 : i32
      %get3A_1150 = arith.index_cast %get3A_1149 : i32 to index
      %get3A_1151 = arith.constant 0 : index
      %get3A_1152 = tpu.vector_load %arg11[%get3A_1150, %get3A_1151] {strides = array<i32>} : memref<128x64xf32, #tpu.memory_space<vmem>>, vector<1x16xf32>,
      %get3A_1153 = vector.shape_cast %get3A_1152 : vector<1x16xf32> to vector<16xf32>
      %mul3A_1154 = vector.broadcast %squeeze3A_1148 : f32 to vector<16xf32>
      %mul3A_1155 = arith.mulf %mul3A_1154, %get3A_1153 : vector<16xf32>
      %add3A_1156 = arith.addf %add3A_1122, %mul3A_1155 : vector<16xf32>
      %get3A_1157 = arith.constant 31 : i32
      %get3A_1158 = arith.index_cast %get3A_1157 : i32 to index
      %get3A_1159 = arith.constant 16 : index
      %get3A_1160 = tpu.vector_load %arg11[%get3A_1158, %get3A_1159] {strides = array<i32>} : memref<128x64xf32, #tpu.memory_space<vmem>>, vector<1x16xf32>,
      %get3A_1161 = vector.shape_cast %get3A_1160 : vector<1x16xf32> to vector<16xf32>
      %mul3A_1162 = vector.broadcast %squeeze3A_1148 : f32 to vector<16xf32>
      %mul3A_1163 = arith.mulf %mul3A_1162, %get3A_1161 : vector<16xf32>
      %add3A_1164 = arith.addf %add3A_1130, %mul3A_1163 : vector<16xf32>
      %get3A_1165 = arith.constant 31 : i32
      %get3A_1166 = arith.index_cast %get3A_1165 : i32 to index
      %get3A_1167 = arith.constant 32 : index
      %get3A_1168 = tpu.vector_load %arg11[%get3A_1166, %get3A_1167] {strides = array<i32>} : memref<128x64xf32, #tpu.memory_space<vmem>>, vector<1x16xf32>,
      %get3A_1169 = vector.shape_cast %get3A_1168 : vector<1x16xf32> to vector<16xf32>
      %mul3A_1170 = vector.broadcast %squeeze3A_1148 : f32 to vector<16xf32>
      %mul3A_1171 = arith.mulf %mul3A_1170, %get3A_1169 : vector<16xf32>
      %add3A_1172 = arith.addf %add3A_1138, %mul3A_1171 : vector<16xf32>
      %get3A_1173 = arith.constant 31 : i32
      %get3A_1174 = arith.index_cast %get3A_1173 : i32 to index
      %get3A_1175 = arith.constant 48 : index
      %get3A_1176 = tpu.vector_load %arg11[%get3A_1174, %get3A_1175] {strides = array<i32>} : memref<128x64xf32, #tpu.memory_space<vmem>>, vector<1x16xf32>,
      %get3A_1177 = vector.shape_cast %get3A_1176 : vector<1x16xf32> to vector<16xf32>
      %mul3A_1178 = vector.broadcast %squeeze3A_1148 : f32 to vector<16xf32>
      %mul3A_1179 = arith.mulf %mul3A_1178, %get3A_1177 : vector<16xf32>
      %add3A_1180 = arith.addf %add3A_1146, %mul3A_1179 : vector<16xf32>
      %slice3A_1181 = vector.extract_strided_slice %select_n3A {offsets = [1], sizes = [1], strides = [1]} : vector<16xf32> to vector<1xf32>
      %squeeze3A_1182 = vector.extract %slice3A_1181[0] : f32 from vector<1xf32>
      %mul3A_1183 = vector.broadcast %squeeze3A_1182 : f32 to vector<16xf32>
      %mul3A_1184 = arith.mulf %add3A_1156, %mul3A_1183 : vector<16xf32>
      %swap3A_1185 = arith.constant 1 : i32
      %swap3A_1186 = arith.index_cast %swap3A_1185 : i32 to index
      %swap3A_1187 = arith.constant 0 : index
      %swap3A_1188 = tpu.vector_load %arg12[%swap3A_1186, %swap3A_1187] {strides = array<i32>} : memref<8x64xf32, #tpu.memory_space<vmem>>, vector<1x16xf32>,
      %swap3A_1189 = vector.shape_cast %swap3A_1188 : vector<1x16xf32> to vector<16xf32>
      %swap3A_1190 = vector.shape_cast %mul3A_1184 : vector<16xf32> to vector<1x16xf32>
      tpu.vector_store %arg12[%swap3A_1186, %swap3A_1187], %swap3A_1190 {strides = array<i32>} : memref<8x64xf32, #tpu.memory_space<vmem>>, vector<1x16xf32>,
      %mul3A_1191 = vector.broadcast %squeeze3A_1182 : f32 to vector<16xf32>
      %mul3A_1192 = arith.mulf %add3A_1164, %mul3A_1191 : vector<16xf32>
      %swap3A_1193 = arith.constant 1 : i32
      %swap3A_1194 = arith.index_cast %swap3A_1193 : i32 to index
      %swap3A_1195 = arith.constant 16 : index
      %swap3A_1196 = tpu.vector_load %arg12[%swap3A_1194, %swap3A_1195] {strides = array<i32>} : memref<8x64xf32, #tpu.memory_space<vmem>>, vector<1x16xf32>,
      %swap3A_1197 = vector.shape_cast %swap3A_1196 : vector<1x16xf32> to vector<16xf32>
      %swap3A_1198 = vector.shape_cast %mul3A_1192 : vector<16xf32> to vector<1x16xf32>
      tpu.vector_store %arg12[%swap3A_1194, %swap3A_1195], %swap3A_1198 {strides = array<i32>} : memref<8x64xf32, #tpu.memory_space<vmem>>, vector<1x16xf32>,
      %mul3A_1199 = vector.broadcast %squeeze3A_1182 : f32 to vector<16xf32>
      %mul3A_1200 = arith.mulf %add3A_1172, %mul3A_1199 : vector<16xf32>
      %swap3A_1201 = arith.constant 1 : i32
      %swap3A_1202 = arith.index_cast %swap3A_1201 : i32 to index
      %swap3A_1203 = arith.constant 32 : index
      %swap3A_1204 = tpu.vector_load %arg12[%swap3A_1202, %swap3A_1203] {strides = array<i32>} : memref<8x64xf32, #tpu.memory_space<vmem>>, vector<1x16xf32>,
      %swap3A_1205 = vector.shape_cast %swap3A_1204 : vector<1x16xf32> to vector<16xf32>
      %swap3A_1206 = vector.shape_cast %mul3A_1200 : vector<16xf32> to vector<1x16xf32>
      tpu.vector_store %arg12[%swap3A_1202, %swap3A_1203], %swap3A_1206 {strides = array<i32>} : memref<8x64xf32, #tpu.memory_space<vmem>>, vector<1x16xf32>,
      %mul3A_1207 = vector.broadcast %squeeze3A_1182 : f32 to vector<16xf32>
      %mul3A_1208 = arith.mulf %add3A_1180, %mul3A_1207 : vector<16xf32>
      %swap3A_1209 = arith.constant 1 : i32
      %swap3A_1210 = arith.index_cast %swap3A_1209 : i32 to index
      %swap3A_1211 = arith.constant 48 : index
      %swap3A_1212 = tpu.vector_load %arg12[%swap3A_1210, %swap3A_1211] {strides = array<i32>} : memref<8x64xf32, #tpu.memory_space<vmem>>, vector<1x16xf32>,
      %swap3A_1213 = vector.shape_cast %swap3A_1212 : vector<1x16xf32> to vector<16xf32>
      %swap3A_1214 = vector.shape_cast %mul3A_1208 : vector<16xf32> to vector<1x16xf32>
      tpu.vector_store %arg12[%swap3A_1210, %swap3A_1211], %swap3A_1214 {strides = array<i32>} : memref<8x64xf32, #tpu.memory_space<vmem>>, vector<1x16xf32>,
      %mul3A_1215 = arith.constant 8 : i32
      %mul3A_1216 = arith.muli %add3A_11, %mul3A_1215 : i32
      %add3A_1217 = arith.constant 2 : i32
      %add3A_1218 = arith.addi %mul3A_1216, %add3A_1217 : i32
      %get3A_1219 = arith.index_cast %add3A_1218 : i32 to index
      %get3A_1220 = arith.constant 0 : index
      %get3A_1221 = tpu.vector_load %arg9[%get3A_1219, %get3A_1220] {strides = array<i32>} : memref<512x16xf32, #tpu.memory_space<vmem>>, vector<1x16xf32>,
      %get3A_1222 = vector.shape_cast %get3A_1221 : vector<1x16xf32> to vector<16xf32>
      %broadcast_in_dim3A_1223 = arith.constant 0.000000e+00 : f32
      %broadcast_in_dim3A_1224 = vector.broadcast %broadcast_in_dim3A_1223 : f32 to vector<16xf32>
      %broadcast_in_dim3A_1225 = arith.constant 0.000000e+00 : f32
      %broadcast_in_dim3A_1226 = vector.broadcast %broadcast_in_dim3A_1225 : f32 to vector<16xf32>
      %broadcast_in_dim3A_1227 = arith.constant 0.000000e+00 : f32
      %broadcast_in_dim3A_1228 = vector.broadcast %broadcast_in_dim3A_1227 : f32 to vector<16xf32>
      %broadcast_in_dim3A_1229 = arith.constant 0.000000e+00 : f32
      %broadcast_in_dim3A_1230 = vector.broadcast %broadcast_in_dim3A_1229 : f32 to vector<16xf32>
      %slice3A_1231 = vector.extract_strided_slice %get3A_1222 {offsets = [0], sizes = [1], strides = [1]} : vector<16xf32> to vector<1xf32>
      %squeeze3A_1232 = vector.extract %slice3A_1231[0] : f32 from vector<1xf32>
      %get3A_1233 = arith.constant 32 : i32
      %get3A_1234 = arith.index_cast %get3A_1233 : i32 to index
      %get3A_1235 = arith.constant 0 : index
      %get3A_1236 = tpu.vector_load %arg11[%get3A_1234, %get3A_1235] {strides = array<i32>} : memref<128x64xf32, #tpu.memory_space<vmem>>, vector<1x16xf32>,
      %get3A_1237 = vector.shape_cast %get3A_1236 : vector<1x16xf32> to vector<16xf32>
      %mul3A_1238 = vector.broadcast %squeeze3A_1232 : f32 to vector<16xf32>
      %mul3A_1239 = arith.mulf %mul3A_1238, %get3A_1237 : vector<16xf32>
      %add3A_1240 = arith.addf %broadcast_in_dim3A_1224, %mul3A_1239 : vector<16xf32>
      %get3A_1241 = arith.constant 32 : i32
      %get3A_1242 = arith.index_cast %get3A_1241 : i32 to index
      %get3A_1243 = arith.constant 16 : index
      %get3A_1244 = tpu.vector_load %arg11[%get3A_1242, %get3A_1243] {strides = array<i32>} : memref<128x64xf32, #tpu.memory_space<vmem>>, vector<1x16xf32>,
      %get3A_1245 = vector.shape_cast %get3A_1244 : vector<1x16xf32> to vector<16xf32>
      %mul3A_1246 = vector.broadcast %squeeze3A_1232 : f32 to vector<16xf32>
      %mul3A_1247 = arith.mulf %mul3A_1246, %get3A_1245 : vector<16xf32>
      %add3A_1248 = arith.addf %broadcast_in_dim3A_1226, %mul3A_1247 : vector<16xf32>
      %get3A_1249 = arith.constant 32 : i32
      %get3A_1250 = arith.index_cast %get3A_1249 : i32 to index
      %get3A_1251 = arith.constant 32 : index
      %get3A_1252 = tpu.vector_load %arg11[%get3A_1250, %get3A_1251] {strides = array<i32>} : memref<128x64xf32, #tpu.memory_space<vmem>>, vector<1x16xf32>,
      %get3A_1253 = vector.shape_cast %get3A_1252 : vector<1x16xf32> to vector<16xf32>
      %mul3A_1254 = vector.broadcast %squeeze3A_1232 : f32 to vector<16xf32>
      %mul3A_1255 = arith.mulf %mul3A_1254, %get3A_1253 : vector<16xf32>
      %add3A_1256 = arith.addf %broadcast_in_dim3A_1228, %mul3A_1255 : vector<16xf32>
      %get3A_1257 = arith.constant 32 : i32
      %get3A_1258 = arith.index_cast %get3A_1257 : i32 to index
      %get3A_1259 = arith.constant 48 : index
      %get3A_1260 = tpu.vector_load %arg11[%get3A_1258, %get3A_1259] {strides = array<i32>} : memref<128x64xf32, #tpu.memory_space<vmem>>, vector<1x16xf32>,
      %get3A_1261 = vector.shape_cast %get3A_1260 : vector<1x16xf32> to vector<16xf32>
      %mul3A_1262 = vector.broadcast %squeeze3A_1232 : f32 to vector<16xf32>
      %mul3A_1263 = arith.mulf %mul3A_1262, %get3A_1261 : vector<16xf32>
      %add3A_1264 = arith.addf %broadcast_in_dim3A_1230, %mul3A_1263 : vector<16xf32>
      %slice3A_1265 = vector.extract_strided_slice %get3A_1222 {offsets = [1], sizes = [1], strides = [1]} : vector<16xf32> to vector<1xf32>
      %squeeze3A_1266 = vector.extract %slice3A_1265[0] : f32 from vector<1xf32>
      %get3A_1267 = arith.constant 33 : i32
      %get3A_1268 = arith.index_cast %get3A_1267 : i32 to index
      %get3A_1269 = arith.constant 0 : index
      %get3A_1270 = tpu.vector_load %arg11[%get3A_1268, %get3A_1269] {strides = array<i32>} : memref<128x64xf32, #tpu.memory_space<vmem>>, vector<1x16xf32>,
      %get3A_1271 = vector.shape_cast %get3A_1270 : vector<1x16xf32> to vector<16xf32>
      %mul3A_1272 = vector.broadcast %squeeze3A_1266 : f32 to vector<16xf32>
      %mul3A_1273 = arith.mulf %mul3A_1272, %get3A_1271 : vector<16xf32>
      %add3A_1274 = arith.addf %add3A_1240, %mul3A_1273 : vector<16xf32>
      %get3A_1275 = arith.constant 33 : i32
      %get3A_1276 = arith.index_cast %get3A_1275 : i32 to index
      %get3A_1277 = arith.constant 16 : index
      %get3A_1278 = tpu.vector_load %arg11[%get3A_1276, %get3A_1277] {strides = array<i32>} : memref<128x64xf32, #tpu.memory_space<vmem>>, vector<1x16xf32>,
      %get3A_1279 = vector.shape_cast %get3A_1278 : vector<1x16xf32> to vector<16xf32>
      %mul3A_1280 = vector.broadcast %squeeze3A_1266 : f32 to vector<16xf32>
      %mul3A_1281 = arith.mulf %mul3A_1280, %get3A_1279 : vector<16xf32>
      %add3A_1282 = arith.addf %add3A_1248, %mul3A_1281 : vector<16xf32>
      %get3A_1283 = arith.constant 33 : i32
      %get3A_1284 = arith.index_cast %get3A_1283 : i32 to index
      %get3A_1285 = arith.constant 32 : index
      %get3A_1286 = tpu.vector_load %arg11[%get3A_1284, %get3A_1285] {strides = array<i32>} : memref<128x64xf32, #tpu.memory_space<vmem>>, vector<1x16xf32>,
      %get3A_1287 = vector.shape_cast %get3A_1286 : vector<1x16xf32> to vector<16xf32>
      %mul3A_1288 = vector.broadcast %squeeze3A_1266 : f32 to vector<16xf32>
      %mul3A_1289 = arith.mulf %mul3A_1288, %get3A_1287 : vector<16xf32>
      %add3A_1290 = arith.addf %add3A_1256, %mul3A_1289 : vector<16xf32>
      %get3A_1291 = arith.constant 33 : i32
      %get3A_1292 = arith.index_cast %get3A_1291 : i32 to index
      %get3A_1293 = arith.constant 48 : index
      %get3A_1294 = tpu.vector_load %arg11[%get3A_1292, %get3A_1293] {strides = array<i32>} : memref<128x64xf32, #tpu.memory_space<vmem>>, vector<1x16xf32>,
      %get3A_1295 = vector.shape_cast %get3A_1294 : vector<1x16xf32> to vector<16xf32>
      %mul3A_1296 = vector.broadcast %squeeze3A_1266 : f32 to vector<16xf32>
      %mul3A_1297 = arith.mulf %mul3A_1296, %get3A_1295 : vector<16xf32>
      %add3A_1298 = arith.addf %add3A_1264, %mul3A_1297 : vector<16xf32>
      %slice3A_1299 = vector.extract_strided_slice %get3A_1222 {offsets = [2], sizes = [1], strides = [1]} : vector<16xf32> to vector<1xf32>
      %squeeze3A_1300 = vector.extract %slice3A_1299[0] : f32 from vector<1xf32>
      %get3A_1301 = arith.constant 34 : i32
      %get3A_1302 = arith.index_cast %get3A_1301 : i32 to index
      %get3A_1303 = arith.constant 0 : index
      %get3A_1304 = tpu.vector_load %arg11[%get3A_1302, %get3A_1303] {strides = array<i32>} : memref<128x64xf32, #tpu.memory_space<vmem>>, vector<1x16xf32>,
      %get3A_1305 = vector.shape_cast %get3A_1304 : vector<1x16xf32> to vector<16xf32>
      %mul3A_1306 = vector.broadcast %squeeze3A_1300 : f32 to vector<16xf32>
      %mul3A_1307 = arith.mulf %mul3A_1306, %get3A_1305 : vector<16xf32>
      %add3A_1308 = arith.addf %add3A_1274, %mul3A_1307 : vector<16xf32>
      %get3A_1309 = arith.constant 34 : i32
      %get3A_1310 = arith.index_cast %get3A_1309 : i32 to index
      %get3A_1311 = arith.constant 16 : index
      %get3A_1312 = tpu.vector_load %arg11[%get3A_1310, %get3A_1311] {strides = array<i32>} : memref<128x64xf32, #tpu.memory_space<vmem>>, vector<1x16xf32>,
      %get3A_1313 = vector.shape_cast %get3A_1312 : vector<1x16xf32> to vector<16xf32>
      %mul3A_1314 = vector.broadcast %squeeze3A_1300 : f32 to vector<16xf32>
      %mul3A_1315 = arith.mulf %mul3A_1314, %get3A_1313 : vector<16xf32>
      %add3A_1316 = arith.addf %add3A_1282, %mul3A_1315 : vector<16xf32>
      %get3A_1317 = arith.constant 34 : i32
      %get3A_1318 = arith.index_cast %get3A_1317 : i32 to index
      %get3A_1319 = arith.constant 32 : index
      %get3A_1320 = tpu.vector_load %arg11[%get3A_1318, %get3A_1319] {strides = array<i32>} : memref<128x64xf32, #tpu.memory_space<vmem>>, vector<1x16xf32>,
      %get3A_1321 = vector.shape_cast %get3A_1320 : vector<1x16xf32> to vector<16xf32>
      %mul3A_1322 = vector.broadcast %squeeze3A_1300 : f32 to vector<16xf32>
      %mul3A_1323 = arith.mulf %mul3A_1322, %get3A_1321 : vector<16xf32>
      %add3A_1324 = arith.addf %add3A_1290, %mul3A_1323 : vector<16xf32>
      %get3A_1325 = arith.constant 34 : i32
      %get3A_1326 = arith.index_cast %get3A_1325 : i32 to index
      %get3A_1327 = arith.constant 48 : index
      %get3A_1328 = tpu.vector_load %arg11[%get3A_1326, %get3A_1327] {strides = array<i32>} : memref<128x64xf32, #tpu.memory_space<vmem>>, vector<1x16xf32>,
      %get3A_1329 = vector.shape_cast %get3A_1328 : vector<1x16xf32> to vector<16xf32>
      %mul3A_1330 = vector.broadcast %squeeze3A_1300 : f32 to vector<16xf32>
      %mul3A_1331 = arith.mulf %mul3A_1330, %get3A_1329 : vector<16xf32>
      %add3A_1332 = arith.addf %add3A_1298, %mul3A_1331 : vector<16xf32>
      %slice3A_1333 = vector.extract_strided_slice %get3A_1222 {offsets = [3], sizes = [1], strides = [1]} : vector<16xf32> to vector<1xf32>
      %squeeze3A_1334 = vector.extract %slice3A_1333[0] : f32 from vector<1xf32>
      %get3A_1335 = arith.constant 35 : i32
      %get3A_1336 = arith.index_cast %get3A_1335 : i32 to index
      %get3A_1337 = arith.constant 0 : index
      %get3A_1338 = tpu.vector_load %arg11[%get3A_1336, %get3A_1337] {strides = array<i32>} : memref<128x64xf32, #tpu.memory_space<vmem>>, vector<1x16xf32>,
      %get3A_1339 = vector.shape_cast %get3A_1338 : vector<1x16xf32> to vector<16xf32>
      %mul3A_1340 = vector.broadcast %squeeze3A_1334 : f32 to vector<16xf32>
      %mul3A_1341 = arith.mulf %mul3A_1340, %get3A_1339 : vector<16xf32>
      %add3A_1342 = arith.addf %add3A_1308, %mul3A_1341 : vector<16xf32>
      %get3A_1343 = arith.constant 35 : i32
      %get3A_1344 = arith.index_cast %get3A_1343 : i32 to index
      %get3A_1345 = arith.constant 16 : index
      %get3A_1346 = tpu.vector_load %arg11[%get3A_1344, %get3A_1345] {strides = array<i32>} : memref<128x64xf32, #tpu.memory_space<vmem>>, vector<1x16xf32>,
      %get3A_1347 = vector.shape_cast %get3A_1346 : vector<1x16xf32> to vector<16xf32>
      %mul3A_1348 = vector.broadcast %squeeze3A_1334 : f32 to vector<16xf32>
      %mul3A_1349 = arith.mulf %mul3A_1348, %get3A_1347 : vector<16xf32>
      %add3A_1350 = arith.addf %add3A_1316, %mul3A_1349 : vector<16xf32>
      %get3A_1351 = arith.constant 35 : i32
      %get3A_1352 = arith.index_cast %get3A_1351 : i32 to index
      %get3A_1353 = arith.constant 32 : index
      %get3A_1354 = tpu.vector_load %arg11[%get3A_1352, %get3A_1353] {strides = array<i32>} : memref<128x64xf32, #tpu.memory_space<vmem>>, vector<1x16xf32>,
      %get3A_1355 = vector.shape_cast %get3A_1354 : vector<1x16xf32> to vector<16xf32>
      %mul3A_1356 = vector.broadcast %squeeze3A_1334 : f32 to vector<16xf32>
      %mul3A_1357 = arith.mulf %mul3A_1356, %get3A_1355 : vector<16xf32>
      %add3A_1358 = arith.addf %add3A_1324, %mul3A_1357 : vector<16xf32>
      %get3A_1359 = arith.constant 35 : i32
      %get3A_1360 = arith.index_cast %get3A_1359 : i32 to index
      %get3A_1361 = arith.constant 48 : index
      %get3A_1362 = tpu.vector_load %arg11[%get3A_1360, %get3A_1361] {strides = array<i32>} : memref<128x64xf32, #tpu.memory_space<vmem>>, vector<1x16xf32>,
      %get3A_1363 = vector.shape_cast %get3A_1362 : vector<1x16xf32> to vector<16xf32>
      %mul3A_1364 = vector.broadcast %squeeze3A_1334 : f32 to vector<16xf32>
      %mul3A_1365 = arith.mulf %mul3A_1364, %get3A_1363 : vector<16xf32>
      %add3A_1366 = arith.addf %add3A_1332, %mul3A_1365 : vector<16xf32>
      %slice3A_1367 = vector.extract_strided_slice %get3A_1222 {offsets = [4], sizes = [1], strides = [1]} : vector<16xf32> to vector<1xf32>
      %squeeze3A_1368 = vector.extract %slice3A_1367[0] : f32 from vector<1xf32>
      %get3A_1369 = arith.constant 36 : i32
      %get3A_1370 = arith.index_cast %get3A_1369 : i32 to index
      %get3A_1371 = arith.constant 0 : index
      %get3A_1372 = tpu.vector_load %arg11[%get3A_1370, %get3A_1371] {strides = array<i32>} : memref<128x64xf32, #tpu.memory_space<vmem>>, vector<1x16xf32>,
      %get3A_1373 = vector.shape_cast %get3A_1372 : vector<1x16xf32> to vector<16xf32>
      %mul3A_1374 = vector.broadcast %squeeze3A_1368 : f32 to vector<16xf32>
      %mul3A_1375 = arith.mulf %mul3A_1374, %get3A_1373 : vector<16xf32>
      %add3A_1376 = arith.addf %add3A_1342, %mul3A_1375 : vector<16xf32>
      %get3A_1377 = arith.constant 36 : i32
      %get3A_1378 = arith.index_cast %get3A_1377 : i32 to index
      %get3A_1379 = arith.constant 16 : index
      %get3A_1380 = tpu.vector_load %arg11[%get3A_1378, %get3A_1379] {strides = array<i32>} : memref<128x64xf32, #tpu.memory_space<vmem>>, vector<1x16xf32>,
      %get3A_1381 = vector.shape_cast %get3A_1380 : vector<1x16xf32> to vector<16xf32>
      %mul3A_1382 = vector.broadcast %squeeze3A_1368 : f32 to vector<16xf32>
      %mul3A_1383 = arith.mulf %mul3A_1382, %get3A_1381 : vector<16xf32>
      %add3A_1384 = arith.addf %add3A_1350, %mul3A_1383 : vector<16xf32>
      %get3A_1385 = arith.constant 36 : i32
      %get3A_1386 = arith.index_cast %get3A_1385 : i32 to index
      %get3A_1387 = arith.constant 32 : index
      %get3A_1388 = tpu.vector_load %arg11[%get3A_1386, %get3A_1387] {strides = array<i32>} : memref<128x64xf32, #tpu.memory_space<vmem>>, vector<1x16xf32>,
      %get3A_1389 = vector.shape_cast %get3A_1388 : vector<1x16xf32> to vector<16xf32>
      %mul3A_1390 = vector.broadcast %squeeze3A_1368 : f32 to vector<16xf32>
      %mul3A_1391 = arith.mulf %mul3A_1390, %get3A_1389 : vector<16xf32>
      %add3A_1392 = arith.addf %add3A_1358, %mul3A_1391 : vector<16xf32>
      %get3A_1393 = arith.constant 36 : i32
      %get3A_1394 = arith.index_cast %get3A_1393 : i32 to index
      %get3A_1395 = arith.constant 48 : index
      %get3A_1396 = tpu.vector_load %arg11[%get3A_1394, %get3A_1395] {strides = array<i32>} : memref<128x64xf32, #tpu.memory_space<vmem>>, vector<1x16xf32>,
      %get3A_1397 = vector.shape_cast %get3A_1396 : vector<1x16xf32> to vector<16xf32>
      %mul3A_1398 = vector.broadcast %squeeze3A_1368 : f32 to vector<16xf32>
      %mul3A_1399 = arith.mulf %mul3A_1398, %get3A_1397 : vector<16xf32>
      %add3A_1400 = arith.addf %add3A_1366, %mul3A_1399 : vector<16xf32>
      %slice3A_1401 = vector.extract_strided_slice %get3A_1222 {offsets = [5], sizes = [1], strides = [1]} : vector<16xf32> to vector<1xf32>
      %squeeze3A_1402 = vector.extract %slice3A_1401[0] : f32 from vector<1xf32>
      %get3A_1403 = arith.constant 37 : i32
      %get3A_1404 = arith.index_cast %get3A_1403 : i32 to index
      %get3A_1405 = arith.constant 0 : index
      %get3A_1406 = tpu.vector_load %arg11[%get3A_1404, %get3A_1405] {strides = array<i32>} : memref<128x64xf32, #tpu.memory_space<vmem>>, vector<1x16xf32>,
      %get3A_1407 = vector.shape_cast %get3A_1406 : vector<1x16xf32> to vector<16xf32>
      %mul3A_1408 = vector.broadcast %squeeze3A_1402 : f32 to vector<16xf32>
      %mul3A_1409 = arith.mulf %mul3A_1408, %get3A_1407 : vector<16xf32>
      %add3A_1410 = arith.addf %add3A_1376, %mul3A_1409 : vector<16xf32>
      %get3A_1411 = arith.constant 37 : i32
      %get3A_1412 = arith.index_cast %get3A_1411 : i32 to index
      %get3A_1413 = arith.constant 16 : index
      %get3A_1414 = tpu.vector_load %arg11[%get3A_1412, %get3A_1413] {strides = array<i32>} : memref<128x64xf32, #tpu.memory_space<vmem>>, vector<1x16xf32>,
      %get3A_1415 = vector.shape_cast %get3A_1414 : vector<1x16xf32> to vector<16xf32>
      %mul3A_1416 = vector.broadcast %squeeze3A_1402 : f32 to vector<16xf32>
      %mul3A_1417 = arith.mulf %mul3A_1416, %get3A_1415 : vector<16xf32>
      %add3A_1418 = arith.addf %add3A_1384, %mul3A_1417 : vector<16xf32>
      %get3A_1419 = arith.constant 37 : i32
      %get3A_1420 = arith.index_cast %get3A_1419 : i32 to index
      %get3A_1421 = arith.constant 32 : index
      %get3A_1422 = tpu.vector_load %arg11[%get3A_1420, %get3A_1421] {strides = array<i32>} : memref<128x64xf32, #tpu.memory_space<vmem>>, vector<1x16xf32>,
      %get3A_1423 = vector.shape_cast %get3A_1422 : vector<1x16xf32> to vector<16xf32>
      %mul3A_1424 = vector.broadcast %squeeze3A_1402 : f32 to vector<16xf32>
      %mul3A_1425 = arith.mulf %mul3A_1424, %get3A_1423 : vector<16xf32>
      %add3A_1426 = arith.addf %add3A_1392, %mul3A_1425 : vector<16xf32>
      %get3A_1427 = arith.constant 37 : i32
      %get3A_1428 = arith.index_cast %get3A_1427 : i32 to index
      %get3A_1429 = arith.constant 48 : index
      %get3A_1430 = tpu.vector_load %arg11[%get3A_1428, %get3A_1429] {strides = array<i32>} : memref<128x64xf32, #tpu.memory_space<vmem>>, vector<1x16xf32>,
      %get3A_1431 = vector.shape_cast %get3A_1430 : vector<1x16xf32> to vector<16xf32>
      %mul3A_1432 = vector.broadcast %squeeze3A_1402 : f32 to vector<16xf32>
      %mul3A_1433 = arith.mulf %mul3A_1432, %get3A_1431 : vector<16xf32>
      %add3A_1434 = arith.addf %add3A_1400, %mul3A_1433 : vector<16xf32>
      %slice3A_1435 = vector.extract_strided_slice %get3A_1222 {offsets = [6], sizes = [1], strides = [1]} : vector<16xf32> to vector<1xf32>
      %squeeze3A_1436 = vector.extract %slice3A_1435[0] : f32 from vector<1xf32>
      %get3A_1437 = arith.constant 38 : i32
      %get3A_1438 = arith.index_cast %get3A_1437 : i32 to index
      %get3A_1439 = arith.constant 0 : index
      %get3A_1440 = tpu.vector_load %arg11[%get3A_1438, %get3A_1439] {strides = array<i32>} : memref<128x64xf32, #tpu.memory_space<vmem>>, vector<1x16xf32>,
      %get3A_1441 = vector.shape_cast %get3A_1440 : vector<1x16xf32> to vector<16xf32>
      %mul3A_1442 = vector.broadcast %squeeze3A_1436 : f32 to vector<16xf32>
      %mul3A_1443 = arith.mulf %mul3A_1442, %get3A_1441 : vector<16xf32>
      %add3A_1444 = arith.addf %add3A_1410, %mul3A_1443 : vector<16xf32>
      %get3A_1445 = arith.constant 38 : i32
      %get3A_1446 = arith.index_cast %get3A_1445 : i32 to index
      %get3A_1447 = arith.constant 16 : index
      %get3A_1448 = tpu.vector_load %arg11[%get3A_1446, %get3A_1447] {strides = array<i32>} : memref<128x64xf32, #tpu.memory_space<vmem>>, vector<1x16xf32>,
      %get3A_1449 = vector.shape_cast %get3A_1448 : vector<1x16xf32> to vector<16xf32>
      %mul3A_1450 = vector.broadcast %squeeze3A_1436 : f32 to vector<16xf32>
      %mul3A_1451 = arith.mulf %mul3A_1450, %get3A_1449 : vector<16xf32>
      %add3A_1452 = arith.addf %add3A_1418, %mul3A_1451 : vector<16xf32>
      %get3A_1453 = arith.constant 38 : i32
      %get3A_1454 = arith.index_cast %get3A_1453 : i32 to index
      %get3A_1455 = arith.constant 32 : index
      %get3A_1456 = tpu.vector_load %arg11[%get3A_1454, %get3A_1455] {strides = array<i32>} : memref<128x64xf32, #tpu.memory_space<vmem>>, vector<1x16xf32>,
      %get3A_1457 = vector.shape_cast %get3A_1456 : vector<1x16xf32> to vector<16xf32>
      %mul3A_1458 = vector.broadcast %squeeze3A_1436 : f32 to vector<16xf32>
      %mul3A_1459 = arith.mulf %mul3A_1458, %get3A_1457 : vector<16xf32>
      %add3A_1460 = arith.addf %add3A_1426, %mul3A_1459 : vector<16xf32>
      %get3A_1461 = arith.constant 38 : i32
      %get3A_1462 = arith.index_cast %get3A_1461 : i32 to index
      %get3A_1463 = arith.constant 48 : index
      %get3A_1464 = tpu.vector_load %arg11[%get3A_1462, %get3A_1463] {strides = array<i32>} : memref<128x64xf32, #tpu.memory_space<vmem>>, vector<1x16xf32>,
      %get3A_1465 = vector.shape_cast %get3A_1464 : vector<1x16xf32> to vector<16xf32>
      %mul3A_1466 = vector.broadcast %squeeze3A_1436 : f32 to vector<16xf32>
      %mul3A_1467 = arith.mulf %mul3A_1466, %get3A_1465 : vector<16xf32>
      %add3A_1468 = arith.addf %add3A_1434, %mul3A_1467 : vector<16xf32>
      %slice3A_1469 = vector.extract_strided_slice %get3A_1222 {offsets = [7], sizes = [1], strides = [1]} : vector<16xf32> to vector<1xf32>
      %squeeze3A_1470 = vector.extract %slice3A_1469[0] : f32 from vector<1xf32>
      %get3A_1471 = arith.constant 39 : i32
      %get3A_1472 = arith.index_cast %get3A_1471 : i32 to index
      %get3A_1473 = arith.constant 0 : index
      %get3A_1474 = tpu.vector_load %arg11[%get3A_1472, %get3A_1473] {strides = array<i32>} : memref<128x64xf32, #tpu.memory_space<vmem>>, vector<1x16xf32>,
      %get3A_1475 = vector.shape_cast %get3A_1474 : vector<1x16xf32> to vector<16xf32>
      %mul3A_1476 = vector.broadcast %squeeze3A_1470 : f32 to vector<16xf32>
      %mul3A_1477 = arith.mulf %mul3A_1476, %get3A_1475 : vector<16xf32>
      %add3A_1478 = arith.addf %add3A_1444, %mul3A_1477 : vector<16xf32>
      %get3A_1479 = arith.constant 39 : i32
      %get3A_1480 = arith.index_cast %get3A_1479 : i32 to index
      %get3A_1481 = arith.constant 16 : index
      %get3A_1482 = tpu.vector_load %arg11[%get3A_1480, %get3A_1481] {strides = array<i32>} : memref<128x64xf32, #tpu.memory_space<vmem>>, vector<1x16xf32>,
      %get3A_1483 = vector.shape_cast %get3A_1482 : vector<1x16xf32> to vector<16xf32>
      %mul3A_1484 = vector.broadcast %squeeze3A_1470 : f32 to vector<16xf32>
      %mul3A_1485 = arith.mulf %mul3A_1484, %get3A_1483 : vector<16xf32>
      %add3A_1486 = arith.addf %add3A_1452, %mul3A_1485 : vector<16xf32>
      %get3A_1487 = arith.constant 39 : i32
      %get3A_1488 = arith.index_cast %get3A_1487 : i32 to index
      %get3A_1489 = arith.constant 32 : index
      %get3A_1490 = tpu.vector_load %arg11[%get3A_1488, %get3A_1489] {strides = array<i32>} : memref<128x64xf32, #tpu.memory_space<vmem>>, vector<1x16xf32>,
      %get3A_1491 = vector.shape_cast %get3A_1490 : vector<1x16xf32> to vector<16xf32>
      %mul3A_1492 = vector.broadcast %squeeze3A_1470 : f32 to vector<16xf32>
      %mul3A_1493 = arith.mulf %mul3A_1492, %get3A_1491 : vector<16xf32>
      %add3A_1494 = arith.addf %add3A_1460, %mul3A_1493 : vector<16xf32>
      %get3A_1495 = arith.constant 39 : i32
      %get3A_1496 = arith.index_cast %get3A_1495 : i32 to index
      %get3A_1497 = arith.constant 48 : index
      %get3A_1498 = tpu.vector_load %arg11[%get3A_1496, %get3A_1497] {strides = array<i32>} : memref<128x64xf32, #tpu.memory_space<vmem>>, vector<1x16xf32>,
      %get3A_1499 = vector.shape_cast %get3A_1498 : vector<1x16xf32> to vector<16xf32>
      %mul3A_1500 = vector.broadcast %squeeze3A_1470 : f32 to vector<16xf32>
      %mul3A_1501 = arith.mulf %mul3A_1500, %get3A_1499 : vector<16xf32>
      %add3A_1502 = arith.addf %add3A_1468, %mul3A_1501 : vector<16xf32>
      %slice3A_1503 = vector.extract_strided_slice %get3A_1222 {offsets = [8], sizes = [1], strides = [1]} : vector<16xf32> to vector<1xf32>
      %squeeze3A_1504 = vector.extract %slice3A_1503[0] : f32 from vector<1xf32>
      %get3A_1505 = arith.constant 40 : i32
      %get3A_1506 = arith.index_cast %get3A_1505 : i32 to index
      %get3A_1507 = arith.constant 0 : index
      %get3A_1508 = tpu.vector_load %arg11[%get3A_1506, %get3A_1507] {strides = array<i32>} : memref<128x64xf32, #tpu.memory_space<vmem>>, vector<1x16xf32>,
      %get3A_1509 = vector.shape_cast %get3A_1508 : vector<1x16xf32> to vector<16xf32>
      %mul3A_1510 = vector.broadcast %squeeze3A_1504 : f32 to vector<16xf32>
      %mul3A_1511 = arith.mulf %mul3A_1510, %get3A_1509 : vector<16xf32>
      %add3A_1512 = arith.addf %add3A_1478, %mul3A_1511 : vector<16xf32>
      %get3A_1513 = arith.constant 40 : i32
      %get3A_1514 = arith.index_cast %get3A_1513 : i32 to index
      %get3A_1515 = arith.constant 16 : index
      %get3A_1516 = tpu.vector_load %arg11[%get3A_1514, %get3A_1515] {strides = array<i32>} : memref<128x64xf32, #tpu.memory_space<vmem>>, vector<1x16xf32>,
      %get3A_1517 = vector.shape_cast %get3A_1516 : vector<1x16xf32> to vector<16xf32>
      %mul3A_1518 = vector.broadcast %squeeze3A_1504 : f32 to vector<16xf32>
      %mul3A_1519 = arith.mulf %mul3A_1518, %get3A_1517 : vector<16xf32>
      %add3A_1520 = arith.addf %add3A_1486, %mul3A_1519 : vector<16xf32>
      %get3A_1521 = arith.constant 40 : i32
      %get3A_1522 = arith.index_cast %get3A_1521 : i32 to index
      %get3A_1523 = arith.constant 32 : index
      %get3A_1524 = tpu.vector_load %arg11[%get3A_1522, %get3A_1523] {strides = array<i32>} : memref<128x64xf32, #tpu.memory_space<vmem>>, vector<1x16xf32>,
      %get3A_1525 = vector.shape_cast %get3A_1524 : vector<1x16xf32> to vector<16xf32>
      %mul3A_1526 = vector.broadcast %squeeze3A_1504 : f32 to vector<16xf32>
      %mul3A_1527 = arith.mulf %mul3A_1526, %get3A_1525 : vector<16xf32>
      %add3A_1528 = arith.addf %add3A_1494, %mul3A_1527 : vector<16xf32>
      %get3A_1529 = arith.constant 40 : i32
      %get3A_1530 = arith.index_cast %get3A_1529 : i32 to index
      %get3A_1531 = arith.constant 48 : index
      %get3A_1532 = tpu.vector_load %arg11[%get3A_1530, %get3A_1531] {strides = array<i32>} : memref<128x64xf32, #tpu.memory_space<vmem>>, vector<1x16xf32>,
      %get3A_1533 = vector.shape_cast %get3A_1532 : vector<1x16xf32> to vector<16xf32>
      %mul3A_1534 = vector.broadcast %squeeze3A_1504 : f32 to vector<16xf32>
      %mul3A_1535 = arith.mulf %mul3A_1534, %get3A_1533 : vector<16xf32>
      %add3A_1536 = arith.addf %add3A_1502, %mul3A_1535 : vector<16xf32>
      %slice3A_1537 = vector.extract_strided_slice %get3A_1222 {offsets = [9], sizes = [1], strides = [1]} : vector<16xf32> to vector<1xf32>
      %squeeze3A_1538 = vector.extract %slice3A_1537[0] : f32 from vector<1xf32>
      %get3A_1539 = arith.constant 41 : i32
      %get3A_1540 = arith.index_cast %get3A_1539 : i32 to index
      %get3A_1541 = arith.constant 0 : index
      %get3A_1542 = tpu.vector_load %arg11[%get3A_1540, %get3A_1541] {strides = array<i32>} : memref<128x64xf32, #tpu.memory_space<vmem>>, vector<1x16xf32>,
      %get3A_1543 = vector.shape_cast %get3A_1542 : vector<1x16xf32> to vector<16xf32>
      %mul3A_1544 = vector.broadcast %squeeze3A_1538 : f32 to vector<16xf32>
      %mul3A_1545 = arith.mulf %mul3A_1544, %get3A_1543 : vector<16xf32>
      %add3A_1546 = arith.addf %add3A_1512, %mul3A_1545 : vector<16xf32>
      %get3A_1547 = arith.constant 41 : i32
      %get3A_1548 = arith.index_cast %get3A_1547 : i32 to index
      %get3A_1549 = arith.constant 16 : index
      %get3A_1550 = tpu.vector_load %arg11[%get3A_1548, %get3A_1549] {strides = array<i32>} : memref<128x64xf32, #tpu.memory_space<vmem>>, vector<1x16xf32>,
      %get3A_1551 = vector.shape_cast %get3A_1550 : vector<1x16xf32> to vector<16xf32>
      %mul3A_1552 = vector.broadcast %squeeze3A_1538 : f32 to vector<16xf32>
      %mul3A_1553 = arith.mulf %mul3A_1552, %get3A_1551 : vector<16xf32>
      %add3A_1554 = arith.addf %add3A_1520, %mul3A_1553 : vector<16xf32>
      %get3A_1555 = arith.constant 41 : i32
      %get3A_1556 = arith.index_cast %get3A_1555 : i32 to index
      %get3A_1557 = arith.constant 32 : index
      %get3A_1558 = tpu.vector_load %arg11[%get3A_1556, %get3A_1557] {strides = array<i32>} : memref<128x64xf32, #tpu.memory_space<vmem>>, vector<1x16xf32>,
      %get3A_1559 = vector.shape_cast %get3A_1558 : vector<1x16xf32> to vector<16xf32>
      %mul3A_1560 = vector.broadcast %squeeze3A_1538 : f32 to vector<16xf32>
      %mul3A_1561 = arith.mulf %mul3A_1560, %get3A_1559 : vector<16xf32>
      %add3A_1562 = arith.addf %add3A_1528, %mul3A_1561 : vector<16xf32>
      %get3A_1563 = arith.constant 41 : i32
      %get3A_1564 = arith.index_cast %get3A_1563 : i32 to index
      %get3A_1565 = arith.constant 48 : index
      %get3A_1566 = tpu.vector_load %arg11[%get3A_1564, %get3A_1565] {strides = array<i32>} : memref<128x64xf32, #tpu.memory_space<vmem>>, vector<1x16xf32>,
      %get3A_1567 = vector.shape_cast %get3A_1566 : vector<1x16xf32> to vector<16xf32>
      %mul3A_1568 = vector.broadcast %squeeze3A_1538 : f32 to vector<16xf32>
      %mul3A_1569 = arith.mulf %mul3A_1568, %get3A_1567 : vector<16xf32>
      %add3A_1570 = arith.addf %add3A_1536, %mul3A_1569 : vector<16xf32>
      %slice3A_1571 = vector.extract_strided_slice %get3A_1222 {offsets = [10], sizes = [1], strides = [1]} : vector<16xf32> to vector<1xf32>
      %squeeze3A_1572 = vector.extract %slice3A_1571[0] : f32 from vector<1xf32>
      %get3A_1573 = arith.constant 42 : i32
      %get3A_1574 = arith.index_cast %get3A_1573 : i32 to index
      %get3A_1575 = arith.constant 0 : index
      %get3A_1576 = tpu.vector_load %arg11[%get3A_1574, %get3A_1575] {strides = array<i32>} : memref<128x64xf32, #tpu.memory_space<vmem>>, vector<1x16xf32>,
      %get3A_1577 = vector.shape_cast %get3A_1576 : vector<1x16xf32> to vector<16xf32>
      %mul3A_1578 = vector.broadcast %squeeze3A_1572 : f32 to vector<16xf32>
      %mul3A_1579 = arith.mulf %mul3A_1578, %get3A_1577 : vector<16xf32>
      %add3A_1580 = arith.addf %add3A_1546, %mul3A_1579 : vector<16xf32>
      %get3A_1581 = arith.constant 42 : i32
      %get3A_1582 = arith.index_cast %get3A_1581 : i32 to index
      %get3A_1583 = arith.constant 16 : index
      %get3A_1584 = tpu.vector_load %arg11[%get3A_1582, %get3A_1583] {strides = array<i32>} : memref<128x64xf32, #tpu.memory_space<vmem>>, vector<1x16xf32>,
      %get3A_1585 = vector.shape_cast %get3A_1584 : vector<1x16xf32> to vector<16xf32>
      %mul3A_1586 = vector.broadcast %squeeze3A_1572 : f32 to vector<16xf32>
      %mul3A_1587 = arith.mulf %mul3A_1586, %get3A_1585 : vector<16xf32>
      %add3A_1588 = arith.addf %add3A_1554, %mul3A_1587 : vector<16xf32>
      %get3A_1589 = arith.constant 42 : i32
      %get3A_1590 = arith.index_cast %get3A_1589 : i32 to index
      %get3A_1591 = arith.constant 32 : index
      %get3A_1592 = tpu.vector_load %arg11[%get3A_1590, %get3A_1591] {strides = array<i32>} : memref<128x64xf32, #tpu.memory_space<vmem>>, vector<1x16xf32>,
      %get3A_1593 = vector.shape_cast %get3A_1592 : vector<1x16xf32> to vector<16xf32>
      %mul3A_1594 = vector.broadcast %squeeze3A_1572 : f32 to vector<16xf32>
      %mul3A_1595 = arith.mulf %mul3A_1594, %get3A_1593 : vector<16xf32>
      %add3A_1596 = arith.addf %add3A_1562, %mul3A_1595 : vector<16xf32>
      %get3A_1597 = arith.constant 42 : i32
      %get3A_1598 = arith.index_cast %get3A_1597 : i32 to index
      %get3A_1599 = arith.constant 48 : index
      %get3A_1600 = tpu.vector_load %arg11[%get3A_1598, %get3A_1599] {strides = array<i32>} : memref<128x64xf32, #tpu.memory_space<vmem>>, vector<1x16xf32>,
      %get3A_1601 = vector.shape_cast %get3A_1600 : vector<1x16xf32> to vector<16xf32>
      %mul3A_1602 = vector.broadcast %squeeze3A_1572 : f32 to vector<16xf32>
      %mul3A_1603 = arith.mulf %mul3A_1602, %get3A_1601 : vector<16xf32>
      %add3A_1604 = arith.addf %add3A_1570, %mul3A_1603 : vector<16xf32>
      %slice3A_1605 = vector.extract_strided_slice %get3A_1222 {offsets = [11], sizes = [1], strides = [1]} : vector<16xf32> to vector<1xf32>
      %squeeze3A_1606 = vector.extract %slice3A_1605[0] : f32 from vector<1xf32>
      %get3A_1607 = arith.constant 43 : i32
      %get3A_1608 = arith.index_cast %get3A_1607 : i32 to index
      %get3A_1609 = arith.constant 0 : index
      %get3A_1610 = tpu.vector_load %arg11[%get3A_1608, %get3A_1609] {strides = array<i32>} : memref<128x64xf32, #tpu.memory_space<vmem>>, vector<1x16xf32>,
      %get3A_1611 = vector.shape_cast %get3A_1610 : vector<1x16xf32> to vector<16xf32>
      %mul3A_1612 = vector.broadcast %squeeze3A_1606 : f32 to vector<16xf32>
      %mul3A_1613 = arith.mulf %mul3A_1612, %get3A_1611 : vector<16xf32>
      %add3A_1614 = arith.addf %add3A_1580, %mul3A_1613 : vector<16xf32>
      %get3A_1615 = arith.constant 43 : i32
      %get3A_1616 = arith.index_cast %get3A_1615 : i32 to index
      %get3A_1617 = arith.constant 16 : index
      %get3A_1618 = tpu.vector_load %arg11[%get3A_1616, %get3A_1617] {strides = array<i32>} : memref<128x64xf32, #tpu.memory_space<vmem>>, vector<1x16xf32>,
      %get3A_1619 = vector.shape_cast %get3A_1618 : vector<1x16xf32> to vector<16xf32>
      %mul3A_1620 = vector.broadcast %squeeze3A_1606 : f32 to vector<16xf32>
      %mul3A_1621 = arith.mulf %mul3A_1620, %get3A_1619 : vector<16xf32>
      %add3A_1622 = arith.addf %add3A_1588, %mul3A_1621 : vector<16xf32>
      %get3A_1623 = arith.constant 43 : i32
      %get3A_1624 = arith.index_cast %get3A_1623 : i32 to index
      %get3A_1625 = arith.constant 32 : index
      %get3A_1626 = tpu.vector_load %arg11[%get3A_1624, %get3A_1625] {strides = array<i32>} : memref<128x64xf32, #tpu.memory_space<vmem>>, vector<1x16xf32>,
      %get3A_1627 = vector.shape_cast %get3A_1626 : vector<1x16xf32> to vector<16xf32>
      %mul3A_1628 = vector.broadcast %squeeze3A_1606 : f32 to vector<16xf32>
      %mul3A_1629 = arith.mulf %mul3A_1628, %get3A_1627 : vector<16xf32>
      %add3A_1630 = arith.addf %add3A_1596, %mul3A_1629 : vector<16xf32>
      %get3A_1631 = arith.constant 43 : i32
      %get3A_1632 = arith.index_cast %get3A_1631 : i32 to index
      %get3A_1633 = arith.constant 48 : index
      %get3A_1634 = tpu.vector_load %arg11[%get3A_1632, %get3A_1633] {strides = array<i32>} : memref<128x64xf32, #tpu.memory_space<vmem>>, vector<1x16xf32>,
      %get3A_1635 = vector.shape_cast %get3A_1634 : vector<1x16xf32> to vector<16xf32>
      %mul3A_1636 = vector.broadcast %squeeze3A_1606 : f32 to vector<16xf32>
      %mul3A_1637 = arith.mulf %mul3A_1636, %get3A_1635 : vector<16xf32>
      %add3A_1638 = arith.addf %add3A_1604, %mul3A_1637 : vector<16xf32>
      %slice3A_1639 = vector.extract_strided_slice %get3A_1222 {offsets = [12], sizes = [1], strides = [1]} : vector<16xf32> to vector<1xf32>
      %squeeze3A_1640 = vector.extract %slice3A_1639[0] : f32 from vector<1xf32>
      %get3A_1641 = arith.constant 44 : i32
      %get3A_1642 = arith.index_cast %get3A_1641 : i32 to index
      %get3A_1643 = arith.constant 0 : index
      %get3A_1644 = tpu.vector_load %arg11[%get3A_1642, %get3A_1643] {strides = array<i32>} : memref<128x64xf32, #tpu.memory_space<vmem>>, vector<1x16xf32>,
      %get3A_1645 = vector.shape_cast %get3A_1644 : vector<1x16xf32> to vector<16xf32>
      %mul3A_1646 = vector.broadcast %squeeze3A_1640 : f32 to vector<16xf32>
      %mul3A_1647 = arith.mulf %mul3A_1646, %get3A_1645 : vector<16xf32>
      %add3A_1648 = arith.addf %add3A_1614, %mul3A_1647 : vector<16xf32>
      %get3A_1649 = arith.constant 44 : i32
      %get3A_1650 = arith.index_cast %get3A_1649 : i32 to index
      %get3A_1651 = arith.constant 16 : index
      %get3A_1652 = tpu.vector_load %arg11[%get3A_1650, %get3A_1651] {strides = array<i32>} : memref<128x64xf32, #tpu.memory_space<vmem>>, vector<1x16xf32>,
      %get3A_1653 = vector.shape_cast %get3A_1652 : vector<1x16xf32> to vector<16xf32>
      %mul3A_1654 = vector.broadcast %squeeze3A_1640 : f32 to vector<16xf32>
      %mul3A_1655 = arith.mulf %mul3A_1654, %get3A_1653 : vector<16xf32>
      %add3A_1656 = arith.addf %add3A_1622, %mul3A_1655 : vector<16xf32>
      %get3A_1657 = arith.constant 44 : i32
      %get3A_1658 = arith.index_cast %get3A_1657 : i32 to index
      %get3A_1659 = arith.constant 32 : index
      %get3A_1660 = tpu.vector_load %arg11[%get3A_1658, %get3A_1659] {strides = array<i32>} : memref<128x64xf32, #tpu.memory_space<vmem>>, vector<1x16xf32>,
      %get3A_1661 = vector.shape_cast %get3A_1660 : vector<1x16xf32> to vector<16xf32>
      %mul3A_1662 = vector.broadcast %squeeze3A_1640 : f32 to vector<16xf32>
      %mul3A_1663 = arith.mulf %mul3A_1662, %get3A_1661 : vector<16xf32>
      %add3A_1664 = arith.addf %add3A_1630, %mul3A_1663 : vector<16xf32>
      %get3A_1665 = arith.constant 44 : i32
      %get3A_1666 = arith.index_cast %get3A_1665 : i32 to index
      %get3A_1667 = arith.constant 48 : index
      %get3A_1668 = tpu.vector_load %arg11[%get3A_1666, %get3A_1667] {strides = array<i32>} : memref<128x64xf32, #tpu.memory_space<vmem>>, vector<1x16xf32>,
      %get3A_1669 = vector.shape_cast %get3A_1668 : vector<1x16xf32> to vector<16xf32>
      %mul3A_1670 = vector.broadcast %squeeze3A_1640 : f32 to vector<16xf32>
      %mul3A_1671 = arith.mulf %mul3A_1670, %get3A_1669 : vector<16xf32>
      %add3A_1672 = arith.addf %add3A_1638, %mul3A_1671 : vector<16xf32>
      %slice3A_1673 = vector.extract_strided_slice %get3A_1222 {offsets = [13], sizes = [1], strides = [1]} : vector<16xf32> to vector<1xf32>
      %squeeze3A_1674 = vector.extract %slice3A_1673[0] : f32 from vector<1xf32>
      %get3A_1675 = arith.constant 45 : i32
      %get3A_1676 = arith.index_cast %get3A_1675 : i32 to index
      %get3A_1677 = arith.constant 0 : index
      %get3A_1678 = tpu.vector_load %arg11[%get3A_1676, %get3A_1677] {strides = array<i32>} : memref<128x64xf32, #tpu.memory_space<vmem>>, vector<1x16xf32>,
      %get3A_1679 = vector.shape_cast %get3A_1678 : vector<1x16xf32> to vector<16xf32>
      %mul3A_1680 = vector.broadcast %squeeze3A_1674 : f32 to vector<16xf32>
      %mul3A_1681 = arith.mulf %mul3A_1680, %get3A_1679 : vector<16xf32>
      %add3A_1682 = arith.addf %add3A_1648, %mul3A_1681 : vector<16xf32>
      %get3A_1683 = arith.constant 45 : i32
      %get3A_1684 = arith.index_cast %get3A_1683 : i32 to index
      %get3A_1685 = arith.constant 16 : index
      %get3A_1686 = tpu.vector_load %arg11[%get3A_1684, %get3A_1685] {strides = array<i32>} : memref<128x64xf32, #tpu.memory_space<vmem>>, vector<1x16xf32>,
      %get3A_1687 = vector.shape_cast %get3A_1686 : vector<1x16xf32> to vector<16xf32>
      %mul3A_1688 = vector.broadcast %squeeze3A_1674 : f32 to vector<16xf32>
      %mul3A_1689 = arith.mulf %mul3A_1688, %get3A_1687 : vector<16xf32>
      %add3A_1690 = arith.addf %add3A_1656, %mul3A_1689 : vector<16xf32>
      %get3A_1691 = arith.constant 45 : i32
      %get3A_1692 = arith.index_cast %get3A_1691 : i32 to index
      %get3A_1693 = arith.constant 32 : index
      %get3A_1694 = tpu.vector_load %arg11[%get3A_1692, %get3A_1693] {strides = array<i32>} : memref<128x64xf32, #tpu.memory_space<vmem>>, vector<1x16xf32>,
      %get3A_1695 = vector.shape_cast %get3A_1694 : vector<1x16xf32> to vector<16xf32>
      %mul3A_1696 = vector.broadcast %squeeze3A_1674 : f32 to vector<16xf32>
      %mul3A_1697 = arith.mulf %mul3A_1696, %get3A_1695 : vector<16xf32>
      %add3A_1698 = arith.addf %add3A_1664, %mul3A_1697 : vector<16xf32>
      %get3A_1699 = arith.constant 45 : i32
      %get3A_1700 = arith.index_cast %get3A_1699 : i32 to index
      %get3A_1701 = arith.constant 48 : index
      %get3A_1702 = tpu.vector_load %arg11[%get3A_1700, %get3A_1701] {strides = array<i32>} : memref<128x64xf32, #tpu.memory_space<vmem>>, vector<1x16xf32>,
      %get3A_1703 = vector.shape_cast %get3A_1702 : vector<1x16xf32> to vector<16xf32>
      %mul3A_1704 = vector.broadcast %squeeze3A_1674 : f32 to vector<16xf32>
      %mul3A_1705 = arith.mulf %mul3A_1704, %get3A_1703 : vector<16xf32>
      %add3A_1706 = arith.addf %add3A_1672, %mul3A_1705 : vector<16xf32>
      %slice3A_1707 = vector.extract_strided_slice %get3A_1222 {offsets = [14], sizes = [1], strides = [1]} : vector<16xf32> to vector<1xf32>
      %squeeze3A_1708 = vector.extract %slice3A_1707[0] : f32 from vector<1xf32>
      %get3A_1709 = arith.constant 46 : i32
      %get3A_1710 = arith.index_cast %get3A_1709 : i32 to index
      %get3A_1711 = arith.constant 0 : index
      %get3A_1712 = tpu.vector_load %arg11[%get3A_1710, %get3A_1711] {strides = array<i32>} : memref<128x64xf32, #tpu.memory_space<vmem>>, vector<1x16xf32>,
      %get3A_1713 = vector.shape_cast %get3A_1712 : vector<1x16xf32> to vector<16xf32>
      %mul3A_1714 = vector.broadcast %squeeze3A_1708 : f32 to vector<16xf32>
      %mul3A_1715 = arith.mulf %mul3A_1714, %get3A_1713 : vector<16xf32>
      %add3A_1716 = arith.addf %add3A_1682, %mul3A_1715 : vector<16xf32>
      %get3A_1717 = arith.constant 46 : i32
      %get3A_1718 = arith.index_cast %get3A_1717 : i32 to index
      %get3A_1719 = arith.constant 16 : index
      %get3A_1720 = tpu.vector_load %arg11[%get3A_1718, %get3A_1719] {strides = array<i32>} : memref<128x64xf32, #tpu.memory_space<vmem>>, vector<1x16xf32>,
      %get3A_1721 = vector.shape_cast %get3A_1720 : vector<1x16xf32> to vector<16xf32>
      %mul3A_1722 = vector.broadcast %squeeze3A_1708 : f32 to vector<16xf32>
      %mul3A_1723 = arith.mulf %mul3A_1722, %get3A_1721 : vector<16xf32>
      %add3A_1724 = arith.addf %add3A_1690, %mul3A_1723 : vector<16xf32>
      %get3A_1725 = arith.constant 46 : i32
      %get3A_1726 = arith.index_cast %get3A_1725 : i32 to index
      %get3A_1727 = arith.constant 32 : index
      %get3A_1728 = tpu.vector_load %arg11[%get3A_1726, %get3A_1727] {strides = array<i32>} : memref<128x64xf32, #tpu.memory_space<vmem>>, vector<1x16xf32>,
      %get3A_1729 = vector.shape_cast %get3A_1728 : vector<1x16xf32> to vector<16xf32>
      %mul3A_1730 = vector.broadcast %squeeze3A_1708 : f32 to vector<16xf32>
      %mul3A_1731 = arith.mulf %mul3A_1730, %get3A_1729 : vector<16xf32>
      %add3A_1732 = arith.addf %add3A_1698, %mul3A_1731 : vector<16xf32>
      %get3A_1733 = arith.constant 46 : i32
      %get3A_1734 = arith.index_cast %get3A_1733 : i32 to index
      %get3A_1735 = arith.constant 48 : index
      %get3A_1736 = tpu.vector_load %arg11[%get3A_1734, %get3A_1735] {strides = array<i32>} : memref<128x64xf32, #tpu.memory_space<vmem>>, vector<1x16xf32>,
      %get3A_1737 = vector.shape_cast %get3A_1736 : vector<1x16xf32> to vector<16xf32>
      %mul3A_1738 = vector.broadcast %squeeze3A_1708 : f32 to vector<16xf32>
      %mul3A_1739 = arith.mulf %mul3A_1738, %get3A_1737 : vector<16xf32>
      %add3A_1740 = arith.addf %add3A_1706, %mul3A_1739 : vector<16xf32>
      %slice3A_1741 = vector.extract_strided_slice %get3A_1222 {offsets = [15], sizes = [1], strides = [1]} : vector<16xf32> to vector<1xf32>
      %squeeze3A_1742 = vector.extract %slice3A_1741[0] : f32 from vector<1xf32>
      %get3A_1743 = arith.constant 47 : i32
      %get3A_1744 = arith.index_cast %get3A_1743 : i32 to index
      %get3A_1745 = arith.constant 0 : index
      %get3A_1746 = tpu.vector_load %arg11[%get3A_1744, %get3A_1745] {strides = array<i32>} : memref<128x64xf32, #tpu.memory_space<vmem>>, vector<1x16xf32>,
      %get3A_1747 = vector.shape_cast %get3A_1746 : vector<1x16xf32> to vector<16xf32>
      %mul3A_1748 = vector.broadcast %squeeze3A_1742 : f32 to vector<16xf32>
      %mul3A_1749 = arith.mulf %mul3A_1748, %get3A_1747 : vector<16xf32>
      %add3A_1750 = arith.addf %add3A_1716, %mul3A_1749 : vector<16xf32>
      %get3A_1751 = arith.constant 47 : i32
      %get3A_1752 = arith.index_cast %get3A_1751 : i32 to index
      %get3A_1753 = arith.constant 16 : index
      %get3A_1754 = tpu.vector_load %arg11[%get3A_1752, %get3A_1753] {strides = array<i32>} : memref<128x64xf32, #tpu.memory_space<vmem>>, vector<1x16xf32>,
      %get3A_1755 = vector.shape_cast %get3A_1754 : vector<1x16xf32> to vector<16xf32>
      %mul3A_1756 = vector.broadcast %squeeze3A_1742 : f32 to vector<16xf32>
      %mul3A_1757 = arith.mulf %mul3A_1756, %get3A_1755 : vector<16xf32>
      %add3A_1758 = arith.addf %add3A_1724, %mul3A_1757 : vector<16xf32>
      %get3A_1759 = arith.constant 47 : i32
      %get3A_1760 = arith.index_cast %get3A_1759 : i32 to index
      %get3A_1761 = arith.constant 32 : index
      %get3A_1762 = tpu.vector_load %arg11[%get3A_1760, %get3A_1761] {strides = array<i32>} : memref<128x64xf32, #tpu.memory_space<vmem>>, vector<1x16xf32>,
      %get3A_1763 = vector.shape_cast %get3A_1762 : vector<1x16xf32> to vector<16xf32>
      %mul3A_1764 = vector.broadcast %squeeze3A_1742 : f32 to vector<16xf32>
      %mul3A_1765 = arith.mulf %mul3A_1764, %get3A_1763 : vector<16xf32>
      %add3A_1766 = arith.addf %add3A_1732, %mul3A_1765 : vector<16xf32>
      %get3A_1767 = arith.constant 47 : i32
      %get3A_1768 = arith.index_cast %get3A_1767 : i32 to index
      %get3A_1769 = arith.constant 48 : index
      %get3A_1770 = tpu.vector_load %arg11[%get3A_1768, %get3A_1769] {strides = array<i32>} : memref<128x64xf32, #tpu.memory_space<vmem>>, vector<1x16xf32>,
      %get3A_1771 = vector.shape_cast %get3A_1770 : vector<1x16xf32> to vector<16xf32>
      %mul3A_1772 = vector.broadcast %squeeze3A_1742 : f32 to vector<16xf32>
      %mul3A_1773 = arith.mulf %mul3A_1772, %get3A_1771 : vector<16xf32>
      %add3A_1774 = arith.addf %add3A_1740, %mul3A_1773 : vector<16xf32>
      %slice3A_1775 = vector.extract_strided_slice %select_n3A {offsets = [2], sizes = [1], strides = [1]} : vector<16xf32> to vector<1xf32>
      %squeeze3A_1776 = vector.extract %slice3A_1775[0] : f32 from vector<1xf32>
      %mul3A_1777 = vector.broadcast %squeeze3A_1776 : f32 to vector<16xf32>
      %mul3A_1778 = arith.mulf %add3A_1750, %mul3A_1777 : vector<16xf32>
      %swap3A_1779 = arith.constant 2 : i32
      %swap3A_1780 = arith.index_cast %swap3A_1779 : i32 to index
      %swap3A_1781 = arith.constant 0 : index
      %swap3A_1782 = tpu.vector_load %arg12[%swap3A_1780, %swap3A_1781] {strides = array<i32>} : memref<8x64xf32, #tpu.memory_space<vmem>>, vector<1x16xf32>,
      %swap3A_1783 = vector.shape_cast %swap3A_1782 : vector<1x16xf32> to vector<16xf32>
      %swap3A_1784 = vector.shape_cast %mul3A_1778 : vector<16xf32> to vector<1x16xf32>
      tpu.vector_store %arg12[%swap3A_1780, %swap3A_1781], %swap3A_1784 {strides = array<i32>} : memref<8x64xf32, #tpu.memory_space<vmem>>, vector<1x16xf32>,
      %mul3A_1785 = vector.broadcast %squeeze3A_1776 : f32 to vector<16xf32>
      %mul3A_1786 = arith.mulf %add3A_1758, %mul3A_1785 : vector<16xf32>
      %swap3A_1787 = arith.constant 2 : i32
      %swap3A_1788 = arith.index_cast %swap3A_1787 : i32 to index
      %swap3A_1789 = arith.constant 16 : index
      %swap3A_1790 = tpu.vector_load %arg12[%swap3A_1788, %swap3A_1789] {strides = array<i32>} : memref<8x64xf32, #tpu.memory_space<vmem>>, vector<1x16xf32>,
      %swap3A_1791 = vector.shape_cast %swap3A_1790 : vector<1x16xf32> to vector<16xf32>
      %swap3A_1792 = vector.shape_cast %mul3A_1786 : vector<16xf32> to vector<1x16xf32>
      tpu.vector_store %arg12[%swap3A_1788, %swap3A_1789], %swap3A_1792 {strides = array<i32>} : memref<8x64xf32, #tpu.memory_space<vmem>>, vector<1x16xf32>,
      %mul3A_1793 = vector.broadcast %squeeze3A_1776 : f32 to vector<16xf32>
      %mul3A_1794 = arith.mulf %add3A_1766, %mul3A_1793 : vector<16xf32>
      %swap3A_1795 = arith.constant 2 : i32
      %swap3A_1796 = arith.index_cast %swap3A_1795 : i32 to index
      %swap3A_1797 = arith.constant 32 : index
      %swap3A_1798 = tpu.vector_load %arg12[%swap3A_1796, %swap3A_1797] {strides = array<i32>} : memref<8x64xf32, #tpu.memory_space<vmem>>, vector<1x16xf32>,
      %swap3A_1799 = vector.shape_cast %swap3A_1798 : vector<1x16xf32> to vector<16xf32>
      %swap3A_1800 = vector.shape_cast %mul3A_1794 : vector<16xf32> to vector<1x16xf32>
      tpu.vector_store %arg12[%swap3A_1796, %swap3A_1797], %swap3A_1800 {strides = array<i32>} : memref<8x64xf32, #tpu.memory_space<vmem>>, vector<1x16xf32>,
      %mul3A_1801 = vector.broadcast %squeeze3A_1776 : f32 to vector<16xf32>
      %mul3A_1802 = arith.mulf %add3A_1774, %mul3A_1801 : vector<16xf32>
      %swap3A_1803 = arith.constant 2 : i32
      %swap3A_1804 = arith.index_cast %swap3A_1803 : i32 to index
      %swap3A_1805 = arith.constant 48 : index
      %swap3A_1806 = tpu.vector_load %arg12[%swap3A_1804, %swap3A_1805] {strides = array<i32>} : memref<8x64xf32, #tpu.memory_space<vmem>>, vector<1x16xf32>,
      %swap3A_1807 = vector.shape_cast %swap3A_1806 : vector<1x16xf32> to vector<16xf32>
      %swap3A_1808 = vector.shape_cast %mul3A_1802 : vector<16xf32> to vector<1x16xf32>
      tpu.vector_store %arg12[%swap3A_1804, %swap3A_1805], %swap3A_1808 {strides = array<i32>} : memref<8x64xf32, #tpu.memory_space<vmem>>, vector<1x16xf32>,
      %mul3A_1809 = arith.constant 8 : i32
      %mul3A_1810 = arith.muli %add3A_11, %mul3A_1809 : i32
      %add3A_1811 = arith.constant 3 : i32
      %add3A_1812 = arith.addi %mul3A_1810, %add3A_1811 : i32
      %get3A_1813 = arith.index_cast %add3A_1812 : i32 to index
      %get3A_1814 = arith.constant 0 : index
      %get3A_1815 = tpu.vector_load %arg9[%get3A_1813, %get3A_1814] {strides = array<i32>} : memref<512x16xf32, #tpu.memory_space<vmem>>, vector<1x16xf32>,
      %get3A_1816 = vector.shape_cast %get3A_1815 : vector<1x16xf32> to vector<16xf32>
      %broadcast_in_dim3A_1817 = arith.constant 0.000000e+00 : f32
      %broadcast_in_dim3A_1818 = vector.broadcast %broadcast_in_dim3A_1817 : f32 to vector<16xf32>
      %broadcast_in_dim3A_1819 = arith.constant 0.000000e+00 : f32
      %broadcast_in_dim3A_1820 = vector.broadcast %broadcast_in_dim3A_1819 : f32 to vector<16xf32>
      %broadcast_in_dim3A_1821 = arith.constant 0.000000e+00 : f32
      %broadcast_in_dim3A_1822 = vector.broadcast %broadcast_in_dim3A_1821 : f32 to vector<16xf32>
      %broadcast_in_dim3A_1823 = arith.constant 0.000000e+00 : f32
      %broadcast_in_dim3A_1824 = vector.broadcast %broadcast_in_dim3A_1823 : f32 to vector<16xf32>
      %slice3A_1825 = vector.extract_strided_slice %get3A_1816 {offsets = [0], sizes = [1], strides = [1]} : vector<16xf32> to vector<1xf32>
      %squeeze3A_1826 = vector.extract %slice3A_1825[0] : f32 from vector<1xf32>
      %get3A_1827 = arith.constant 48 : i32
      %get3A_1828 = arith.index_cast %get3A_1827 : i32 to index
      %get3A_1829 = arith.constant 0 : index
      %get3A_1830 = tpu.vector_load %arg11[%get3A_1828, %get3A_1829] {strides = array<i32>} : memref<128x64xf32, #tpu.memory_space<vmem>>, vector<1x16xf32>,
      %get3A_1831 = vector.shape_cast %get3A_1830 : vector<1x16xf32> to vector<16xf32>
      %mul3A_1832 = vector.broadcast %squeeze3A_1826 : f32 to vector<16xf32>
      %mul3A_1833 = arith.mulf %mul3A_1832, %get3A_1831 : vector<16xf32>
      %add3A_1834 = arith.addf %broadcast_in_dim3A_1818, %mul3A_1833 : vector<16xf32>
      %get3A_1835 = arith.constant 48 : i32
      %get3A_1836 = arith.index_cast %get3A_1835 : i32 to index
      %get3A_1837 = arith.constant 16 : index
      %get3A_1838 = tpu.vector_load %arg11[%get3A_1836, %get3A_1837] {strides = array<i32>} : memref<128x64xf32, #tpu.memory_space<vmem>>, vector<1x16xf32>,
      %get3A_1839 = vector.shape_cast %get3A_1838 : vector<1x16xf32> to vector<16xf32>
      %mul3A_1840 = vector.broadcast %squeeze3A_1826 : f32 to vector<16xf32>
      %mul3A_1841 = arith.mulf %mul3A_1840, %get3A_1839 : vector<16xf32>
      %add3A_1842 = arith.addf %broadcast_in_dim3A_1820, %mul3A_1841 : vector<16xf32>
      %get3A_1843 = arith.constant 48 : i32
      %get3A_1844 = arith.index_cast %get3A_1843 : i32 to index
      %get3A_1845 = arith.constant 32 : index
      %get3A_1846 = tpu.vector_load %arg11[%get3A_1844, %get3A_1845] {strides = array<i32>} : memref<128x64xf32, #tpu.memory_space<vmem>>, vector<1x16xf32>,
      %get3A_1847 = vector.shape_cast %get3A_1846 : vector<1x16xf32> to vector<16xf32>
      %mul3A_1848 = vector.broadcast %squeeze3A_1826 : f32 to vector<16xf32>
      %mul3A_1849 = arith.mulf %mul3A_1848, %get3A_1847 : vector<16xf32>
      %add3A_1850 = arith.addf %broadcast_in_dim3A_1822, %mul3A_1849 : vector<16xf32>
      %get3A_1851 = arith.constant 48 : i32
      %get3A_1852 = arith.index_cast %get3A_1851 : i32 to index
      %get3A_1853 = arith.constant 48 : index
      %get3A_1854 = tpu.vector_load %arg11[%get3A_1852, %get3A_1853] {strides = array<i32>} : memref<128x64xf32, #tpu.memory_space<vmem>>, vector<1x16xf32>,
      %get3A_1855 = vector.shape_cast %get3A_1854 : vector<1x16xf32> to vector<16xf32>
      %mul3A_1856 = vector.broadcast %squeeze3A_1826 : f32 to vector<16xf32>
      %mul3A_1857 = arith.mulf %mul3A_1856, %get3A_1855 : vector<16xf32>
      %add3A_1858 = arith.addf %broadcast_in_dim3A_1824, %mul3A_1857 : vector<16xf32>
      %slice3A_1859 = vector.extract_strided_slice %get3A_1816 {offsets = [1], sizes = [1], strides = [1]} : vector<16xf32> to vector<1xf32>
      %squeeze3A_1860 = vector.extract %slice3A_1859[0] : f32 from vector<1xf32>
      %get3A_1861 = arith.constant 49 : i32
      %get3A_1862 = arith.index_cast %get3A_1861 : i32 to index
      %get3A_1863 = arith.constant 0 : index
      %get3A_1864 = tpu.vector_load %arg11[%get3A_1862, %get3A_1863] {strides = array<i32>} : memref<128x64xf32, #tpu.memory_space<vmem>>, vector<1x16xf32>,
      %get3A_1865 = vector.shape_cast %get3A_1864 : vector<1x16xf32> to vector<16xf32>
      %mul3A_1866 = vector.broadcast %squeeze3A_1860 : f32 to vector<16xf32>
      %mul3A_1867 = arith.mulf %mul3A_1866, %get3A_1865 : vector<16xf32>
      %add3A_1868 = arith.addf %add3A_1834, %mul3A_1867 : vector<16xf32>
      %get3A_1869 = arith.constant 49 : i32
      %get3A_1870 = arith.index_cast %get3A_1869 : i32 to index
      %get3A_1871 = arith.constant 16 : index
      %get3A_1872 = tpu.vector_load %arg11[%get3A_1870, %get3A_1871] {strides = array<i32>} : memref<128x64xf32, #tpu.memory_space<vmem>>, vector<1x16xf32>,
      %get3A_1873 = vector.shape_cast %get3A_1872 : vector<1x16xf32> to vector<16xf32>
      %mul3A_1874 = vector.broadcast %squeeze3A_1860 : f32 to vector<16xf32>
      %mul3A_1875 = arith.mulf %mul3A_1874, %get3A_1873 : vector<16xf32>
      %add3A_1876 = arith.addf %add3A_1842, %mul3A_1875 : vector<16xf32>
      %get3A_1877 = arith.constant 49 : i32
      %get3A_1878 = arith.index_cast %get3A_1877 : i32 to index
      %get3A_1879 = arith.constant 32 : index
      %get3A_1880 = tpu.vector_load %arg11[%get3A_1878, %get3A_1879] {strides = array<i32>} : memref<128x64xf32, #tpu.memory_space<vmem>>, vector<1x16xf32>,
      %get3A_1881 = vector.shape_cast %get3A_1880 : vector<1x16xf32> to vector<16xf32>
      %mul3A_1882 = vector.broadcast %squeeze3A_1860 : f32 to vector<16xf32>
      %mul3A_1883 = arith.mulf %mul3A_1882, %get3A_1881 : vector<16xf32>
      %add3A_1884 = arith.addf %add3A_1850, %mul3A_1883 : vector<16xf32>
      %get3A_1885 = arith.constant 49 : i32
      %get3A_1886 = arith.index_cast %get3A_1885 : i32 to index
      %get3A_1887 = arith.constant 48 : index
      %get3A_1888 = tpu.vector_load %arg11[%get3A_1886, %get3A_1887] {strides = array<i32>} : memref<128x64xf32, #tpu.memory_space<vmem>>, vector<1x16xf32>,
      %get3A_1889 = vector.shape_cast %get3A_1888 : vector<1x16xf32> to vector<16xf32>
      %mul3A_1890 = vector.broadcast %squeeze3A_1860 : f32 to vector<16xf32>
      %mul3A_1891 = arith.mulf %mul3A_1890, %get3A_1889 : vector<16xf32>
      %add3A_1892 = arith.addf %add3A_1858, %mul3A_1891 : vector<16xf32>
      %slice3A_1893 = vector.extract_strided_slice %get3A_1816 {offsets = [2], sizes = [1], strides = [1]} : vector<16xf32> to vector<1xf32>
      %squeeze3A_1894 = vector.extract %slice3A_1893[0] : f32 from vector<1xf32>
      %get3A_1895 = arith.constant 50 : i32
      %get3A_1896 = arith.index_cast %get3A_1895 : i32 to index
      %get3A_1897 = arith.constant 0 : index
      %get3A_1898 = tpu.vector_load %arg11[%get3A_1896, %get3A_1897] {strides = array<i32>} : memref<128x64xf32, #tpu.memory_space<vmem>>, vector<1x16xf32>,
      %get3A_1899 = vector.shape_cast %get3A_1898 : vector<1x16xf32> to vector<16xf32>
      %mul3A_1900 = vector.broadcast %squeeze3A_1894 : f32 to vector<16xf32>
      %mul3A_1901 = arith.mulf %mul3A_1900, %get3A_1899 : vector<16xf32>
      %add3A_1902 = arith.addf %add3A_1868, %mul3A_1901 : vector<16xf32>
      %get3A_1903 = arith.constant 50 : i32
      %get3A_1904 = arith.index_cast %get3A_1903 : i32 to index
      %get3A_1905 = arith.constant 16 : index
      %get3A_1906 = tpu.vector_load %arg11[%get3A_1904, %get3A_1905] {strides = array<i32>} : memref<128x64xf32, #tpu.memory_space<vmem>>, vector<1x16xf32>,
      %get3A_1907 = vector.shape_cast %get3A_1906 : vector<1x16xf32> to vector<16xf32>
      %mul3A_1908 = vector.broadcast %squeeze3A_1894 : f32 to vector<16xf32>
      %mul3A_1909 = arith.mulf %mul3A_1908, %get3A_1907 : vector<16xf32>
      %add3A_1910 = arith.addf %add3A_1876, %mul3A_1909 : vector<16xf32>
      %get3A_1911 = arith.constant 50 : i32
      %get3A_1912 = arith.index_cast %get3A_1911 : i32 to index
      %get3A_1913 = arith.constant 32 : index
      %get3A_1914 = tpu.vector_load %arg11[%get3A_1912, %get3A_1913] {strides = array<i32>} : memref<128x64xf32, #tpu.memory_space<vmem>>, vector<1x16xf32>,
      %get3A_1915 = vector.shape_cast %get3A_1914 : vector<1x16xf32> to vector<16xf32>
      %mul3A_1916 = vector.broadcast %squeeze3A_1894 : f32 to vector<16xf32>
      %mul3A_1917 = arith.mulf %mul3A_1916, %get3A_1915 : vector<16xf32>
      %add3A_1918 = arith.addf %add3A_1884, %mul3A_1917 : vector<16xf32>
      %get3A_1919 = arith.constant 50 : i32
      %get3A_1920 = arith.index_cast %get3A_1919 : i32 to index
      %get3A_1921 = arith.constant 48 : index
      %get3A_1922 = tpu.vector_load %arg11[%get3A_1920, %get3A_1921] {strides = array<i32>} : memref<128x64xf32, #tpu.memory_space<vmem>>, vector<1x16xf32>,
      %get3A_1923 = vector.shape_cast %get3A_1922 : vector<1x16xf32> to vector<16xf32>
      %mul3A_1924 = vector.broadcast %squeeze3A_1894 : f32 to vector<16xf32>
      %mul3A_1925 = arith.mulf %mul3A_1924, %get3A_1923 : vector<16xf32>
      %add3A_1926 = arith.addf %add3A_1892, %mul3A_1925 : vector<16xf32>
      %slice3A_1927 = vector.extract_strided_slice %get3A_1816 {offsets = [3], sizes = [1], strides = [1]} : vector<16xf32> to vector<1xf32>
      %squeeze3A_1928 = vector.extract %slice3A_1927[0] : f32 from vector<1xf32>
      %get3A_1929 = arith.constant 51 : i32
      %get3A_1930 = arith.index_cast %get3A_1929 : i32 to index
      %get3A_1931 = arith.constant 0 : index
      %get3A_1932 = tpu.vector_load %arg11[%get3A_1930, %get3A_1931] {strides = array<i32>} : memref<128x64xf32, #tpu.memory_space<vmem>>, vector<1x16xf32>,
      %get3A_1933 = vector.shape_cast %get3A_1932 : vector<1x16xf32> to vector<16xf32>
      %mul3A_1934 = vector.broadcast %squeeze3A_1928 : f32 to vector<16xf32>
      %mul3A_1935 = arith.mulf %mul3A_1934, %get3A_1933 : vector<16xf32>
      %add3A_1936 = arith.addf %add3A_1902, %mul3A_1935 : vector<16xf32>
      %get3A_1937 = arith.constant 51 : i32
      %get3A_1938 = arith.index_cast %get3A_1937 : i32 to index
      %get3A_1939 = arith.constant 16 : index
      %get3A_1940 = tpu.vector_load %arg11[%get3A_1938, %get3A_1939] {strides = array<i32>} : memref<128x64xf32, #tpu.memory_space<vmem>>, vector<1x16xf32>,
      %get3A_1941 = vector.shape_cast %get3A_1940 : vector<1x16xf32> to vector<16xf32>
      %mul3A_1942 = vector.broadcast %squeeze3A_1928 : f32 to vector<16xf32>
      %mul3A_1943 = arith.mulf %mul3A_1942, %get3A_1941 : vector<16xf32>
      %add3A_1944 = arith.addf %add3A_1910, %mul3A_1943 : vector<16xf32>
      %get3A_1945 = arith.constant 51 : i32
      %get3A_1946 = arith.index_cast %get3A_1945 : i32 to index
      %get3A_1947 = arith.constant 32 : index
      %get3A_1948 = tpu.vector_load %arg11[%get3A_1946, %get3A_1947] {strides = array<i32>} : memref<128x64xf32, #tpu.memory_space<vmem>>, vector<1x16xf32>,
      %get3A_1949 = vector.shape_cast %get3A_1948 : vector<1x16xf32> to vector<16xf32>
      %mul3A_1950 = vector.broadcast %squeeze3A_1928 : f32 to vector<16xf32>
      %mul3A_1951 = arith.mulf %mul3A_1950, %get3A_1949 : vector<16xf32>
      %add3A_1952 = arith.addf %add3A_1918, %mul3A_1951 : vector<16xf32>
      %get3A_1953 = arith.constant 51 : i32
      %get3A_1954 = arith.index_cast %get3A_1953 : i32 to index
      %get3A_1955 = arith.constant 48 : index
      %get3A_1956 = tpu.vector_load %arg11[%get3A_1954, %get3A_1955] {strides = array<i32>} : memref<128x64xf32, #tpu.memory_space<vmem>>, vector<1x16xf32>,
      %get3A_1957 = vector.shape_cast %get3A_1956 : vector<1x16xf32> to vector<16xf32>
      %mul3A_1958 = vector.broadcast %squeeze3A_1928 : f32 to vector<16xf32>
      %mul3A_1959 = arith.mulf %mul3A_1958, %get3A_1957 : vector<16xf32>
      %add3A_1960 = arith.addf %add3A_1926, %mul3A_1959 : vector<16xf32>
      %slice3A_1961 = vector.extract_strided_slice %get3A_1816 {offsets = [4], sizes = [1], strides = [1]} : vector<16xf32> to vector<1xf32>
      %squeeze3A_1962 = vector.extract %slice3A_1961[0] : f32 from vector<1xf32>
      %get3A_1963 = arith.constant 52 : i32
      %get3A_1964 = arith.index_cast %get3A_1963 : i32 to index
      %get3A_1965 = arith.constant 0 : index
      %get3A_1966 = tpu.vector_load %arg11[%get3A_1964, %get3A_1965] {strides = array<i32>} : memref<128x64xf32, #tpu.memory_space<vmem>>, vector<1x16xf32>,
      %get3A_1967 = vector.shape_cast %get3A_1966 : vector<1x16xf32> to vector<16xf32>
      %mul3A_1968 = vector.broadcast %squeeze3A_1962 : f32 to vector<16xf32>
      %mul3A_1969 = arith.mulf %mul3A_1968, %get3A_1967 : vector<16xf32>
      %add3A_1970 = arith.addf %add3A_1936, %mul3A_1969 : vector<16xf32>
      %get3A_1971 = arith.constant 52 : i32
      %get3A_1972 = arith.index_cast %get3A_1971 : i32 to index
      %get3A_1973 = arith.constant 16 : index
      %get3A_1974 = tpu.vector_load %arg11[%get3A_1972, %get3A_1973] {strides = array<i32>} : memref<128x64xf32, #tpu.memory_space<vmem>>, vector<1x16xf32>,
      %get3A_1975 = vector.shape_cast %get3A_1974 : vector<1x16xf32> to vector<16xf32>
      %mul3A_1976 = vector.broadcast %squeeze3A_1962 : f32 to vector<16xf32>
      %mul3A_1977 = arith.mulf %mul3A_1976, %get3A_1975 : vector<16xf32>
      %add3A_1978 = arith.addf %add3A_1944, %mul3A_1977 : vector<16xf32>
      %get3A_1979 = arith.constant 52 : i32
      %get3A_1980 = arith.index_cast %get3A_1979 : i32 to index
      %get3A_1981 = arith.constant 32 : index
      %get3A_1982 = tpu.vector_load %arg11[%get3A_1980, %get3A_1981] {strides = array<i32>} : memref<128x64xf32, #tpu.memory_space<vmem>>, vector<1x16xf32>,
      %get3A_1983 = vector.shape_cast %get3A_1982 : vector<1x16xf32> to vector<16xf32>
      %mul3A_1984 = vector.broadcast %squeeze3A_1962 : f32 to vector<16xf32>
      %mul3A_1985 = arith.mulf %mul3A_1984, %get3A_1983 : vector<16xf32>
      %add3A_1986 = arith.addf %add3A_1952, %mul3A_1985 : vector<16xf32>
      %get3A_1987 = arith.constant 52 : i32
      %get3A_1988 = arith.index_cast %get3A_1987 : i32 to index
      %get3A_1989 = arith.constant 48 : index
      %get3A_1990 = tpu.vector_load %arg11[%get3A_1988, %get3A_1989] {strides = array<i32>} : memref<128x64xf32, #tpu.memory_space<vmem>>, vector<1x16xf32>,
      %get3A_1991 = vector.shape_cast %get3A_1990 : vector<1x16xf32> to vector<16xf32>
      %mul3A_1992 = vector.broadcast %squeeze3A_1962 : f32 to vector<16xf32>
      %mul3A_1993 = arith.mulf %mul3A_1992, %get3A_1991 : vector<16xf32>
      %add3A_1994 = arith.addf %add3A_1960, %mul3A_1993 : vector<16xf32>
      %slice3A_1995 = vector.extract_strided_slice %get3A_1816 {offsets = [5], sizes = [1], strides = [1]} : vector<16xf32> to vector<1xf32>
      %squeeze3A_1996 = vector.extract %slice3A_1995[0] : f32 from vector<1xf32>
      %get3A_1997 = arith.constant 53 : i32
      %get3A_1998 = arith.index_cast %get3A_1997 : i32 to index
      %get3A_1999 = arith.constant 0 : index
      %get3A_2000 = tpu.vector_load %arg11[%get3A_1998, %get3A_1999] {strides = array<i32>} : memref<128x64xf32, #tpu.memory_space<vmem>>, vector<1x16xf32>,
      %get3A_2001 = vector.shape_cast %get3A_2000 : vector<1x16xf32> to vector<16xf32>
      %mul3A_2002 = vector.broadcast %squeeze3A_1996 : f32 to vector<16xf32>
      %mul3A_2003 = arith.mulf %mul3A_2002, %get3A_2001 : vector<16xf32>
      %add3A_2004 = arith.addf %add3A_1970, %mul3A_2003 : vector<16xf32>
      %get3A_2005 = arith.constant 53 : i32
      %get3A_2006 = arith.index_cast %get3A_2005 : i32 to index
      %get3A_2007 = arith.constant 16 : index
      %get3A_2008 = tpu.vector_load %arg11[%get3A_2006, %get3A_2007] {strides = array<i32>} : memref<128x64xf32, #tpu.memory_space<vmem>>, vector<1x16xf32>,
      %get3A_2009 = vector.shape_cast %get3A_2008 : vector<1x16xf32> to vector<16xf32>
      %mul3A_2010 = vector.broadcast %squeeze3A_1996 : f32 to vector<16xf32>
      %mul3A_2011 = arith.mulf %mul3A_2010, %get3A_2009 : vector<16xf32>
      %add3A_2012 = arith.addf %add3A_1978, %mul3A_2011 : vector<16xf32>
      %get3A_2013 = arith.constant 53 : i32
      %get3A_2014 = arith.index_cast %get3A_2013 : i32 to index
      %get3A_2015 = arith.constant 32 : index
      %get3A_2016 = tpu.vector_load %arg11[%get3A_2014, %get3A_2015] {strides = array<i32>} : memref<128x64xf32, #tpu.memory_space<vmem>>, vector<1x16xf32>,
      %get3A_2017 = vector.shape_cast %get3A_2016 : vector<1x16xf32> to vector<16xf32>
      %mul3A_2018 = vector.broadcast %squeeze3A_1996 : f32 to vector<16xf32>
      %mul3A_2019 = arith.mulf %mul3A_2018, %get3A_2017 : vector<16xf32>
      %add3A_2020 = arith.addf %add3A_1986, %mul3A_2019 : vector<16xf32>
      %get3A_2021 = arith.constant 53 : i32
      %get3A_2022 = arith.index_cast %get3A_2021 : i32 to index
      %get3A_2023 = arith.constant 48 : index
      %get3A_2024 = tpu.vector_load %arg11[%get3A_2022, %get3A_2023] {strides = array<i32>} : memref<128x64xf32, #tpu.memory_space<vmem>>, vector<1x16xf32>,
      %get3A_2025 = vector.shape_cast %get3A_2024 : vector<1x16xf32> to vector<16xf32>
      %mul3A_2026 = vector.broadcast %squeeze3A_1996 : f32 to vector<16xf32>
      %mul3A_2027 = arith.mulf %mul3A_2026, %get3A_2025 : vector<16xf32>
      %add3A_2028 = arith.addf %add3A_1994, %mul3A_2027 : vector<16xf32>
      %slice3A_2029 = vector.extract_strided_slice %get3A_1816 {offsets = [6], sizes = [1], strides = [1]} : vector<16xf32> to vector<1xf32>
      %squeeze3A_2030 = vector.extract %slice3A_2029[0] : f32 from vector<1xf32>
      %get3A_2031 = arith.constant 54 : i32
      %get3A_2032 = arith.index_cast %get3A_2031 : i32 to index
      %get3A_2033 = arith.constant 0 : index
      %get3A_2034 = tpu.vector_load %arg11[%get3A_2032, %get3A_2033] {strides = array<i32>} : memref<128x64xf32, #tpu.memory_space<vmem>>, vector<1x16xf32>,
      %get3A_2035 = vector.shape_cast %get3A_2034 : vector<1x16xf32> to vector<16xf32>
      %mul3A_2036 = vector.broadcast %squeeze3A_2030 : f32 to vector<16xf32>
      %mul3A_2037 = arith.mulf %mul3A_2036, %get3A_2035 : vector<16xf32>
      %add3A_2038 = arith.addf %add3A_2004, %mul3A_2037 : vector<16xf32>
      %get3A_2039 = arith.constant 54 : i32
      %get3A_2040 = arith.index_cast %get3A_2039 : i32 to index
      %get3A_2041 = arith.constant 16 : index
      %get3A_2042 = tpu.vector_load %arg11[%get3A_2040, %get3A_2041] {strides = array<i32>} : memref<128x64xf32, #tpu.memory_space<vmem>>, vector<1x16xf32>,
      %get3A_2043 = vector.shape_cast %get3A_2042 : vector<1x16xf32> to vector<16xf32>
      %mul3A_2044 = vector.broadcast %squeeze3A_2030 : f32 to vector<16xf32>
      %mul3A_2045 = arith.mulf %mul3A_2044, %get3A_2043 : vector<16xf32>
      %add3A_2046 = arith.addf %add3A_2012, %mul3A_2045 : vector<16xf32>
      %get3A_2047 = arith.constant 54 : i32
      %get3A_2048 = arith.index_cast %get3A_2047 : i32 to index
      %get3A_2049 = arith.constant 32 : index
      %get3A_2050 = tpu.vector_load %arg11[%get3A_2048, %get3A_2049] {strides = array<i32>} : memref<128x64xf32, #tpu.memory_space<vmem>>, vector<1x16xf32>,
      %get3A_2051 = vector.shape_cast %get3A_2050 : vector<1x16xf32> to vector<16xf32>
      %mul3A_2052 = vector.broadcast %squeeze3A_2030 : f32 to vector<16xf32>
      %mul3A_2053 = arith.mulf %mul3A_2052, %get3A_2051 : vector<16xf32>
      %add3A_2054 = arith.addf %add3A_2020, %mul3A_2053 : vector<16xf32>
      %get3A_2055 = arith.constant 54 : i32
      %get3A_2056 = arith.index_cast %get3A_2055 : i32 to index
      %get3A_2057 = arith.constant 48 : index
      %get3A_2058 = tpu.vector_load %arg11[%get3A_2056, %get3A_2057] {strides = array<i32>} : memref<128x64xf32, #tpu.memory_space<vmem>>, vector<1x16xf32>,
      %get3A_2059 = vector.shape_cast %get3A_2058 : vector<1x16xf32> to vector<16xf32>
      %mul3A_2060 = vector.broadcast %squeeze3A_2030 : f32 to vector<16xf32>
      %mul3A_2061 = arith.mulf %mul3A_2060, %get3A_2059 : vector<16xf32>
      %add3A_2062 = arith.addf %add3A_2028, %mul3A_2061 : vector<16xf32>
      %slice3A_2063 = vector.extract_strided_slice %get3A_1816 {offsets = [7], sizes = [1], strides = [1]} : vector<16xf32> to vector<1xf32>
      %squeeze3A_2064 = vector.extract %slice3A_2063[0] : f32 from vector<1xf32>
      %get3A_2065 = arith.constant 55 : i32
      %get3A_2066 = arith.index_cast %get3A_2065 : i32 to index
      %get3A_2067 = arith.constant 0 : index
      %get3A_2068 = tpu.vector_load %arg11[%get3A_2066, %get3A_2067] {strides = array<i32>} : memref<128x64xf32, #tpu.memory_space<vmem>>, vector<1x16xf32>,
      %get3A_2069 = vector.shape_cast %get3A_2068 : vector<1x16xf32> to vector<16xf32>
      %mul3A_2070 = vector.broadcast %squeeze3A_2064 : f32 to vector<16xf32>
      %mul3A_2071 = arith.mulf %mul3A_2070, %get3A_2069 : vector<16xf32>
      %add3A_2072 = arith.addf %add3A_2038, %mul3A_2071 : vector<16xf32>
      %get3A_2073 = arith.constant 55 : i32
      %get3A_2074 = arith.index_cast %get3A_2073 : i32 to index
      %get3A_2075 = arith.constant 16 : index
      %get3A_2076 = tpu.vector_load %arg11[%get3A_2074, %get3A_2075] {strides = array<i32>} : memref<128x64xf32, #tpu.memory_space<vmem>>, vector<1x16xf32>,
      %get3A_2077 = vector.shape_cast %get3A_2076 : vector<1x16xf32> to vector<16xf32>
      %mul3A_2078 = vector.broadcast %squeeze3A_2064 : f32 to vector<16xf32>
      %mul3A_2079 = arith.mulf %mul3A_2078, %get3A_2077 : vector<16xf32>
      %add3A_2080 = arith.addf %add3A_2046, %mul3A_2079 : vector<16xf32>
      %get3A_2081 = arith.constant 55 : i32
      %get3A_2082 = arith.index_cast %get3A_2081 : i32 to index
      %get3A_2083 = arith.constant 32 : index
      %get3A_2084 = tpu.vector_load %arg11[%get3A_2082, %get3A_2083] {strides = array<i32>} : memref<128x64xf32, #tpu.memory_space<vmem>>, vector<1x16xf32>,
      %get3A_2085 = vector.shape_cast %get3A_2084 : vector<1x16xf32> to vector<16xf32>
      %mul3A_2086 = vector.broadcast %squeeze3A_2064 : f32 to vector<16xf32>
      %mul3A_2087 = arith.mulf %mul3A_2086, %get3A_2085 : vector<16xf32>
      %add3A_2088 = arith.addf %add3A_2054, %mul3A_2087 : vector<16xf32>
      %get3A_2089 = arith.constant 55 : i32
      %get3A_2090 = arith.index_cast %get3A_2089 : i32 to index
      %get3A_2091 = arith.constant 48 : index
      %get3A_2092 = tpu.vector_load %arg11[%get3A_2090, %get3A_2091] {strides = array<i32>} : memref<128x64xf32, #tpu.memory_space<vmem>>, vector<1x16xf32>,
      %get3A_2093 = vector.shape_cast %get3A_2092 : vector<1x16xf32> to vector<16xf32>
      %mul3A_2094 = vector.broadcast %squeeze3A_2064 : f32 to vector<16xf32>
      %mul3A_2095 = arith.mulf %mul3A_2094, %get3A_2093 : vector<16xf32>
      %add3A_2096 = arith.addf %add3A_2062, %mul3A_2095 : vector<16xf32>
      %slice3A_2097 = vector.extract_strided_slice %get3A_1816 {offsets = [8], sizes = [1], strides = [1]} : vector<16xf32> to vector<1xf32>
      %squeeze3A_2098 = vector.extract %slice3A_2097[0] : f32 from vector<1xf32>
      %get3A_2099 = arith.constant 56 : i32
      %get3A_2100 = arith.index_cast %get3A_2099 : i32 to index
      %get3A_2101 = arith.constant 0 : index
      %get3A_2102 = tpu.vector_load %arg11[%get3A_2100, %get3A_2101] {strides = array<i32>} : memref<128x64xf32, #tpu.memory_space<vmem>>, vector<1x16xf32>,
      %get3A_2103 = vector.shape_cast %get3A_2102 : vector<1x16xf32> to vector<16xf32>
      %mul3A_2104 = vector.broadcast %squeeze3A_2098 : f32 to vector<16xf32>
      %mul3A_2105 = arith.mulf %mul3A_2104, %get3A_2103 : vector<16xf32>
      %add3A_2106 = arith.addf %add3A_2072, %mul3A_2105 : vector<16xf32>
      %get3A_2107 = arith.constant 56 : i32
      %get3A_2108 = arith.index_cast %get3A_2107 : i32 to index
      %get3A_2109 = arith.constant 16 : index
      %get3A_2110 = tpu.vector_load %arg11[%get3A_2108, %get3A_2109] {strides = array<i32>} : memref<128x64xf32, #tpu.memory_space<vmem>>, vector<1x16xf32>,
      %get3A_2111 = vector.shape_cast %get3A_2110 : vector<1x16xf32> to vector<16xf32>
      %mul3A_2112 = vector.broadcast %squeeze3A_2098 : f32 to vector<16xf32>
      %mul3A_2113 = arith.mulf %mul3A_2112, %get3A_2111 : vector<16xf32>
      %add3A_2114 = arith.addf %add3A_2080, %mul3A_2113 : vector<16xf32>
      %get3A_2115 = arith.constant 56 : i32
      %get3A_2116 = arith.index_cast %get3A_2115 : i32 to index
      %get3A_2117 = arith.constant 32 : index
      %get3A_2118 = tpu.vector_load %arg11[%get3A_2116, %get3A_2117] {strides = array<i32>} : memref<128x64xf32, #tpu.memory_space<vmem>>, vector<1x16xf32>,
      %get3A_2119 = vector.shape_cast %get3A_2118 : vector<1x16xf32> to vector<16xf32>
      %mul3A_2120 = vector.broadcast %squeeze3A_2098 : f32 to vector<16xf32>
      %mul3A_2121 = arith.mulf %mul3A_2120, %get3A_2119 : vector<16xf32>
      %add3A_2122 = arith.addf %add3A_2088, %mul3A_2121 : vector<16xf32>
      %get3A_2123 = arith.constant 56 : i32
      %get3A_2124 = arith.index_cast %get3A_2123 : i32 to index
      %get3A_2125 = arith.constant 48 : index
      %get3A_2126 = tpu.vector_load %arg11[%get3A_2124, %get3A_2125] {strides = array<i32>} : memref<128x64xf32, #tpu.memory_space<vmem>>, vector<1x16xf32>,
      %get3A_2127 = vector.shape_cast %get3A_2126 : vector<1x16xf32> to vector<16xf32>
      %mul3A_2128 = vector.broadcast %squeeze3A_2098 : f32 to vector<16xf32>
      %mul3A_2129 = arith.mulf %mul3A_2128, %get3A_2127 : vector<16xf32>
      %add3A_2130 = arith.addf %add3A_2096, %mul3A_2129 : vector<16xf32>
      %slice3A_2131 = vector.extract_strided_slice %get3A_1816 {offsets = [9], sizes = [1], strides = [1]} : vector<16xf32> to vector<1xf32>
      %squeeze3A_2132 = vector.extract %slice3A_2131[0] : f32 from vector<1xf32>
      %get3A_2133 = arith.constant 57 : i32
      %get3A_2134 = arith.index_cast %get3A_2133 : i32 to index
      %get3A_2135 = arith.constant 0 : index
      %get3A_2136 = tpu.vector_load %arg11[%get3A_2134, %get3A_2135] {strides = array<i32>} : memref<128x64xf32, #tpu.memory_space<vmem>>, vector<1x16xf32>,
      %get3A_2137 = vector.shape_cast %get3A_2136 : vector<1x16xf32> to vector<16xf32>
      %mul3A_2138 = vector.broadcast %squeeze3A_2132 : f32 to vector<16xf32>
      %mul3A_2139 = arith.mulf %mul3A_2138, %get3A_2137 : vector<16xf32>
      %add3A_2140 = arith.addf %add3A_2106, %mul3A_2139 : vector<16xf32>
      %get3A_2141 = arith.constant 57 : i32
      %get3A_2142 = arith.index_cast %get3A_2141 : i32 to index
      %get3A_2143 = arith.constant 16 : index
      %get3A_2144 = tpu.vector_load %arg11[%get3A_2142, %get3A_2143] {strides = array<i32>} : memref<128x64xf32, #tpu.memory_space<vmem>>, vector<1x16xf32>,
      %get3A_2145 = vector.shape_cast %get3A_2144 : vector<1x16xf32> to vector<16xf32>
      %mul3A_2146 = vector.broadcast %squeeze3A_2132 : f32 to vector<16xf32>
      %mul3A_2147 = arith.mulf %mul3A_2146, %get3A_2145 : vector<16xf32>
      %add3A_2148 = arith.addf %add3A_2114, %mul3A_2147 : vector<16xf32>
      %get3A_2149 = arith.constant 57 : i32
      %get3A_2150 = arith.index_cast %get3A_2149 : i32 to index
      %get3A_2151 = arith.constant 32 : index
      %get3A_2152 = tpu.vector_load %arg11[%get3A_2150, %get3A_2151] {strides = array<i32>} : memref<128x64xf32, #tpu.memory_space<vmem>>, vector<1x16xf32>,
      %get3A_2153 = vector.shape_cast %get3A_2152 : vector<1x16xf32> to vector<16xf32>
      %mul3A_2154 = vector.broadcast %squeeze3A_2132 : f32 to vector<16xf32>
      %mul3A_2155 = arith.mulf %mul3A_2154, %get3A_2153 : vector<16xf32>
      %add3A_2156 = arith.addf %add3A_2122, %mul3A_2155 : vector<16xf32>
      %get3A_2157 = arith.constant 57 : i32
      %get3A_2158 = arith.index_cast %get3A_2157 : i32 to index
      %get3A_2159 = arith.constant 48 : index
      %get3A_2160 = tpu.vector_load %arg11[%get3A_2158, %get3A_2159] {strides = array<i32>} : memref<128x64xf32, #tpu.memory_space<vmem>>, vector<1x16xf32>,
      %get3A_2161 = vector.shape_cast %get3A_2160 : vector<1x16xf32> to vector<16xf32>
      %mul3A_2162 = vector.broadcast %squeeze3A_2132 : f32 to vector<16xf32>
      %mul3A_2163 = arith.mulf %mul3A_2162, %get3A_2161 : vector<16xf32>
      %add3A_2164 = arith.addf %add3A_2130, %mul3A_2163 : vector<16xf32>
      %slice3A_2165 = vector.extract_strided_slice %get3A_1816 {offsets = [10], sizes = [1], strides = [1]} : vector<16xf32> to vector<1xf32>
      %squeeze3A_2166 = vector.extract %slice3A_2165[0] : f32 from vector<1xf32>
      %get3A_2167 = arith.constant 58 : i32
      %get3A_2168 = arith.index_cast %get3A_2167 : i32 to index
      %get3A_2169 = arith.constant 0 : index
      %get3A_2170 = tpu.vector_load %arg11[%get3A_2168, %get3A_2169] {strides = array<i32>} : memref<128x64xf32, #tpu.memory_space<vmem>>, vector<1x16xf32>,
      %get3A_2171 = vector.shape_cast %get3A_2170 : vector<1x16xf32> to vector<16xf32>
      %mul3A_2172 = vector.broadcast %squeeze3A_2166 : f32 to vector<16xf32>
      %mul3A_2173 = arith.mulf %mul3A_2172, %get3A_2171 : vector<16xf32>
      %add3A_2174 = arith.addf %add3A_2140, %mul3A_2173 : vector<16xf32>
      %get3A_2175 = arith.constant 58 : i32
      %get3A_2176 = arith.index_cast %get3A_2175 : i32 to index
      %get3A_2177 = arith.constant 16 : index
      %get3A_2178 = tpu.vector_load %arg11[%get3A_2176, %get3A_2177] {strides = array<i32>} : memref<128x64xf32, #tpu.memory_space<vmem>>, vector<1x16xf32>,
      %get3A_2179 = vector.shape_cast %get3A_2178 : vector<1x16xf32> to vector<16xf32>
      %mul3A_2180 = vector.broadcast %squeeze3A_2166 : f32 to vector<16xf32>
      %mul3A_2181 = arith.mulf %mul3A_2180, %get3A_2179 : vector<16xf32>
      %add3A_2182 = arith.addf %add3A_2148, %mul3A_2181 : vector<16xf32>
      %get3A_2183 = arith.constant 58 : i32
      %get3A_2184 = arith.index_cast %get3A_2183 : i32 to index
      %get3A_2185 = arith.constant 32 : index
      %get3A_2186 = tpu.vector_load %arg11[%get3A_2184, %get3A_2185] {strides = array<i32>} : memref<128x64xf32, #tpu.memory_space<vmem>>, vector<1x16xf32>,
      %get3A_2187 = vector.shape_cast %get3A_2186 : vector<1x16xf32> to vector<16xf32>
      %mul3A_2188 = vector.broadcast %squeeze3A_2166 : f32 to vector<16xf32>
      %mul3A_2189 = arith.mulf %mul3A_2188, %get3A_2187 : vector<16xf32>
      %add3A_2190 = arith.addf %add3A_2156, %mul3A_2189 : vector<16xf32>
      %get3A_2191 = arith.constant 58 : i32
      %get3A_2192 = arith.index_cast %get3A_2191 : i32 to index
      %get3A_2193 = arith.constant 48 : index
      %get3A_2194 = tpu.vector_load %arg11[%get3A_2192, %get3A_2193] {strides = array<i32>} : memref<128x64xf32, #tpu.memory_space<vmem>>, vector<1x16xf32>,
      %get3A_2195 = vector.shape_cast %get3A_2194 : vector<1x16xf32> to vector<16xf32>
      %mul3A_2196 = vector.broadcast %squeeze3A_2166 : f32 to vector<16xf32>
      %mul3A_2197 = arith.mulf %mul3A_2196, %get3A_2195 : vector<16xf32>
      %add3A_2198 = arith.addf %add3A_2164, %mul3A_2197 : vector<16xf32>
      %slice3A_2199 = vector.extract_strided_slice %get3A_1816 {offsets = [11], sizes = [1], strides = [1]} : vector<16xf32> to vector<1xf32>
      %squeeze3A_2200 = vector.extract %slice3A_2199[0] : f32 from vector<1xf32>
      %get3A_2201 = arith.constant 59 : i32
      %get3A_2202 = arith.index_cast %get3A_2201 : i32 to index
      %get3A_2203 = arith.constant 0 : index
      %get3A_2204 = tpu.vector_load %arg11[%get3A_2202, %get3A_2203] {strides = array<i32>} : memref<128x64xf32, #tpu.memory_space<vmem>>, vector<1x16xf32>,
      %get3A_2205 = vector.shape_cast %get3A_2204 : vector<1x16xf32> to vector<16xf32>
      %mul3A_2206 = vector.broadcast %squeeze3A_2200 : f32 to vector<16xf32>
      %mul3A_2207 = arith.mulf %mul3A_2206, %get3A_2205 : vector<16xf32>
      %add3A_2208 = arith.addf %add3A_2174, %mul3A_2207 : vector<16xf32>
      %get3A_2209 = arith.constant 59 : i32
      %get3A_2210 = arith.index_cast %get3A_2209 : i32 to index
      %get3A_2211 = arith.constant 16 : index
      %get3A_2212 = tpu.vector_load %arg11[%get3A_2210, %get3A_2211] {strides = array<i32>} : memref<128x64xf32, #tpu.memory_space<vmem>>, vector<1x16xf32>,
      %get3A_2213 = vector.shape_cast %get3A_2212 : vector<1x16xf32> to vector<16xf32>
      %mul3A_2214 = vector.broadcast %squeeze3A_2200 : f32 to vector<16xf32>
      %mul3A_2215 = arith.mulf %mul3A_2214, %get3A_2213 : vector<16xf32>
      %add3A_2216 = arith.addf %add3A_2182, %mul3A_2215 : vector<16xf32>
      %get3A_2217 = arith.constant 59 : i32
      %get3A_2218 = arith.index_cast %get3A_2217 : i32 to index
      %get3A_2219 = arith.constant 32 : index
      %get3A_2220 = tpu.vector_load %arg11[%get3A_2218, %get3A_2219] {strides = array<i32>} : memref<128x64xf32, #tpu.memory_space<vmem>>, vector<1x16xf32>,
      %get3A_2221 = vector.shape_cast %get3A_2220 : vector<1x16xf32> to vector<16xf32>
      %mul3A_2222 = vector.broadcast %squeeze3A_2200 : f32 to vector<16xf32>
      %mul3A_2223 = arith.mulf %mul3A_2222, %get3A_2221 : vector<16xf32>
      %add3A_2224 = arith.addf %add3A_2190, %mul3A_2223 : vector<16xf32>
      %get3A_2225 = arith.constant 59 : i32
      %get3A_2226 = arith.index_cast %get3A_2225 : i32 to index
      %get3A_2227 = arith.constant 48 : index
      %get3A_2228 = tpu.vector_load %arg11[%get3A_2226, %get3A_2227] {strides = array<i32>} : memref<128x64xf32, #tpu.memory_space<vmem>>, vector<1x16xf32>,
      %get3A_2229 = vector.shape_cast %get3A_2228 : vector<1x16xf32> to vector<16xf32>
      %mul3A_2230 = vector.broadcast %squeeze3A_2200 : f32 to vector<16xf32>
      %mul3A_2231 = arith.mulf %mul3A_2230, %get3A_2229 : vector<16xf32>
      %add3A_2232 = arith.addf %add3A_2198, %mul3A_2231 : vector<16xf32>
      %slice3A_2233 = vector.extract_strided_slice %get3A_1816 {offsets = [12], sizes = [1], strides = [1]} : vector<16xf32> to vector<1xf32>
      %squeeze3A_2234 = vector.extract %slice3A_2233[0] : f32 from vector<1xf32>
      %get3A_2235 = arith.constant 60 : i32
      %get3A_2236 = arith.index_cast %get3A_2235 : i32 to index
      %get3A_2237 = arith.constant 0 : index
      %get3A_2238 = tpu.vector_load %arg11[%get3A_2236, %get3A_2237] {strides = array<i32>} : memref<128x64xf32, #tpu.memory_space<vmem>>, vector<1x16xf32>,
      %get3A_2239 = vector.shape_cast %get3A_2238 : vector<1x16xf32> to vector<16xf32>
      %mul3A_2240 = vector.broadcast %squeeze3A_2234 : f32 to vector<16xf32>
      %mul3A_2241 = arith.mulf %mul3A_2240, %get3A_2239 : vector<16xf32>
      %add3A_2242 = arith.addf %add3A_2208, %mul3A_2241 : vector<16xf32>
      %get3A_2243 = arith.constant 60 : i32
      %get3A_2244 = arith.index_cast %get3A_2243 : i32 to index
      %get3A_2245 = arith.constant 16 : index
      %get3A_2246 = tpu.vector_load %arg11[%get3A_2244, %get3A_2245] {strides = array<i32>} : memref<128x64xf32, #tpu.memory_space<vmem>>, vector<1x16xf32>,
      %get3A_2247 = vector.shape_cast %get3A_2246 : vector<1x16xf32> to vector<16xf32>
      %mul3A_2248 = vector.broadcast %squeeze3A_2234 : f32 to vector<16xf32>
      %mul3A_2249 = arith.mulf %mul3A_2248, %get3A_2247 : vector<16xf32>
      %add3A_2250 = arith.addf %add3A_2216, %mul3A_2249 : vector<16xf32>
      %get3A_2251 = arith.constant 60 : i32
      %get3A_2252 = arith.index_cast %get3A_2251 : i32 to index
      %get3A_2253 = arith.constant 32 : index
      %get3A_2254 = tpu.vector_load %arg11[%get3A_2252, %get3A_2253] {strides = array<i32>} : memref<128x64xf32, #tpu.memory_space<vmem>>, vector<1x16xf32>,
      %get3A_2255 = vector.shape_cast %get3A_2254 : vector<1x16xf32> to vector<16xf32>
      %mul3A_2256 = vector.broadcast %squeeze3A_2234 : f32 to vector<16xf32>
      %mul3A_2257 = arith.mulf %mul3A_2256, %get3A_2255 : vector<16xf32>
      %add3A_2258 = arith.addf %add3A_2224, %mul3A_2257 : vector<16xf32>
      %get3A_2259 = arith.constant 60 : i32
      %get3A_2260 = arith.index_cast %get3A_2259 : i32 to index
      %get3A_2261 = arith.constant 48 : index
      %get3A_2262 = tpu.vector_load %arg11[%get3A_2260, %get3A_2261] {strides = array<i32>} : memref<128x64xf32, #tpu.memory_space<vmem>>, vector<1x16xf32>,
      %get3A_2263 = vector.shape_cast %get3A_2262 : vector<1x16xf32> to vector<16xf32>
      %mul3A_2264 = vector.broadcast %squeeze3A_2234 : f32 to vector<16xf32>
      %mul3A_2265 = arith.mulf %mul3A_2264, %get3A_2263 : vector<16xf32>
      %add3A_2266 = arith.addf %add3A_2232, %mul3A_2265 : vector<16xf32>
      %slice3A_2267 = vector.extract_strided_slice %get3A_1816 {offsets = [13], sizes = [1], strides = [1]} : vector<16xf32> to vector<1xf32>
      %squeeze3A_2268 = vector.extract %slice3A_2267[0] : f32 from vector<1xf32>
      %get3A_2269 = arith.constant 61 : i32
      %get3A_2270 = arith.index_cast %get3A_2269 : i32 to index
      %get3A_2271 = arith.constant 0 : index
      %get3A_2272 = tpu.vector_load %arg11[%get3A_2270, %get3A_2271] {strides = array<i32>} : memref<128x64xf32, #tpu.memory_space<vmem>>, vector<1x16xf32>,
      %get3A_2273 = vector.shape_cast %get3A_2272 : vector<1x16xf32> to vector<16xf32>
      %mul3A_2274 = vector.broadcast %squeeze3A_2268 : f32 to vector<16xf32>
      %mul3A_2275 = arith.mulf %mul3A_2274, %get3A_2273 : vector<16xf32>
      %add3A_2276 = arith.addf %add3A_2242, %mul3A_2275 : vector<16xf32>
      %get3A_2277 = arith.constant 61 : i32
      %get3A_2278 = arith.index_cast %get3A_2277 : i32 to index
      %get3A_2279 = arith.constant 16 : index
      %get3A_2280 = tpu.vector_load %arg11[%get3A_2278, %get3A_2279] {strides = array<i32>} : memref<128x64xf32, #tpu.memory_space<vmem>>, vector<1x16xf32>,
      %get3A_2281 = vector.shape_cast %get3A_2280 : vector<1x16xf32> to vector<16xf32>
      %mul3A_2282 = vector.broadcast %squeeze3A_2268 : f32 to vector<16xf32>
      %mul3A_2283 = arith.mulf %mul3A_2282, %get3A_2281 : vector<16xf32>
      %add3A_2284 = arith.addf %add3A_2250, %mul3A_2283 : vector<16xf32>
      %get3A_2285 = arith.constant 61 : i32
      %get3A_2286 = arith.index_cast %get3A_2285 : i32 to index
      %get3A_2287 = arith.constant 32 : index
      %get3A_2288 = tpu.vector_load %arg11[%get3A_2286, %get3A_2287] {strides = array<i32>} : memref<128x64xf32, #tpu.memory_space<vmem>>, vector<1x16xf32>,
      %get3A_2289 = vector.shape_cast %get3A_2288 : vector<1x16xf32> to vector<16xf32>
      %mul3A_2290 = vector.broadcast %squeeze3A_2268 : f32 to vector<16xf32>
      %mul3A_2291 = arith.mulf %mul3A_2290, %get3A_2289 : vector<16xf32>
      %add3A_2292 = arith.addf %add3A_2258, %mul3A_2291 : vector<16xf32>
      %get3A_2293 = arith.constant 61 : i32
      %get3A_2294 = arith.index_cast %get3A_2293 : i32 to index
      %get3A_2295 = arith.constant 48 : index
      %get3A_2296 = tpu.vector_load %arg11[%get3A_2294, %get3A_2295] {strides = array<i32>} : memref<128x64xf32, #tpu.memory_space<vmem>>, vector<1x16xf32>,
      %get3A_2297 = vector.shape_cast %get3A_2296 : vector<1x16xf32> to vector<16xf32>
      %mul3A_2298 = vector.broadcast %squeeze3A_2268 : f32 to vector<16xf32>
      %mul3A_2299 = arith.mulf %mul3A_2298, %get3A_2297 : vector<16xf32>
      %add3A_2300 = arith.addf %add3A_2266, %mul3A_2299 : vector<16xf32>
      %slice3A_2301 = vector.extract_strided_slice %get3A_1816 {offsets = [14], sizes = [1], strides = [1]} : vector<16xf32> to vector<1xf32>
      %squeeze3A_2302 = vector.extract %slice3A_2301[0] : f32 from vector<1xf32>
      %get3A_2303 = arith.constant 62 : i32
      %get3A_2304 = arith.index_cast %get3A_2303 : i32 to index
      %get3A_2305 = arith.constant 0 : index
      %get3A_2306 = tpu.vector_load %arg11[%get3A_2304, %get3A_2305] {strides = array<i32>} : memref<128x64xf32, #tpu.memory_space<vmem>>, vector<1x16xf32>,
      %get3A_2307 = vector.shape_cast %get3A_2306 : vector<1x16xf32> to vector<16xf32>
      %mul3A_2308 = vector.broadcast %squeeze3A_2302 : f32 to vector<16xf32>
      %mul3A_2309 = arith.mulf %mul3A_2308, %get3A_2307 : vector<16xf32>
      %add3A_2310 = arith.addf %add3A_2276, %mul3A_2309 : vector<16xf32>
      %get3A_2311 = arith.constant 62 : i32
      %get3A_2312 = arith.index_cast %get3A_2311 : i32 to index
      %get3A_2313 = arith.constant 16 : index
      %get3A_2314 = tpu.vector_load %arg11[%get3A_2312, %get3A_2313] {strides = array<i32>} : memref<128x64xf32, #tpu.memory_space<vmem>>, vector<1x16xf32>,
      %get3A_2315 = vector.shape_cast %get3A_2314 : vector<1x16xf32> to vector<16xf32>
      %mul3A_2316 = vector.broadcast %squeeze3A_2302 : f32 to vector<16xf32>
      %mul3A_2317 = arith.mulf %mul3A_2316, %get3A_2315 : vector<16xf32>
      %add3A_2318 = arith.addf %add3A_2284, %mul3A_2317 : vector<16xf32>
      %get3A_2319 = arith.constant 62 : i32
      %get3A_2320 = arith.index_cast %get3A_2319 : i32 to index
      %get3A_2321 = arith.constant 32 : index
      %get3A_2322 = tpu.vector_load %arg11[%get3A_2320, %get3A_2321] {strides = array<i32>} : memref<128x64xf32, #tpu.memory_space<vmem>>, vector<1x16xf32>,
      %get3A_2323 = vector.shape_cast %get3A_2322 : vector<1x16xf32> to vector<16xf32>
      %mul3A_2324 = vector.broadcast %squeeze3A_2302 : f32 to vector<16xf32>
      %mul3A_2325 = arith.mulf %mul3A_2324, %get3A_2323 : vector<16xf32>
      %add3A_2326 = arith.addf %add3A_2292, %mul3A_2325 : vector<16xf32>
      %get3A_2327 = arith.constant 62 : i32
      %get3A_2328 = arith.index_cast %get3A_2327 : i32 to index
      %get3A_2329 = arith.constant 48 : index
      %get3A_2330 = tpu.vector_load %arg11[%get3A_2328, %get3A_2329] {strides = array<i32>} : memref<128x64xf32, #tpu.memory_space<vmem>>, vector<1x16xf32>,
      %get3A_2331 = vector.shape_cast %get3A_2330 : vector<1x16xf32> to vector<16xf32>
      %mul3A_2332 = vector.broadcast %squeeze3A_2302 : f32 to vector<16xf32>
      %mul3A_2333 = arith.mulf %mul3A_2332, %get3A_2331 : vector<16xf32>
      %add3A_2334 = arith.addf %add3A_2300, %mul3A_2333 : vector<16xf32>
      %slice3A_2335 = vector.extract_strided_slice %get3A_1816 {offsets = [15], sizes = [1], strides = [1]} : vector<16xf32> to vector<1xf32>
      %squeeze3A_2336 = vector.extract %slice3A_2335[0] : f32 from vector<1xf32>
      %get3A_2337 = arith.constant 63 : i32
      %get3A_2338 = arith.index_cast %get3A_2337 : i32 to index
      %get3A_2339 = arith.constant 0 : index
      %get3A_2340 = tpu.vector_load %arg11[%get3A_2338, %get3A_2339] {strides = array<i32>} : memref<128x64xf32, #tpu.memory_space<vmem>>, vector<1x16xf32>,
      %get3A_2341 = vector.shape_cast %get3A_2340 : vector<1x16xf32> to vector<16xf32>
      %mul3A_2342 = vector.broadcast %squeeze3A_2336 : f32 to vector<16xf32>
      %mul3A_2343 = arith.mulf %mul3A_2342, %get3A_2341 : vector<16xf32>
      %add3A_2344 = arith.addf %add3A_2310, %mul3A_2343 : vector<16xf32>
      %get3A_2345 = arith.constant 63 : i32
      %get3A_2346 = arith.index_cast %get3A_2345 : i32 to index
      %get3A_2347 = arith.constant 16 : index
      %get3A_2348 = tpu.vector_load %arg11[%get3A_2346, %get3A_2347] {strides = array<i32>} : memref<128x64xf32, #tpu.memory_space<vmem>>, vector<1x16xf32>,
      %get3A_2349 = vector.shape_cast %get3A_2348 : vector<1x16xf32> to vector<16xf32>
      %mul3A_2350 = vector.broadcast %squeeze3A_2336 : f32 to vector<16xf32>
      %mul3A_2351 = arith.mulf %mul3A_2350, %get3A_2349 : vector<16xf32>
      %add3A_2352 = arith.addf %add3A_2318, %mul3A_2351 : vector<16xf32>
      %get3A_2353 = arith.constant 63 : i32
      %get3A_2354 = arith.index_cast %get3A_2353 : i32 to index
      %get3A_2355 = arith.constant 32 : index
      %get3A_2356 = tpu.vector_load %arg11[%get3A_2354, %get3A_2355] {strides = array<i32>} : memref<128x64xf32, #tpu.memory_space<vmem>>, vector<1x16xf32>,
      %get3A_2357 = vector.shape_cast %get3A_2356 : vector<1x16xf32> to vector<16xf32>
      %mul3A_2358 = vector.broadcast %squeeze3A_2336 : f32 to vector<16xf32>
      %mul3A_2359 = arith.mulf %mul3A_2358, %get3A_2357 : vector<16xf32>
      %add3A_2360 = arith.addf %add3A_2326, %mul3A_2359 : vector<16xf32>
      %get3A_2361 = arith.constant 63 : i32
      %get3A_2362 = arith.index_cast %get3A_2361 : i32 to index
      %get3A_2363 = arith.constant 48 : index
      %get3A_2364 = tpu.vector_load %arg11[%get3A_2362, %get3A_2363] {strides = array<i32>} : memref<128x64xf32, #tpu.memory_space<vmem>>, vector<1x16xf32>,
      %get3A_2365 = vector.shape_cast %get3A_2364 : vector<1x16xf32> to vector<16xf32>
      %mul3A_2366 = vector.broadcast %squeeze3A_2336 : f32 to vector<16xf32>
      %mul3A_2367 = arith.mulf %mul3A_2366, %get3A_2365 : vector<16xf32>
      %add3A_2368 = arith.addf %add3A_2334, %mul3A_2367 : vector<16xf32>
      %slice3A_2369 = vector.extract_strided_slice %select_n3A {offsets = [3], sizes = [1], strides = [1]} : vector<16xf32> to vector<1xf32>
      %squeeze3A_2370 = vector.extract %slice3A_2369[0] : f32 from vector<1xf32>
      %mul3A_2371 = vector.broadcast %squeeze3A_2370 : f32 to vector<16xf32>
      %mul3A_2372 = arith.mulf %add3A_2344, %mul3A_2371 : vector<16xf32>
      %swap3A_2373 = arith.constant 3 : i32
      %swap3A_2374 = arith.index_cast %swap3A_2373 : i32 to index
      %swap3A_2375 = arith.constant 0 : index
      %swap3A_2376 = tpu.vector_load %arg12[%swap3A_2374, %swap3A_2375] {strides = array<i32>} : memref<8x64xf32, #tpu.memory_space<vmem>>, vector<1x16xf32>,
      %swap3A_2377 = vector.shape_cast %swap3A_2376 : vector<1x16xf32> to vector<16xf32>
      %swap3A_2378 = vector.shape_cast %mul3A_2372 : vector<16xf32> to vector<1x16xf32>
      tpu.vector_store %arg12[%swap3A_2374, %swap3A_2375], %swap3A_2378 {strides = array<i32>} : memref<8x64xf32, #tpu.memory_space<vmem>>, vector<1x16xf32>,
      %mul3A_2379 = vector.broadcast %squeeze3A_2370 : f32 to vector<16xf32>
      %mul3A_2380 = arith.mulf %add3A_2352, %mul3A_2379 : vector<16xf32>
      %swap3A_2381 = arith.constant 3 : i32
      %swap3A_2382 = arith.index_cast %swap3A_2381 : i32 to index
      %swap3A_2383 = arith.constant 16 : index
      %swap3A_2384 = tpu.vector_load %arg12[%swap3A_2382, %swap3A_2383] {strides = array<i32>} : memref<8x64xf32, #tpu.memory_space<vmem>>, vector<1x16xf32>,
      %swap3A_2385 = vector.shape_cast %swap3A_2384 : vector<1x16xf32> to vector<16xf32>
      %swap3A_2386 = vector.shape_cast %mul3A_2380 : vector<16xf32> to vector<1x16xf32>
      tpu.vector_store %arg12[%swap3A_2382, %swap3A_2383], %swap3A_2386 {strides = array<i32>} : memref<8x64xf32, #tpu.memory_space<vmem>>, vector<1x16xf32>,
      %mul3A_2387 = vector.broadcast %squeeze3A_2370 : f32 to vector<16xf32>
      %mul3A_2388 = arith.mulf %add3A_2360, %mul3A_2387 : vector<16xf32>
      %swap3A_2389 = arith.constant 3 : i32
      %swap3A_2390 = arith.index_cast %swap3A_2389 : i32 to index
      %swap3A_2391 = arith.constant 32 : index
      %swap3A_2392 = tpu.vector_load %arg12[%swap3A_2390, %swap3A_2391] {strides = array<i32>} : memref<8x64xf32, #tpu.memory_space<vmem>>, vector<1x16xf32>,
      %swap3A_2393 = vector.shape_cast %swap3A_2392 : vector<1x16xf32> to vector<16xf32>
      %swap3A_2394 = vector.shape_cast %mul3A_2388 : vector<16xf32> to vector<1x16xf32>
      tpu.vector_store %arg12[%swap3A_2390, %swap3A_2391], %swap3A_2394 {strides = array<i32>} : memref<8x64xf32, #tpu.memory_space<vmem>>, vector<1x16xf32>,
      %mul3A_2395 = vector.broadcast %squeeze3A_2370 : f32 to vector<16xf32>
      %mul3A_2396 = arith.mulf %add3A_2368, %mul3A_2395 : vector<16xf32>
      %swap3A_2397 = arith.constant 3 : i32
      %swap3A_2398 = arith.index_cast %swap3A_2397 : i32 to index
      %swap3A_2399 = arith.constant 48 : index
      %swap3A_2400 = tpu.vector_load %arg12[%swap3A_2398, %swap3A_2399] {strides = array<i32>} : memref<8x64xf32, #tpu.memory_space<vmem>>, vector<1x16xf32>,
      %swap3A_2401 = vector.shape_cast %swap3A_2400 : vector<1x16xf32> to vector<16xf32>
      %swap3A_2402 = vector.shape_cast %mul3A_2396 : vector<16xf32> to vector<1x16xf32>
      tpu.vector_store %arg12[%swap3A_2398, %swap3A_2399], %swap3A_2402 {strides = array<i32>} : memref<8x64xf32, #tpu.memory_space<vmem>>, vector<1x16xf32>,
      %mul3A_2403 = arith.constant 8 : i32
      %mul3A_2404 = arith.muli %add3A_11, %mul3A_2403 : i32
      %add3A_2405 = arith.constant 4 : i32
      %add3A_2406 = arith.addi %mul3A_2404, %add3A_2405 : i32
      %get3A_2407 = arith.index_cast %add3A_2406 : i32 to index
      %get3A_2408 = arith.constant 0 : index
      %get3A_2409 = tpu.vector_load %arg9[%get3A_2407, %get3A_2408] {strides = array<i32>} : memref<512x16xf32, #tpu.memory_space<vmem>>, vector<1x16xf32>,
      %get3A_2410 = vector.shape_cast %get3A_2409 : vector<1x16xf32> to vector<16xf32>
      %broadcast_in_dim3A_2411 = arith.constant 0.000000e+00 : f32
      %broadcast_in_dim3A_2412 = vector.broadcast %broadcast_in_dim3A_2411 : f32 to vector<16xf32>
      %broadcast_in_dim3A_2413 = arith.constant 0.000000e+00 : f32
      %broadcast_in_dim3A_2414 = vector.broadcast %broadcast_in_dim3A_2413 : f32 to vector<16xf32>
      %broadcast_in_dim3A_2415 = arith.constant 0.000000e+00 : f32
      %broadcast_in_dim3A_2416 = vector.broadcast %broadcast_in_dim3A_2415 : f32 to vector<16xf32>
      %broadcast_in_dim3A_2417 = arith.constant 0.000000e+00 : f32
      %broadcast_in_dim3A_2418 = vector.broadcast %broadcast_in_dim3A_2417 : f32 to vector<16xf32>
      %slice3A_2419 = vector.extract_strided_slice %get3A_2410 {offsets = [0], sizes = [1], strides = [1]} : vector<16xf32> to vector<1xf32>
      %squeeze3A_2420 = vector.extract %slice3A_2419[0] : f32 from vector<1xf32>
      %get3A_2421 = arith.constant 64 : i32
      %get3A_2422 = arith.index_cast %get3A_2421 : i32 to index
      %get3A_2423 = arith.constant 0 : index
      %get3A_2424 = tpu.vector_load %arg11[%get3A_2422, %get3A_2423] {strides = array<i32>} : memref<128x64xf32, #tpu.memory_space<vmem>>, vector<1x16xf32>,
      %get3A_2425 = vector.shape_cast %get3A_2424 : vector<1x16xf32> to vector<16xf32>
      %mul3A_2426 = vector.broadcast %squeeze3A_2420 : f32 to vector<16xf32>
      %mul3A_2427 = arith.mulf %mul3A_2426, %get3A_2425 : vector<16xf32>
      %add3A_2428 = arith.addf %broadcast_in_dim3A_2412, %mul3A_2427 : vector<16xf32>
      %get3A_2429 = arith.constant 64 : i32
      %get3A_2430 = arith.index_cast %get3A_2429 : i32 to index
      %get3A_2431 = arith.constant 16 : index
      %get3A_2432 = tpu.vector_load %arg11[%get3A_2430, %get3A_2431] {strides = array<i32>} : memref<128x64xf32, #tpu.memory_space<vmem>>, vector<1x16xf32>,
      %get3A_2433 = vector.shape_cast %get3A_2432 : vector<1x16xf32> to vector<16xf32>
      %mul3A_2434 = vector.broadcast %squeeze3A_2420 : f32 to vector<16xf32>
      %mul3A_2435 = arith.mulf %mul3A_2434, %get3A_2433 : vector<16xf32>
      %add3A_2436 = arith.addf %broadcast_in_dim3A_2414, %mul3A_2435 : vector<16xf32>
      %get3A_2437 = arith.constant 64 : i32
      %get3A_2438 = arith.index_cast %get3A_2437 : i32 to index
      %get3A_2439 = arith.constant 32 : index
      %get3A_2440 = tpu.vector_load %arg11[%get3A_2438, %get3A_2439] {strides = array<i32>} : memref<128x64xf32, #tpu.memory_space<vmem>>, vector<1x16xf32>,
      %get3A_2441 = vector.shape_cast %get3A_2440 : vector<1x16xf32> to vector<16xf32>
      %mul3A_2442 = vector.broadcast %squeeze3A_2420 : f32 to vector<16xf32>
      %mul3A_2443 = arith.mulf %mul3A_2442, %get3A_2441 : vector<16xf32>
      %add3A_2444 = arith.addf %broadcast_in_dim3A_2416, %mul3A_2443 : vector<16xf32>
      %get3A_2445 = arith.constant 64 : i32
      %get3A_2446 = arith.index_cast %get3A_2445 : i32 to index
      %get3A_2447 = arith.constant 48 : index
      %get3A_2448 = tpu.vector_load %arg11[%get3A_2446, %get3A_2447] {strides = array<i32>} : memref<128x64xf32, #tpu.memory_space<vmem>>, vector<1x16xf32>,
      %get3A_2449 = vector.shape_cast %get3A_2448 : vector<1x16xf32> to vector<16xf32>
      %mul3A_2450 = vector.broadcast %squeeze3A_2420 : f32 to vector<16xf32>
      %mul3A_2451 = arith.mulf %mul3A_2450, %get3A_2449 : vector<16xf32>
      %add3A_2452 = arith.addf %broadcast_in_dim3A_2418, %mul3A_2451 : vector<16xf32>
      %slice3A_2453 = vector.extract_strided_slice %get3A_2410 {offsets = [1], sizes = [1], strides = [1]} : vector<16xf32> to vector<1xf32>
      %squeeze3A_2454 = vector.extract %slice3A_2453[0] : f32 from vector<1xf32>
      %get3A_2455 = arith.constant 65 : i32
      %get3A_2456 = arith.index_cast %get3A_2455 : i32 to index
      %get3A_2457 = arith.constant 0 : index
      %get3A_2458 = tpu.vector_load %arg11[%get3A_2456, %get3A_2457] {strides = array<i32>} : memref<128x64xf32, #tpu.memory_space<vmem>>, vector<1x16xf32>,
      %get3A_2459 = vector.shape_cast %get3A_2458 : vector<1x16xf32> to vector<16xf32>
      %mul3A_2460 = vector.broadcast %squeeze3A_2454 : f32 to vector<16xf32>
      %mul3A_2461 = arith.mulf %mul3A_2460, %get3A_2459 : vector<16xf32>
      %add3A_2462 = arith.addf %add3A_2428, %mul3A_2461 : vector<16xf32>
      %get3A_2463 = arith.constant 65 : i32
      %get3A_2464 = arith.index_cast %get3A_2463 : i32 to index
      %get3A_2465 = arith.constant 16 : index
      %get3A_2466 = tpu.vector_load %arg11[%get3A_2464, %get3A_2465] {strides = array<i32>} : memref<128x64xf32, #tpu.memory_space<vmem>>, vector<1x16xf32>,
      %get3A_2467 = vector.shape_cast %get3A_2466 : vector<1x16xf32> to vector<16xf32>
      %mul3A_2468 = vector.broadcast %squeeze3A_2454 : f32 to vector<16xf32>
      %mul3A_2469 = arith.mulf %mul3A_2468, %get3A_2467 : vector<16xf32>
      %add3A_2470 = arith.addf %add3A_2436, %mul3A_2469 : vector<16xf32>
      %get3A_2471 = arith.constant 65 : i32
      %get3A_2472 = arith.index_cast %get3A_2471 : i32 to index
      %get3A_2473 = arith.constant 32 : index
      %get3A_2474 = tpu.vector_load %arg11[%get3A_2472, %get3A_2473] {strides = array<i32>} : memref<128x64xf32, #tpu.memory_space<vmem>>, vector<1x16xf32>,
      %get3A_2475 = vector.shape_cast %get3A_2474 : vector<1x16xf32> to vector<16xf32>
      %mul3A_2476 = vector.broadcast %squeeze3A_2454 : f32 to vector<16xf32>
      %mul3A_2477 = arith.mulf %mul3A_2476, %get3A_2475 : vector<16xf32>
      %add3A_2478 = arith.addf %add3A_2444, %mul3A_2477 : vector<16xf32>
      %get3A_2479 = arith.constant 65 : i32
      %get3A_2480 = arith.index_cast %get3A_2479 : i32 to index
      %get3A_2481 = arith.constant 48 : index
      %get3A_2482 = tpu.vector_load %arg11[%get3A_2480, %get3A_2481] {strides = array<i32>} : memref<128x64xf32, #tpu.memory_space<vmem>>, vector<1x16xf32>,
      %get3A_2483 = vector.shape_cast %get3A_2482 : vector<1x16xf32> to vector<16xf32>
      %mul3A_2484 = vector.broadcast %squeeze3A_2454 : f32 to vector<16xf32>
      %mul3A_2485 = arith.mulf %mul3A_2484, %get3A_2483 : vector<16xf32>
      %add3A_2486 = arith.addf %add3A_2452, %mul3A_2485 : vector<16xf32>
      %slice3A_2487 = vector.extract_strided_slice %get3A_2410 {offsets = [2], sizes = [1], strides = [1]} : vector<16xf32> to vector<1xf32>
      %squeeze3A_2488 = vector.extract %slice3A_2487[0] : f32 from vector<1xf32>
      %get3A_2489 = arith.constant 66 : i32
      %get3A_2490 = arith.index_cast %get3A_2489 : i32 to index
      %get3A_2491 = arith.constant 0 : index
      %get3A_2492 = tpu.vector_load %arg11[%get3A_2490, %get3A_2491] {strides = array<i32>} : memref<128x64xf32, #tpu.memory_space<vmem>>, vector<1x16xf32>,
      %get3A_2493 = vector.shape_cast %get3A_2492 : vector<1x16xf32> to vector<16xf32>
      %mul3A_2494 = vector.broadcast %squeeze3A_2488 : f32 to vector<16xf32>
      %mul3A_2495 = arith.mulf %mul3A_2494, %get3A_2493 : vector<16xf32>
      %add3A_2496 = arith.addf %add3A_2462, %mul3A_2495 : vector<16xf32>
      %get3A_2497 = arith.constant 66 : i32
      %get3A_2498 = arith.index_cast %get3A_2497 : i32 to index
      %get3A_2499 = arith.constant 16 : index
      %get3A_2500 = tpu.vector_load %arg11[%get3A_2498, %get3A_2499] {strides = array<i32>} : memref<128x64xf32, #tpu.memory_space<vmem>>, vector<1x16xf32>,
      %get3A_2501 = vector.shape_cast %get3A_2500 : vector<1x16xf32> to vector<16xf32>
      %mul3A_2502 = vector.broadcast %squeeze3A_2488 : f32 to vector<16xf32>
      %mul3A_2503 = arith.mulf %mul3A_2502, %get3A_2501 : vector<16xf32>
      %add3A_2504 = arith.addf %add3A_2470, %mul3A_2503 : vector<16xf32>
      %get3A_2505 = arith.constant 66 : i32
      %get3A_2506 = arith.index_cast %get3A_2505 : i32 to index
      %get3A_2507 = arith.constant 32 : index
      %get3A_2508 = tpu.vector_load %arg11[%get3A_2506, %get3A_2507] {strides = array<i32>} : memref<128x64xf32, #tpu.memory_space<vmem>>, vector<1x16xf32>,
      %get3A_2509 = vector.shape_cast %get3A_2508 : vector<1x16xf32> to vector<16xf32>
      %mul3A_2510 = vector.broadcast %squeeze3A_2488 : f32 to vector<16xf32>
      %mul3A_2511 = arith.mulf %mul3A_2510, %get3A_2509 : vector<16xf32>
      %add3A_2512 = arith.addf %add3A_2478, %mul3A_2511 : vector<16xf32>
      %get3A_2513 = arith.constant 66 : i32
      %get3A_2514 = arith.index_cast %get3A_2513 : i32 to index
      %get3A_2515 = arith.constant 48 : index
      %get3A_2516 = tpu.vector_load %arg11[%get3A_2514, %get3A_2515] {strides = array<i32>} : memref<128x64xf32, #tpu.memory_space<vmem>>, vector<1x16xf32>,
      %get3A_2517 = vector.shape_cast %get3A_2516 : vector<1x16xf32> to vector<16xf32>
      %mul3A_2518 = vector.broadcast %squeeze3A_2488 : f32 to vector<16xf32>
      %mul3A_2519 = arith.mulf %mul3A_2518, %get3A_2517 : vector<16xf32>
      %add3A_2520 = arith.addf %add3A_2486, %mul3A_2519 : vector<16xf32>
      %slice3A_2521 = vector.extract_strided_slice %get3A_2410 {offsets = [3], sizes = [1], strides = [1]} : vector<16xf32> to vector<1xf32>
      %squeeze3A_2522 = vector.extract %slice3A_2521[0] : f32 from vector<1xf32>
      %get3A_2523 = arith.constant 67 : i32
      %get3A_2524 = arith.index_cast %get3A_2523 : i32 to index
      %get3A_2525 = arith.constant 0 : index
      %get3A_2526 = tpu.vector_load %arg11[%get3A_2524, %get3A_2525] {strides = array<i32>} : memref<128x64xf32, #tpu.memory_space<vmem>>, vector<1x16xf32>,
      %get3A_2527 = vector.shape_cast %get3A_2526 : vector<1x16xf32> to vector<16xf32>
      %mul3A_2528 = vector.broadcast %squeeze3A_2522 : f32 to vector<16xf32>
      %mul3A_2529 = arith.mulf %mul3A_2528, %get3A_2527 : vector<16xf32>
      %add3A_2530 = arith.addf %add3A_2496, %mul3A_2529 : vector<16xf32>
      %get3A_2531 = arith.constant 67 : i32
      %get3A_2532 = arith.index_cast %get3A_2531 : i32 to index
      %get3A_2533 = arith.constant 16 : index
      %get3A_2534 = tpu.vector_load %arg11[%get3A_2532, %get3A_2533] {strides = array<i32>} : memref<128x64xf32, #tpu.memory_space<vmem>>, vector<1x16xf32>,
      %get3A_2535 = vector.shape_cast %get3A_2534 : vector<1x16xf32> to vector<16xf32>
      %mul3A_2536 = vector.broadcast %squeeze3A_2522 : f32 to vector<16xf32>
      %mul3A_2537 = arith.mulf %mul3A_2536, %get3A_2535 : vector<16xf32>
      %add3A_2538 = arith.addf %add3A_2504, %mul3A_2537 : vector<16xf32>
      %get3A_2539 = arith.constant 67 : i32
      %get3A_2540 = arith.index_cast %get3A_2539 : i32 to index
      %get3A_2541 = arith.constant 32 : index
      %get3A_2542 = tpu.vector_load %arg11[%get3A_2540, %get3A_2541] {strides = array<i32>} : memref<128x64xf32, #tpu.memory_space<vmem>>, vector<1x16xf32>,
      %get3A_2543 = vector.shape_cast %get3A_2542 : vector<1x16xf32> to vector<16xf32>
      %mul3A_2544 = vector.broadcast %squeeze3A_2522 : f32 to vector<16xf32>
      %mul3A_2545 = arith.mulf %mul3A_2544, %get3A_2543 : vector<16xf32>
      %add3A_2546 = arith.addf %add3A_2512, %mul3A_2545 : vector<16xf32>
      %get3A_2547 = arith.constant 67 : i32
      %get3A_2548 = arith.index_cast %get3A_2547 : i32 to index
      %get3A_2549 = arith.constant 48 : index
      %get3A_2550 = tpu.vector_load %arg11[%get3A_2548, %get3A_2549] {strides = array<i32>} : memref<128x64xf32, #tpu.memory_space<vmem>>, vector<1x16xf32>,
      %get3A_2551 = vector.shape_cast %get3A_2550 : vector<1x16xf32> to vector<16xf32>
      %mul3A_2552 = vector.broadcast %squeeze3A_2522 : f32 to vector<16xf32>
      %mul3A_2553 = arith.mulf %mul3A_2552, %get3A_2551 : vector<16xf32>
      %add3A_2554 = arith.addf %add3A_2520, %mul3A_2553 : vector<16xf32>
      %slice3A_2555 = vector.extract_strided_slice %get3A_2410 {offsets = [4], sizes = [1], strides = [1]} : vector<16xf32> to vector<1xf32>
      %squeeze3A_2556 = vector.extract %slice3A_2555[0] : f32 from vector<1xf32>
      %get3A_2557 = arith.constant 68 : i32
      %get3A_2558 = arith.index_cast %get3A_2557 : i32 to index
      %get3A_2559 = arith.constant 0 : index
      %get3A_2560 = tpu.vector_load %arg11[%get3A_2558, %get3A_2559] {strides = array<i32>} : memref<128x64xf32, #tpu.memory_space<vmem>>, vector<1x16xf32>,
      %get3A_2561 = vector.shape_cast %get3A_2560 : vector<1x16xf32> to vector<16xf32>
      %mul3A_2562 = vector.broadcast %squeeze3A_2556 : f32 to vector<16xf32>
      %mul3A_2563 = arith.mulf %mul3A_2562, %get3A_2561 : vector<16xf32>
      %add3A_2564 = arith.addf %add3A_2530, %mul3A_2563 : vector<16xf32>
      %get3A_2565 = arith.constant 68 : i32
      %get3A_2566 = arith.index_cast %get3A_2565 : i32 to index
      %get3A_2567 = arith.constant 16 : index
      %get3A_2568 = tpu.vector_load %arg11[%get3A_2566, %get3A_2567] {strides = array<i32>} : memref<128x64xf32, #tpu.memory_space<vmem>>, vector<1x16xf32>,
      %get3A_2569 = vector.shape_cast %get3A_2568 : vector<1x16xf32> to vector<16xf32>
      %mul3A_2570 = vector.broadcast %squeeze3A_2556 : f32 to vector<16xf32>
      %mul3A_2571 = arith.mulf %mul3A_2570, %get3A_2569 : vector<16xf32>
      %add3A_2572 = arith.addf %add3A_2538, %mul3A_2571 : vector<16xf32>
      %get3A_2573 = arith.constant 68 : i32
      %get3A_2574 = arith.index_cast %get3A_2573 : i32 to index
      %get3A_2575 = arith.constant 32 : index
      %get3A_2576 = tpu.vector_load %arg11[%get3A_2574, %get3A_2575] {strides = array<i32>} : memref<128x64xf32, #tpu.memory_space<vmem>>, vector<1x16xf32>,
      %get3A_2577 = vector.shape_cast %get3A_2576 : vector<1x16xf32> to vector<16xf32>
      %mul3A_2578 = vector.broadcast %squeeze3A_2556 : f32 to vector<16xf32>
      %mul3A_2579 = arith.mulf %mul3A_2578, %get3A_2577 : vector<16xf32>
      %add3A_2580 = arith.addf %add3A_2546, %mul3A_2579 : vector<16xf32>
      %get3A_2581 = arith.constant 68 : i32
      %get3A_2582 = arith.index_cast %get3A_2581 : i32 to index
      %get3A_2583 = arith.constant 48 : index
      %get3A_2584 = tpu.vector_load %arg11[%get3A_2582, %get3A_2583] {strides = array<i32>} : memref<128x64xf32, #tpu.memory_space<vmem>>, vector<1x16xf32>,
      %get3A_2585 = vector.shape_cast %get3A_2584 : vector<1x16xf32> to vector<16xf32>
      %mul3A_2586 = vector.broadcast %squeeze3A_2556 : f32 to vector<16xf32>
      %mul3A_2587 = arith.mulf %mul3A_2586, %get3A_2585 : vector<16xf32>
      %add3A_2588 = arith.addf %add3A_2554, %mul3A_2587 : vector<16xf32>
      %slice3A_2589 = vector.extract_strided_slice %get3A_2410 {offsets = [5], sizes = [1], strides = [1]} : vector<16xf32> to vector<1xf32>
      %squeeze3A_2590 = vector.extract %slice3A_2589[0] : f32 from vector<1xf32>
      %get3A_2591 = arith.constant 69 : i32
      %get3A_2592 = arith.index_cast %get3A_2591 : i32 to index
      %get3A_2593 = arith.constant 0 : index
      %get3A_2594 = tpu.vector_load %arg11[%get3A_2592, %get3A_2593] {strides = array<i32>} : memref<128x64xf32, #tpu.memory_space<vmem>>, vector<1x16xf32>,
      %get3A_2595 = vector.shape_cast %get3A_2594 : vector<1x16xf32> to vector<16xf32>
      %mul3A_2596 = vector.broadcast %squeeze3A_2590 : f32 to vector<16xf32>
      %mul3A_2597 = arith.mulf %mul3A_2596, %get3A_2595 : vector<16xf32>
      %add3A_2598 = arith.addf %add3A_2564, %mul3A_2597 : vector<16xf32>
      %get3A_2599 = arith.constant 69 : i32
      %get3A_2600 = arith.index_cast %get3A_2599 : i32 to index
      %get3A_2601 = arith.constant 16 : index
      %get3A_2602 = tpu.vector_load %arg11[%get3A_2600, %get3A_2601] {strides = array<i32>} : memref<128x64xf32, #tpu.memory_space<vmem>>, vector<1x16xf32>,
      %get3A_2603 = vector.shape_cast %get3A_2602 : vector<1x16xf32> to vector<16xf32>
      %mul3A_2604 = vector.broadcast %squeeze3A_2590 : f32 to vector<16xf32>
      %mul3A_2605 = arith.mulf %mul3A_2604, %get3A_2603 : vector<16xf32>
      %add3A_2606 = arith.addf %add3A_2572, %mul3A_2605 : vector<16xf32>
      %get3A_2607 = arith.constant 69 : i32
      %get3A_2608 = arith.index_cast %get3A_2607 : i32 to index
      %get3A_2609 = arith.constant 32 : index
      %get3A_2610 = tpu.vector_load %arg11[%get3A_2608, %get3A_2609] {strides = array<i32>} : memref<128x64xf32, #tpu.memory_space<vmem>>, vector<1x16xf32>,
      %get3A_2611 = vector.shape_cast %get3A_2610 : vector<1x16xf32> to vector<16xf32>
      %mul3A_2612 = vector.broadcast %squeeze3A_2590 : f32 to vector<16xf32>
      %mul3A_2613 = arith.mulf %mul3A_2612, %get3A_2611 : vector<16xf32>
      %add3A_2614 = arith.addf %add3A_2580, %mul3A_2613 : vector<16xf32>
      %get3A_2615 = arith.constant 69 : i32
      %get3A_2616 = arith.index_cast %get3A_2615 : i32 to index
      %get3A_2617 = arith.constant 48 : index
      %get3A_2618 = tpu.vector_load %arg11[%get3A_2616, %get3A_2617] {strides = array<i32>} : memref<128x64xf32, #tpu.memory_space<vmem>>, vector<1x16xf32>,
      %get3A_2619 = vector.shape_cast %get3A_2618 : vector<1x16xf32> to vector<16xf32>
      %mul3A_2620 = vector.broadcast %squeeze3A_2590 : f32 to vector<16xf32>
      %mul3A_2621 = arith.mulf %mul3A_2620, %get3A_2619 : vector<16xf32>
      %add3A_2622 = arith.addf %add3A_2588, %mul3A_2621 : vector<16xf32>
      %slice3A_2623 = vector.extract_strided_slice %get3A_2410 {offsets = [6], sizes = [1], strides = [1]} : vector<16xf32> to vector<1xf32>
      %squeeze3A_2624 = vector.extract %slice3A_2623[0] : f32 from vector<1xf32>
      %get3A_2625 = arith.constant 70 : i32
      %get3A_2626 = arith.index_cast %get3A_2625 : i32 to index
      %get3A_2627 = arith.constant 0 : index
      %get3A_2628 = tpu.vector_load %arg11[%get3A_2626, %get3A_2627] {strides = array<i32>} : memref<128x64xf32, #tpu.memory_space<vmem>>, vector<1x16xf32>,
      %get3A_2629 = vector.shape_cast %get3A_2628 : vector<1x16xf32> to vector<16xf32>
      %mul3A_2630 = vector.broadcast %squeeze3A_2624 : f32 to vector<16xf32>
      %mul3A_2631 = arith.mulf %mul3A_2630, %get3A_2629 : vector<16xf32>
      %add3A_2632 = arith.addf %add3A_2598, %mul3A_2631 : vector<16xf32>
      %get3A_2633 = arith.constant 70 : i32
      %get3A_2634 = arith.index_cast %get3A_2633 : i32 to index
      %get3A_2635 = arith.constant 16 : index
      %get3A_2636 = tpu.vector_load %arg11[%get3A_2634, %get3A_2635] {strides = array<i32>} : memref<128x64xf32, #tpu.memory_space<vmem>>, vector<1x16xf32>,
      %get3A_2637 = vector.shape_cast %get3A_2636 : vector<1x16xf32> to vector<16xf32>
      %mul3A_2638 = vector.broadcast %squeeze3A_2624 : f32 to vector<16xf32>
      %mul3A_2639 = arith.mulf %mul3A_2638, %get3A_2637 : vector<16xf32>
      %add3A_2640 = arith.addf %add3A_2606, %mul3A_2639 : vector<16xf32>
      %get3A_2641 = arith.constant 70 : i32
      %get3A_2642 = arith.index_cast %get3A_2641 : i32 to index
      %get3A_2643 = arith.constant 32 : index
      %get3A_2644 = tpu.vector_load %arg11[%get3A_2642, %get3A_2643] {strides = array<i32>} : memref<128x64xf32, #tpu.memory_space<vmem>>, vector<1x16xf32>,
      %get3A_2645 = vector.shape_cast %get3A_2644 : vector<1x16xf32> to vector<16xf32>
      %mul3A_2646 = vector.broadcast %squeeze3A_2624 : f32 to vector<16xf32>
      %mul3A_2647 = arith.mulf %mul3A_2646, %get3A_2645 : vector<16xf32>
      %add3A_2648 = arith.addf %add3A_2614, %mul3A_2647 : vector<16xf32>
      %get3A_2649 = arith.constant 70 : i32
      %get3A_2650 = arith.index_cast %get3A_2649 : i32 to index
      %get3A_2651 = arith.constant 48 : index
      %get3A_2652 = tpu.vector_load %arg11[%get3A_2650, %get3A_2651] {strides = array<i32>} : memref<128x64xf32, #tpu.memory_space<vmem>>, vector<1x16xf32>,
      %get3A_2653 = vector.shape_cast %get3A_2652 : vector<1x16xf32> to vector<16xf32>
      %mul3A_2654 = vector.broadcast %squeeze3A_2624 : f32 to vector<16xf32>
      %mul3A_2655 = arith.mulf %mul3A_2654, %get3A_2653 : vector<16xf32>
      %add3A_2656 = arith.addf %add3A_2622, %mul3A_2655 : vector<16xf32>
      %slice3A_2657 = vector.extract_strided_slice %get3A_2410 {offsets = [7], sizes = [1], strides = [1]} : vector<16xf32> to vector<1xf32>
      %squeeze3A_2658 = vector.extract %slice3A_2657[0] : f32 from vector<1xf32>
      %get3A_2659 = arith.constant 71 : i32
      %get3A_2660 = arith.index_cast %get3A_2659 : i32 to index
      %get3A_2661 = arith.constant 0 : index
      %get3A_2662 = tpu.vector_load %arg11[%get3A_2660, %get3A_2661] {strides = array<i32>} : memref<128x64xf32, #tpu.memory_space<vmem>>, vector<1x16xf32>,
      %get3A_2663 = vector.shape_cast %get3A_2662 : vector<1x16xf32> to vector<16xf32>
      %mul3A_2664 = vector.broadcast %squeeze3A_2658 : f32 to vector<16xf32>
      %mul3A_2665 = arith.mulf %mul3A_2664, %get3A_2663 : vector<16xf32>
      %add3A_2666 = arith.addf %add3A_2632, %mul3A_2665 : vector<16xf32>
      %get3A_2667 = arith.constant 71 : i32
      %get3A_2668 = arith.index_cast %get3A_2667 : i32 to index
      %get3A_2669 = arith.constant 16 : index
      %get3A_2670 = tpu.vector_load %arg11[%get3A_2668, %get3A_2669] {strides = array<i32>} : memref<128x64xf32, #tpu.memory_space<vmem>>, vector<1x16xf32>,
      %get3A_2671 = vector.shape_cast %get3A_2670 : vector<1x16xf32> to vector<16xf32>
      %mul3A_2672 = vector.broadcast %squeeze3A_2658 : f32 to vector<16xf32>
      %mul3A_2673 = arith.mulf %mul3A_2672, %get3A_2671 : vector<16xf32>
      %add3A_2674 = arith.addf %add3A_2640, %mul3A_2673 : vector<16xf32>
      %get3A_2675 = arith.constant 71 : i32
      %get3A_2676 = arith.index_cast %get3A_2675 : i32 to index
      %get3A_2677 = arith.constant 32 : index
      %get3A_2678 = tpu.vector_load %arg11[%get3A_2676, %get3A_2677] {strides = array<i32>} : memref<128x64xf32, #tpu.memory_space<vmem>>, vector<1x16xf32>,
      %get3A_2679 = vector.shape_cast %get3A_2678 : vector<1x16xf32> to vector<16xf32>
      %mul3A_2680 = vector.broadcast %squeeze3A_2658 : f32 to vector<16xf32>
      %mul3A_2681 = arith.mulf %mul3A_2680, %get3A_2679 : vector<16xf32>
      %add3A_2682 = arith.addf %add3A_2648, %mul3A_2681 : vector<16xf32>
      %get3A_2683 = arith.constant 71 : i32
      %get3A_2684 = arith.index_cast %get3A_2683 : i32 to index
      %get3A_2685 = arith.constant 48 : index
      %get3A_2686 = tpu.vector_load %arg11[%get3A_2684, %get3A_2685] {strides = array<i32>} : memref<128x64xf32, #tpu.memory_space<vmem>>, vector<1x16xf32>,
      %get3A_2687 = vector.shape_cast %get3A_2686 : vector<1x16xf32> to vector<16xf32>
      %mul3A_2688 = vector.broadcast %squeeze3A_2658 : f32 to vector<16xf32>
      %mul3A_2689 = arith.mulf %mul3A_2688, %get3A_2687 : vector<16xf32>
      %add3A_2690 = arith.addf %add3A_2656, %mul3A_2689 : vector<16xf32>
      %slice3A_2691 = vector.extract_strided_slice %get3A_2410 {offsets = [8], sizes = [1], strides = [1]} : vector<16xf32> to vector<1xf32>
      %squeeze3A_2692 = vector.extract %slice3A_2691[0] : f32 from vector<1xf32>
      %get3A_2693 = arith.constant 72 : i32
      %get3A_2694 = arith.index_cast %get3A_2693 : i32 to index
      %get3A_2695 = arith.constant 0 : index
      %get3A_2696 = tpu.vector_load %arg11[%get3A_2694, %get3A_2695] {strides = array<i32>} : memref<128x64xf32, #tpu.memory_space<vmem>>, vector<1x16xf32>,
      %get3A_2697 = vector.shape_cast %get3A_2696 : vector<1x16xf32> to vector<16xf32>
      %mul3A_2698 = vector.broadcast %squeeze3A_2692 : f32 to vector<16xf32>
      %mul3A_2699 = arith.mulf %mul3A_2698, %get3A_2697 : vector<16xf32>
      %add3A_2700 = arith.addf %add3A_2666, %mul3A_2699 : vector<16xf32>
      %get3A_2701 = arith.constant 72 : i32
      %get3A_2702 = arith.index_cast %get3A_2701 : i32 to index
      %get3A_2703 = arith.constant 16 : index
      %get3A_2704 = tpu.vector_load %arg11[%get3A_2702, %get3A_2703] {strides = array<i32>} : memref<128x64xf32, #tpu.memory_space<vmem>>, vector<1x16xf32>,
      %get3A_2705 = vector.shape_cast %get3A_2704 : vector<1x16xf32> to vector<16xf32>
      %mul3A_2706 = vector.broadcast %squeeze3A_2692 : f32 to vector<16xf32>
      %mul3A_2707 = arith.mulf %mul3A_2706, %get3A_2705 : vector<16xf32>
      %add3A_2708 = arith.addf %add3A_2674, %mul3A_2707 : vector<16xf32>
      %get3A_2709 = arith.constant 72 : i32
      %get3A_2710 = arith.index_cast %get3A_2709 : i32 to index
      %get3A_2711 = arith.constant 32 : index
      %get3A_2712 = tpu.vector_load %arg11[%get3A_2710, %get3A_2711] {strides = array<i32>} : memref<128x64xf32, #tpu.memory_space<vmem>>, vector<1x16xf32>,
      %get3A_2713 = vector.shape_cast %get3A_2712 : vector<1x16xf32> to vector<16xf32>
      %mul3A_2714 = vector.broadcast %squeeze3A_2692 : f32 to vector<16xf32>
      %mul3A_2715 = arith.mulf %mul3A_2714, %get3A_2713 : vector<16xf32>
      %add3A_2716 = arith.addf %add3A_2682, %mul3A_2715 : vector<16xf32>
      %get3A_2717 = arith.constant 72 : i32
      %get3A_2718 = arith.index_cast %get3A_2717 : i32 to index
      %get3A_2719 = arith.constant 48 : index
      %get3A_2720 = tpu.vector_load %arg11[%get3A_2718, %get3A_2719] {strides = array<i32>} : memref<128x64xf32, #tpu.memory_space<vmem>>, vector<1x16xf32>,
      %get3A_2721 = vector.shape_cast %get3A_2720 : vector<1x16xf32> to vector<16xf32>
      %mul3A_2722 = vector.broadcast %squeeze3A_2692 : f32 to vector<16xf32>
      %mul3A_2723 = arith.mulf %mul3A_2722, %get3A_2721 : vector<16xf32>
      %add3A_2724 = arith.addf %add3A_2690, %mul3A_2723 : vector<16xf32>
      %slice3A_2725 = vector.extract_strided_slice %get3A_2410 {offsets = [9], sizes = [1], strides = [1]} : vector<16xf32> to vector<1xf32>
      %squeeze3A_2726 = vector.extract %slice3A_2725[0] : f32 from vector<1xf32>
      %get3A_2727 = arith.constant 73 : i32
      %get3A_2728 = arith.index_cast %get3A_2727 : i32 to index
      %get3A_2729 = arith.constant 0 : index
      %get3A_2730 = tpu.vector_load %arg11[%get3A_2728, %get3A_2729] {strides = array<i32>} : memref<128x64xf32, #tpu.memory_space<vmem>>, vector<1x16xf32>,
      %get3A_2731 = vector.shape_cast %get3A_2730 : vector<1x16xf32> to vector<16xf32>
      %mul3A_2732 = vector.broadcast %squeeze3A_2726 : f32 to vector<16xf32>
      %mul3A_2733 = arith.mulf %mul3A_2732, %get3A_2731 : vector<16xf32>
      %add3A_2734 = arith.addf %add3A_2700, %mul3A_2733 : vector<16xf32>
      %get3A_2735 = arith.constant 73 : i32
      %get3A_2736 = arith.index_cast %get3A_2735 : i32 to index
      %get3A_2737 = arith.constant 16 : index
      %get3A_2738 = tpu.vector_load %arg11[%get3A_2736, %get3A_2737] {strides = array<i32>} : memref<128x64xf32, #tpu.memory_space<vmem>>, vector<1x16xf32>,
      %get3A_2739 = vector.shape_cast %get3A_2738 : vector<1x16xf32> to vector<16xf32>
      %mul3A_2740 = vector.broadcast %squeeze3A_2726 : f32 to vector<16xf32>
      %mul3A_2741 = arith.mulf %mul3A_2740, %get3A_2739 : vector<16xf32>
      %add3A_2742 = arith.addf %add3A_2708, %mul3A_2741 : vector<16xf32>
      %get3A_2743 = arith.constant 73 : i32
      %get3A_2744 = arith.index_cast %get3A_2743 : i32 to index
      %get3A_2745 = arith.constant 32 : index
      %get3A_2746 = tpu.vector_load %arg11[%get3A_2744, %get3A_2745] {strides = array<i32>} : memref<128x64xf32, #tpu.memory_space<vmem>>, vector<1x16xf32>,
      %get3A_2747 = vector.shape_cast %get3A_2746 : vector<1x16xf32> to vector<16xf32>
      %mul3A_2748 = vector.broadcast %squeeze3A_2726 : f32 to vector<16xf32>
      %mul3A_2749 = arith.mulf %mul3A_2748, %get3A_2747 : vector<16xf32>
      %add3A_2750 = arith.addf %add3A_2716, %mul3A_2749 : vector<16xf32>
      %get3A_2751 = arith.constant 73 : i32
      %get3A_2752 = arith.index_cast %get3A_2751 : i32 to index
      %get3A_2753 = arith.constant 48 : index
      %get3A_2754 = tpu.vector_load %arg11[%get3A_2752, %get3A_2753] {strides = array<i32>} : memref<128x64xf32, #tpu.memory_space<vmem>>, vector<1x16xf32>,
      %get3A_2755 = vector.shape_cast %get3A_2754 : vector<1x16xf32> to vector<16xf32>
      %mul3A_2756 = vector.broadcast %squeeze3A_2726 : f32 to vector<16xf32>
      %mul3A_2757 = arith.mulf %mul3A_2756, %get3A_2755 : vector<16xf32>
      %add3A_2758 = arith.addf %add3A_2724, %mul3A_2757 : vector<16xf32>
      %slice3A_2759 = vector.extract_strided_slice %get3A_2410 {offsets = [10], sizes = [1], strides = [1]} : vector<16xf32> to vector<1xf32>
      %squeeze3A_2760 = vector.extract %slice3A_2759[0] : f32 from vector<1xf32>
      %get3A_2761 = arith.constant 74 : i32
      %get3A_2762 = arith.index_cast %get3A_2761 : i32 to index
      %get3A_2763 = arith.constant 0 : index
      %get3A_2764 = tpu.vector_load %arg11[%get3A_2762, %get3A_2763] {strides = array<i32>} : memref<128x64xf32, #tpu.memory_space<vmem>>, vector<1x16xf32>,
      %get3A_2765 = vector.shape_cast %get3A_2764 : vector<1x16xf32> to vector<16xf32>
      %mul3A_2766 = vector.broadcast %squeeze3A_2760 : f32 to vector<16xf32>
      %mul3A_2767 = arith.mulf %mul3A_2766, %get3A_2765 : vector<16xf32>
      %add3A_2768 = arith.addf %add3A_2734, %mul3A_2767 : vector<16xf32>
      %get3A_2769 = arith.constant 74 : i32
      %get3A_2770 = arith.index_cast %get3A_2769 : i32 to index
      %get3A_2771 = arith.constant 16 : index
      %get3A_2772 = tpu.vector_load %arg11[%get3A_2770, %get3A_2771] {strides = array<i32>} : memref<128x64xf32, #tpu.memory_space<vmem>>, vector<1x16xf32>,
      %get3A_2773 = vector.shape_cast %get3A_2772 : vector<1x16xf32> to vector<16xf32>
      %mul3A_2774 = vector.broadcast %squeeze3A_2760 : f32 to vector<16xf32>
      %mul3A_2775 = arith.mulf %mul3A_2774, %get3A_2773 : vector<16xf32>
      %add3A_2776 = arith.addf %add3A_2742, %mul3A_2775 : vector<16xf32>
      %get3A_2777 = arith.constant 74 : i32
      %get3A_2778 = arith.index_cast %get3A_2777 : i32 to index
      %get3A_2779 = arith.constant 32 : index
      %get3A_2780 = tpu.vector_load %arg11[%get3A_2778, %get3A_2779] {strides = array<i32>} : memref<128x64xf32, #tpu.memory_space<vmem>>, vector<1x16xf32>,
      %get3A_2781 = vector.shape_cast %get3A_2780 : vector<1x16xf32> to vector<16xf32>
      %mul3A_2782 = vector.broadcast %squeeze3A_2760 : f32 to vector<16xf32>
      %mul3A_2783 = arith.mulf %mul3A_2782, %get3A_2781 : vector<16xf32>
      %add3A_2784 = arith.addf %add3A_2750, %mul3A_2783 : vector<16xf32>
      %get3A_2785 = arith.constant 74 : i32
      %get3A_2786 = arith.index_cast %get3A_2785 : i32 to index
      %get3A_2787 = arith.constant 48 : index
      %get3A_2788 = tpu.vector_load %arg11[%get3A_2786, %get3A_2787] {strides = array<i32>} : memref<128x64xf32, #tpu.memory_space<vmem>>, vector<1x16xf32>,
      %get3A_2789 = vector.shape_cast %get3A_2788 : vector<1x16xf32> to vector<16xf32>
      %mul3A_2790 = vector.broadcast %squeeze3A_2760 : f32 to vector<16xf32>
      %mul3A_2791 = arith.mulf %mul3A_2790, %get3A_2789 : vector<16xf32>
      %add3A_2792 = arith.addf %add3A_2758, %mul3A_2791 : vector<16xf32>
      %slice3A_2793 = vector.extract_strided_slice %get3A_2410 {offsets = [11], sizes = [1], strides = [1]} : vector<16xf32> to vector<1xf32>
      %squeeze3A_2794 = vector.extract %slice3A_2793[0] : f32 from vector<1xf32>
      %get3A_2795 = arith.constant 75 : i32
      %get3A_2796 = arith.index_cast %get3A_2795 : i32 to index
      %get3A_2797 = arith.constant 0 : index
      %get3A_2798 = tpu.vector_load %arg11[%get3A_2796, %get3A_2797] {strides = array<i32>} : memref<128x64xf32, #tpu.memory_space<vmem>>, vector<1x16xf32>,
      %get3A_2799 = vector.shape_cast %get3A_2798 : vector<1x16xf32> to vector<16xf32>
      %mul3A_2800 = vector.broadcast %squeeze3A_2794 : f32 to vector<16xf32>
      %mul3A_2801 = arith.mulf %mul3A_2800, %get3A_2799 : vector<16xf32>
      %add3A_2802 = arith.addf %add3A_2768, %mul3A_2801 : vector<16xf32>
      %get3A_2803 = arith.constant 75 : i32
      %get3A_2804 = arith.index_cast %get3A_2803 : i32 to index
      %get3A_2805 = arith.constant 16 : index
      %get3A_2806 = tpu.vector_load %arg11[%get3A_2804, %get3A_2805] {strides = array<i32>} : memref<128x64xf32, #tpu.memory_space<vmem>>, vector<1x16xf32>,
      %get3A_2807 = vector.shape_cast %get3A_2806 : vector<1x16xf32> to vector<16xf32>
      %mul3A_2808 = vector.broadcast %squeeze3A_2794 : f32 to vector<16xf32>
      %mul3A_2809 = arith.mulf %mul3A_2808, %get3A_2807 : vector<16xf32>
      %add3A_2810 = arith.addf %add3A_2776, %mul3A_2809 : vector<16xf32>
      %get3A_2811 = arith.constant 75 : i32
      %get3A_2812 = arith.index_cast %get3A_2811 : i32 to index
      %get3A_2813 = arith.constant 32 : index
      %get3A_2814 = tpu.vector_load %arg11[%get3A_2812, %get3A_2813] {strides = array<i32>} : memref<128x64xf32, #tpu.memory_space<vmem>>, vector<1x16xf32>,
      %get3A_2815 = vector.shape_cast %get3A_2814 : vector<1x16xf32> to vector<16xf32>
      %mul3A_2816 = vector.broadcast %squeeze3A_2794 : f32 to vector<16xf32>
      %mul3A_2817 = arith.mulf %mul3A_2816, %get3A_2815 : vector<16xf32>
      %add3A_2818 = arith.addf %add3A_2784, %mul3A_2817 : vector<16xf32>
      %get3A_2819 = arith.constant 75 : i32
      %get3A_2820 = arith.index_cast %get3A_2819 : i32 to index
      %get3A_2821 = arith.constant 48 : index
      %get3A_2822 = tpu.vector_load %arg11[%get3A_2820, %get3A_2821] {strides = array<i32>} : memref<128x64xf32, #tpu.memory_space<vmem>>, vector<1x16xf32>,
      %get3A_2823 = vector.shape_cast %get3A_2822 : vector<1x16xf32> to vector<16xf32>
      %mul3A_2824 = vector.broadcast %squeeze3A_2794 : f32 to vector<16xf32>
      %mul3A_2825 = arith.mulf %mul3A_2824, %get3A_2823 : vector<16xf32>
      %add3A_2826 = arith.addf %add3A_2792, %mul3A_2825 : vector<16xf32>
      %slice3A_2827 = vector.extract_strided_slice %get3A_2410 {offsets = [12], sizes = [1], strides = [1]} : vector<16xf32> to vector<1xf32>
      %squeeze3A_2828 = vector.extract %slice3A_2827[0] : f32 from vector<1xf32>
      %get3A_2829 = arith.constant 76 : i32
      %get3A_2830 = arith.index_cast %get3A_2829 : i32 to index
      %get3A_2831 = arith.constant 0 : index
      %get3A_2832 = tpu.vector_load %arg11[%get3A_2830, %get3A_2831] {strides = array<i32>} : memref<128x64xf32, #tpu.memory_space<vmem>>, vector<1x16xf32>,
      %get3A_2833 = vector.shape_cast %get3A_2832 : vector<1x16xf32> to vector<16xf32>
      %mul3A_2834 = vector.broadcast %squeeze3A_2828 : f32 to vector<16xf32>
      %mul3A_2835 = arith.mulf %mul3A_2834, %get3A_2833 : vector<16xf32>
      %add3A_2836 = arith.addf %add3A_2802, %mul3A_2835 : vector<16xf32>
      %get3A_2837 = arith.constant 76 : i32
      %get3A_2838 = arith.index_cast %get3A_2837 : i32 to index
      %get3A_2839 = arith.constant 16 : index
      %get3A_2840 = tpu.vector_load %arg11[%get3A_2838, %get3A_2839] {strides = array<i32>} : memref<128x64xf32, #tpu.memory_space<vmem>>, vector<1x16xf32>,
      %get3A_2841 = vector.shape_cast %get3A_2840 : vector<1x16xf32> to vector<16xf32>
      %mul3A_2842 = vector.broadcast %squeeze3A_2828 : f32 to vector<16xf32>
      %mul3A_2843 = arith.mulf %mul3A_2842, %get3A_2841 : vector<16xf32>
      %add3A_2844 = arith.addf %add3A_2810, %mul3A_2843 : vector<16xf32>
      %get3A_2845 = arith.constant 76 : i32
      %get3A_2846 = arith.index_cast %get3A_2845 : i32 to index
      %get3A_2847 = arith.constant 32 : index
      %get3A_2848 = tpu.vector_load %arg11[%get3A_2846, %get3A_2847] {strides = array<i32>} : memref<128x64xf32, #tpu.memory_space<vmem>>, vector<1x16xf32>,
      %get3A_2849 = vector.shape_cast %get3A_2848 : vector<1x16xf32> to vector<16xf32>
      %mul3A_2850 = vector.broadcast %squeeze3A_2828 : f32 to vector<16xf32>
      %mul3A_2851 = arith.mulf %mul3A_2850, %get3A_2849 : vector<16xf32>
      %add3A_2852 = arith.addf %add3A_2818, %mul3A_2851 : vector<16xf32>
      %get3A_2853 = arith.constant 76 : i32
      %get3A_2854 = arith.index_cast %get3A_2853 : i32 to index
      %get3A_2855 = arith.constant 48 : index
      %get3A_2856 = tpu.vector_load %arg11[%get3A_2854, %get3A_2855] {strides = array<i32>} : memref<128x64xf32, #tpu.memory_space<vmem>>, vector<1x16xf32>,
      %get3A_2857 = vector.shape_cast %get3A_2856 : vector<1x16xf32> to vector<16xf32>
      %mul3A_2858 = vector.broadcast %squeeze3A_2828 : f32 to vector<16xf32>
      %mul3A_2859 = arith.mulf %mul3A_2858, %get3A_2857 : vector<16xf32>
      %add3A_2860 = arith.addf %add3A_2826, %mul3A_2859 : vector<16xf32>
      %slice3A_2861 = vector.extract_strided_slice %get3A_2410 {offsets = [13], sizes = [1], strides = [1]} : vector<16xf32> to vector<1xf32>
      %squeeze3A_2862 = vector.extract %slice3A_2861[0] : f32 from vector<1xf32>
      %get3A_2863 = arith.constant 77 : i32
      %get3A_2864 = arith.index_cast %get3A_2863 : i32 to index
      %get3A_2865 = arith.constant 0 : index
      %get3A_2866 = tpu.vector_load %arg11[%get3A_2864, %get3A_2865] {strides = array<i32>} : memref<128x64xf32, #tpu.memory_space<vmem>>, vector<1x16xf32>,
      %get3A_2867 = vector.shape_cast %get3A_2866 : vector<1x16xf32> to vector<16xf32>
      %mul3A_2868 = vector.broadcast %squeeze3A_2862 : f32 to vector<16xf32>
      %mul3A_2869 = arith.mulf %mul3A_2868, %get3A_2867 : vector<16xf32>
      %add3A_2870 = arith.addf %add3A_2836, %mul3A_2869 : vector<16xf32>
      %get3A_2871 = arith.constant 77 : i32
      %get3A_2872 = arith.index_cast %get3A_2871 : i32 to index
      %get3A_2873 = arith.constant 16 : index
      %get3A_2874 = tpu.vector_load %arg11[%get3A_2872, %get3A_2873] {strides = array<i32>} : memref<128x64xf32, #tpu.memory_space<vmem>>, vector<1x16xf32>,
      %get3A_2875 = vector.shape_cast %get3A_2874 : vector<1x16xf32> to vector<16xf32>
      %mul3A_2876 = vector.broadcast %squeeze3A_2862 : f32 to vector<16xf32>
      %mul3A_2877 = arith.mulf %mul3A_2876, %get3A_2875 : vector<16xf32>
      %add3A_2878 = arith.addf %add3A_2844, %mul3A_2877 : vector<16xf32>
      %get3A_2879 = arith.constant 77 : i32
      %get3A_2880 = arith.index_cast %get3A_2879 : i32 to index
      %get3A_2881 = arith.constant 32 : index
      %get3A_2882 = tpu.vector_load %arg11[%get3A_2880, %get3A_2881] {strides = array<i32>} : memref<128x64xf32, #tpu.memory_space<vmem>>, vector<1x16xf32>,
      %get3A_2883 = vector.shape_cast %get3A_2882 : vector<1x16xf32> to vector<16xf32>
      %mul3A_2884 = vector.broadcast %squeeze3A_2862 : f32 to vector<16xf32>
      %mul3A_2885 = arith.mulf %mul3A_2884, %get3A_2883 : vector<16xf32>
      %add3A_2886 = arith.addf %add3A_2852, %mul3A_2885 : vector<16xf32>
      %get3A_2887 = arith.constant 77 : i32
      %get3A_2888 = arith.index_cast %get3A_2887 : i32 to index
      %get3A_2889 = arith.constant 48 : index
      %get3A_2890 = tpu.vector_load %arg11[%get3A_2888, %get3A_2889] {strides = array<i32>} : memref<128x64xf32, #tpu.memory_space<vmem>>, vector<1x16xf32>,
      %get3A_2891 = vector.shape_cast %get3A_2890 : vector<1x16xf32> to vector<16xf32>
      %mul3A_2892 = vector.broadcast %squeeze3A_2862 : f32 to vector<16xf32>
      %mul3A_2893 = arith.mulf %mul3A_2892, %get3A_2891 : vector<16xf32>
      %add3A_2894 = arith.addf %add3A_2860, %mul3A_2893 : vector<16xf32>
      %slice3A_2895 = vector.extract_strided_slice %get3A_2410 {offsets = [14], sizes = [1], strides = [1]} : vector<16xf32> to vector<1xf32>
      %squeeze3A_2896 = vector.extract %slice3A_2895[0] : f32 from vector<1xf32>
      %get3A_2897 = arith.constant 78 : i32
      %get3A_2898 = arith.index_cast %get3A_2897 : i32 to index
      %get3A_2899 = arith.constant 0 : index
      %get3A_2900 = tpu.vector_load %arg11[%get3A_2898, %get3A_2899] {strides = array<i32>} : memref<128x64xf32, #tpu.memory_space<vmem>>, vector<1x16xf32>,
      %get3A_2901 = vector.shape_cast %get3A_2900 : vector<1x16xf32> to vector<16xf32>
      %mul3A_2902 = vector.broadcast %squeeze3A_2896 : f32 to vector<16xf32>
      %mul3A_2903 = arith.mulf %mul3A_2902, %get3A_2901 : vector<16xf32>
      %add3A_2904 = arith.addf %add3A_2870, %mul3A_2903 : vector<16xf32>
      %get3A_2905 = arith.constant 78 : i32
      %get3A_2906 = arith.index_cast %get3A_2905 : i32 to index
      %get3A_2907 = arith.constant 16 : index
      %get3A_2908 = tpu.vector_load %arg11[%get3A_2906, %get3A_2907] {strides = array<i32>} : memref<128x64xf32, #tpu.memory_space<vmem>>, vector<1x16xf32>,
      %get3A_2909 = vector.shape_cast %get3A_2908 : vector<1x16xf32> to vector<16xf32>
      %mul3A_2910 = vector.broadcast %squeeze3A_2896 : f32 to vector<16xf32>
      %mul3A_2911 = arith.mulf %mul3A_2910, %get3A_2909 : vector<16xf32>
      %add3A_2912 = arith.addf %add3A_2878, %mul3A_2911 : vector<16xf32>
      %get3A_2913 = arith.constant 78 : i32
      %get3A_2914 = arith.index_cast %get3A_2913 : i32 to index
      %get3A_2915 = arith.constant 32 : index
      %get3A_2916 = tpu.vector_load %arg11[%get3A_2914, %get3A_2915] {strides = array<i32>} : memref<128x64xf32, #tpu.memory_space<vmem>>, vector<1x16xf32>,
      %get3A_2917 = vector.shape_cast %get3A_2916 : vector<1x16xf32> to vector<16xf32>
      %mul3A_2918 = vector.broadcast %squeeze3A_2896 : f32 to vector<16xf32>
      %mul3A_2919 = arith.mulf %mul3A_2918, %get3A_2917 : vector<16xf32>
      %add3A_2920 = arith.addf %add3A_2886, %mul3A_2919 : vector<16xf32>
      %get3A_2921 = arith.constant 78 : i32
      %get3A_2922 = arith.index_cast %get3A_2921 : i32 to index
      %get3A_2923 = arith.constant 48 : index
      %get3A_2924 = tpu.vector_load %arg11[%get3A_2922, %get3A_2923] {strides = array<i32>} : memref<128x64xf32, #tpu.memory_space<vmem>>, vector<1x16xf32>,
      %get3A_2925 = vector.shape_cast %get3A_2924 : vector<1x16xf32> to vector<16xf32>
      %mul3A_2926 = vector.broadcast %squeeze3A_2896 : f32 to vector<16xf32>
      %mul3A_2927 = arith.mulf %mul3A_2926, %get3A_2925 : vector<16xf32>
      %add3A_2928 = arith.addf %add3A_2894, %mul3A_2927 : vector<16xf32>
      %slice3A_2929 = vector.extract_strided_slice %get3A_2410 {offsets = [15], sizes = [1], strides = [1]} : vector<16xf32> to vector<1xf32>
      %squeeze3A_2930 = vector.extract %slice3A_2929[0] : f32 from vector<1xf32>
      %get3A_2931 = arith.constant 79 : i32
      %get3A_2932 = arith.index_cast %get3A_2931 : i32 to index
      %get3A_2933 = arith.constant 0 : index
      %get3A_2934 = tpu.vector_load %arg11[%get3A_2932, %get3A_2933] {strides = array<i32>} : memref<128x64xf32, #tpu.memory_space<vmem>>, vector<1x16xf32>,
      %get3A_2935 = vector.shape_cast %get3A_2934 : vector<1x16xf32> to vector<16xf32>
      %mul3A_2936 = vector.broadcast %squeeze3A_2930 : f32 to vector<16xf32>
      %mul3A_2937 = arith.mulf %mul3A_2936, %get3A_2935 : vector<16xf32>
      %add3A_2938 = arith.addf %add3A_2904, %mul3A_2937 : vector<16xf32>
      %get3A_2939 = arith.constant 79 : i32
      %get3A_2940 = arith.index_cast %get3A_2939 : i32 to index
      %get3A_2941 = arith.constant 16 : index
      %get3A_2942 = tpu.vector_load %arg11[%get3A_2940, %get3A_2941] {strides = array<i32>} : memref<128x64xf32, #tpu.memory_space<vmem>>, vector<1x16xf32>,
      %get3A_2943 = vector.shape_cast %get3A_2942 : vector<1x16xf32> to vector<16xf32>
      %mul3A_2944 = vector.broadcast %squeeze3A_2930 : f32 to vector<16xf32>
      %mul3A_2945 = arith.mulf %mul3A_2944, %get3A_2943 : vector<16xf32>
      %add3A_2946 = arith.addf %add3A_2912, %mul3A_2945 : vector<16xf32>
      %get3A_2947 = arith.constant 79 : i32
      %get3A_2948 = arith.index_cast %get3A_2947 : i32 to index
      %get3A_2949 = arith.constant 32 : index
      %get3A_2950 = tpu.vector_load %arg11[%get3A_2948, %get3A_2949] {strides = array<i32>} : memref<128x64xf32, #tpu.memory_space<vmem>>, vector<1x16xf32>,
      %get3A_2951 = vector.shape_cast %get3A_2950 : vector<1x16xf32> to vector<16xf32>
      %mul3A_2952 = vector.broadcast %squeeze3A_2930 : f32 to vector<16xf32>
      %mul3A_2953 = arith.mulf %mul3A_2952, %get3A_2951 : vector<16xf32>
      %add3A_2954 = arith.addf %add3A_2920, %mul3A_2953 : vector<16xf32>
      %get3A_2955 = arith.constant 79 : i32
      %get3A_2956 = arith.index_cast %get3A_2955 : i32 to index
      %get3A_2957 = arith.constant 48 : index
      %get3A_2958 = tpu.vector_load %arg11[%get3A_2956, %get3A_2957] {strides = array<i32>} : memref<128x64xf32, #tpu.memory_space<vmem>>, vector<1x16xf32>,
      %get3A_2959 = vector.shape_cast %get3A_2958 : vector<1x16xf32> to vector<16xf32>
      %mul3A_2960 = vector.broadcast %squeeze3A_2930 : f32 to vector<16xf32>
      %mul3A_2961 = arith.mulf %mul3A_2960, %get3A_2959 : vector<16xf32>
      %add3A_2962 = arith.addf %add3A_2928, %mul3A_2961 : vector<16xf32>
      %slice3A_2963 = vector.extract_strided_slice %select_n3A {offsets = [4], sizes = [1], strides = [1]} : vector<16xf32> to vector<1xf32>
      %squeeze3A_2964 = vector.extract %slice3A_2963[0] : f32 from vector<1xf32>
      %mul3A_2965 = vector.broadcast %squeeze3A_2964 : f32 to vector<16xf32>
      %mul3A_2966 = arith.mulf %add3A_2938, %mul3A_2965 : vector<16xf32>
      %swap3A_2967 = arith.constant 4 : i32
      %swap3A_2968 = arith.index_cast %swap3A_2967 : i32 to index
      %swap3A_2969 = arith.constant 0 : index
      %swap3A_2970 = tpu.vector_load %arg12[%swap3A_2968, %swap3A_2969] {strides = array<i32>} : memref<8x64xf32, #tpu.memory_space<vmem>>, vector<1x16xf32>,
      %swap3A_2971 = vector.shape_cast %swap3A_2970 : vector<1x16xf32> to vector<16xf32>
      %swap3A_2972 = vector.shape_cast %mul3A_2966 : vector<16xf32> to vector<1x16xf32>
      tpu.vector_store %arg12[%swap3A_2968, %swap3A_2969], %swap3A_2972 {strides = array<i32>} : memref<8x64xf32, #tpu.memory_space<vmem>>, vector<1x16xf32>,
      %mul3A_2973 = vector.broadcast %squeeze3A_2964 : f32 to vector<16xf32>
      %mul3A_2974 = arith.mulf %add3A_2946, %mul3A_2973 : vector<16xf32>
      %swap3A_2975 = arith.constant 4 : i32
      %swap3A_2976 = arith.index_cast %swap3A_2975 : i32 to index
      %swap3A_2977 = arith.constant 16 : index
      %swap3A_2978 = tpu.vector_load %arg12[%swap3A_2976, %swap3A_2977] {strides = array<i32>} : memref<8x64xf32, #tpu.memory_space<vmem>>, vector<1x16xf32>,
      %swap3A_2979 = vector.shape_cast %swap3A_2978 : vector<1x16xf32> to vector<16xf32>
      %swap3A_2980 = vector.shape_cast %mul3A_2974 : vector<16xf32> to vector<1x16xf32>
      tpu.vector_store %arg12[%swap3A_2976, %swap3A_2977], %swap3A_2980 {strides = array<i32>} : memref<8x64xf32, #tpu.memory_space<vmem>>, vector<1x16xf32>,
      %mul3A_2981 = vector.broadcast %squeeze3A_2964 : f32 to vector<16xf32>
      %mul3A_2982 = arith.mulf %add3A_2954, %mul3A_2981 : vector<16xf32>
      %swap3A_2983 = arith.constant 4 : i32
      %swap3A_2984 = arith.index_cast %swap3A_2983 : i32 to index
      %swap3A_2985 = arith.constant 32 : index
      %swap3A_2986 = tpu.vector_load %arg12[%swap3A_2984, %swap3A_2985] {strides = array<i32>} : memref<8x64xf32, #tpu.memory_space<vmem>>, vector<1x16xf32>,
      %swap3A_2987 = vector.shape_cast %swap3A_2986 : vector<1x16xf32> to vector<16xf32>
      %swap3A_2988 = vector.shape_cast %mul3A_2982 : vector<16xf32> to vector<1x16xf32>
      tpu.vector_store %arg12[%swap3A_2984, %swap3A_2985], %swap3A_2988 {strides = array<i32>} : memref<8x64xf32, #tpu.memory_space<vmem>>, vector<1x16xf32>,
      %mul3A_2989 = vector.broadcast %squeeze3A_2964 : f32 to vector<16xf32>
      %mul3A_2990 = arith.mulf %add3A_2962, %mul3A_2989 : vector<16xf32>
      %swap3A_2991 = arith.constant 4 : i32
      %swap3A_2992 = arith.index_cast %swap3A_2991 : i32 to index
      %swap3A_2993 = arith.constant 48 : index
      %swap3A_2994 = tpu.vector_load %arg12[%swap3A_2992, %swap3A_2993] {strides = array<i32>} : memref<8x64xf32, #tpu.memory_space<vmem>>, vector<1x16xf32>,
      %swap3A_2995 = vector.shape_cast %swap3A_2994 : vector<1x16xf32> to vector<16xf32>
      %swap3A_2996 = vector.shape_cast %mul3A_2990 : vector<16xf32> to vector<1x16xf32>
      tpu.vector_store %arg12[%swap3A_2992, %swap3A_2993], %swap3A_2996 {strides = array<i32>} : memref<8x64xf32, #tpu.memory_space<vmem>>, vector<1x16xf32>,
      %mul3A_2997 = arith.constant 8 : i32
      %mul3A_2998 = arith.muli %add3A_11, %mul3A_2997 : i32
      %add3A_2999 = arith.constant 5 : i32
      %add3A_3000 = arith.addi %mul3A_2998, %add3A_2999 : i32
      %get3A_3001 = arith.index_cast %add3A_3000 : i32 to index
      %get3A_3002 = arith.constant 0 : index
      %get3A_3003 = tpu.vector_load %arg9[%get3A_3001, %get3A_3002] {strides = array<i32>} : memref<512x16xf32, #tpu.memory_space<vmem>>, vector<1x16xf32>,
      %get3A_3004 = vector.shape_cast %get3A_3003 : vector<1x16xf32> to vector<16xf32>
      %broadcast_in_dim3A_3005 = arith.constant 0.000000e+00 : f32
      %broadcast_in_dim3A_3006 = vector.broadcast %broadcast_in_dim3A_3005 : f32 to vector<16xf32>
      %broadcast_in_dim3A_3007 = arith.constant 0.000000e+00 : f32
      %broadcast_in_dim3A_3008 = vector.broadcast %broadcast_in_dim3A_3007 : f32 to vector<16xf32>
      %broadcast_in_dim3A_3009 = arith.constant 0.000000e+00 : f32
      %broadcast_in_dim3A_3010 = vector.broadcast %broadcast_in_dim3A_3009 : f32 to vector<16xf32>
      %broadcast_in_dim3A_3011 = arith.constant 0.000000e+00 : f32
      %broadcast_in_dim3A_3012 = vector.broadcast %broadcast_in_dim3A_3011 : f32 to vector<16xf32>
      %slice3A_3013 = vector.extract_strided_slice %get3A_3004 {offsets = [0], sizes = [1], strides = [1]} : vector<16xf32> to vector<1xf32>
      %squeeze3A_3014 = vector.extract %slice3A_3013[0] : f32 from vector<1xf32>
      %get3A_3015 = arith.constant 80 : i32
      %get3A_3016 = arith.index_cast %get3A_3015 : i32 to index
      %get3A_3017 = arith.constant 0 : index
      %get3A_3018 = tpu.vector_load %arg11[%get3A_3016, %get3A_3017] {strides = array<i32>} : memref<128x64xf32, #tpu.memory_space<vmem>>, vector<1x16xf32>,
      %get3A_3019 = vector.shape_cast %get3A_3018 : vector<1x16xf32> to vector<16xf32>
      %mul3A_3020 = vector.broadcast %squeeze3A_3014 : f32 to vector<16xf32>
      %mul3A_3021 = arith.mulf %mul3A_3020, %get3A_3019 : vector<16xf32>
      %add3A_3022 = arith.addf %broadcast_in_dim3A_3006, %mul3A_3021 : vector<16xf32>
      %get3A_3023 = arith.constant 80 : i32
      %get3A_3024 = arith.index_cast %get3A_3023 : i32 to index
      %get3A_3025 = arith.constant 16 : index
      %get3A_3026 = tpu.vector_load %arg11[%get3A_3024, %get3A_3025] {strides = array<i32>} : memref<128x64xf32, #tpu.memory_space<vmem>>, vector<1x16xf32>,
      %get3A_3027 = vector.shape_cast %get3A_3026 : vector<1x16xf32> to vector<16xf32>
      %mul3A_3028 = vector.broadcast %squeeze3A_3014 : f32 to vector<16xf32>
      %mul3A_3029 = arith.mulf %mul3A_3028, %get3A_3027 : vector<16xf32>
      %add3A_3030 = arith.addf %broadcast_in_dim3A_3008, %mul3A_3029 : vector<16xf32>
      %get3A_3031 = arith.constant 80 : i32
      %get3A_3032 = arith.index_cast %get3A_3031 : i32 to index
      %get3A_3033 = arith.constant 32 : index
      %get3A_3034 = tpu.vector_load %arg11[%get3A_3032, %get3A_3033] {strides = array<i32>} : memref<128x64xf32, #tpu.memory_space<vmem>>, vector<1x16xf32>,
      %get3A_3035 = vector.shape_cast %get3A_3034 : vector<1x16xf32> to vector<16xf32>
      %mul3A_3036 = vector.broadcast %squeeze3A_3014 : f32 to vector<16xf32>
      %mul3A_3037 = arith.mulf %mul3A_3036, %get3A_3035 : vector<16xf32>
      %add3A_3038 = arith.addf %broadcast_in_dim3A_3010, %mul3A_3037 : vector<16xf32>
      %get3A_3039 = arith.constant 80 : i32
      %get3A_3040 = arith.index_cast %get3A_3039 : i32 to index
      %get3A_3041 = arith.constant 48 : index
      %get3A_3042 = tpu.vector_load %arg11[%get3A_3040, %get3A_3041] {strides = array<i32>} : memref<128x64xf32, #tpu.memory_space<vmem>>, vector<1x16xf32>,
      %get3A_3043 = vector.shape_cast %get3A_3042 : vector<1x16xf32> to vector<16xf32>
      %mul3A_3044 = vector.broadcast %squeeze3A_3014 : f32 to vector<16xf32>
      %mul3A_3045 = arith.mulf %mul3A_3044, %get3A_3043 : vector<16xf32>
      %add3A_3046 = arith.addf %broadcast_in_dim3A_3012, %mul3A_3045 : vector<16xf32>
      %slice3A_3047 = vector.extract_strided_slice %get3A_3004 {offsets = [1], sizes = [1], strides = [1]} : vector<16xf32> to vector<1xf32>
      %squeeze3A_3048 = vector.extract %slice3A_3047[0] : f32 from vector<1xf32>
      %get3A_3049 = arith.constant 81 : i32
      %get3A_3050 = arith.index_cast %get3A_3049 : i32 to index
      %get3A_3051 = arith.constant 0 : index
      %get3A_3052 = tpu.vector_load %arg11[%get3A_3050, %get3A_3051] {strides = array<i32>} : memref<128x64xf32, #tpu.memory_space<vmem>>, vector<1x16xf32>,
      %get3A_3053 = vector.shape_cast %get3A_3052 : vector<1x16xf32> to vector<16xf32>
      %mul3A_3054 = vector.broadcast %squeeze3A_3048 : f32 to vector<16xf32>
      %mul3A_3055 = arith.mulf %mul3A_3054, %get3A_3053 : vector<16xf32>
      %add3A_3056 = arith.addf %add3A_3022, %mul3A_3055 : vector<16xf32>
      %get3A_3057 = arith.constant 81 : i32
      %get3A_3058 = arith.index_cast %get3A_3057 : i32 to index
      %get3A_3059 = arith.constant 16 : index
      %get3A_3060 = tpu.vector_load %arg11[%get3A_3058, %get3A_3059] {strides = array<i32>} : memref<128x64xf32, #tpu.memory_space<vmem>>, vector<1x16xf32>,
      %get3A_3061 = vector.shape_cast %get3A_3060 : vector<1x16xf32> to vector<16xf32>
      %mul3A_3062 = vector.broadcast %squeeze3A_3048 : f32 to vector<16xf32>
      %mul3A_3063 = arith.mulf %mul3A_3062, %get3A_3061 : vector<16xf32>
      %add3A_3064 = arith.addf %add3A_3030, %mul3A_3063 : vector<16xf32>
      %get3A_3065 = arith.constant 81 : i32
      %get3A_3066 = arith.index_cast %get3A_3065 : i32 to index
      %get3A_3067 = arith.constant 32 : index
      %get3A_3068 = tpu.vector_load %arg11[%get3A_3066, %get3A_3067] {strides = array<i32>} : memref<128x64xf32, #tpu.memory_space<vmem>>, vector<1x16xf32>,
      %get3A_3069 = vector.shape_cast %get3A_3068 : vector<1x16xf32> to vector<16xf32>
      %mul3A_3070 = vector.broadcast %squeeze3A_3048 : f32 to vector<16xf32>
      %mul3A_3071 = arith.mulf %mul3A_3070, %get3A_3069 : vector<16xf32>
      %add3A_3072 = arith.addf %add3A_3038, %mul3A_3071 : vector<16xf32>
      %get3A_3073 = arith.constant 81 : i32
      %get3A_3074 = arith.index_cast %get3A_3073 : i32 to index
      %get3A_3075 = arith.constant 48 : index
      %get3A_3076 = tpu.vector_load %arg11[%get3A_3074, %get3A_3075] {strides = array<i32>} : memref<128x64xf32, #tpu.memory_space<vmem>>, vector<1x16xf32>,
      %get3A_3077 = vector.shape_cast %get3A_3076 : vector<1x16xf32> to vector<16xf32>
      %mul3A_3078 = vector.broadcast %squeeze3A_3048 : f32 to vector<16xf32>
      %mul3A_3079 = arith.mulf %mul3A_3078, %get3A_3077 : vector<16xf32>
      %add3A_3080 = arith.addf %add3A_3046, %mul3A_3079 : vector<16xf32>
      %slice3A_3081 = vector.extract_strided_slice %get3A_3004 {offsets = [2], sizes = [1], strides = [1]} : vector<16xf32> to vector<1xf32>
      %squeeze3A_3082 = vector.extract %slice3A_3081[0] : f32 from vector<1xf32>
      %get3A_3083 = arith.constant 82 : i32
      %get3A_3084 = arith.index_cast %get3A_3083 : i32 to index
      %get3A_3085 = arith.constant 0 : index
      %get3A_3086 = tpu.vector_load %arg11[%get3A_3084, %get3A_3085] {strides = array<i32>} : memref<128x64xf32, #tpu.memory_space<vmem>>, vector<1x16xf32>,
      %get3A_3087 = vector.shape_cast %get3A_3086 : vector<1x16xf32> to vector<16xf32>
      %mul3A_3088 = vector.broadcast %squeeze3A_3082 : f32 to vector<16xf32>
      %mul3A_3089 = arith.mulf %mul3A_3088, %get3A_3087 : vector<16xf32>
      %add3A_3090 = arith.addf %add3A_3056, %mul3A_3089 : vector<16xf32>
      %get3A_3091 = arith.constant 82 : i32
      %get3A_3092 = arith.index_cast %get3A_3091 : i32 to index
      %get3A_3093 = arith.constant 16 : index
      %get3A_3094 = tpu.vector_load %arg11[%get3A_3092, %get3A_3093] {strides = array<i32>} : memref<128x64xf32, #tpu.memory_space<vmem>>, vector<1x16xf32>,
      %get3A_3095 = vector.shape_cast %get3A_3094 : vector<1x16xf32> to vector<16xf32>
      %mul3A_3096 = vector.broadcast %squeeze3A_3082 : f32 to vector<16xf32>
      %mul3A_3097 = arith.mulf %mul3A_3096, %get3A_3095 : vector<16xf32>
      %add3A_3098 = arith.addf %add3A_3064, %mul3A_3097 : vector<16xf32>
      %get3A_3099 = arith.constant 82 : i32
      %get3A_3100 = arith.index_cast %get3A_3099 : i32 to index
      %get3A_3101 = arith.constant 32 : index
      %get3A_3102 = tpu.vector_load %arg11[%get3A_3100, %get3A_3101] {strides = array<i32>} : memref<128x64xf32, #tpu.memory_space<vmem>>, vector<1x16xf32>,
      %get3A_3103 = vector.shape_cast %get3A_3102 : vector<1x16xf32> to vector<16xf32>
      %mul3A_3104 = vector.broadcast %squeeze3A_3082 : f32 to vector<16xf32>
      %mul3A_3105 = arith.mulf %mul3A_3104, %get3A_3103 : vector<16xf32>
      %add3A_3106 = arith.addf %add3A_3072, %mul3A_3105 : vector<16xf32>
      %get3A_3107 = arith.constant 82 : i32
      %get3A_3108 = arith.index_cast %get3A_3107 : i32 to index
      %get3A_3109 = arith.constant 48 : index
      %get3A_3110 = tpu.vector_load %arg11[%get3A_3108, %get3A_3109] {strides = array<i32>} : memref<128x64xf32, #tpu.memory_space<vmem>>, vector<1x16xf32>,
      %get3A_3111 = vector.shape_cast %get3A_3110 : vector<1x16xf32> to vector<16xf32>
      %mul3A_3112 = vector.broadcast %squeeze3A_3082 : f32 to vector<16xf32>
      %mul3A_3113 = arith.mulf %mul3A_3112, %get3A_3111 : vector<16xf32>
      %add3A_3114 = arith.addf %add3A_3080, %mul3A_3113 : vector<16xf32>
      %slice3A_3115 = vector.extract_strided_slice %get3A_3004 {offsets = [3], sizes = [1], strides = [1]} : vector<16xf32> to vector<1xf32>
      %squeeze3A_3116 = vector.extract %slice3A_3115[0] : f32 from vector<1xf32>
      %get3A_3117 = arith.constant 83 : i32
      %get3A_3118 = arith.index_cast %get3A_3117 : i32 to index
      %get3A_3119 = arith.constant 0 : index
      %get3A_3120 = tpu.vector_load %arg11[%get3A_3118, %get3A_3119] {strides = array<i32>} : memref<128x64xf32, #tpu.memory_space<vmem>>, vector<1x16xf32>,
      %get3A_3121 = vector.shape_cast %get3A_3120 : vector<1x16xf32> to vector<16xf32>
      %mul3A_3122 = vector.broadcast %squeeze3A_3116 : f32 to vector<16xf32>
      %mul3A_3123 = arith.mulf %mul3A_3122, %get3A_3121 : vector<16xf32>
      %add3A_3124 = arith.addf %add3A_3090, %mul3A_3123 : vector<16xf32>
      %get3A_3125 = arith.constant 83 : i32
      %get3A_3126 = arith.index_cast %get3A_3125 : i32 to index
      %get3A_3127 = arith.constant 16 : index
      %get3A_3128 = tpu.vector_load %arg11[%get3A_3126, %get3A_3127] {strides = array<i32>} : memref<128x64xf32, #tpu.memory_space<vmem>>, vector<1x16xf32>,
      %get3A_3129 = vector.shape_cast %get3A_3128 : vector<1x16xf32> to vector<16xf32>
      %mul3A_3130 = vector.broadcast %squeeze3A_3116 : f32 to vector<16xf32>
      %mul3A_3131 = arith.mulf %mul3A_3130, %get3A_3129 : vector<16xf32>
      %add3A_3132 = arith.addf %add3A_3098, %mul3A_3131 : vector<16xf32>
      %get3A_3133 = arith.constant 83 : i32
      %get3A_3134 = arith.index_cast %get3A_3133 : i32 to index
      %get3A_3135 = arith.constant 32 : index
      %get3A_3136 = tpu.vector_load %arg11[%get3A_3134, %get3A_3135] {strides = array<i32>} : memref<128x64xf32, #tpu.memory_space<vmem>>, vector<1x16xf32>,
      %get3A_3137 = vector.shape_cast %get3A_3136 : vector<1x16xf32> to vector<16xf32>
      %mul3A_3138 = vector.broadcast %squeeze3A_3116 : f32 to vector<16xf32>
      %mul3A_3139 = arith.mulf %mul3A_3138, %get3A_3137 : vector<16xf32>
      %add3A_3140 = arith.addf %add3A_3106, %mul3A_3139 : vector<16xf32>
      %get3A_3141 = arith.constant 83 : i32
      %get3A_3142 = arith.index_cast %get3A_3141 : i32 to index
      %get3A_3143 = arith.constant 48 : index
      %get3A_3144 = tpu.vector_load %arg11[%get3A_3142, %get3A_3143] {strides = array<i32>} : memref<128x64xf32, #tpu.memory_space<vmem>>, vector<1x16xf32>,
      %get3A_3145 = vector.shape_cast %get3A_3144 : vector<1x16xf32> to vector<16xf32>
      %mul3A_3146 = vector.broadcast %squeeze3A_3116 : f32 to vector<16xf32>
      %mul3A_3147 = arith.mulf %mul3A_3146, %get3A_3145 : vector<16xf32>
      %add3A_3148 = arith.addf %add3A_3114, %mul3A_3147 : vector<16xf32>
      %slice3A_3149 = vector.extract_strided_slice %get3A_3004 {offsets = [4], sizes = [1], strides = [1]} : vector<16xf32> to vector<1xf32>
      %squeeze3A_3150 = vector.extract %slice3A_3149[0] : f32 from vector<1xf32>
      %get3A_3151 = arith.constant 84 : i32
      %get3A_3152 = arith.index_cast %get3A_3151 : i32 to index
      %get3A_3153 = arith.constant 0 : index
      %get3A_3154 = tpu.vector_load %arg11[%get3A_3152, %get3A_3153] {strides = array<i32>} : memref<128x64xf32, #tpu.memory_space<vmem>>, vector<1x16xf32>,
      %get3A_3155 = vector.shape_cast %get3A_3154 : vector<1x16xf32> to vector<16xf32>
      %mul3A_3156 = vector.broadcast %squeeze3A_3150 : f32 to vector<16xf32>
      %mul3A_3157 = arith.mulf %mul3A_3156, %get3A_3155 : vector<16xf32>
      %add3A_3158 = arith.addf %add3A_3124, %mul3A_3157 : vector<16xf32>
      %get3A_3159 = arith.constant 84 : i32
      %get3A_3160 = arith.index_cast %get3A_3159 : i32 to index
      %get3A_3161 = arith.constant 16 : index
      %get3A_3162 = tpu.vector_load %arg11[%get3A_3160, %get3A_3161] {strides = array<i32>} : memref<128x64xf32, #tpu.memory_space<vmem>>, vector<1x16xf32>,
      %get3A_3163 = vector.shape_cast %get3A_3162 : vector<1x16xf32> to vector<16xf32>
      %mul3A_3164 = vector.broadcast %squeeze3A_3150 : f32 to vector<16xf32>
      %mul3A_3165 = arith.mulf %mul3A_3164, %get3A_3163 : vector<16xf32>
      %add3A_3166 = arith.addf %add3A_3132, %mul3A_3165 : vector<16xf32>
      %get3A_3167 = arith.constant 84 : i32
      %get3A_3168 = arith.index_cast %get3A_3167 : i32 to index
      %get3A_3169 = arith.constant 32 : index
      %get3A_3170 = tpu.vector_load %arg11[%get3A_3168, %get3A_3169] {strides = array<i32>} : memref<128x64xf32, #tpu.memory_space<vmem>>, vector<1x16xf32>,
      %get3A_3171 = vector.shape_cast %get3A_3170 : vector<1x16xf32> to vector<16xf32>
      %mul3A_3172 = vector.broadcast %squeeze3A_3150 : f32 to vector<16xf32>
      %mul3A_3173 = arith.mulf %mul3A_3172, %get3A_3171 : vector<16xf32>
      %add3A_3174 = arith.addf %add3A_3140, %mul3A_3173 : vector<16xf32>
      %get3A_3175 = arith.constant 84 : i32
      %get3A_3176 = arith.index_cast %get3A_3175 : i32 to index
      %get3A_3177 = arith.constant 48 : index
      %get3A_3178 = tpu.vector_load %arg11[%get3A_3176, %get3A_3177] {strides = array<i32>} : memref<128x64xf32, #tpu.memory_space<vmem>>, vector<1x16xf32>,
      %get3A_3179 = vector.shape_cast %get3A_3178 : vector<1x16xf32> to vector<16xf32>
      %mul3A_3180 = vector.broadcast %squeeze3A_3150 : f32 to vector<16xf32>
      %mul3A_3181 = arith.mulf %mul3A_3180, %get3A_3179 : vector<16xf32>
      %add3A_3182 = arith.addf %add3A_3148, %mul3A_3181 : vector<16xf32>
      %slice3A_3183 = vector.extract_strided_slice %get3A_3004 {offsets = [5], sizes = [1], strides = [1]} : vector<16xf32> to vector<1xf32>
      %squeeze3A_3184 = vector.extract %slice3A_3183[0] : f32 from vector<1xf32>
      %get3A_3185 = arith.constant 85 : i32
      %get3A_3186 = arith.index_cast %get3A_3185 : i32 to index
      %get3A_3187 = arith.constant 0 : index
      %get3A_3188 = tpu.vector_load %arg11[%get3A_3186, %get3A_3187] {strides = array<i32>} : memref<128x64xf32, #tpu.memory_space<vmem>>, vector<1x16xf32>,
      %get3A_3189 = vector.shape_cast %get3A_3188 : vector<1x16xf32> to vector<16xf32>
      %mul3A_3190 = vector.broadcast %squeeze3A_3184 : f32 to vector<16xf32>
      %mul3A_3191 = arith.mulf %mul3A_3190, %get3A_3189 : vector<16xf32>
      %add3A_3192 = arith.addf %add3A_3158, %mul3A_3191 : vector<16xf32>
      %get3A_3193 = arith.constant 85 : i32
      %get3A_3194 = arith.index_cast %get3A_3193 : i32 to index
      %get3A_3195 = arith.constant 16 : index
      %get3A_3196 = tpu.vector_load %arg11[%get3A_3194, %get3A_3195] {strides = array<i32>} : memref<128x64xf32, #tpu.memory_space<vmem>>, vector<1x16xf32>,
      %get3A_3197 = vector.shape_cast %get3A_3196 : vector<1x16xf32> to vector<16xf32>
      %mul3A_3198 = vector.broadcast %squeeze3A_3184 : f32 to vector<16xf32>
      %mul3A_3199 = arith.mulf %mul3A_3198, %get3A_3197 : vector<16xf32>
      %add3A_3200 = arith.addf %add3A_3166, %mul3A_3199 : vector<16xf32>
      %get3A_3201 = arith.constant 85 : i32
      %get3A_3202 = arith.index_cast %get3A_3201 : i32 to index
      %get3A_3203 = arith.constant 32 : index
      %get3A_3204 = tpu.vector_load %arg11[%get3A_3202, %get3A_3203] {strides = array<i32>} : memref<128x64xf32, #tpu.memory_space<vmem>>, vector<1x16xf32>,
      %get3A_3205 = vector.shape_cast %get3A_3204 : vector<1x16xf32> to vector<16xf32>
      %mul3A_3206 = vector.broadcast %squeeze3A_3184 : f32 to vector<16xf32>
      %mul3A_3207 = arith.mulf %mul3A_3206, %get3A_3205 : vector<16xf32>
      %add3A_3208 = arith.addf %add3A_3174, %mul3A_3207 : vector<16xf32>
      %get3A_3209 = arith.constant 85 : i32
      %get3A_3210 = arith.index_cast %get3A_3209 : i32 to index
      %get3A_3211 = arith.constant 48 : index
      %get3A_3212 = tpu.vector_load %arg11[%get3A_3210, %get3A_3211] {strides = array<i32>} : memref<128x64xf32, #tpu.memory_space<vmem>>, vector<1x16xf32>,
      %get3A_3213 = vector.shape_cast %get3A_3212 : vector<1x16xf32> to vector<16xf32>
      %mul3A_3214 = vector.broadcast %squeeze3A_3184 : f32 to vector<16xf32>
      %mul3A_3215 = arith.mulf %mul3A_3214, %get3A_3213 : vector<16xf32>
      %add3A_3216 = arith.addf %add3A_3182, %mul3A_3215 : vector<16xf32>
      %slice3A_3217 = vector.extract_strided_slice %get3A_3004 {offsets = [6], sizes = [1], strides = [1]} : vector<16xf32> to vector<1xf32>
      %squeeze3A_3218 = vector.extract %slice3A_3217[0] : f32 from vector<1xf32>
      %get3A_3219 = arith.constant 86 : i32
      %get3A_3220 = arith.index_cast %get3A_3219 : i32 to index
      %get3A_3221 = arith.constant 0 : index
      %get3A_3222 = tpu.vector_load %arg11[%get3A_3220, %get3A_3221] {strides = array<i32>} : memref<128x64xf32, #tpu.memory_space<vmem>>, vector<1x16xf32>,
      %get3A_3223 = vector.shape_cast %get3A_3222 : vector<1x16xf32> to vector<16xf32>
      %mul3A_3224 = vector.broadcast %squeeze3A_3218 : f32 to vector<16xf32>
      %mul3A_3225 = arith.mulf %mul3A_3224, %get3A_3223 : vector<16xf32>
      %add3A_3226 = arith.addf %add3A_3192, %mul3A_3225 : vector<16xf32>
      %get3A_3227 = arith.constant 86 : i32
      %get3A_3228 = arith.index_cast %get3A_3227 : i32 to index
      %get3A_3229 = arith.constant 16 : index
      %get3A_3230 = tpu.vector_load %arg11[%get3A_3228, %get3A_3229] {strides = array<i32>} : memref<128x64xf32, #tpu.memory_space<vmem>>, vector<1x16xf32>,
      %get3A_3231 = vector.shape_cast %get3A_3230 : vector<1x16xf32> to vector<16xf32>
      %mul3A_3232 = vector.broadcast %squeeze3A_3218 : f32 to vector<16xf32>
      %mul3A_3233 = arith.mulf %mul3A_3232, %get3A_3231 : vector<16xf32>
      %add3A_3234 = arith.addf %add3A_3200, %mul3A_3233 : vector<16xf32>
      %get3A_3235 = arith.constant 86 : i32
      %get3A_3236 = arith.index_cast %get3A_3235 : i32 to index
      %get3A_3237 = arith.constant 32 : index
      %get3A_3238 = tpu.vector_load %arg11[%get3A_3236, %get3A_3237] {strides = array<i32>} : memref<128x64xf32, #tpu.memory_space<vmem>>, vector<1x16xf32>,
      %get3A_3239 = vector.shape_cast %get3A_3238 : vector<1x16xf32> to vector<16xf32>
      %mul3A_3240 = vector.broadcast %squeeze3A_3218 : f32 to vector<16xf32>
      %mul3A_3241 = arith.mulf %mul3A_3240, %get3A_3239 : vector<16xf32>
      %add3A_3242 = arith.addf %add3A_3208, %mul3A_3241 : vector<16xf32>
      %get3A_3243 = arith.constant 86 : i32
      %get3A_3244 = arith.index_cast %get3A_3243 : i32 to index
      %get3A_3245 = arith.constant 48 : index
      %get3A_3246 = tpu.vector_load %arg11[%get3A_3244, %get3A_3245] {strides = array<i32>} : memref<128x64xf32, #tpu.memory_space<vmem>>, vector<1x16xf32>,
      %get3A_3247 = vector.shape_cast %get3A_3246 : vector<1x16xf32> to vector<16xf32>
      %mul3A_3248 = vector.broadcast %squeeze3A_3218 : f32 to vector<16xf32>
      %mul3A_3249 = arith.mulf %mul3A_3248, %get3A_3247 : vector<16xf32>
      %add3A_3250 = arith.addf %add3A_3216, %mul3A_3249 : vector<16xf32>
      %slice3A_3251 = vector.extract_strided_slice %get3A_3004 {offsets = [7], sizes = [1], strides = [1]} : vector<16xf32> to vector<1xf32>
      %squeeze3A_3252 = vector.extract %slice3A_3251[0] : f32 from vector<1xf32>
      %get3A_3253 = arith.constant 87 : i32
      %get3A_3254 = arith.index_cast %get3A_3253 : i32 to index
      %get3A_3255 = arith.constant 0 : index
      %get3A_3256 = tpu.vector_load %arg11[%get3A_3254, %get3A_3255] {strides = array<i32>} : memref<128x64xf32, #tpu.memory_space<vmem>>, vector<1x16xf32>,
      %get3A_3257 = vector.shape_cast %get3A_3256 : vector<1x16xf32> to vector<16xf32>
      %mul3A_3258 = vector.broadcast %squeeze3A_3252 : f32 to vector<16xf32>
      %mul3A_3259 = arith.mulf %mul3A_3258, %get3A_3257 : vector<16xf32>
      %add3A_3260 = arith.addf %add3A_3226, %mul3A_3259 : vector<16xf32>
      %get3A_3261 = arith.constant 87 : i32
      %get3A_3262 = arith.index_cast %get3A_3261 : i32 to index
      %get3A_3263 = arith.constant 16 : index
      %get3A_3264 = tpu.vector_load %arg11[%get3A_3262, %get3A_3263] {strides = array<i32>} : memref<128x64xf32, #tpu.memory_space<vmem>>, vector<1x16xf32>,
      %get3A_3265 = vector.shape_cast %get3A_3264 : vector<1x16xf32> to vector<16xf32>
      %mul3A_3266 = vector.broadcast %squeeze3A_3252 : f32 to vector<16xf32>
      %mul3A_3267 = arith.mulf %mul3A_3266, %get3A_3265 : vector<16xf32>
      %add3A_3268 = arith.addf %add3A_3234, %mul3A_3267 : vector<16xf32>
      %get3A_3269 = arith.constant 87 : i32
      %get3A_3270 = arith.index_cast %get3A_3269 : i32 to index
      %get3A_3271 = arith.constant 32 : index
      %get3A_3272 = tpu.vector_load %arg11[%get3A_3270, %get3A_3271] {strides = array<i32>} : memref<128x64xf32, #tpu.memory_space<vmem>>, vector<1x16xf32>,
      %get3A_3273 = vector.shape_cast %get3A_3272 : vector<1x16xf32> to vector<16xf32>
      %mul3A_3274 = vector.broadcast %squeeze3A_3252 : f32 to vector<16xf32>
      %mul3A_3275 = arith.mulf %mul3A_3274, %get3A_3273 : vector<16xf32>
      %add3A_3276 = arith.addf %add3A_3242, %mul3A_3275 : vector<16xf32>
      %get3A_3277 = arith.constant 87 : i32
      %get3A_3278 = arith.index_cast %get3A_3277 : i32 to index
      %get3A_3279 = arith.constant 48 : index
      %get3A_3280 = tpu.vector_load %arg11[%get3A_3278, %get3A_3279] {strides = array<i32>} : memref<128x64xf32, #tpu.memory_space<vmem>>, vector<1x16xf32>,
      %get3A_3281 = vector.shape_cast %get3A_3280 : vector<1x16xf32> to vector<16xf32>
      %mul3A_3282 = vector.broadcast %squeeze3A_3252 : f32 to vector<16xf32>
      %mul3A_3283 = arith.mulf %mul3A_3282, %get3A_3281 : vector<16xf32>
      %add3A_3284 = arith.addf %add3A_3250, %mul3A_3283 : vector<16xf32>
      %slice3A_3285 = vector.extract_strided_slice %get3A_3004 {offsets = [8], sizes = [1], strides = [1]} : vector<16xf32> to vector<1xf32>
      %squeeze3A_3286 = vector.extract %slice3A_3285[0] : f32 from vector<1xf32>
      %get3A_3287 = arith.constant 88 : i32
      %get3A_3288 = arith.index_cast %get3A_3287 : i32 to index
      %get3A_3289 = arith.constant 0 : index
      %get3A_3290 = tpu.vector_load %arg11[%get3A_3288, %get3A_3289] {strides = array<i32>} : memref<128x64xf32, #tpu.memory_space<vmem>>, vector<1x16xf32>,
      %get3A_3291 = vector.shape_cast %get3A_3290 : vector<1x16xf32> to vector<16xf32>
      %mul3A_3292 = vector.broadcast %squeeze3A_3286 : f32 to vector<16xf32>
      %mul3A_3293 = arith.mulf %mul3A_3292, %get3A_3291 : vector<16xf32>
      %add3A_3294 = arith.addf %add3A_3260, %mul3A_3293 : vector<16xf32>
      %get3A_3295 = arith.constant 88 : i32
      %get3A_3296 = arith.index_cast %get3A_3295 : i32 to index
      %get3A_3297 = arith.constant 16 : index
      %get3A_3298 = tpu.vector_load %arg11[%get3A_3296, %get3A_3297] {strides = array<i32>} : memref<128x64xf32, #tpu.memory_space<vmem>>, vector<1x16xf32>,
      %get3A_3299 = vector.shape_cast %get3A_3298 : vector<1x16xf32> to vector<16xf32>
      %mul3A_3300 = vector.broadcast %squeeze3A_3286 : f32 to vector<16xf32>
      %mul3A_3301 = arith.mulf %mul3A_3300, %get3A_3299 : vector<16xf32>
      %add3A_3302 = arith.addf %add3A_3268, %mul3A_3301 : vector<16xf32>
      %get3A_3303 = arith.constant 88 : i32
      %get3A_3304 = arith.index_cast %get3A_3303 : i32 to index
      %get3A_3305 = arith.constant 32 : index
      %get3A_3306 = tpu.vector_load %arg11[%get3A_3304, %get3A_3305] {strides = array<i32>} : memref<128x64xf32, #tpu.memory_space<vmem>>, vector<1x16xf32>,
      %get3A_3307 = vector.shape_cast %get3A_3306 : vector<1x16xf32> to vector<16xf32>
      %mul3A_3308 = vector.broadcast %squeeze3A_3286 : f32 to vector<16xf32>
      %mul3A_3309 = arith.mulf %mul3A_3308, %get3A_3307 : vector<16xf32>
      %add3A_3310 = arith.addf %add3A_3276, %mul3A_3309 : vector<16xf32>
      %get3A_3311 = arith.constant 88 : i32
      %get3A_3312 = arith.index_cast %get3A_3311 : i32 to index
      %get3A_3313 = arith.constant 48 : index
      %get3A_3314 = tpu.vector_load %arg11[%get3A_3312, %get3A_3313] {strides = array<i32>} : memref<128x64xf32, #tpu.memory_space<vmem>>, vector<1x16xf32>,
      %get3A_3315 = vector.shape_cast %get3A_3314 : vector<1x16xf32> to vector<16xf32>
      %mul3A_3316 = vector.broadcast %squeeze3A_3286 : f32 to vector<16xf32>
      %mul3A_3317 = arith.mulf %mul3A_3316, %get3A_3315 : vector<16xf32>
      %add3A_3318 = arith.addf %add3A_3284, %mul3A_3317 : vector<16xf32>
      %slice3A_3319 = vector.extract_strided_slice %get3A_3004 {offsets = [9], sizes = [1], strides = [1]} : vector<16xf32> to vector<1xf32>
      %squeeze3A_3320 = vector.extract %slice3A_3319[0] : f32 from vector<1xf32>
      %get3A_3321 = arith.constant 89 : i32
      %get3A_3322 = arith.index_cast %get3A_3321 : i32 to index
      %get3A_3323 = arith.constant 0 : index
      %get3A_3324 = tpu.vector_load %arg11[%get3A_3322, %get3A_3323] {strides = array<i32>} : memref<128x64xf32, #tpu.memory_space<vmem>>, vector<1x16xf32>,
      %get3A_3325 = vector.shape_cast %get3A_3324 : vector<1x16xf32> to vector<16xf32>
      %mul3A_3326 = vector.broadcast %squeeze3A_3320 : f32 to vector<16xf32>
      %mul3A_3327 = arith.mulf %mul3A_3326, %get3A_3325 : vector<16xf32>
      %add3A_3328 = arith.addf %add3A_3294, %mul3A_3327 : vector<16xf32>
      %get3A_3329 = arith.constant 89 : i32
      %get3A_3330 = arith.index_cast %get3A_3329 : i32 to index
      %get3A_3331 = arith.constant 16 : index
      %get3A_3332 = tpu.vector_load %arg11[%get3A_3330, %get3A_3331] {strides = array<i32>} : memref<128x64xf32, #tpu.memory_space<vmem>>, vector<1x16xf32>,
      %get3A_3333 = vector.shape_cast %get3A_3332 : vector<1x16xf32> to vector<16xf32>
      %mul3A_3334 = vector.broadcast %squeeze3A_3320 : f32 to vector<16xf32>
      %mul3A_3335 = arith.mulf %mul3A_3334, %get3A_3333 : vector<16xf32>
      %add3A_3336 = arith.addf %add3A_3302, %mul3A_3335 : vector<16xf32>
      %get3A_3337 = arith.constant 89 : i32
      %get3A_3338 = arith.index_cast %get3A_3337 : i32 to index
      %get3A_3339 = arith.constant 32 : index
      %get3A_3340 = tpu.vector_load %arg11[%get3A_3338, %get3A_3339] {strides = array<i32>} : memref<128x64xf32, #tpu.memory_space<vmem>>, vector<1x16xf32>,
      %get3A_3341 = vector.shape_cast %get3A_3340 : vector<1x16xf32> to vector<16xf32>
      %mul3A_3342 = vector.broadcast %squeeze3A_3320 : f32 to vector<16xf32>
      %mul3A_3343 = arith.mulf %mul3A_3342, %get3A_3341 : vector<16xf32>
      %add3A_3344 = arith.addf %add3A_3310, %mul3A_3343 : vector<16xf32>
      %get3A_3345 = arith.constant 89 : i32
      %get3A_3346 = arith.index_cast %get3A_3345 : i32 to index
      %get3A_3347 = arith.constant 48 : index
      %get3A_3348 = tpu.vector_load %arg11[%get3A_3346, %get3A_3347] {strides = array<i32>} : memref<128x64xf32, #tpu.memory_space<vmem>>, vector<1x16xf32>,
      %get3A_3349 = vector.shape_cast %get3A_3348 : vector<1x16xf32> to vector<16xf32>
      %mul3A_3350 = vector.broadcast %squeeze3A_3320 : f32 to vector<16xf32>
      %mul3A_3351 = arith.mulf %mul3A_3350, %get3A_3349 : vector<16xf32>
      %add3A_3352 = arith.addf %add3A_3318, %mul3A_3351 : vector<16xf32>
      %slice3A_3353 = vector.extract_strided_slice %get3A_3004 {offsets = [10], sizes = [1], strides = [1]} : vector<16xf32> to vector<1xf32>
      %squeeze3A_3354 = vector.extract %slice3A_3353[0] : f32 from vector<1xf32>
      %get3A_3355 = arith.constant 90 : i32
      %get3A_3356 = arith.index_cast %get3A_3355 : i32 to index
      %get3A_3357 = arith.constant 0 : index
      %get3A_3358 = tpu.vector_load %arg11[%get3A_3356, %get3A_3357] {strides = array<i32>} : memref<128x64xf32, #tpu.memory_space<vmem>>, vector<1x16xf32>,
      %get3A_3359 = vector.shape_cast %get3A_3358 : vector<1x16xf32> to vector<16xf32>
      %mul3A_3360 = vector.broadcast %squeeze3A_3354 : f32 to vector<16xf32>
      %mul3A_3361 = arith.mulf %mul3A_3360, %get3A_3359 : vector<16xf32>
      %add3A_3362 = arith.addf %add3A_3328, %mul3A_3361 : vector<16xf32>
      %get3A_3363 = arith.constant 90 : i32
      %get3A_3364 = arith.index_cast %get3A_3363 : i32 to index
      %get3A_3365 = arith.constant 16 : index
      %get3A_3366 = tpu.vector_load %arg11[%get3A_3364, %get3A_3365] {strides = array<i32>} : memref<128x64xf32, #tpu.memory_space<vmem>>, vector<1x16xf32>,
      %get3A_3367 = vector.shape_cast %get3A_3366 : vector<1x16xf32> to vector<16xf32>
      %mul3A_3368 = vector.broadcast %squeeze3A_3354 : f32 to vector<16xf32>
      %mul3A_3369 = arith.mulf %mul3A_3368, %get3A_3367 : vector<16xf32>
      %add3A_3370 = arith.addf %add3A_3336, %mul3A_3369 : vector<16xf32>
      %get3A_3371 = arith.constant 90 : i32
      %get3A_3372 = arith.index_cast %get3A_3371 : i32 to index
      %get3A_3373 = arith.constant 32 : index
      %get3A_3374 = tpu.vector_load %arg11[%get3A_3372, %get3A_3373] {strides = array<i32>} : memref<128x64xf32, #tpu.memory_space<vmem>>, vector<1x16xf32>,
      %get3A_3375 = vector.shape_cast %get3A_3374 : vector<1x16xf32> to vector<16xf32>
      %mul3A_3376 = vector.broadcast %squeeze3A_3354 : f32 to vector<16xf32>
      %mul3A_3377 = arith.mulf %mul3A_3376, %get3A_3375 : vector<16xf32>
      %add3A_3378 = arith.addf %add3A_3344, %mul3A_3377 : vector<16xf32>
      %get3A_3379 = arith.constant 90 : i32
      %get3A_3380 = arith.index_cast %get3A_3379 : i32 to index
      %get3A_3381 = arith.constant 48 : index
      %get3A_3382 = tpu.vector_load %arg11[%get3A_3380, %get3A_3381] {strides = array<i32>} : memref<128x64xf32, #tpu.memory_space<vmem>>, vector<1x16xf32>,
      %get3A_3383 = vector.shape_cast %get3A_3382 : vector<1x16xf32> to vector<16xf32>
      %mul3A_3384 = vector.broadcast %squeeze3A_3354 : f32 to vector<16xf32>
      %mul3A_3385 = arith.mulf %mul3A_3384, %get3A_3383 : vector<16xf32>
      %add3A_3386 = arith.addf %add3A_3352, %mul3A_3385 : vector<16xf32>
      %slice3A_3387 = vector.extract_strided_slice %get3A_3004 {offsets = [11], sizes = [1], strides = [1]} : vector<16xf32> to vector<1xf32>
      %squeeze3A_3388 = vector.extract %slice3A_3387[0] : f32 from vector<1xf32>
      %get3A_3389 = arith.constant 91 : i32
      %get3A_3390 = arith.index_cast %get3A_3389 : i32 to index
      %get3A_3391 = arith.constant 0 : index
      %get3A_3392 = tpu.vector_load %arg11[%get3A_3390, %get3A_3391] {strides = array<i32>} : memref<128x64xf32, #tpu.memory_space<vmem>>, vector<1x16xf32>,
      %get3A_3393 = vector.shape_cast %get3A_3392 : vector<1x16xf32> to vector<16xf32>
      %mul3A_3394 = vector.broadcast %squeeze3A_3388 : f32 to vector<16xf32>
      %mul3A_3395 = arith.mulf %mul3A_3394, %get3A_3393 : vector<16xf32>
      %add3A_3396 = arith.addf %add3A_3362, %mul3A_3395 : vector<16xf32>
      %get3A_3397 = arith.constant 91 : i32
      %get3A_3398 = arith.index_cast %get3A_3397 : i32 to index
      %get3A_3399 = arith.constant 16 : index
      %get3A_3400 = tpu.vector_load %arg11[%get3A_3398, %get3A_3399] {strides = array<i32>} : memref<128x64xf32, #tpu.memory_space<vmem>>, vector<1x16xf32>,
      %get3A_3401 = vector.shape_cast %get3A_3400 : vector<1x16xf32> to vector<16xf32>
      %mul3A_3402 = vector.broadcast %squeeze3A_3388 : f32 to vector<16xf32>
      %mul3A_3403 = arith.mulf %mul3A_3402, %get3A_3401 : vector<16xf32>
      %add3A_3404 = arith.addf %add3A_3370, %mul3A_3403 : vector<16xf32>
      %get3A_3405 = arith.constant 91 : i32
      %get3A_3406 = arith.index_cast %get3A_3405 : i32 to index
      %get3A_3407 = arith.constant 32 : index
      %get3A_3408 = tpu.vector_load %arg11[%get3A_3406, %get3A_3407] {strides = array<i32>} : memref<128x64xf32, #tpu.memory_space<vmem>>, vector<1x16xf32>,
      %get3A_3409 = vector.shape_cast %get3A_3408 : vector<1x16xf32> to vector<16xf32>
      %mul3A_3410 = vector.broadcast %squeeze3A_3388 : f32 to vector<16xf32>
      %mul3A_3411 = arith.mulf %mul3A_3410, %get3A_3409 : vector<16xf32>
      %add3A_3412 = arith.addf %add3A_3378, %mul3A_3411 : vector<16xf32>
      %get3A_3413 = arith.constant 91 : i32
      %get3A_3414 = arith.index_cast %get3A_3413 : i32 to index
      %get3A_3415 = arith.constant 48 : index
      %get3A_3416 = tpu.vector_load %arg11[%get3A_3414, %get3A_3415] {strides = array<i32>} : memref<128x64xf32, #tpu.memory_space<vmem>>, vector<1x16xf32>,
      %get3A_3417 = vector.shape_cast %get3A_3416 : vector<1x16xf32> to vector<16xf32>
      %mul3A_3418 = vector.broadcast %squeeze3A_3388 : f32 to vector<16xf32>
      %mul3A_3419 = arith.mulf %mul3A_3418, %get3A_3417 : vector<16xf32>
      %add3A_3420 = arith.addf %add3A_3386, %mul3A_3419 : vector<16xf32>
      %slice3A_3421 = vector.extract_strided_slice %get3A_3004 {offsets = [12], sizes = [1], strides = [1]} : vector<16xf32> to vector<1xf32>
      %squeeze3A_3422 = vector.extract %slice3A_3421[0] : f32 from vector<1xf32>
      %get3A_3423 = arith.constant 92 : i32
      %get3A_3424 = arith.index_cast %get3A_3423 : i32 to index
      %get3A_3425 = arith.constant 0 : index
      %get3A_3426 = tpu.vector_load %arg11[%get3A_3424, %get3A_3425] {strides = array<i32>} : memref<128x64xf32, #tpu.memory_space<vmem>>, vector<1x16xf32>,
      %get3A_3427 = vector.shape_cast %get3A_3426 : vector<1x16xf32> to vector<16xf32>
      %mul3A_3428 = vector.broadcast %squeeze3A_3422 : f32 to vector<16xf32>
      %mul3A_3429 = arith.mulf %mul3A_3428, %get3A_3427 : vector<16xf32>
      %add3A_3430 = arith.addf %add3A_3396, %mul3A_3429 : vector<16xf32>
      %get3A_3431 = arith.constant 92 : i32
      %get3A_3432 = arith.index_cast %get3A_3431 : i32 to index
      %get3A_3433 = arith.constant 16 : index
      %get3A_3434 = tpu.vector_load %arg11[%get3A_3432, %get3A_3433] {strides = array<i32>} : memref<128x64xf32, #tpu.memory_space<vmem>>, vector<1x16xf32>,
      %get3A_3435 = vector.shape_cast %get3A_3434 : vector<1x16xf32> to vector<16xf32>
      %mul3A_3436 = vector.broadcast %squeeze3A_3422 : f32 to vector<16xf32>
      %mul3A_3437 = arith.mulf %mul3A_3436, %get3A_3435 : vector<16xf32>
      %add3A_3438 = arith.addf %add3A_3404, %mul3A_3437 : vector<16xf32>
      %get3A_3439 = arith.constant 92 : i32
      %get3A_3440 = arith.index_cast %get3A_3439 : i32 to index
      %get3A_3441 = arith.constant 32 : index
      %get3A_3442 = tpu.vector_load %arg11[%get3A_3440, %get3A_3441] {strides = array<i32>} : memref<128x64xf32, #tpu.memory_space<vmem>>, vector<1x16xf32>,
      %get3A_3443 = vector.shape_cast %get3A_3442 : vector<1x16xf32> to vector<16xf32>
      %mul3A_3444 = vector.broadcast %squeeze3A_3422 : f32 to vector<16xf32>
      %mul3A_3445 = arith.mulf %mul3A_3444, %get3A_3443 : vector<16xf32>
      %add3A_3446 = arith.addf %add3A_3412, %mul3A_3445 : vector<16xf32>
      %get3A_3447 = arith.constant 92 : i32
      %get3A_3448 = arith.index_cast %get3A_3447 : i32 to index
      %get3A_3449 = arith.constant 48 : index
      %get3A_3450 = tpu.vector_load %arg11[%get3A_3448, %get3A_3449] {strides = array<i32>} : memref<128x64xf32, #tpu.memory_space<vmem>>, vector<1x16xf32>,
      %get3A_3451 = vector.shape_cast %get3A_3450 : vector<1x16xf32> to vector<16xf32>
      %mul3A_3452 = vector.broadcast %squeeze3A_3422 : f32 to vector<16xf32>
      %mul3A_3453 = arith.mulf %mul3A_3452, %get3A_3451 : vector<16xf32>
      %add3A_3454 = arith.addf %add3A_3420, %mul3A_3453 : vector<16xf32>
      %slice3A_3455 = vector.extract_strided_slice %get3A_3004 {offsets = [13], sizes = [1], strides = [1]} : vector<16xf32> to vector<1xf32>
      %squeeze3A_3456 = vector.extract %slice3A_3455[0] : f32 from vector<1xf32>
      %get3A_3457 = arith.constant 93 : i32
      %get3A_3458 = arith.index_cast %get3A_3457 : i32 to index
      %get3A_3459 = arith.constant 0 : index
      %get3A_3460 = tpu.vector_load %arg11[%get3A_3458, %get3A_3459] {strides = array<i32>} : memref<128x64xf32, #tpu.memory_space<vmem>>, vector<1x16xf32>,
      %get3A_3461 = vector.shape_cast %get3A_3460 : vector<1x16xf32> to vector<16xf32>
      %mul3A_3462 = vector.broadcast %squeeze3A_3456 : f32 to vector<16xf32>
      %mul3A_3463 = arith.mulf %mul3A_3462, %get3A_3461 : vector<16xf32>
      %add3A_3464 = arith.addf %add3A_3430, %mul3A_3463 : vector<16xf32>
      %get3A_3465 = arith.constant 93 : i32
      %get3A_3466 = arith.index_cast %get3A_3465 : i32 to index
      %get3A_3467 = arith.constant 16 : index
      %get3A_3468 = tpu.vector_load %arg11[%get3A_3466, %get3A_3467] {strides = array<i32>} : memref<128x64xf32, #tpu.memory_space<vmem>>, vector<1x16xf32>,
      %get3A_3469 = vector.shape_cast %get3A_3468 : vector<1x16xf32> to vector<16xf32>
      %mul3A_3470 = vector.broadcast %squeeze3A_3456 : f32 to vector<16xf32>
      %mul3A_3471 = arith.mulf %mul3A_3470, %get3A_3469 : vector<16xf32>
      %add3A_3472 = arith.addf %add3A_3438, %mul3A_3471 : vector<16xf32>
      %get3A_3473 = arith.constant 93 : i32
      %get3A_3474 = arith.index_cast %get3A_3473 : i32 to index
      %get3A_3475 = arith.constant 32 : index
      %get3A_3476 = tpu.vector_load %arg11[%get3A_3474, %get3A_3475] {strides = array<i32>} : memref<128x64xf32, #tpu.memory_space<vmem>>, vector<1x16xf32>,
      %get3A_3477 = vector.shape_cast %get3A_3476 : vector<1x16xf32> to vector<16xf32>
      %mul3A_3478 = vector.broadcast %squeeze3A_3456 : f32 to vector<16xf32>
      %mul3A_3479 = arith.mulf %mul3A_3478, %get3A_3477 : vector<16xf32>
      %add3A_3480 = arith.addf %add3A_3446, %mul3A_3479 : vector<16xf32>
      %get3A_3481 = arith.constant 93 : i32
      %get3A_3482 = arith.index_cast %get3A_3481 : i32 to index
      %get3A_3483 = arith.constant 48 : index
      %get3A_3484 = tpu.vector_load %arg11[%get3A_3482, %get3A_3483] {strides = array<i32>} : memref<128x64xf32, #tpu.memory_space<vmem>>, vector<1x16xf32>,
      %get3A_3485 = vector.shape_cast %get3A_3484 : vector<1x16xf32> to vector<16xf32>
      %mul3A_3486 = vector.broadcast %squeeze3A_3456 : f32 to vector<16xf32>
      %mul3A_3487 = arith.mulf %mul3A_3486, %get3A_3485 : vector<16xf32>
      %add3A_3488 = arith.addf %add3A_3454, %mul3A_3487 : vector<16xf32>
      %slice3A_3489 = vector.extract_strided_slice %get3A_3004 {offsets = [14], sizes = [1], strides = [1]} : vector<16xf32> to vector<1xf32>
      %squeeze3A_3490 = vector.extract %slice3A_3489[0] : f32 from vector<1xf32>
      %get3A_3491 = arith.constant 94 : i32
      %get3A_3492 = arith.index_cast %get3A_3491 : i32 to index
      %get3A_3493 = arith.constant 0 : index
      %get3A_3494 = tpu.vector_load %arg11[%get3A_3492, %get3A_3493] {strides = array<i32>} : memref<128x64xf32, #tpu.memory_space<vmem>>, vector<1x16xf32>,
      %get3A_3495 = vector.shape_cast %get3A_3494 : vector<1x16xf32> to vector<16xf32>
      %mul3A_3496 = vector.broadcast %squeeze3A_3490 : f32 to vector<16xf32>
      %mul3A_3497 = arith.mulf %mul3A_3496, %get3A_3495 : vector<16xf32>
      %add3A_3498 = arith.addf %add3A_3464, %mul3A_3497 : vector<16xf32>
      %get3A_3499 = arith.constant 94 : i32
      %get3A_3500 = arith.index_cast %get3A_3499 : i32 to index
      %get3A_3501 = arith.constant 16 : index
      %get3A_3502 = tpu.vector_load %arg11[%get3A_3500, %get3A_3501] {strides = array<i32>} : memref<128x64xf32, #tpu.memory_space<vmem>>, vector<1x16xf32>,
      %get3A_3503 = vector.shape_cast %get3A_3502 : vector<1x16xf32> to vector<16xf32>
      %mul3A_3504 = vector.broadcast %squeeze3A_3490 : f32 to vector<16xf32>
      %mul3A_3505 = arith.mulf %mul3A_3504, %get3A_3503 : vector<16xf32>
      %add3A_3506 = arith.addf %add3A_3472, %mul3A_3505 : vector<16xf32>
      %get3A_3507 = arith.constant 94 : i32
      %get3A_3508 = arith.index_cast %get3A_3507 : i32 to index
      %get3A_3509 = arith.constant 32 : index
      %get3A_3510 = tpu.vector_load %arg11[%get3A_3508, %get3A_3509] {strides = array<i32>} : memref<128x64xf32, #tpu.memory_space<vmem>>, vector<1x16xf32>,
      %get3A_3511 = vector.shape_cast %get3A_3510 : vector<1x16xf32> to vector<16xf32>
      %mul3A_3512 = vector.broadcast %squeeze3A_3490 : f32 to vector<16xf32>
      %mul3A_3513 = arith.mulf %mul3A_3512, %get3A_3511 : vector<16xf32>
      %add3A_3514 = arith.addf %add3A_3480, %mul3A_3513 : vector<16xf32>
      %get3A_3515 = arith.constant 94 : i32
      %get3A_3516 = arith.index_cast %get3A_3515 : i32 to index
      %get3A_3517 = arith.constant 48 : index
      %get3A_3518 = tpu.vector_load %arg11[%get3A_3516, %get3A_3517] {strides = array<i32>} : memref<128x64xf32, #tpu.memory_space<vmem>>, vector<1x16xf32>,
      %get3A_3519 = vector.shape_cast %get3A_3518 : vector<1x16xf32> to vector<16xf32>
      %mul3A_3520 = vector.broadcast %squeeze3A_3490 : f32 to vector<16xf32>
      %mul3A_3521 = arith.mulf %mul3A_3520, %get3A_3519 : vector<16xf32>
      %add3A_3522 = arith.addf %add3A_3488, %mul3A_3521 : vector<16xf32>
      %slice3A_3523 = vector.extract_strided_slice %get3A_3004 {offsets = [15], sizes = [1], strides = [1]} : vector<16xf32> to vector<1xf32>
      %squeeze3A_3524 = vector.extract %slice3A_3523[0] : f32 from vector<1xf32>
      %get3A_3525 = arith.constant 95 : i32
      %get3A_3526 = arith.index_cast %get3A_3525 : i32 to index
      %get3A_3527 = arith.constant 0 : index
      %get3A_3528 = tpu.vector_load %arg11[%get3A_3526, %get3A_3527] {strides = array<i32>} : memref<128x64xf32, #tpu.memory_space<vmem>>, vector<1x16xf32>,
      %get3A_3529 = vector.shape_cast %get3A_3528 : vector<1x16xf32> to vector<16xf32>
      %mul3A_3530 = vector.broadcast %squeeze3A_3524 : f32 to vector<16xf32>
      %mul3A_3531 = arith.mulf %mul3A_3530, %get3A_3529 : vector<16xf32>
      %add3A_3532 = arith.addf %add3A_3498, %mul3A_3531 : vector<16xf32>
      %get3A_3533 = arith.constant 95 : i32
      %get3A_3534 = arith.index_cast %get3A_3533 : i32 to index
      %get3A_3535 = arith.constant 16 : index
      %get3A_3536 = tpu.vector_load %arg11[%get3A_3534, %get3A_3535] {strides = array<i32>} : memref<128x64xf32, #tpu.memory_space<vmem>>, vector<1x16xf32>,
      %get3A_3537 = vector.shape_cast %get3A_3536 : vector<1x16xf32> to vector<16xf32>
      %mul3A_3538 = vector.broadcast %squeeze3A_3524 : f32 to vector<16xf32>
      %mul3A_3539 = arith.mulf %mul3A_3538, %get3A_3537 : vector<16xf32>
      %add3A_3540 = arith.addf %add3A_3506, %mul3A_3539 : vector<16xf32>
      %get3A_3541 = arith.constant 95 : i32
      %get3A_3542 = arith.index_cast %get3A_3541 : i32 to index
      %get3A_3543 = arith.constant 32 : index
      %get3A_3544 = tpu.vector_load %arg11[%get3A_3542, %get3A_3543] {strides = array<i32>} : memref<128x64xf32, #tpu.memory_space<vmem>>, vector<1x16xf32>,
      %get3A_3545 = vector.shape_cast %get3A_3544 : vector<1x16xf32> to vector<16xf32>
      %mul3A_3546 = vector.broadcast %squeeze3A_3524 : f32 to vector<16xf32>
      %mul3A_3547 = arith.mulf %mul3A_3546, %get3A_3545 : vector<16xf32>
      %add3A_3548 = arith.addf %add3A_3514, %mul3A_3547 : vector<16xf32>
      %get3A_3549 = arith.constant 95 : i32
      %get3A_3550 = arith.index_cast %get3A_3549 : i32 to index
      %get3A_3551 = arith.constant 48 : index
      %get3A_3552 = tpu.vector_load %arg11[%get3A_3550, %get3A_3551] {strides = array<i32>} : memref<128x64xf32, #tpu.memory_space<vmem>>, vector<1x16xf32>,
      %get3A_3553 = vector.shape_cast %get3A_3552 : vector<1x16xf32> to vector<16xf32>
      %mul3A_3554 = vector.broadcast %squeeze3A_3524 : f32 to vector<16xf32>
      %mul3A_3555 = arith.mulf %mul3A_3554, %get3A_3553 : vector<16xf32>
      %add3A_3556 = arith.addf %add3A_3522, %mul3A_3555 : vector<16xf32>
      %slice3A_3557 = vector.extract_strided_slice %select_n3A {offsets = [5], sizes = [1], strides = [1]} : vector<16xf32> to vector<1xf32>
      %squeeze3A_3558 = vector.extract %slice3A_3557[0] : f32 from vector<1xf32>
      %mul3A_3559 = vector.broadcast %squeeze3A_3558 : f32 to vector<16xf32>
      %mul3A_3560 = arith.mulf %add3A_3532, %mul3A_3559 : vector<16xf32>
      %swap3A_3561 = arith.constant 5 : i32
      %swap3A_3562 = arith.index_cast %swap3A_3561 : i32 to index
      %swap3A_3563 = arith.constant 0 : index
      %swap3A_3564 = tpu.vector_load %arg12[%swap3A_3562, %swap3A_3563] {strides = array<i32>} : memref<8x64xf32, #tpu.memory_space<vmem>>, vector<1x16xf32>,
      %swap3A_3565 = vector.shape_cast %swap3A_3564 : vector<1x16xf32> to vector<16xf32>
      %swap3A_3566 = vector.shape_cast %mul3A_3560 : vector<16xf32> to vector<1x16xf32>
      tpu.vector_store %arg12[%swap3A_3562, %swap3A_3563], %swap3A_3566 {strides = array<i32>} : memref<8x64xf32, #tpu.memory_space<vmem>>, vector<1x16xf32>,
      %mul3A_3567 = vector.broadcast %squeeze3A_3558 : f32 to vector<16xf32>
      %mul3A_3568 = arith.mulf %add3A_3540, %mul3A_3567 : vector<16xf32>
      %swap3A_3569 = arith.constant 5 : i32
      %swap3A_3570 = arith.index_cast %swap3A_3569 : i32 to index
      %swap3A_3571 = arith.constant 16 : index
      %swap3A_3572 = tpu.vector_load %arg12[%swap3A_3570, %swap3A_3571] {strides = array<i32>} : memref<8x64xf32, #tpu.memory_space<vmem>>, vector<1x16xf32>,
      %swap3A_3573 = vector.shape_cast %swap3A_3572 : vector<1x16xf32> to vector<16xf32>
      %swap3A_3574 = vector.shape_cast %mul3A_3568 : vector<16xf32> to vector<1x16xf32>
      tpu.vector_store %arg12[%swap3A_3570, %swap3A_3571], %swap3A_3574 {strides = array<i32>} : memref<8x64xf32, #tpu.memory_space<vmem>>, vector<1x16xf32>,
      %mul3A_3575 = vector.broadcast %squeeze3A_3558 : f32 to vector<16xf32>
      %mul3A_3576 = arith.mulf %add3A_3548, %mul3A_3575 : vector<16xf32>
      %swap3A_3577 = arith.constant 5 : i32
      %swap3A_3578 = arith.index_cast %swap3A_3577 : i32 to index
      %swap3A_3579 = arith.constant 32 : index
      %swap3A_3580 = tpu.vector_load %arg12[%swap3A_3578, %swap3A_3579] {strides = array<i32>} : memref<8x64xf32, #tpu.memory_space<vmem>>, vector<1x16xf32>,
      %swap3A_3581 = vector.shape_cast %swap3A_3580 : vector<1x16xf32> to vector<16xf32>
      %swap3A_3582 = vector.shape_cast %mul3A_3576 : vector<16xf32> to vector<1x16xf32>
      tpu.vector_store %arg12[%swap3A_3578, %swap3A_3579], %swap3A_3582 {strides = array<i32>} : memref<8x64xf32, #tpu.memory_space<vmem>>, vector<1x16xf32>,
      %mul3A_3583 = vector.broadcast %squeeze3A_3558 : f32 to vector<16xf32>
      %mul3A_3584 = arith.mulf %add3A_3556, %mul3A_3583 : vector<16xf32>
      %swap3A_3585 = arith.constant 5 : i32
      %swap3A_3586 = arith.index_cast %swap3A_3585 : i32 to index
      %swap3A_3587 = arith.constant 48 : index
      %swap3A_3588 = tpu.vector_load %arg12[%swap3A_3586, %swap3A_3587] {strides = array<i32>} : memref<8x64xf32, #tpu.memory_space<vmem>>, vector<1x16xf32>,
      %swap3A_3589 = vector.shape_cast %swap3A_3588 : vector<1x16xf32> to vector<16xf32>
      %swap3A_3590 = vector.shape_cast %mul3A_3584 : vector<16xf32> to vector<1x16xf32>
      tpu.vector_store %arg12[%swap3A_3586, %swap3A_3587], %swap3A_3590 {strides = array<i32>} : memref<8x64xf32, #tpu.memory_space<vmem>>, vector<1x16xf32>,
      %mul3A_3591 = arith.constant 8 : i32
      %mul3A_3592 = arith.muli %add3A_11, %mul3A_3591 : i32
      %add3A_3593 = arith.constant 6 : i32
      %add3A_3594 = arith.addi %mul3A_3592, %add3A_3593 : i32
      %get3A_3595 = arith.index_cast %add3A_3594 : i32 to index
      %get3A_3596 = arith.constant 0 : index
      %get3A_3597 = tpu.vector_load %arg9[%get3A_3595, %get3A_3596] {strides = array<i32>} : memref<512x16xf32, #tpu.memory_space<vmem>>, vector<1x16xf32>,
      %get3A_3598 = vector.shape_cast %get3A_3597 : vector<1x16xf32> to vector<16xf32>
      %broadcast_in_dim3A_3599 = arith.constant 0.000000e+00 : f32
      %broadcast_in_dim3A_3600 = vector.broadcast %broadcast_in_dim3A_3599 : f32 to vector<16xf32>
      %broadcast_in_dim3A_3601 = arith.constant 0.000000e+00 : f32
      %broadcast_in_dim3A_3602 = vector.broadcast %broadcast_in_dim3A_3601 : f32 to vector<16xf32>
      %broadcast_in_dim3A_3603 = arith.constant 0.000000e+00 : f32
      %broadcast_in_dim3A_3604 = vector.broadcast %broadcast_in_dim3A_3603 : f32 to vector<16xf32>
      %broadcast_in_dim3A_3605 = arith.constant 0.000000e+00 : f32
      %broadcast_in_dim3A_3606 = vector.broadcast %broadcast_in_dim3A_3605 : f32 to vector<16xf32>
      %slice3A_3607 = vector.extract_strided_slice %get3A_3598 {offsets = [0], sizes = [1], strides = [1]} : vector<16xf32> to vector<1xf32>
      %squeeze3A_3608 = vector.extract %slice3A_3607[0] : f32 from vector<1xf32>
      %get3A_3609 = arith.constant 96 : i32
      %get3A_3610 = arith.index_cast %get3A_3609 : i32 to index
      %get3A_3611 = arith.constant 0 : index
      %get3A_3612 = tpu.vector_load %arg11[%get3A_3610, %get3A_3611] {strides = array<i32>} : memref<128x64xf32, #tpu.memory_space<vmem>>, vector<1x16xf32>,
      %get3A_3613 = vector.shape_cast %get3A_3612 : vector<1x16xf32> to vector<16xf32>
      %mul3A_3614 = vector.broadcast %squeeze3A_3608 : f32 to vector<16xf32>
      %mul3A_3615 = arith.mulf %mul3A_3614, %get3A_3613 : vector<16xf32>
      %add3A_3616 = arith.addf %broadcast_in_dim3A_3600, %mul3A_3615 : vector<16xf32>
      %get3A_3617 = arith.constant 96 : i32
      %get3A_3618 = arith.index_cast %get3A_3617 : i32 to index
      %get3A_3619 = arith.constant 16 : index
      %get3A_3620 = tpu.vector_load %arg11[%get3A_3618, %get3A_3619] {strides = array<i32>} : memref<128x64xf32, #tpu.memory_space<vmem>>, vector<1x16xf32>,
      %get3A_3621 = vector.shape_cast %get3A_3620 : vector<1x16xf32> to vector<16xf32>
      %mul3A_3622 = vector.broadcast %squeeze3A_3608 : f32 to vector<16xf32>
      %mul3A_3623 = arith.mulf %mul3A_3622, %get3A_3621 : vector<16xf32>
      %add3A_3624 = arith.addf %broadcast_in_dim3A_3602, %mul3A_3623 : vector<16xf32>
      %get3A_3625 = arith.constant 96 : i32
      %get3A_3626 = arith.index_cast %get3A_3625 : i32 to index
      %get3A_3627 = arith.constant 32 : index
      %get3A_3628 = tpu.vector_load %arg11[%get3A_3626, %get3A_3627] {strides = array<i32>} : memref<128x64xf32, #tpu.memory_space<vmem>>, vector<1x16xf32>,
      %get3A_3629 = vector.shape_cast %get3A_3628 : vector<1x16xf32> to vector<16xf32>
      %mul3A_3630 = vector.broadcast %squeeze3A_3608 : f32 to vector<16xf32>
      %mul3A_3631 = arith.mulf %mul3A_3630, %get3A_3629 : vector<16xf32>
      %add3A_3632 = arith.addf %broadcast_in_dim3A_3604, %mul3A_3631 : vector<16xf32>
      %get3A_3633 = arith.constant 96 : i32
      %get3A_3634 = arith.index_cast %get3A_3633 : i32 to index
      %get3A_3635 = arith.constant 48 : index
      %get3A_3636 = tpu.vector_load %arg11[%get3A_3634, %get3A_3635] {strides = array<i32>} : memref<128x64xf32, #tpu.memory_space<vmem>>, vector<1x16xf32>,
      %get3A_3637 = vector.shape_cast %get3A_3636 : vector<1x16xf32> to vector<16xf32>
      %mul3A_3638 = vector.broadcast %squeeze3A_3608 : f32 to vector<16xf32>
      %mul3A_3639 = arith.mulf %mul3A_3638, %get3A_3637 : vector<16xf32>
      %add3A_3640 = arith.addf %broadcast_in_dim3A_3606, %mul3A_3639 : vector<16xf32>
      %slice3A_3641 = vector.extract_strided_slice %get3A_3598 {offsets = [1], sizes = [1], strides = [1]} : vector<16xf32> to vector<1xf32>
      %squeeze3A_3642 = vector.extract %slice3A_3641[0] : f32 from vector<1xf32>
      %get3A_3643 = arith.constant 97 : i32
      %get3A_3644 = arith.index_cast %get3A_3643 : i32 to index
      %get3A_3645 = arith.constant 0 : index
      %get3A_3646 = tpu.vector_load %arg11[%get3A_3644, %get3A_3645] {strides = array<i32>} : memref<128x64xf32, #tpu.memory_space<vmem>>, vector<1x16xf32>,
      %get3A_3647 = vector.shape_cast %get3A_3646 : vector<1x16xf32> to vector<16xf32>
      %mul3A_3648 = vector.broadcast %squeeze3A_3642 : f32 to vector<16xf32>
      %mul3A_3649 = arith.mulf %mul3A_3648, %get3A_3647 : vector<16xf32>
      %add3A_3650 = arith.addf %add3A_3616, %mul3A_3649 : vector<16xf32>
      %get3A_3651 = arith.constant 97 : i32
      %get3A_3652 = arith.index_cast %get3A_3651 : i32 to index
      %get3A_3653 = arith.constant 16 : index
      %get3A_3654 = tpu.vector_load %arg11[%get3A_3652, %get3A_3653] {strides = array<i32>} : memref<128x64xf32, #tpu.memory_space<vmem>>, vector<1x16xf32>,
      %get3A_3655 = vector.shape_cast %get3A_3654 : vector<1x16xf32> to vector<16xf32>
      %mul3A_3656 = vector.broadcast %squeeze3A_3642 : f32 to vector<16xf32>
      %mul3A_3657 = arith.mulf %mul3A_3656, %get3A_3655 : vector<16xf32>
      %add3A_3658 = arith.addf %add3A_3624, %mul3A_3657 : vector<16xf32>
      %get3A_3659 = arith.constant 97 : i32
      %get3A_3660 = arith.index_cast %get3A_3659 : i32 to index
      %get3A_3661 = arith.constant 32 : index
      %get3A_3662 = tpu.vector_load %arg11[%get3A_3660, %get3A_3661] {strides = array<i32>} : memref<128x64xf32, #tpu.memory_space<vmem>>, vector<1x16xf32>,
      %get3A_3663 = vector.shape_cast %get3A_3662 : vector<1x16xf32> to vector<16xf32>
      %mul3A_3664 = vector.broadcast %squeeze3A_3642 : f32 to vector<16xf32>
      %mul3A_3665 = arith.mulf %mul3A_3664, %get3A_3663 : vector<16xf32>
      %add3A_3666 = arith.addf %add3A_3632, %mul3A_3665 : vector<16xf32>
      %get3A_3667 = arith.constant 97 : i32
      %get3A_3668 = arith.index_cast %get3A_3667 : i32 to index
      %get3A_3669 = arith.constant 48 : index
      %get3A_3670 = tpu.vector_load %arg11[%get3A_3668, %get3A_3669] {strides = array<i32>} : memref<128x64xf32, #tpu.memory_space<vmem>>, vector<1x16xf32>,
      %get3A_3671 = vector.shape_cast %get3A_3670 : vector<1x16xf32> to vector<16xf32>
      %mul3A_3672 = vector.broadcast %squeeze3A_3642 : f32 to vector<16xf32>
      %mul3A_3673 = arith.mulf %mul3A_3672, %get3A_3671 : vector<16xf32>
      %add3A_3674 = arith.addf %add3A_3640, %mul3A_3673 : vector<16xf32>
      %slice3A_3675 = vector.extract_strided_slice %get3A_3598 {offsets = [2], sizes = [1], strides = [1]} : vector<16xf32> to vector<1xf32>
      %squeeze3A_3676 = vector.extract %slice3A_3675[0] : f32 from vector<1xf32>
      %get3A_3677 = arith.constant 98 : i32
      %get3A_3678 = arith.index_cast %get3A_3677 : i32 to index
      %get3A_3679 = arith.constant 0 : index
      %get3A_3680 = tpu.vector_load %arg11[%get3A_3678, %get3A_3679] {strides = array<i32>} : memref<128x64xf32, #tpu.memory_space<vmem>>, vector<1x16xf32>,
      %get3A_3681 = vector.shape_cast %get3A_3680 : vector<1x16xf32> to vector<16xf32>
      %mul3A_3682 = vector.broadcast %squeeze3A_3676 : f32 to vector<16xf32>
      %mul3A_3683 = arith.mulf %mul3A_3682, %get3A_3681 : vector<16xf32>
      %add3A_3684 = arith.addf %add3A_3650, %mul3A_3683 : vector<16xf32>
      %get3A_3685 = arith.constant 98 : i32
      %get3A_3686 = arith.index_cast %get3A_3685 : i32 to index
      %get3A_3687 = arith.constant 16 : index
      %get3A_3688 = tpu.vector_load %arg11[%get3A_3686, %get3A_3687] {strides = array<i32>} : memref<128x64xf32, #tpu.memory_space<vmem>>, vector<1x16xf32>,
      %get3A_3689 = vector.shape_cast %get3A_3688 : vector<1x16xf32> to vector<16xf32>
      %mul3A_3690 = vector.broadcast %squeeze3A_3676 : f32 to vector<16xf32>
      %mul3A_3691 = arith.mulf %mul3A_3690, %get3A_3689 : vector<16xf32>
      %add3A_3692 = arith.addf %add3A_3658, %mul3A_3691 : vector<16xf32>
      %get3A_3693 = arith.constant 98 : i32
      %get3A_3694 = arith.index_cast %get3A_3693 : i32 to index
      %get3A_3695 = arith.constant 32 : index
      %get3A_3696 = tpu.vector_load %arg11[%get3A_3694, %get3A_3695] {strides = array<i32>} : memref<128x64xf32, #tpu.memory_space<vmem>>, vector<1x16xf32>,
      %get3A_3697 = vector.shape_cast %get3A_3696 : vector<1x16xf32> to vector<16xf32>
      %mul3A_3698 = vector.broadcast %squeeze3A_3676 : f32 to vector<16xf32>
      %mul3A_3699 = arith.mulf %mul3A_3698, %get3A_3697 : vector<16xf32>
      %add3A_3700 = arith.addf %add3A_3666, %mul3A_3699 : vector<16xf32>
      %get3A_3701 = arith.constant 98 : i32
      %get3A_3702 = arith.index_cast %get3A_3701 : i32 to index
      %get3A_3703 = arith.constant 48 : index
      %get3A_3704 = tpu.vector_load %arg11[%get3A_3702, %get3A_3703] {strides = array<i32>} : memref<128x64xf32, #tpu.memory_space<vmem>>, vector<1x16xf32>,
      %get3A_3705 = vector.shape_cast %get3A_3704 : vector<1x16xf32> to vector<16xf32>
      %mul3A_3706 = vector.broadcast %squeeze3A_3676 : f32 to vector<16xf32>
      %mul3A_3707 = arith.mulf %mul3A_3706, %get3A_3705 : vector<16xf32>
      %add3A_3708 = arith.addf %add3A_3674, %mul3A_3707 : vector<16xf32>
      %slice3A_3709 = vector.extract_strided_slice %get3A_3598 {offsets = [3], sizes = [1], strides = [1]} : vector<16xf32> to vector<1xf32>
      %squeeze3A_3710 = vector.extract %slice3A_3709[0] : f32 from vector<1xf32>
      %get3A_3711 = arith.constant 99 : i32
      %get3A_3712 = arith.index_cast %get3A_3711 : i32 to index
      %get3A_3713 = arith.constant 0 : index
      %get3A_3714 = tpu.vector_load %arg11[%get3A_3712, %get3A_3713] {strides = array<i32>} : memref<128x64xf32, #tpu.memory_space<vmem>>, vector<1x16xf32>,
      %get3A_3715 = vector.shape_cast %get3A_3714 : vector<1x16xf32> to vector<16xf32>
      %mul3A_3716 = vector.broadcast %squeeze3A_3710 : f32 to vector<16xf32>
      %mul3A_3717 = arith.mulf %mul3A_3716, %get3A_3715 : vector<16xf32>
      %add3A_3718 = arith.addf %add3A_3684, %mul3A_3717 : vector<16xf32>
      %get3A_3719 = arith.constant 99 : i32
      %get3A_3720 = arith.index_cast %get3A_3719 : i32 to index
      %get3A_3721 = arith.constant 16 : index
      %get3A_3722 = tpu.vector_load %arg11[%get3A_3720, %get3A_3721] {strides = array<i32>} : memref<128x64xf32, #tpu.memory_space<vmem>>, vector<1x16xf32>,
      %get3A_3723 = vector.shape_cast %get3A_3722 : vector<1x16xf32> to vector<16xf32>
      %mul3A_3724 = vector.broadcast %squeeze3A_3710 : f32 to vector<16xf32>
      %mul3A_3725 = arith.mulf %mul3A_3724, %get3A_3723 : vector<16xf32>
      %add3A_3726 = arith.addf %add3A_3692, %mul3A_3725 : vector<16xf32>
      %get3A_3727 = arith.constant 99 : i32
      %get3A_3728 = arith.index_cast %get3A_3727 : i32 to index
      %get3A_3729 = arith.constant 32 : index
      %get3A_3730 = tpu.vector_load %arg11[%get3A_3728, %get3A_3729] {strides = array<i32>} : memref<128x64xf32, #tpu.memory_space<vmem>>, vector<1x16xf32>,
      %get3A_3731 = vector.shape_cast %get3A_3730 : vector<1x16xf32> to vector<16xf32>
      %mul3A_3732 = vector.broadcast %squeeze3A_3710 : f32 to vector<16xf32>
      %mul3A_3733 = arith.mulf %mul3A_3732, %get3A_3731 : vector<16xf32>
      %add3A_3734 = arith.addf %add3A_3700, %mul3A_3733 : vector<16xf32>
      %get3A_3735 = arith.constant 99 : i32
      %get3A_3736 = arith.index_cast %get3A_3735 : i32 to index
      %get3A_3737 = arith.constant 48 : index
      %get3A_3738 = tpu.vector_load %arg11[%get3A_3736, %get3A_3737] {strides = array<i32>} : memref<128x64xf32, #tpu.memory_space<vmem>>, vector<1x16xf32>,
      %get3A_3739 = vector.shape_cast %get3A_3738 : vector<1x16xf32> to vector<16xf32>
      %mul3A_3740 = vector.broadcast %squeeze3A_3710 : f32 to vector<16xf32>
      %mul3A_3741 = arith.mulf %mul3A_3740, %get3A_3739 : vector<16xf32>
      %add3A_3742 = arith.addf %add3A_3708, %mul3A_3741 : vector<16xf32>
      %slice3A_3743 = vector.extract_strided_slice %get3A_3598 {offsets = [4], sizes = [1], strides = [1]} : vector<16xf32> to vector<1xf32>
      %squeeze3A_3744 = vector.extract %slice3A_3743[0] : f32 from vector<1xf32>
      %get3A_3745 = arith.constant 100 : i32
      %get3A_3746 = arith.index_cast %get3A_3745 : i32 to index
      %get3A_3747 = arith.constant 0 : index
      %get3A_3748 = tpu.vector_load %arg11[%get3A_3746, %get3A_3747] {strides = array<i32>} : memref<128x64xf32, #tpu.memory_space<vmem>>, vector<1x16xf32>,
      %get3A_3749 = vector.shape_cast %get3A_3748 : vector<1x16xf32> to vector<16xf32>
      %mul3A_3750 = vector.broadcast %squeeze3A_3744 : f32 to vector<16xf32>
      %mul3A_3751 = arith.mulf %mul3A_3750, %get3A_3749 : vector<16xf32>
      %add3A_3752 = arith.addf %add3A_3718, %mul3A_3751 : vector<16xf32>
      %get3A_3753 = arith.constant 100 : i32
      %get3A_3754 = arith.index_cast %get3A_3753 : i32 to index
      %get3A_3755 = arith.constant 16 : index
      %get3A_3756 = tpu.vector_load %arg11[%get3A_3754, %get3A_3755] {strides = array<i32>} : memref<128x64xf32, #tpu.memory_space<vmem>>, vector<1x16xf32>,
      %get3A_3757 = vector.shape_cast %get3A_3756 : vector<1x16xf32> to vector<16xf32>
      %mul3A_3758 = vector.broadcast %squeeze3A_3744 : f32 to vector<16xf32>
      %mul3A_3759 = arith.mulf %mul3A_3758, %get3A_3757 : vector<16xf32>
      %add3A_3760 = arith.addf %add3A_3726, %mul3A_3759 : vector<16xf32>
      %get3A_3761 = arith.constant 100 : i32
      %get3A_3762 = arith.index_cast %get3A_3761 : i32 to index
      %get3A_3763 = arith.constant 32 : index
      %get3A_3764 = tpu.vector_load %arg11[%get3A_3762, %get3A_3763] {strides = array<i32>} : memref<128x64xf32, #tpu.memory_space<vmem>>, vector<1x16xf32>,
      %get3A_3765 = vector.shape_cast %get3A_3764 : vector<1x16xf32> to vector<16xf32>
      %mul3A_3766 = vector.broadcast %squeeze3A_3744 : f32 to vector<16xf32>
      %mul3A_3767 = arith.mulf %mul3A_3766, %get3A_3765 : vector<16xf32>
      %add3A_3768 = arith.addf %add3A_3734, %mul3A_3767 : vector<16xf32>
      %get3A_3769 = arith.constant 100 : i32
      %get3A_3770 = arith.index_cast %get3A_3769 : i32 to index
      %get3A_3771 = arith.constant 48 : index
      %get3A_3772 = tpu.vector_load %arg11[%get3A_3770, %get3A_3771] {strides = array<i32>} : memref<128x64xf32, #tpu.memory_space<vmem>>, vector<1x16xf32>,
      %get3A_3773 = vector.shape_cast %get3A_3772 : vector<1x16xf32> to vector<16xf32>
      %mul3A_3774 = vector.broadcast %squeeze3A_3744 : f32 to vector<16xf32>
      %mul3A_3775 = arith.mulf %mul3A_3774, %get3A_3773 : vector<16xf32>
      %add3A_3776 = arith.addf %add3A_3742, %mul3A_3775 : vector<16xf32>
      %slice3A_3777 = vector.extract_strided_slice %get3A_3598 {offsets = [5], sizes = [1], strides = [1]} : vector<16xf32> to vector<1xf32>
      %squeeze3A_3778 = vector.extract %slice3A_3777[0] : f32 from vector<1xf32>
      %get3A_3779 = arith.constant 101 : i32
      %get3A_3780 = arith.index_cast %get3A_3779 : i32 to index
      %get3A_3781 = arith.constant 0 : index
      %get3A_3782 = tpu.vector_load %arg11[%get3A_3780, %get3A_3781] {strides = array<i32>} : memref<128x64xf32, #tpu.memory_space<vmem>>, vector<1x16xf32>,
      %get3A_3783 = vector.shape_cast %get3A_3782 : vector<1x16xf32> to vector<16xf32>
      %mul3A_3784 = vector.broadcast %squeeze3A_3778 : f32 to vector<16xf32>
      %mul3A_3785 = arith.mulf %mul3A_3784, %get3A_3783 : vector<16xf32>
      %add3A_3786 = arith.addf %add3A_3752, %mul3A_3785 : vector<16xf32>
      %get3A_3787 = arith.constant 101 : i32
      %get3A_3788 = arith.index_cast %get3A_3787 : i32 to index
      %get3A_3789 = arith.constant 16 : index
      %get3A_3790 = tpu.vector_load %arg11[%get3A_3788, %get3A_3789] {strides = array<i32>} : memref<128x64xf32, #tpu.memory_space<vmem>>, vector<1x16xf32>,
      %get3A_3791 = vector.shape_cast %get3A_3790 : vector<1x16xf32> to vector<16xf32>
      %mul3A_3792 = vector.broadcast %squeeze3A_3778 : f32 to vector<16xf32>
      %mul3A_3793 = arith.mulf %mul3A_3792, %get3A_3791 : vector<16xf32>
      %add3A_3794 = arith.addf %add3A_3760, %mul3A_3793 : vector<16xf32>
      %get3A_3795 = arith.constant 101 : i32
      %get3A_3796 = arith.index_cast %get3A_3795 : i32 to index
      %get3A_3797 = arith.constant 32 : index
      %get3A_3798 = tpu.vector_load %arg11[%get3A_3796, %get3A_3797] {strides = array<i32>} : memref<128x64xf32, #tpu.memory_space<vmem>>, vector<1x16xf32>,
      %get3A_3799 = vector.shape_cast %get3A_3798 : vector<1x16xf32> to vector<16xf32>
      %mul3A_3800 = vector.broadcast %squeeze3A_3778 : f32 to vector<16xf32>
      %mul3A_3801 = arith.mulf %mul3A_3800, %get3A_3799 : vector<16xf32>
      %add3A_3802 = arith.addf %add3A_3768, %mul3A_3801 : vector<16xf32>
      %get3A_3803 = arith.constant 101 : i32
      %get3A_3804 = arith.index_cast %get3A_3803 : i32 to index
      %get3A_3805 = arith.constant 48 : index
      %get3A_3806 = tpu.vector_load %arg11[%get3A_3804, %get3A_3805] {strides = array<i32>} : memref<128x64xf32, #tpu.memory_space<vmem>>, vector<1x16xf32>,
      %get3A_3807 = vector.shape_cast %get3A_3806 : vector<1x16xf32> to vector<16xf32>
      %mul3A_3808 = vector.broadcast %squeeze3A_3778 : f32 to vector<16xf32>
      %mul3A_3809 = arith.mulf %mul3A_3808, %get3A_3807 : vector<16xf32>
      %add3A_3810 = arith.addf %add3A_3776, %mul3A_3809 : vector<16xf32>
      %slice3A_3811 = vector.extract_strided_slice %get3A_3598 {offsets = [6], sizes = [1], strides = [1]} : vector<16xf32> to vector<1xf32>
      %squeeze3A_3812 = vector.extract %slice3A_3811[0] : f32 from vector<1xf32>
      %get3A_3813 = arith.constant 102 : i32
      %get3A_3814 = arith.index_cast %get3A_3813 : i32 to index
      %get3A_3815 = arith.constant 0 : index
      %get3A_3816 = tpu.vector_load %arg11[%get3A_3814, %get3A_3815] {strides = array<i32>} : memref<128x64xf32, #tpu.memory_space<vmem>>, vector<1x16xf32>,
      %get3A_3817 = vector.shape_cast %get3A_3816 : vector<1x16xf32> to vector<16xf32>
      %mul3A_3818 = vector.broadcast %squeeze3A_3812 : f32 to vector<16xf32>
      %mul3A_3819 = arith.mulf %mul3A_3818, %get3A_3817 : vector<16xf32>
      %add3A_3820 = arith.addf %add3A_3786, %mul3A_3819 : vector<16xf32>
      %get3A_3821 = arith.constant 102 : i32
      %get3A_3822 = arith.index_cast %get3A_3821 : i32 to index
      %get3A_3823 = arith.constant 16 : index
      %get3A_3824 = tpu.vector_load %arg11[%get3A_3822, %get3A_3823] {strides = array<i32>} : memref<128x64xf32, #tpu.memory_space<vmem>>, vector<1x16xf32>,
      %get3A_3825 = vector.shape_cast %get3A_3824 : vector<1x16xf32> to vector<16xf32>
      %mul3A_3826 = vector.broadcast %squeeze3A_3812 : f32 to vector<16xf32>
      %mul3A_3827 = arith.mulf %mul3A_3826, %get3A_3825 : vector<16xf32>
      %add3A_3828 = arith.addf %add3A_3794, %mul3A_3827 : vector<16xf32>
      %get3A_3829 = arith.constant 102 : i32
      %get3A_3830 = arith.index_cast %get3A_3829 : i32 to index
      %get3A_3831 = arith.constant 32 : index
      %get3A_3832 = tpu.vector_load %arg11[%get3A_3830, %get3A_3831] {strides = array<i32>} : memref<128x64xf32, #tpu.memory_space<vmem>>, vector<1x16xf32>,
      %get3A_3833 = vector.shape_cast %get3A_3832 : vector<1x16xf32> to vector<16xf32>
      %mul3A_3834 = vector.broadcast %squeeze3A_3812 : f32 to vector<16xf32>
      %mul3A_3835 = arith.mulf %mul3A_3834, %get3A_3833 : vector<16xf32>
      %add3A_3836 = arith.addf %add3A_3802, %mul3A_3835 : vector<16xf32>
      %get3A_3837 = arith.constant 102 : i32
      %get3A_3838 = arith.index_cast %get3A_3837 : i32 to index
      %get3A_3839 = arith.constant 48 : index
      %get3A_3840 = tpu.vector_load %arg11[%get3A_3838, %get3A_3839] {strides = array<i32>} : memref<128x64xf32, #tpu.memory_space<vmem>>, vector<1x16xf32>,
      %get3A_3841 = vector.shape_cast %get3A_3840 : vector<1x16xf32> to vector<16xf32>
      %mul3A_3842 = vector.broadcast %squeeze3A_3812 : f32 to vector<16xf32>
      %mul3A_3843 = arith.mulf %mul3A_3842, %get3A_3841 : vector<16xf32>
      %add3A_3844 = arith.addf %add3A_3810, %mul3A_3843 : vector<16xf32>
      %slice3A_3845 = vector.extract_strided_slice %get3A_3598 {offsets = [7], sizes = [1], strides = [1]} : vector<16xf32> to vector<1xf32>
      %squeeze3A_3846 = vector.extract %slice3A_3845[0] : f32 from vector<1xf32>
      %get3A_3847 = arith.constant 103 : i32
      %get3A_3848 = arith.index_cast %get3A_3847 : i32 to index
      %get3A_3849 = arith.constant 0 : index
      %get3A_3850 = tpu.vector_load %arg11[%get3A_3848, %get3A_3849] {strides = array<i32>} : memref<128x64xf32, #tpu.memory_space<vmem>>, vector<1x16xf32>,
      %get3A_3851 = vector.shape_cast %get3A_3850 : vector<1x16xf32> to vector<16xf32>
      %mul3A_3852 = vector.broadcast %squeeze3A_3846 : f32 to vector<16xf32>
      %mul3A_3853 = arith.mulf %mul3A_3852, %get3A_3851 : vector<16xf32>
      %add3A_3854 = arith.addf %add3A_3820, %mul3A_3853 : vector<16xf32>
      %get3A_3855 = arith.constant 103 : i32
      %get3A_3856 = arith.index_cast %get3A_3855 : i32 to index
      %get3A_3857 = arith.constant 16 : index
      %get3A_3858 = tpu.vector_load %arg11[%get3A_3856, %get3A_3857] {strides = array<i32>} : memref<128x64xf32, #tpu.memory_space<vmem>>, vector<1x16xf32>,
      %get3A_3859 = vector.shape_cast %get3A_3858 : vector<1x16xf32> to vector<16xf32>
      %mul3A_3860 = vector.broadcast %squeeze3A_3846 : f32 to vector<16xf32>
      %mul3A_3861 = arith.mulf %mul3A_3860, %get3A_3859 : vector<16xf32>
      %add3A_3862 = arith.addf %add3A_3828, %mul3A_3861 : vector<16xf32>
      %get3A_3863 = arith.constant 103 : i32
      %get3A_3864 = arith.index_cast %get3A_3863 : i32 to index
      %get3A_3865 = arith.constant 32 : index
      %get3A_3866 = tpu.vector_load %arg11[%get3A_3864, %get3A_3865] {strides = array<i32>} : memref<128x64xf32, #tpu.memory_space<vmem>>, vector<1x16xf32>,
      %get3A_3867 = vector.shape_cast %get3A_3866 : vector<1x16xf32> to vector<16xf32>
      %mul3A_3868 = vector.broadcast %squeeze3A_3846 : f32 to vector<16xf32>
      %mul3A_3869 = arith.mulf %mul3A_3868, %get3A_3867 : vector<16xf32>
      %add3A_3870 = arith.addf %add3A_3836, %mul3A_3869 : vector<16xf32>
      %get3A_3871 = arith.constant 103 : i32
      %get3A_3872 = arith.index_cast %get3A_3871 : i32 to index
      %get3A_3873 = arith.constant 48 : index
      %get3A_3874 = tpu.vector_load %arg11[%get3A_3872, %get3A_3873] {strides = array<i32>} : memref<128x64xf32, #tpu.memory_space<vmem>>, vector<1x16xf32>,
      %get3A_3875 = vector.shape_cast %get3A_3874 : vector<1x16xf32> to vector<16xf32>
      %mul3A_3876 = vector.broadcast %squeeze3A_3846 : f32 to vector<16xf32>
      %mul3A_3877 = arith.mulf %mul3A_3876, %get3A_3875 : vector<16xf32>
      %add3A_3878 = arith.addf %add3A_3844, %mul3A_3877 : vector<16xf32>
      %slice3A_3879 = vector.extract_strided_slice %get3A_3598 {offsets = [8], sizes = [1], strides = [1]} : vector<16xf32> to vector<1xf32>
      %squeeze3A_3880 = vector.extract %slice3A_3879[0] : f32 from vector<1xf32>
      %get3A_3881 = arith.constant 104 : i32
      %get3A_3882 = arith.index_cast %get3A_3881 : i32 to index
      %get3A_3883 = arith.constant 0 : index
      %get3A_3884 = tpu.vector_load %arg11[%get3A_3882, %get3A_3883] {strides = array<i32>} : memref<128x64xf32, #tpu.memory_space<vmem>>, vector<1x16xf32>,
      %get3A_3885 = vector.shape_cast %get3A_3884 : vector<1x16xf32> to vector<16xf32>
      %mul3A_3886 = vector.broadcast %squeeze3A_3880 : f32 to vector<16xf32>
      %mul3A_3887 = arith.mulf %mul3A_3886, %get3A_3885 : vector<16xf32>
      %add3A_3888 = arith.addf %add3A_3854, %mul3A_3887 : vector<16xf32>
      %get3A_3889 = arith.constant 104 : i32
      %get3A_3890 = arith.index_cast %get3A_3889 : i32 to index
      %get3A_3891 = arith.constant 16 : index
      %get3A_3892 = tpu.vector_load %arg11[%get3A_3890, %get3A_3891] {strides = array<i32>} : memref<128x64xf32, #tpu.memory_space<vmem>>, vector<1x16xf32>,
      %get3A_3893 = vector.shape_cast %get3A_3892 : vector<1x16xf32> to vector<16xf32>
      %mul3A_3894 = vector.broadcast %squeeze3A_3880 : f32 to vector<16xf32>
      %mul3A_3895 = arith.mulf %mul3A_3894, %get3A_3893 : vector<16xf32>
      %add3A_3896 = arith.addf %add3A_3862, %mul3A_3895 : vector<16xf32>
      %get3A_3897 = arith.constant 104 : i32
      %get3A_3898 = arith.index_cast %get3A_3897 : i32 to index
      %get3A_3899 = arith.constant 32 : index
      %get3A_3900 = tpu.vector_load %arg11[%get3A_3898, %get3A_3899] {strides = array<i32>} : memref<128x64xf32, #tpu.memory_space<vmem>>, vector<1x16xf32>,
      %get3A_3901 = vector.shape_cast %get3A_3900 : vector<1x16xf32> to vector<16xf32>
      %mul3A_3902 = vector.broadcast %squeeze3A_3880 : f32 to vector<16xf32>
      %mul3A_3903 = arith.mulf %mul3A_3902, %get3A_3901 : vector<16xf32>
      %add3A_3904 = arith.addf %add3A_3870, %mul3A_3903 : vector<16xf32>
      %get3A_3905 = arith.constant 104 : i32
      %get3A_3906 = arith.index_cast %get3A_3905 : i32 to index
      %get3A_3907 = arith.constant 48 : index
      %get3A_3908 = tpu.vector_load %arg11[%get3A_3906, %get3A_3907] {strides = array<i32>} : memref<128x64xf32, #tpu.memory_space<vmem>>, vector<1x16xf32>,
      %get3A_3909 = vector.shape_cast %get3A_3908 : vector<1x16xf32> to vector<16xf32>
      %mul3A_3910 = vector.broadcast %squeeze3A_3880 : f32 to vector<16xf32>
      %mul3A_3911 = arith.mulf %mul3A_3910, %get3A_3909 : vector<16xf32>
      %add3A_3912 = arith.addf %add3A_3878, %mul3A_3911 : vector<16xf32>
      %slice3A_3913 = vector.extract_strided_slice %get3A_3598 {offsets = [9], sizes = [1], strides = [1]} : vector<16xf32> to vector<1xf32>
      %squeeze3A_3914 = vector.extract %slice3A_3913[0] : f32 from vector<1xf32>
      %get3A_3915 = arith.constant 105 : i32
      %get3A_3916 = arith.index_cast %get3A_3915 : i32 to index
      %get3A_3917 = arith.constant 0 : index
      %get3A_3918 = tpu.vector_load %arg11[%get3A_3916, %get3A_3917] {strides = array<i32>} : memref<128x64xf32, #tpu.memory_space<vmem>>, vector<1x16xf32>,
      %get3A_3919 = vector.shape_cast %get3A_3918 : vector<1x16xf32> to vector<16xf32>
      %mul3A_3920 = vector.broadcast %squeeze3A_3914 : f32 to vector<16xf32>
      %mul3A_3921 = arith.mulf %mul3A_3920, %get3A_3919 : vector<16xf32>
      %add3A_3922 = arith.addf %add3A_3888, %mul3A_3921 : vector<16xf32>
      %get3A_3923 = arith.constant 105 : i32
      %get3A_3924 = arith.index_cast %get3A_3923 : i32 to index
      %get3A_3925 = arith.constant 16 : index
      %get3A_3926 = tpu.vector_load %arg11[%get3A_3924, %get3A_3925] {strides = array<i32>} : memref<128x64xf32, #tpu.memory_space<vmem>>, vector<1x16xf32>,
      %get3A_3927 = vector.shape_cast %get3A_3926 : vector<1x16xf32> to vector<16xf32>
      %mul3A_3928 = vector.broadcast %squeeze3A_3914 : f32 to vector<16xf32>
      %mul3A_3929 = arith.mulf %mul3A_3928, %get3A_3927 : vector<16xf32>
      %add3A_3930 = arith.addf %add3A_3896, %mul3A_3929 : vector<16xf32>
      %get3A_3931 = arith.constant 105 : i32
      %get3A_3932 = arith.index_cast %get3A_3931 : i32 to index
      %get3A_3933 = arith.constant 32 : index
      %get3A_3934 = tpu.vector_load %arg11[%get3A_3932, %get3A_3933] {strides = array<i32>} : memref<128x64xf32, #tpu.memory_space<vmem>>, vector<1x16xf32>,
      %get3A_3935 = vector.shape_cast %get3A_3934 : vector<1x16xf32> to vector<16xf32>
      %mul3A_3936 = vector.broadcast %squeeze3A_3914 : f32 to vector<16xf32>
      %mul3A_3937 = arith.mulf %mul3A_3936, %get3A_3935 : vector<16xf32>
      %add3A_3938 = arith.addf %add3A_3904, %mul3A_3937 : vector<16xf32>
      %get3A_3939 = arith.constant 105 : i32
      %get3A_3940 = arith.index_cast %get3A_3939 : i32 to index
      %get3A_3941 = arith.constant 48 : index
      %get3A_3942 = tpu.vector_load %arg11[%get3A_3940, %get3A_3941] {strides = array<i32>} : memref<128x64xf32, #tpu.memory_space<vmem>>, vector<1x16xf32>,
      %get3A_3943 = vector.shape_cast %get3A_3942 : vector<1x16xf32> to vector<16xf32>
      %mul3A_3944 = vector.broadcast %squeeze3A_3914 : f32 to vector<16xf32>
      %mul3A_3945 = arith.mulf %mul3A_3944, %get3A_3943 : vector<16xf32>
      %add3A_3946 = arith.addf %add3A_3912, %mul3A_3945 : vector<16xf32>
      %slice3A_3947 = vector.extract_strided_slice %get3A_3598 {offsets = [10], sizes = [1], strides = [1]} : vector<16xf32> to vector<1xf32>
      %squeeze3A_3948 = vector.extract %slice3A_3947[0] : f32 from vector<1xf32>
      %get3A_3949 = arith.constant 106 : i32
      %get3A_3950 = arith.index_cast %get3A_3949 : i32 to index
      %get3A_3951 = arith.constant 0 : index
      %get3A_3952 = tpu.vector_load %arg11[%get3A_3950, %get3A_3951] {strides = array<i32>} : memref<128x64xf32, #tpu.memory_space<vmem>>, vector<1x16xf32>,
      %get3A_3953 = vector.shape_cast %get3A_3952 : vector<1x16xf32> to vector<16xf32>
      %mul3A_3954 = vector.broadcast %squeeze3A_3948 : f32 to vector<16xf32>
      %mul3A_3955 = arith.mulf %mul3A_3954, %get3A_3953 : vector<16xf32>
      %add3A_3956 = arith.addf %add3A_3922, %mul3A_3955 : vector<16xf32>
      %get3A_3957 = arith.constant 106 : i32
      %get3A_3958 = arith.index_cast %get3A_3957 : i32 to index
      %get3A_3959 = arith.constant 16 : index
      %get3A_3960 = tpu.vector_load %arg11[%get3A_3958, %get3A_3959] {strides = array<i32>} : memref<128x64xf32, #tpu.memory_space<vmem>>, vector<1x16xf32>,
      %get3A_3961 = vector.shape_cast %get3A_3960 : vector<1x16xf32> to vector<16xf32>
      %mul3A_3962 = vector.broadcast %squeeze3A_3948 : f32 to vector<16xf32>
      %mul3A_3963 = arith.mulf %mul3A_3962, %get3A_3961 : vector<16xf32>
      %add3A_3964 = arith.addf %add3A_3930, %mul3A_3963 : vector<16xf32>
      %get3A_3965 = arith.constant 106 : i32
      %get3A_3966 = arith.index_cast %get3A_3965 : i32 to index
      %get3A_3967 = arith.constant 32 : index
      %get3A_3968 = tpu.vector_load %arg11[%get3A_3966, %get3A_3967] {strides = array<i32>} : memref<128x64xf32, #tpu.memory_space<vmem>>, vector<1x16xf32>,
      %get3A_3969 = vector.shape_cast %get3A_3968 : vector<1x16xf32> to vector<16xf32>
      %mul3A_3970 = vector.broadcast %squeeze3A_3948 : f32 to vector<16xf32>
      %mul3A_3971 = arith.mulf %mul3A_3970, %get3A_3969 : vector<16xf32>
      %add3A_3972 = arith.addf %add3A_3938, %mul3A_3971 : vector<16xf32>
      %get3A_3973 = arith.constant 106 : i32
      %get3A_3974 = arith.index_cast %get3A_3973 : i32 to index
      %get3A_3975 = arith.constant 48 : index
      %get3A_3976 = tpu.vector_load %arg11[%get3A_3974, %get3A_3975] {strides = array<i32>} : memref<128x64xf32, #tpu.memory_space<vmem>>, vector<1x16xf32>,
      %get3A_3977 = vector.shape_cast %get3A_3976 : vector<1x16xf32> to vector<16xf32>
      %mul3A_3978 = vector.broadcast %squeeze3A_3948 : f32 to vector<16xf32>
      %mul3A_3979 = arith.mulf %mul3A_3978, %get3A_3977 : vector<16xf32>
      %add3A_3980 = arith.addf %add3A_3946, %mul3A_3979 : vector<16xf32>
      %slice3A_3981 = vector.extract_strided_slice %get3A_3598 {offsets = [11], sizes = [1], strides = [1]} : vector<16xf32> to vector<1xf32>
      %squeeze3A_3982 = vector.extract %slice3A_3981[0] : f32 from vector<1xf32>
      %get3A_3983 = arith.constant 107 : i32
      %get3A_3984 = arith.index_cast %get3A_3983 : i32 to index
      %get3A_3985 = arith.constant 0 : index
      %get3A_3986 = tpu.vector_load %arg11[%get3A_3984, %get3A_3985] {strides = array<i32>} : memref<128x64xf32, #tpu.memory_space<vmem>>, vector<1x16xf32>,
      %get3A_3987 = vector.shape_cast %get3A_3986 : vector<1x16xf32> to vector<16xf32>
      %mul3A_3988 = vector.broadcast %squeeze3A_3982 : f32 to vector<16xf32>
      %mul3A_3989 = arith.mulf %mul3A_3988, %get3A_3987 : vector<16xf32>
      %add3A_3990 = arith.addf %add3A_3956, %mul3A_3989 : vector<16xf32>
      %get3A_3991 = arith.constant 107 : i32
      %get3A_3992 = arith.index_cast %get3A_3991 : i32 to index
      %get3A_3993 = arith.constant 16 : index
      %get3A_3994 = tpu.vector_load %arg11[%get3A_3992, %get3A_3993] {strides = array<i32>} : memref<128x64xf32, #tpu.memory_space<vmem>>, vector<1x16xf32>,
      %get3A_3995 = vector.shape_cast %get3A_3994 : vector<1x16xf32> to vector<16xf32>
      %mul3A_3996 = vector.broadcast %squeeze3A_3982 : f32 to vector<16xf32>
      %mul3A_3997 = arith.mulf %mul3A_3996, %get3A_3995 : vector<16xf32>
      %add3A_3998 = arith.addf %add3A_3964, %mul3A_3997 : vector<16xf32>
      %get3A_3999 = arith.constant 107 : i32
      %get3A_4000 = arith.index_cast %get3A_3999 : i32 to index
      %get3A_4001 = arith.constant 32 : index
      %get3A_4002 = tpu.vector_load %arg11[%get3A_4000, %get3A_4001] {strides = array<i32>} : memref<128x64xf32, #tpu.memory_space<vmem>>, vector<1x16xf32>,
      %get3A_4003 = vector.shape_cast %get3A_4002 : vector<1x16xf32> to vector<16xf32>
      %mul3A_4004 = vector.broadcast %squeeze3A_3982 : f32 to vector<16xf32>
      %mul3A_4005 = arith.mulf %mul3A_4004, %get3A_4003 : vector<16xf32>
      %add3A_4006 = arith.addf %add3A_3972, %mul3A_4005 : vector<16xf32>
      %get3A_4007 = arith.constant 107 : i32
      %get3A_4008 = arith.index_cast %get3A_4007 : i32 to index
      %get3A_4009 = arith.constant 48 : index
      %get3A_4010 = tpu.vector_load %arg11[%get3A_4008, %get3A_4009] {strides = array<i32>} : memref<128x64xf32, #tpu.memory_space<vmem>>, vector<1x16xf32>,
      %get3A_4011 = vector.shape_cast %get3A_4010 : vector<1x16xf32> to vector<16xf32>
      %mul3A_4012 = vector.broadcast %squeeze3A_3982 : f32 to vector<16xf32>
      %mul3A_4013 = arith.mulf %mul3A_4012, %get3A_4011 : vector<16xf32>
      %add3A_4014 = arith.addf %add3A_3980, %mul3A_4013 : vector<16xf32>
      %slice3A_4015 = vector.extract_strided_slice %get3A_3598 {offsets = [12], sizes = [1], strides = [1]} : vector<16xf32> to vector<1xf32>
      %squeeze3A_4016 = vector.extract %slice3A_4015[0] : f32 from vector<1xf32>
      %get3A_4017 = arith.constant 108 : i32
      %get3A_4018 = arith.index_cast %get3A_4017 : i32 to index
      %get3A_4019 = arith.constant 0 : index
      %get3A_4020 = tpu.vector_load %arg11[%get3A_4018, %get3A_4019] {strides = array<i32>} : memref<128x64xf32, #tpu.memory_space<vmem>>, vector<1x16xf32>,
      %get3A_4021 = vector.shape_cast %get3A_4020 : vector<1x16xf32> to vector<16xf32>
      %mul3A_4022 = vector.broadcast %squeeze3A_4016 : f32 to vector<16xf32>
      %mul3A_4023 = arith.mulf %mul3A_4022, %get3A_4021 : vector<16xf32>
      %add3A_4024 = arith.addf %add3A_3990, %mul3A_4023 : vector<16xf32>
      %get3A_4025 = arith.constant 108 : i32
      %get3A_4026 = arith.index_cast %get3A_4025 : i32 to index
      %get3A_4027 = arith.constant 16 : index
      %get3A_4028 = tpu.vector_load %arg11[%get3A_4026, %get3A_4027] {strides = array<i32>} : memref<128x64xf32, #tpu.memory_space<vmem>>, vector<1x16xf32>,
      %get3A_4029 = vector.shape_cast %get3A_4028 : vector<1x16xf32> to vector<16xf32>
      %mul3A_4030 = vector.broadcast %squeeze3A_4016 : f32 to vector<16xf32>
      %mul3A_4031 = arith.mulf %mul3A_4030, %get3A_4029 : vector<16xf32>
      %add3A_4032 = arith.addf %add3A_3998, %mul3A_4031 : vector<16xf32>
      %get3A_4033 = arith.constant 108 : i32
      %get3A_4034 = arith.index_cast %get3A_4033 : i32 to index
      %get3A_4035 = arith.constant 32 : index
      %get3A_4036 = tpu.vector_load %arg11[%get3A_4034, %get3A_4035] {strides = array<i32>} : memref<128x64xf32, #tpu.memory_space<vmem>>, vector<1x16xf32>,
      %get3A_4037 = vector.shape_cast %get3A_4036 : vector<1x16xf32> to vector<16xf32>
      %mul3A_4038 = vector.broadcast %squeeze3A_4016 : f32 to vector<16xf32>
      %mul3A_4039 = arith.mulf %mul3A_4038, %get3A_4037 : vector<16xf32>
      %add3A_4040 = arith.addf %add3A_4006, %mul3A_4039 : vector<16xf32>
      %get3A_4041 = arith.constant 108 : i32
      %get3A_4042 = arith.index_cast %get3A_4041 : i32 to index
      %get3A_4043 = arith.constant 48 : index
      %get3A_4044 = tpu.vector_load %arg11[%get3A_4042, %get3A_4043] {strides = array<i32>} : memref<128x64xf32, #tpu.memory_space<vmem>>, vector<1x16xf32>,
      %get3A_4045 = vector.shape_cast %get3A_4044 : vector<1x16xf32> to vector<16xf32>
      %mul3A_4046 = vector.broadcast %squeeze3A_4016 : f32 to vector<16xf32>
      %mul3A_4047 = arith.mulf %mul3A_4046, %get3A_4045 : vector<16xf32>
      %add3A_4048 = arith.addf %add3A_4014, %mul3A_4047 : vector<16xf32>
      %slice3A_4049 = vector.extract_strided_slice %get3A_3598 {offsets = [13], sizes = [1], strides = [1]} : vector<16xf32> to vector<1xf32>
      %squeeze3A_4050 = vector.extract %slice3A_4049[0] : f32 from vector<1xf32>
      %get3A_4051 = arith.constant 109 : i32
      %get3A_4052 = arith.index_cast %get3A_4051 : i32 to index
      %get3A_4053 = arith.constant 0 : index
      %get3A_4054 = tpu.vector_load %arg11[%get3A_4052, %get3A_4053] {strides = array<i32>} : memref<128x64xf32, #tpu.memory_space<vmem>>, vector<1x16xf32>,
      %get3A_4055 = vector.shape_cast %get3A_4054 : vector<1x16xf32> to vector<16xf32>
      %mul3A_4056 = vector.broadcast %squeeze3A_4050 : f32 to vector<16xf32>
      %mul3A_4057 = arith.mulf %mul3A_4056, %get3A_4055 : vector<16xf32>
      %add3A_4058 = arith.addf %add3A_4024, %mul3A_4057 : vector<16xf32>
      %get3A_4059 = arith.constant 109 : i32
      %get3A_4060 = arith.index_cast %get3A_4059 : i32 to index
      %get3A_4061 = arith.constant 16 : index
      %get3A_4062 = tpu.vector_load %arg11[%get3A_4060, %get3A_4061] {strides = array<i32>} : memref<128x64xf32, #tpu.memory_space<vmem>>, vector<1x16xf32>,
      %get3A_4063 = vector.shape_cast %get3A_4062 : vector<1x16xf32> to vector<16xf32>
      %mul3A_4064 = vector.broadcast %squeeze3A_4050 : f32 to vector<16xf32>
      %mul3A_4065 = arith.mulf %mul3A_4064, %get3A_4063 : vector<16xf32>
      %add3A_4066 = arith.addf %add3A_4032, %mul3A_4065 : vector<16xf32>
      %get3A_4067 = arith.constant 109 : i32
      %get3A_4068 = arith.index_cast %get3A_4067 : i32 to index
      %get3A_4069 = arith.constant 32 : index
      %get3A_4070 = tpu.vector_load %arg11[%get3A_4068, %get3A_4069] {strides = array<i32>} : memref<128x64xf32, #tpu.memory_space<vmem>>, vector<1x16xf32>,
      %get3A_4071 = vector.shape_cast %get3A_4070 : vector<1x16xf32> to vector<16xf32>
      %mul3A_4072 = vector.broadcast %squeeze3A_4050 : f32 to vector<16xf32>
      %mul3A_4073 = arith.mulf %mul3A_4072, %get3A_4071 : vector<16xf32>
      %add3A_4074 = arith.addf %add3A_4040, %mul3A_4073 : vector<16xf32>
      %get3A_4075 = arith.constant 109 : i32
      %get3A_4076 = arith.index_cast %get3A_4075 : i32 to index
      %get3A_4077 = arith.constant 48 : index
      %get3A_4078 = tpu.vector_load %arg11[%get3A_4076, %get3A_4077] {strides = array<i32>} : memref<128x64xf32, #tpu.memory_space<vmem>>, vector<1x16xf32>,
      %get3A_4079 = vector.shape_cast %get3A_4078 : vector<1x16xf32> to vector<16xf32>
      %mul3A_4080 = vector.broadcast %squeeze3A_4050 : f32 to vector<16xf32>
      %mul3A_4081 = arith.mulf %mul3A_4080, %get3A_4079 : vector<16xf32>
      %add3A_4082 = arith.addf %add3A_4048, %mul3A_4081 : vector<16xf32>
      %slice3A_4083 = vector.extract_strided_slice %get3A_3598 {offsets = [14], sizes = [1], strides = [1]} : vector<16xf32> to vector<1xf32>
      %squeeze3A_4084 = vector.extract %slice3A_4083[0] : f32 from vector<1xf32>
      %get3A_4085 = arith.constant 110 : i32
      %get3A_4086 = arith.index_cast %get3A_4085 : i32 to index
      %get3A_4087 = arith.constant 0 : index
      %get3A_4088 = tpu.vector_load %arg11[%get3A_4086, %get3A_4087] {strides = array<i32>} : memref<128x64xf32, #tpu.memory_space<vmem>>, vector<1x16xf32>,
      %get3A_4089 = vector.shape_cast %get3A_4088 : vector<1x16xf32> to vector<16xf32>
      %mul3A_4090 = vector.broadcast %squeeze3A_4084 : f32 to vector<16xf32>
      %mul3A_4091 = arith.mulf %mul3A_4090, %get3A_4089 : vector<16xf32>
      %add3A_4092 = arith.addf %add3A_4058, %mul3A_4091 : vector<16xf32>
      %get3A_4093 = arith.constant 110 : i32
      %get3A_4094 = arith.index_cast %get3A_4093 : i32 to index
      %get3A_4095 = arith.constant 16 : index
      %get3A_4096 = tpu.vector_load %arg11[%get3A_4094, %get3A_4095] {strides = array<i32>} : memref<128x64xf32, #tpu.memory_space<vmem>>, vector<1x16xf32>,
      %get3A_4097 = vector.shape_cast %get3A_4096 : vector<1x16xf32> to vector<16xf32>
      %mul3A_4098 = vector.broadcast %squeeze3A_4084 : f32 to vector<16xf32>
      %mul3A_4099 = arith.mulf %mul3A_4098, %get3A_4097 : vector<16xf32>
      %add3A_4100 = arith.addf %add3A_4066, %mul3A_4099 : vector<16xf32>
      %get3A_4101 = arith.constant 110 : i32
      %get3A_4102 = arith.index_cast %get3A_4101 : i32 to index
      %get3A_4103 = arith.constant 32 : index
      %get3A_4104 = tpu.vector_load %arg11[%get3A_4102, %get3A_4103] {strides = array<i32>} : memref<128x64xf32, #tpu.memory_space<vmem>>, vector<1x16xf32>,
      %get3A_4105 = vector.shape_cast %get3A_4104 : vector<1x16xf32> to vector<16xf32>
      %mul3A_4106 = vector.broadcast %squeeze3A_4084 : f32 to vector<16xf32>
      %mul3A_4107 = arith.mulf %mul3A_4106, %get3A_4105 : vector<16xf32>
      %add3A_4108 = arith.addf %add3A_4074, %mul3A_4107 : vector<16xf32>
      %get3A_4109 = arith.constant 110 : i32
      %get3A_4110 = arith.index_cast %get3A_4109 : i32 to index
      %get3A_4111 = arith.constant 48 : index
      %get3A_4112 = tpu.vector_load %arg11[%get3A_4110, %get3A_4111] {strides = array<i32>} : memref<128x64xf32, #tpu.memory_space<vmem>>, vector<1x16xf32>,
      %get3A_4113 = vector.shape_cast %get3A_4112 : vector<1x16xf32> to vector<16xf32>
      %mul3A_4114 = vector.broadcast %squeeze3A_4084 : f32 to vector<16xf32>
      %mul3A_4115 = arith.mulf %mul3A_4114, %get3A_4113 : vector<16xf32>
      %add3A_4116 = arith.addf %add3A_4082, %mul3A_4115 : vector<16xf32>
      %slice3A_4117 = vector.extract_strided_slice %get3A_3598 {offsets = [15], sizes = [1], strides = [1]} : vector<16xf32> to vector<1xf32>
      %squeeze3A_4118 = vector.extract %slice3A_4117[0] : f32 from vector<1xf32>
      %get3A_4119 = arith.constant 111 : i32
      %get3A_4120 = arith.index_cast %get3A_4119 : i32 to index
      %get3A_4121 = arith.constant 0 : index
      %get3A_4122 = tpu.vector_load %arg11[%get3A_4120, %get3A_4121] {strides = array<i32>} : memref<128x64xf32, #tpu.memory_space<vmem>>, vector<1x16xf32>,
      %get3A_4123 = vector.shape_cast %get3A_4122 : vector<1x16xf32> to vector<16xf32>
      %mul3A_4124 = vector.broadcast %squeeze3A_4118 : f32 to vector<16xf32>
      %mul3A_4125 = arith.mulf %mul3A_4124, %get3A_4123 : vector<16xf32>
      %add3A_4126 = arith.addf %add3A_4092, %mul3A_4125 : vector<16xf32>
      %get3A_4127 = arith.constant 111 : i32
      %get3A_4128 = arith.index_cast %get3A_4127 : i32 to index
      %get3A_4129 = arith.constant 16 : index
      %get3A_4130 = tpu.vector_load %arg11[%get3A_4128, %get3A_4129] {strides = array<i32>} : memref<128x64xf32, #tpu.memory_space<vmem>>, vector<1x16xf32>,
      %get3A_4131 = vector.shape_cast %get3A_4130 : vector<1x16xf32> to vector<16xf32>
      %mul3A_4132 = vector.broadcast %squeeze3A_4118 : f32 to vector<16xf32>
      %mul3A_4133 = arith.mulf %mul3A_4132, %get3A_4131 : vector<16xf32>
      %add3A_4134 = arith.addf %add3A_4100, %mul3A_4133 : vector<16xf32>
      %get3A_4135 = arith.constant 111 : i32
      %get3A_4136 = arith.index_cast %get3A_4135 : i32 to index
      %get3A_4137 = arith.constant 32 : index
      %get3A_4138 = tpu.vector_load %arg11[%get3A_4136, %get3A_4137] {strides = array<i32>} : memref<128x64xf32, #tpu.memory_space<vmem>>, vector<1x16xf32>,
      %get3A_4139 = vector.shape_cast %get3A_4138 : vector<1x16xf32> to vector<16xf32>
      %mul3A_4140 = vector.broadcast %squeeze3A_4118 : f32 to vector<16xf32>
      %mul3A_4141 = arith.mulf %mul3A_4140, %get3A_4139 : vector<16xf32>
      %add3A_4142 = arith.addf %add3A_4108, %mul3A_4141 : vector<16xf32>
      %get3A_4143 = arith.constant 111 : i32
      %get3A_4144 = arith.index_cast %get3A_4143 : i32 to index
      %get3A_4145 = arith.constant 48 : index
      %get3A_4146 = tpu.vector_load %arg11[%get3A_4144, %get3A_4145] {strides = array<i32>} : memref<128x64xf32, #tpu.memory_space<vmem>>, vector<1x16xf32>,
      %get3A_4147 = vector.shape_cast %get3A_4146 : vector<1x16xf32> to vector<16xf32>
      %mul3A_4148 = vector.broadcast %squeeze3A_4118 : f32 to vector<16xf32>
      %mul3A_4149 = arith.mulf %mul3A_4148, %get3A_4147 : vector<16xf32>
      %add3A_4150 = arith.addf %add3A_4116, %mul3A_4149 : vector<16xf32>
      %slice3A_4151 = vector.extract_strided_slice %select_n3A {offsets = [6], sizes = [1], strides = [1]} : vector<16xf32> to vector<1xf32>
      %squeeze3A_4152 = vector.extract %slice3A_4151[0] : f32 from vector<1xf32>
      %mul3A_4153 = vector.broadcast %squeeze3A_4152 : f32 to vector<16xf32>
      %mul3A_4154 = arith.mulf %add3A_4126, %mul3A_4153 : vector<16xf32>
      %swap3A_4155 = arith.constant 6 : i32
      %swap3A_4156 = arith.index_cast %swap3A_4155 : i32 to index
      %swap3A_4157 = arith.constant 0 : index
      %swap3A_4158 = tpu.vector_load %arg12[%swap3A_4156, %swap3A_4157] {strides = array<i32>} : memref<8x64xf32, #tpu.memory_space<vmem>>, vector<1x16xf32>,
      %swap3A_4159 = vector.shape_cast %swap3A_4158 : vector<1x16xf32> to vector<16xf32>
      %swap3A_4160 = vector.shape_cast %mul3A_4154 : vector<16xf32> to vector<1x16xf32>
      tpu.vector_store %arg12[%swap3A_4156, %swap3A_4157], %swap3A_4160 {strides = array<i32>} : memref<8x64xf32, #tpu.memory_space<vmem>>, vector<1x16xf32>,
      %mul3A_4161 = vector.broadcast %squeeze3A_4152 : f32 to vector<16xf32>
      %mul3A_4162 = arith.mulf %add3A_4134, %mul3A_4161 : vector<16xf32>
      %swap3A_4163 = arith.constant 6 : i32
      %swap3A_4164 = arith.index_cast %swap3A_4163 : i32 to index
      %swap3A_4165 = arith.constant 16 : index
      %swap3A_4166 = tpu.vector_load %arg12[%swap3A_4164, %swap3A_4165] {strides = array<i32>} : memref<8x64xf32, #tpu.memory_space<vmem>>, vector<1x16xf32>,
      %swap3A_4167 = vector.shape_cast %swap3A_4166 : vector<1x16xf32> to vector<16xf32>
      %swap3A_4168 = vector.shape_cast %mul3A_4162 : vector<16xf32> to vector<1x16xf32>
      tpu.vector_store %arg12[%swap3A_4164, %swap3A_4165], %swap3A_4168 {strides = array<i32>} : memref<8x64xf32, #tpu.memory_space<vmem>>, vector<1x16xf32>,
      %mul3A_4169 = vector.broadcast %squeeze3A_4152 : f32 to vector<16xf32>
      %mul3A_4170 = arith.mulf %add3A_4142, %mul3A_4169 : vector<16xf32>
      %swap3A_4171 = arith.constant 6 : i32
      %swap3A_4172 = arith.index_cast %swap3A_4171 : i32 to index
      %swap3A_4173 = arith.constant 32 : index
      %swap3A_4174 = tpu.vector_load %arg12[%swap3A_4172, %swap3A_4173] {strides = array<i32>} : memref<8x64xf32, #tpu.memory_space<vmem>>, vector<1x16xf32>,
      %swap3A_4175 = vector.shape_cast %swap3A_4174 : vector<1x16xf32> to vector<16xf32>
      %swap3A_4176 = vector.shape_cast %mul3A_4170 : vector<16xf32> to vector<1x16xf32>
      tpu.vector_store %arg12[%swap3A_4172, %swap3A_4173], %swap3A_4176 {strides = array<i32>} : memref<8x64xf32, #tpu.memory_space<vmem>>, vector<1x16xf32>,
      %mul3A_4177 = vector.broadcast %squeeze3A_4152 : f32 to vector<16xf32>
      %mul3A_4178 = arith.mulf %add3A_4150, %mul3A_4177 : vector<16xf32>
      %swap3A_4179 = arith.constant 6 : i32
      %swap3A_4180 = arith.index_cast %swap3A_4179 : i32 to index
      %swap3A_4181 = arith.constant 48 : index
      %swap3A_4182 = tpu.vector_load %arg12[%swap3A_4180, %swap3A_4181] {strides = array<i32>} : memref<8x64xf32, #tpu.memory_space<vmem>>, vector<1x16xf32>,
      %swap3A_4183 = vector.shape_cast %swap3A_4182 : vector<1x16xf32> to vector<16xf32>
      %swap3A_4184 = vector.shape_cast %mul3A_4178 : vector<16xf32> to vector<1x16xf32>
      tpu.vector_store %arg12[%swap3A_4180, %swap3A_4181], %swap3A_4184 {strides = array<i32>} : memref<8x64xf32, #tpu.memory_space<vmem>>, vector<1x16xf32>,
      %mul3A_4185 = arith.constant 8 : i32
      %mul3A_4186 = arith.muli %add3A_11, %mul3A_4185 : i32
      %add3A_4187 = arith.constant 7 : i32
      %add3A_4188 = arith.addi %mul3A_4186, %add3A_4187 : i32
      %get3A_4189 = arith.index_cast %add3A_4188 : i32 to index
      %get3A_4190 = arith.constant 0 : index
      %get3A_4191 = tpu.vector_load %arg9[%get3A_4189, %get3A_4190] {strides = array<i32>} : memref<512x16xf32, #tpu.memory_space<vmem>>, vector<1x16xf32>,
      %get3A_4192 = vector.shape_cast %get3A_4191 : vector<1x16xf32> to vector<16xf32>
      %broadcast_in_dim3A_4193 = arith.constant 0.000000e+00 : f32
      %broadcast_in_dim3A_4194 = vector.broadcast %broadcast_in_dim3A_4193 : f32 to vector<16xf32>
      %broadcast_in_dim3A_4195 = arith.constant 0.000000e+00 : f32
      %broadcast_in_dim3A_4196 = vector.broadcast %broadcast_in_dim3A_4195 : f32 to vector<16xf32>
      %broadcast_in_dim3A_4197 = arith.constant 0.000000e+00 : f32
      %broadcast_in_dim3A_4198 = vector.broadcast %broadcast_in_dim3A_4197 : f32 to vector<16xf32>
      %broadcast_in_dim3A_4199 = arith.constant 0.000000e+00 : f32
      %broadcast_in_dim3A_4200 = vector.broadcast %broadcast_in_dim3A_4199 : f32 to vector<16xf32>
      %slice3A_4201 = vector.extract_strided_slice %get3A_4192 {offsets = [0], sizes = [1], strides = [1]} : vector<16xf32> to vector<1xf32>
      %squeeze3A_4202 = vector.extract %slice3A_4201[0] : f32 from vector<1xf32>
      %get3A_4203 = arith.constant 112 : i32
      %get3A_4204 = arith.index_cast %get3A_4203 : i32 to index
      %get3A_4205 = arith.constant 0 : index
      %get3A_4206 = tpu.vector_load %arg11[%get3A_4204, %get3A_4205] {strides = array<i32>} : memref<128x64xf32, #tpu.memory_space<vmem>>, vector<1x16xf32>,
      %get3A_4207 = vector.shape_cast %get3A_4206 : vector<1x16xf32> to vector<16xf32>
      %mul3A_4208 = vector.broadcast %squeeze3A_4202 : f32 to vector<16xf32>
      %mul3A_4209 = arith.mulf %mul3A_4208, %get3A_4207 : vector<16xf32>
      %add3A_4210 = arith.addf %broadcast_in_dim3A_4194, %mul3A_4209 : vector<16xf32>
      %get3A_4211 = arith.constant 112 : i32
      %get3A_4212 = arith.index_cast %get3A_4211 : i32 to index
      %get3A_4213 = arith.constant 16 : index
      %get3A_4214 = tpu.vector_load %arg11[%get3A_4212, %get3A_4213] {strides = array<i32>} : memref<128x64xf32, #tpu.memory_space<vmem>>, vector<1x16xf32>,
      %get3A_4215 = vector.shape_cast %get3A_4214 : vector<1x16xf32> to vector<16xf32>
      %mul3A_4216 = vector.broadcast %squeeze3A_4202 : f32 to vector<16xf32>
      %mul3A_4217 = arith.mulf %mul3A_4216, %get3A_4215 : vector<16xf32>
      %add3A_4218 = arith.addf %broadcast_in_dim3A_4196, %mul3A_4217 : vector<16xf32>
      %get3A_4219 = arith.constant 112 : i32
      %get3A_4220 = arith.index_cast %get3A_4219 : i32 to index
      %get3A_4221 = arith.constant 32 : index
      %get3A_4222 = tpu.vector_load %arg11[%get3A_4220, %get3A_4221] {strides = array<i32>} : memref<128x64xf32, #tpu.memory_space<vmem>>, vector<1x16xf32>,
      %get3A_4223 = vector.shape_cast %get3A_4222 : vector<1x16xf32> to vector<16xf32>
      %mul3A_4224 = vector.broadcast %squeeze3A_4202 : f32 to vector<16xf32>
      %mul3A_4225 = arith.mulf %mul3A_4224, %get3A_4223 : vector<16xf32>
      %add3A_4226 = arith.addf %broadcast_in_dim3A_4198, %mul3A_4225 : vector<16xf32>
      %get3A_4227 = arith.constant 112 : i32
      %get3A_4228 = arith.index_cast %get3A_4227 : i32 to index
      %get3A_4229 = arith.constant 48 : index
      %get3A_4230 = tpu.vector_load %arg11[%get3A_4228, %get3A_4229] {strides = array<i32>} : memref<128x64xf32, #tpu.memory_space<vmem>>, vector<1x16xf32>,
      %get3A_4231 = vector.shape_cast %get3A_4230 : vector<1x16xf32> to vector<16xf32>
      %mul3A_4232 = vector.broadcast %squeeze3A_4202 : f32 to vector<16xf32>
      %mul3A_4233 = arith.mulf %mul3A_4232, %get3A_4231 : vector<16xf32>
      %add3A_4234 = arith.addf %broadcast_in_dim3A_4200, %mul3A_4233 : vector<16xf32>
      %slice3A_4235 = vector.extract_strided_slice %get3A_4192 {offsets = [1], sizes = [1], strides = [1]} : vector<16xf32> to vector<1xf32>
      %squeeze3A_4236 = vector.extract %slice3A_4235[0] : f32 from vector<1xf32>
      %get3A_4237 = arith.constant 113 : i32
      %get3A_4238 = arith.index_cast %get3A_4237 : i32 to index
      %get3A_4239 = arith.constant 0 : index
      %get3A_4240 = tpu.vector_load %arg11[%get3A_4238, %get3A_4239] {strides = array<i32>} : memref<128x64xf32, #tpu.memory_space<vmem>>, vector<1x16xf32>,
      %get3A_4241 = vector.shape_cast %get3A_4240 : vector<1x16xf32> to vector<16xf32>
      %mul3A_4242 = vector.broadcast %squeeze3A_4236 : f32 to vector<16xf32>
      %mul3A_4243 = arith.mulf %mul3A_4242, %get3A_4241 : vector<16xf32>
      %add3A_4244 = arith.addf %add3A_4210, %mul3A_4243 : vector<16xf32>
      %get3A_4245 = arith.constant 113 : i32
      %get3A_4246 = arith.index_cast %get3A_4245 : i32 to index
      %get3A_4247 = arith.constant 16 : index
      %get3A_4248 = tpu.vector_load %arg11[%get3A_4246, %get3A_4247] {strides = array<i32>} : memref<128x64xf32, #tpu.memory_space<vmem>>, vector<1x16xf32>,
      %get3A_4249 = vector.shape_cast %get3A_4248 : vector<1x16xf32> to vector<16xf32>
      %mul3A_4250 = vector.broadcast %squeeze3A_4236 : f32 to vector<16xf32>
      %mul3A_4251 = arith.mulf %mul3A_4250, %get3A_4249 : vector<16xf32>
      %add3A_4252 = arith.addf %add3A_4218, %mul3A_4251 : vector<16xf32>
      %get3A_4253 = arith.constant 113 : i32
      %get3A_4254 = arith.index_cast %get3A_4253 : i32 to index
      %get3A_4255 = arith.constant 32 : index
      %get3A_4256 = tpu.vector_load %arg11[%get3A_4254, %get3A_4255] {strides = array<i32>} : memref<128x64xf32, #tpu.memory_space<vmem>>, vector<1x16xf32>,
      %get3A_4257 = vector.shape_cast %get3A_4256 : vector<1x16xf32> to vector<16xf32>
      %mul3A_4258 = vector.broadcast %squeeze3A_4236 : f32 to vector<16xf32>
      %mul3A_4259 = arith.mulf %mul3A_4258, %get3A_4257 : vector<16xf32>
      %add3A_4260 = arith.addf %add3A_4226, %mul3A_4259 : vector<16xf32>
      %get3A_4261 = arith.constant 113 : i32
      %get3A_4262 = arith.index_cast %get3A_4261 : i32 to index
      %get3A_4263 = arith.constant 48 : index
      %get3A_4264 = tpu.vector_load %arg11[%get3A_4262, %get3A_4263] {strides = array<i32>} : memref<128x64xf32, #tpu.memory_space<vmem>>, vector<1x16xf32>,
      %get3A_4265 = vector.shape_cast %get3A_4264 : vector<1x16xf32> to vector<16xf32>
      %mul3A_4266 = vector.broadcast %squeeze3A_4236 : f32 to vector<16xf32>
      %mul3A_4267 = arith.mulf %mul3A_4266, %get3A_4265 : vector<16xf32>
      %add3A_4268 = arith.addf %add3A_4234, %mul3A_4267 : vector<16xf32>
      %slice3A_4269 = vector.extract_strided_slice %get3A_4192 {offsets = [2], sizes = [1], strides = [1]} : vector<16xf32> to vector<1xf32>
      %squeeze3A_4270 = vector.extract %slice3A_4269[0] : f32 from vector<1xf32>
      %get3A_4271 = arith.constant 114 : i32
      %get3A_4272 = arith.index_cast %get3A_4271 : i32 to index
      %get3A_4273 = arith.constant 0 : index
      %get3A_4274 = tpu.vector_load %arg11[%get3A_4272, %get3A_4273] {strides = array<i32>} : memref<128x64xf32, #tpu.memory_space<vmem>>, vector<1x16xf32>,
      %get3A_4275 = vector.shape_cast %get3A_4274 : vector<1x16xf32> to vector<16xf32>
      %mul3A_4276 = vector.broadcast %squeeze3A_4270 : f32 to vector<16xf32>
      %mul3A_4277 = arith.mulf %mul3A_4276, %get3A_4275 : vector<16xf32>
      %add3A_4278 = arith.addf %add3A_4244, %mul3A_4277 : vector<16xf32>
      %get3A_4279 = arith.constant 114 : i32
      %get3A_4280 = arith.index_cast %get3A_4279 : i32 to index
      %get3A_4281 = arith.constant 16 : index
      %get3A_4282 = tpu.vector_load %arg11[%get3A_4280, %get3A_4281] {strides = array<i32>} : memref<128x64xf32, #tpu.memory_space<vmem>>, vector<1x16xf32>,
      %get3A_4283 = vector.shape_cast %get3A_4282 : vector<1x16xf32> to vector<16xf32>
      %mul3A_4284 = vector.broadcast %squeeze3A_4270 : f32 to vector<16xf32>
      %mul3A_4285 = arith.mulf %mul3A_4284, %get3A_4283 : vector<16xf32>
      %add3A_4286 = arith.addf %add3A_4252, %mul3A_4285 : vector<16xf32>
      %get3A_4287 = arith.constant 114 : i32
      %get3A_4288 = arith.index_cast %get3A_4287 : i32 to index
      %get3A_4289 = arith.constant 32 : index
      %get3A_4290 = tpu.vector_load %arg11[%get3A_4288, %get3A_4289] {strides = array<i32>} : memref<128x64xf32, #tpu.memory_space<vmem>>, vector<1x16xf32>,
      %get3A_4291 = vector.shape_cast %get3A_4290 : vector<1x16xf32> to vector<16xf32>
      %mul3A_4292 = vector.broadcast %squeeze3A_4270 : f32 to vector<16xf32>
      %mul3A_4293 = arith.mulf %mul3A_4292, %get3A_4291 : vector<16xf32>
      %add3A_4294 = arith.addf %add3A_4260, %mul3A_4293 : vector<16xf32>
      %get3A_4295 = arith.constant 114 : i32
      %get3A_4296 = arith.index_cast %get3A_4295 : i32 to index
      %get3A_4297 = arith.constant 48 : index
      %get3A_4298 = tpu.vector_load %arg11[%get3A_4296, %get3A_4297] {strides = array<i32>} : memref<128x64xf32, #tpu.memory_space<vmem>>, vector<1x16xf32>,
      %get3A_4299 = vector.shape_cast %get3A_4298 : vector<1x16xf32> to vector<16xf32>
      %mul3A_4300 = vector.broadcast %squeeze3A_4270 : f32 to vector<16xf32>
      %mul3A_4301 = arith.mulf %mul3A_4300, %get3A_4299 : vector<16xf32>
      %add3A_4302 = arith.addf %add3A_4268, %mul3A_4301 : vector<16xf32>
      %slice3A_4303 = vector.extract_strided_slice %get3A_4192 {offsets = [3], sizes = [1], strides = [1]} : vector<16xf32> to vector<1xf32>
      %squeeze3A_4304 = vector.extract %slice3A_4303[0] : f32 from vector<1xf32>
      %get3A_4305 = arith.constant 115 : i32
      %get3A_4306 = arith.index_cast %get3A_4305 : i32 to index
      %get3A_4307 = arith.constant 0 : index
      %get3A_4308 = tpu.vector_load %arg11[%get3A_4306, %get3A_4307] {strides = array<i32>} : memref<128x64xf32, #tpu.memory_space<vmem>>, vector<1x16xf32>,
      %get3A_4309 = vector.shape_cast %get3A_4308 : vector<1x16xf32> to vector<16xf32>
      %mul3A_4310 = vector.broadcast %squeeze3A_4304 : f32 to vector<16xf32>
      %mul3A_4311 = arith.mulf %mul3A_4310, %get3A_4309 : vector<16xf32>
      %add3A_4312 = arith.addf %add3A_4278, %mul3A_4311 : vector<16xf32>
      %get3A_4313 = arith.constant 115 : i32
      %get3A_4314 = arith.index_cast %get3A_4313 : i32 to index
      %get3A_4315 = arith.constant 16 : index
      %get3A_4316 = tpu.vector_load %arg11[%get3A_4314, %get3A_4315] {strides = array<i32>} : memref<128x64xf32, #tpu.memory_space<vmem>>, vector<1x16xf32>,
      %get3A_4317 = vector.shape_cast %get3A_4316 : vector<1x16xf32> to vector<16xf32>
      %mul3A_4318 = vector.broadcast %squeeze3A_4304 : f32 to vector<16xf32>
      %mul3A_4319 = arith.mulf %mul3A_4318, %get3A_4317 : vector<16xf32>
      %add3A_4320 = arith.addf %add3A_4286, %mul3A_4319 : vector<16xf32>
      %get3A_4321 = arith.constant 115 : i32
      %get3A_4322 = arith.index_cast %get3A_4321 : i32 to index
      %get3A_4323 = arith.constant 32 : index
      %get3A_4324 = tpu.vector_load %arg11[%get3A_4322, %get3A_4323] {strides = array<i32>} : memref<128x64xf32, #tpu.memory_space<vmem>>, vector<1x16xf32>,
      %get3A_4325 = vector.shape_cast %get3A_4324 : vector<1x16xf32> to vector<16xf32>
      %mul3A_4326 = vector.broadcast %squeeze3A_4304 : f32 to vector<16xf32>
      %mul3A_4327 = arith.mulf %mul3A_4326, %get3A_4325 : vector<16xf32>
      %add3A_4328 = arith.addf %add3A_4294, %mul3A_4327 : vector<16xf32>
      %get3A_4329 = arith.constant 115 : i32
      %get3A_4330 = arith.index_cast %get3A_4329 : i32 to index
      %get3A_4331 = arith.constant 48 : index
      %get3A_4332 = tpu.vector_load %arg11[%get3A_4330, %get3A_4331] {strides = array<i32>} : memref<128x64xf32, #tpu.memory_space<vmem>>, vector<1x16xf32>,
      %get3A_4333 = vector.shape_cast %get3A_4332 : vector<1x16xf32> to vector<16xf32>
      %mul3A_4334 = vector.broadcast %squeeze3A_4304 : f32 to vector<16xf32>
      %mul3A_4335 = arith.mulf %mul3A_4334, %get3A_4333 : vector<16xf32>
      %add3A_4336 = arith.addf %add3A_4302, %mul3A_4335 : vector<16xf32>
      %slice3A_4337 = vector.extract_strided_slice %get3A_4192 {offsets = [4], sizes = [1], strides = [1]} : vector<16xf32> to vector<1xf32>
      %squeeze3A_4338 = vector.extract %slice3A_4337[0] : f32 from vector<1xf32>
      %get3A_4339 = arith.constant 116 : i32
      %get3A_4340 = arith.index_cast %get3A_4339 : i32 to index
      %get3A_4341 = arith.constant 0 : index
      %get3A_4342 = tpu.vector_load %arg11[%get3A_4340, %get3A_4341] {strides = array<i32>} : memref<128x64xf32, #tpu.memory_space<vmem>>, vector<1x16xf32>,
      %get3A_4343 = vector.shape_cast %get3A_4342 : vector<1x16xf32> to vector<16xf32>
      %mul3A_4344 = vector.broadcast %squeeze3A_4338 : f32 to vector<16xf32>
      %mul3A_4345 = arith.mulf %mul3A_4344, %get3A_4343 : vector<16xf32>
      %add3A_4346 = arith.addf %add3A_4312, %mul3A_4345 : vector<16xf32>
      %get3A_4347 = arith.constant 116 : i32
      %get3A_4348 = arith.index_cast %get3A_4347 : i32 to index
      %get3A_4349 = arith.constant 16 : index
      %get3A_4350 = tpu.vector_load %arg11[%get3A_4348, %get3A_4349] {strides = array<i32>} : memref<128x64xf32, #tpu.memory_space<vmem>>, vector<1x16xf32>,
      %get3A_4351 = vector.shape_cast %get3A_4350 : vector<1x16xf32> to vector<16xf32>
      %mul3A_4352 = vector.broadcast %squeeze3A_4338 : f32 to vector<16xf32>
      %mul3A_4353 = arith.mulf %mul3A_4352, %get3A_4351 : vector<16xf32>
      %add3A_4354 = arith.addf %add3A_4320, %mul3A_4353 : vector<16xf32>
      %get3A_4355 = arith.constant 116 : i32
      %get3A_4356 = arith.index_cast %get3A_4355 : i32 to index
      %get3A_4357 = arith.constant 32 : index
      %get3A_4358 = tpu.vector_load %arg11[%get3A_4356, %get3A_4357] {strides = array<i32>} : memref<128x64xf32, #tpu.memory_space<vmem>>, vector<1x16xf32>,
      %get3A_4359 = vector.shape_cast %get3A_4358 : vector<1x16xf32> to vector<16xf32>
      %mul3A_4360 = vector.broadcast %squeeze3A_4338 : f32 to vector<16xf32>
      %mul3A_4361 = arith.mulf %mul3A_4360, %get3A_4359 : vector<16xf32>
      %add3A_4362 = arith.addf %add3A_4328, %mul3A_4361 : vector<16xf32>
      %get3A_4363 = arith.constant 116 : i32
      %get3A_4364 = arith.index_cast %get3A_4363 : i32 to index
      %get3A_4365 = arith.constant 48 : index
      %get3A_4366 = tpu.vector_load %arg11[%get3A_4364, %get3A_4365] {strides = array<i32>} : memref<128x64xf32, #tpu.memory_space<vmem>>, vector<1x16xf32>,
      %get3A_4367 = vector.shape_cast %get3A_4366 : vector<1x16xf32> to vector<16xf32>
      %mul3A_4368 = vector.broadcast %squeeze3A_4338 : f32 to vector<16xf32>
      %mul3A_4369 = arith.mulf %mul3A_4368, %get3A_4367 : vector<16xf32>
      %add3A_4370 = arith.addf %add3A_4336, %mul3A_4369 : vector<16xf32>
      %slice3A_4371 = vector.extract_strided_slice %get3A_4192 {offsets = [5], sizes = [1], strides = [1]} : vector<16xf32> to vector<1xf32>
      %squeeze3A_4372 = vector.extract %slice3A_4371[0] : f32 from vector<1xf32>
      %get3A_4373 = arith.constant 117 : i32
      %get3A_4374 = arith.index_cast %get3A_4373 : i32 to index
      %get3A_4375 = arith.constant 0 : index
      %get3A_4376 = tpu.vector_load %arg11[%get3A_4374, %get3A_4375] {strides = array<i32>} : memref<128x64xf32, #tpu.memory_space<vmem>>, vector<1x16xf32>,
      %get3A_4377 = vector.shape_cast %get3A_4376 : vector<1x16xf32> to vector<16xf32>
      %mul3A_4378 = vector.broadcast %squeeze3A_4372 : f32 to vector<16xf32>
      %mul3A_4379 = arith.mulf %mul3A_4378, %get3A_4377 : vector<16xf32>
      %add3A_4380 = arith.addf %add3A_4346, %mul3A_4379 : vector<16xf32>
      %get3A_4381 = arith.constant 117 : i32
      %get3A_4382 = arith.index_cast %get3A_4381 : i32 to index
      %get3A_4383 = arith.constant 16 : index
      %get3A_4384 = tpu.vector_load %arg11[%get3A_4382, %get3A_4383] {strides = array<i32>} : memref<128x64xf32, #tpu.memory_space<vmem>>, vector<1x16xf32>,
      %get3A_4385 = vector.shape_cast %get3A_4384 : vector<1x16xf32> to vector<16xf32>
      %mul3A_4386 = vector.broadcast %squeeze3A_4372 : f32 to vector<16xf32>
      %mul3A_4387 = arith.mulf %mul3A_4386, %get3A_4385 : vector<16xf32>
      %add3A_4388 = arith.addf %add3A_4354, %mul3A_4387 : vector<16xf32>
      %get3A_4389 = arith.constant 117 : i32
      %get3A_4390 = arith.index_cast %get3A_4389 : i32 to index
      %get3A_4391 = arith.constant 32 : index
      %get3A_4392 = tpu.vector_load %arg11[%get3A_4390, %get3A_4391] {strides = array<i32>} : memref<128x64xf32, #tpu.memory_space<vmem>>, vector<1x16xf32>,
      %get3A_4393 = vector.shape_cast %get3A_4392 : vector<1x16xf32> to vector<16xf32>
      %mul3A_4394 = vector.broadcast %squeeze3A_4372 : f32 to vector<16xf32>
      %mul3A_4395 = arith.mulf %mul3A_4394, %get3A_4393 : vector<16xf32>
      %add3A_4396 = arith.addf %add3A_4362, %mul3A_4395 : vector<16xf32>
      %get3A_4397 = arith.constant 117 : i32
      %get3A_4398 = arith.index_cast %get3A_4397 : i32 to index
      %get3A_4399 = arith.constant 48 : index
      %get3A_4400 = tpu.vector_load %arg11[%get3A_4398, %get3A_4399] {strides = array<i32>} : memref<128x64xf32, #tpu.memory_space<vmem>>, vector<1x16xf32>,
      %get3A_4401 = vector.shape_cast %get3A_4400 : vector<1x16xf32> to vector<16xf32>
      %mul3A_4402 = vector.broadcast %squeeze3A_4372 : f32 to vector<16xf32>
      %mul3A_4403 = arith.mulf %mul3A_4402, %get3A_4401 : vector<16xf32>
      %add3A_4404 = arith.addf %add3A_4370, %mul3A_4403 : vector<16xf32>
      %slice3A_4405 = vector.extract_strided_slice %get3A_4192 {offsets = [6], sizes = [1], strides = [1]} : vector<16xf32> to vector<1xf32>
      %squeeze3A_4406 = vector.extract %slice3A_4405[0] : f32 from vector<1xf32>
      %get3A_4407 = arith.constant 118 : i32
      %get3A_4408 = arith.index_cast %get3A_4407 : i32 to index
      %get3A_4409 = arith.constant 0 : index
      %get3A_4410 = tpu.vector_load %arg11[%get3A_4408, %get3A_4409] {strides = array<i32>} : memref<128x64xf32, #tpu.memory_space<vmem>>, vector<1x16xf32>,
      %get3A_4411 = vector.shape_cast %get3A_4410 : vector<1x16xf32> to vector<16xf32>
      %mul3A_4412 = vector.broadcast %squeeze3A_4406 : f32 to vector<16xf32>
      %mul3A_4413 = arith.mulf %mul3A_4412, %get3A_4411 : vector<16xf32>
      %add3A_4414 = arith.addf %add3A_4380, %mul3A_4413 : vector<16xf32>
      %get3A_4415 = arith.constant 118 : i32
      %get3A_4416 = arith.index_cast %get3A_4415 : i32 to index
      %get3A_4417 = arith.constant 16 : index
      %get3A_4418 = tpu.vector_load %arg11[%get3A_4416, %get3A_4417] {strides = array<i32>} : memref<128x64xf32, #tpu.memory_space<vmem>>, vector<1x16xf32>,
      %get3A_4419 = vector.shape_cast %get3A_4418 : vector<1x16xf32> to vector<16xf32>
      %mul3A_4420 = vector.broadcast %squeeze3A_4406 : f32 to vector<16xf32>
      %mul3A_4421 = arith.mulf %mul3A_4420, %get3A_4419 : vector<16xf32>
      %add3A_4422 = arith.addf %add3A_4388, %mul3A_4421 : vector<16xf32>
      %get3A_4423 = arith.constant 118 : i32
      %get3A_4424 = arith.index_cast %get3A_4423 : i32 to index
      %get3A_4425 = arith.constant 32 : index
      %get3A_4426 = tpu.vector_load %arg11[%get3A_4424, %get3A_4425] {strides = array<i32>} : memref<128x64xf32, #tpu.memory_space<vmem>>, vector<1x16xf32>,
      %get3A_4427 = vector.shape_cast %get3A_4426 : vector<1x16xf32> to vector<16xf32>
      %mul3A_4428 = vector.broadcast %squeeze3A_4406 : f32 to vector<16xf32>
      %mul3A_4429 = arith.mulf %mul3A_4428, %get3A_4427 : vector<16xf32>
      %add3A_4430 = arith.addf %add3A_4396, %mul3A_4429 : vector<16xf32>
      %get3A_4431 = arith.constant 118 : i32
      %get3A_4432 = arith.index_cast %get3A_4431 : i32 to index
      %get3A_4433 = arith.constant 48 : index
      %get3A_4434 = tpu.vector_load %arg11[%get3A_4432, %get3A_4433] {strides = array<i32>} : memref<128x64xf32, #tpu.memory_space<vmem>>, vector<1x16xf32>,
      %get3A_4435 = vector.shape_cast %get3A_4434 : vector<1x16xf32> to vector<16xf32>
      %mul3A_4436 = vector.broadcast %squeeze3A_4406 : f32 to vector<16xf32>
      %mul3A_4437 = arith.mulf %mul3A_4436, %get3A_4435 : vector<16xf32>
      %add3A_4438 = arith.addf %add3A_4404, %mul3A_4437 : vector<16xf32>
      %slice3A_4439 = vector.extract_strided_slice %get3A_4192 {offsets = [7], sizes = [1], strides = [1]} : vector<16xf32> to vector<1xf32>
      %squeeze3A_4440 = vector.extract %slice3A_4439[0] : f32 from vector<1xf32>
      %get3A_4441 = arith.constant 119 : i32
      %get3A_4442 = arith.index_cast %get3A_4441 : i32 to index
      %get3A_4443 = arith.constant 0 : index
      %get3A_4444 = tpu.vector_load %arg11[%get3A_4442, %get3A_4443] {strides = array<i32>} : memref<128x64xf32, #tpu.memory_space<vmem>>, vector<1x16xf32>,
      %get3A_4445 = vector.shape_cast %get3A_4444 : vector<1x16xf32> to vector<16xf32>
      %mul3A_4446 = vector.broadcast %squeeze3A_4440 : f32 to vector<16xf32>
      %mul3A_4447 = arith.mulf %mul3A_4446, %get3A_4445 : vector<16xf32>
      %add3A_4448 = arith.addf %add3A_4414, %mul3A_4447 : vector<16xf32>
      %get3A_4449 = arith.constant 119 : i32
      %get3A_4450 = arith.index_cast %get3A_4449 : i32 to index
      %get3A_4451 = arith.constant 16 : index
      %get3A_4452 = tpu.vector_load %arg11[%get3A_4450, %get3A_4451] {strides = array<i32>} : memref<128x64xf32, #tpu.memory_space<vmem>>, vector<1x16xf32>,
      %get3A_4453 = vector.shape_cast %get3A_4452 : vector<1x16xf32> to vector<16xf32>
      %mul3A_4454 = vector.broadcast %squeeze3A_4440 : f32 to vector<16xf32>
      %mul3A_4455 = arith.mulf %mul3A_4454, %get3A_4453 : vector<16xf32>
      %add3A_4456 = arith.addf %add3A_4422, %mul3A_4455 : vector<16xf32>
      %get3A_4457 = arith.constant 119 : i32
      %get3A_4458 = arith.index_cast %get3A_4457 : i32 to index
      %get3A_4459 = arith.constant 32 : index
      %get3A_4460 = tpu.vector_load %arg11[%get3A_4458, %get3A_4459] {strides = array<i32>} : memref<128x64xf32, #tpu.memory_space<vmem>>, vector<1x16xf32>,
      %get3A_4461 = vector.shape_cast %get3A_4460 : vector<1x16xf32> to vector<16xf32>
      %mul3A_4462 = vector.broadcast %squeeze3A_4440 : f32 to vector<16xf32>
      %mul3A_4463 = arith.mulf %mul3A_4462, %get3A_4461 : vector<16xf32>
      %add3A_4464 = arith.addf %add3A_4430, %mul3A_4463 : vector<16xf32>
      %get3A_4465 = arith.constant 119 : i32
      %get3A_4466 = arith.index_cast %get3A_4465 : i32 to index
      %get3A_4467 = arith.constant 48 : index
      %get3A_4468 = tpu.vector_load %arg11[%get3A_4466, %get3A_4467] {strides = array<i32>} : memref<128x64xf32, #tpu.memory_space<vmem>>, vector<1x16xf32>,
      %get3A_4469 = vector.shape_cast %get3A_4468 : vector<1x16xf32> to vector<16xf32>
      %mul3A_4470 = vector.broadcast %squeeze3A_4440 : f32 to vector<16xf32>
      %mul3A_4471 = arith.mulf %mul3A_4470, %get3A_4469 : vector<16xf32>
      %add3A_4472 = arith.addf %add3A_4438, %mul3A_4471 : vector<16xf32>
      %slice3A_4473 = vector.extract_strided_slice %get3A_4192 {offsets = [8], sizes = [1], strides = [1]} : vector<16xf32> to vector<1xf32>
      %squeeze3A_4474 = vector.extract %slice3A_4473[0] : f32 from vector<1xf32>
      %get3A_4475 = arith.constant 120 : i32
      %get3A_4476 = arith.index_cast %get3A_4475 : i32 to index
      %get3A_4477 = arith.constant 0 : index
      %get3A_4478 = tpu.vector_load %arg11[%get3A_4476, %get3A_4477] {strides = array<i32>} : memref<128x64xf32, #tpu.memory_space<vmem>>, vector<1x16xf32>,
      %get3A_4479 = vector.shape_cast %get3A_4478 : vector<1x16xf32> to vector<16xf32>
      %mul3A_4480 = vector.broadcast %squeeze3A_4474 : f32 to vector<16xf32>
      %mul3A_4481 = arith.mulf %mul3A_4480, %get3A_4479 : vector<16xf32>
      %add3A_4482 = arith.addf %add3A_4448, %mul3A_4481 : vector<16xf32>
      %get3A_4483 = arith.constant 120 : i32
      %get3A_4484 = arith.index_cast %get3A_4483 : i32 to index
      %get3A_4485 = arith.constant 16 : index
      %get3A_4486 = tpu.vector_load %arg11[%get3A_4484, %get3A_4485] {strides = array<i32>} : memref<128x64xf32, #tpu.memory_space<vmem>>, vector<1x16xf32>,
      %get3A_4487 = vector.shape_cast %get3A_4486 : vector<1x16xf32> to vector<16xf32>
      %mul3A_4488 = vector.broadcast %squeeze3A_4474 : f32 to vector<16xf32>
      %mul3A_4489 = arith.mulf %mul3A_4488, %get3A_4487 : vector<16xf32>
      %add3A_4490 = arith.addf %add3A_4456, %mul3A_4489 : vector<16xf32>
      %get3A_4491 = arith.constant 120 : i32
      %get3A_4492 = arith.index_cast %get3A_4491 : i32 to index
      %get3A_4493 = arith.constant 32 : index
      %get3A_4494 = tpu.vector_load %arg11[%get3A_4492, %get3A_4493] {strides = array<i32>} : memref<128x64xf32, #tpu.memory_space<vmem>>, vector<1x16xf32>,
      %get3A_4495 = vector.shape_cast %get3A_4494 : vector<1x16xf32> to vector<16xf32>
      %mul3A_4496 = vector.broadcast %squeeze3A_4474 : f32 to vector<16xf32>
      %mul3A_4497 = arith.mulf %mul3A_4496, %get3A_4495 : vector<16xf32>
      %add3A_4498 = arith.addf %add3A_4464, %mul3A_4497 : vector<16xf32>
      %get3A_4499 = arith.constant 120 : i32
      %get3A_4500 = arith.index_cast %get3A_4499 : i32 to index
      %get3A_4501 = arith.constant 48 : index
      %get3A_4502 = tpu.vector_load %arg11[%get3A_4500, %get3A_4501] {strides = array<i32>} : memref<128x64xf32, #tpu.memory_space<vmem>>, vector<1x16xf32>,
      %get3A_4503 = vector.shape_cast %get3A_4502 : vector<1x16xf32> to vector<16xf32>
      %mul3A_4504 = vector.broadcast %squeeze3A_4474 : f32 to vector<16xf32>
      %mul3A_4505 = arith.mulf %mul3A_4504, %get3A_4503 : vector<16xf32>
      %add3A_4506 = arith.addf %add3A_4472, %mul3A_4505 : vector<16xf32>
      %slice3A_4507 = vector.extract_strided_slice %get3A_4192 {offsets = [9], sizes = [1], strides = [1]} : vector<16xf32> to vector<1xf32>
      %squeeze3A_4508 = vector.extract %slice3A_4507[0] : f32 from vector<1xf32>
      %get3A_4509 = arith.constant 121 : i32
      %get3A_4510 = arith.index_cast %get3A_4509 : i32 to index
      %get3A_4511 = arith.constant 0 : index
      %get3A_4512 = tpu.vector_load %arg11[%get3A_4510, %get3A_4511] {strides = array<i32>} : memref<128x64xf32, #tpu.memory_space<vmem>>, vector<1x16xf32>,
      %get3A_4513 = vector.shape_cast %get3A_4512 : vector<1x16xf32> to vector<16xf32>
      %mul3A_4514 = vector.broadcast %squeeze3A_4508 : f32 to vector<16xf32>
      %mul3A_4515 = arith.mulf %mul3A_4514, %get3A_4513 : vector<16xf32>
      %add3A_4516 = arith.addf %add3A_4482, %mul3A_4515 : vector<16xf32>
      %get3A_4517 = arith.constant 121 : i32
      %get3A_4518 = arith.index_cast %get3A_4517 : i32 to index
      %get3A_4519 = arith.constant 16 : index
      %get3A_4520 = tpu.vector_load %arg11[%get3A_4518, %get3A_4519] {strides = array<i32>} : memref<128x64xf32, #tpu.memory_space<vmem>>, vector<1x16xf32>,
      %get3A_4521 = vector.shape_cast %get3A_4520 : vector<1x16xf32> to vector<16xf32>
      %mul3A_4522 = vector.broadcast %squeeze3A_4508 : f32 to vector<16xf32>
      %mul3A_4523 = arith.mulf %mul3A_4522, %get3A_4521 : vector<16xf32>
      %add3A_4524 = arith.addf %add3A_4490, %mul3A_4523 : vector<16xf32>
      %get3A_4525 = arith.constant 121 : i32
      %get3A_4526 = arith.index_cast %get3A_4525 : i32 to index
      %get3A_4527 = arith.constant 32 : index
      %get3A_4528 = tpu.vector_load %arg11[%get3A_4526, %get3A_4527] {strides = array<i32>} : memref<128x64xf32, #tpu.memory_space<vmem>>, vector<1x16xf32>,
      %get3A_4529 = vector.shape_cast %get3A_4528 : vector<1x16xf32> to vector<16xf32>
      %mul3A_4530 = vector.broadcast %squeeze3A_4508 : f32 to vector<16xf32>
      %mul3A_4531 = arith.mulf %mul3A_4530, %get3A_4529 : vector<16xf32>
      %add3A_4532 = arith.addf %add3A_4498, %mul3A_4531 : vector<16xf32>
      %get3A_4533 = arith.constant 121 : i32
      %get3A_4534 = arith.index_cast %get3A_4533 : i32 to index
      %get3A_4535 = arith.constant 48 : index
      %get3A_4536 = tpu.vector_load %arg11[%get3A_4534, %get3A_4535] {strides = array<i32>} : memref<128x64xf32, #tpu.memory_space<vmem>>, vector<1x16xf32>,
      %get3A_4537 = vector.shape_cast %get3A_4536 : vector<1x16xf32> to vector<16xf32>
      %mul3A_4538 = vector.broadcast %squeeze3A_4508 : f32 to vector<16xf32>
      %mul3A_4539 = arith.mulf %mul3A_4538, %get3A_4537 : vector<16xf32>
      %add3A_4540 = arith.addf %add3A_4506, %mul3A_4539 : vector<16xf32>
      %slice3A_4541 = vector.extract_strided_slice %get3A_4192 {offsets = [10], sizes = [1], strides = [1]} : vector<16xf32> to vector<1xf32>
      %squeeze3A_4542 = vector.extract %slice3A_4541[0] : f32 from vector<1xf32>
      %get3A_4543 = arith.constant 122 : i32
      %get3A_4544 = arith.index_cast %get3A_4543 : i32 to index
      %get3A_4545 = arith.constant 0 : index
      %get3A_4546 = tpu.vector_load %arg11[%get3A_4544, %get3A_4545] {strides = array<i32>} : memref<128x64xf32, #tpu.memory_space<vmem>>, vector<1x16xf32>,
      %get3A_4547 = vector.shape_cast %get3A_4546 : vector<1x16xf32> to vector<16xf32>
      %mul3A_4548 = vector.broadcast %squeeze3A_4542 : f32 to vector<16xf32>
      %mul3A_4549 = arith.mulf %mul3A_4548, %get3A_4547 : vector<16xf32>
      %add3A_4550 = arith.addf %add3A_4516, %mul3A_4549 : vector<16xf32>
      %get3A_4551 = arith.constant 122 : i32
      %get3A_4552 = arith.index_cast %get3A_4551 : i32 to index
      %get3A_4553 = arith.constant 16 : index
      %get3A_4554 = tpu.vector_load %arg11[%get3A_4552, %get3A_4553] {strides = array<i32>} : memref<128x64xf32, #tpu.memory_space<vmem>>, vector<1x16xf32>,
      %get3A_4555 = vector.shape_cast %get3A_4554 : vector<1x16xf32> to vector<16xf32>
      %mul3A_4556 = vector.broadcast %squeeze3A_4542 : f32 to vector<16xf32>
      %mul3A_4557 = arith.mulf %mul3A_4556, %get3A_4555 : vector<16xf32>
      %add3A_4558 = arith.addf %add3A_4524, %mul3A_4557 : vector<16xf32>
      %get3A_4559 = arith.constant 122 : i32
      %get3A_4560 = arith.index_cast %get3A_4559 : i32 to index
      %get3A_4561 = arith.constant 32 : index
      %get3A_4562 = tpu.vector_load %arg11[%get3A_4560, %get3A_4561] {strides = array<i32>} : memref<128x64xf32, #tpu.memory_space<vmem>>, vector<1x16xf32>,
      %get3A_4563 = vector.shape_cast %get3A_4562 : vector<1x16xf32> to vector<16xf32>
      %mul3A_4564 = vector.broadcast %squeeze3A_4542 : f32 to vector<16xf32>
      %mul3A_4565 = arith.mulf %mul3A_4564, %get3A_4563 : vector<16xf32>
      %add3A_4566 = arith.addf %add3A_4532, %mul3A_4565 : vector<16xf32>
      %get3A_4567 = arith.constant 122 : i32
      %get3A_4568 = arith.index_cast %get3A_4567 : i32 to index
      %get3A_4569 = arith.constant 48 : index
      %get3A_4570 = tpu.vector_load %arg11[%get3A_4568, %get3A_4569] {strides = array<i32>} : memref<128x64xf32, #tpu.memory_space<vmem>>, vector<1x16xf32>,
      %get3A_4571 = vector.shape_cast %get3A_4570 : vector<1x16xf32> to vector<16xf32>
      %mul3A_4572 = vector.broadcast %squeeze3A_4542 : f32 to vector<16xf32>
      %mul3A_4573 = arith.mulf %mul3A_4572, %get3A_4571 : vector<16xf32>
      %add3A_4574 = arith.addf %add3A_4540, %mul3A_4573 : vector<16xf32>
      %slice3A_4575 = vector.extract_strided_slice %get3A_4192 {offsets = [11], sizes = [1], strides = [1]} : vector<16xf32> to vector<1xf32>
      %squeeze3A_4576 = vector.extract %slice3A_4575[0] : f32 from vector<1xf32>
      %get3A_4577 = arith.constant 123 : i32
      %get3A_4578 = arith.index_cast %get3A_4577 : i32 to index
      %get3A_4579 = arith.constant 0 : index
      %get3A_4580 = tpu.vector_load %arg11[%get3A_4578, %get3A_4579] {strides = array<i32>} : memref<128x64xf32, #tpu.memory_space<vmem>>, vector<1x16xf32>,
      %get3A_4581 = vector.shape_cast %get3A_4580 : vector<1x16xf32> to vector<16xf32>
      %mul3A_4582 = vector.broadcast %squeeze3A_4576 : f32 to vector<16xf32>
      %mul3A_4583 = arith.mulf %mul3A_4582, %get3A_4581 : vector<16xf32>
      %add3A_4584 = arith.addf %add3A_4550, %mul3A_4583 : vector<16xf32>
      %get3A_4585 = arith.constant 123 : i32
      %get3A_4586 = arith.index_cast %get3A_4585 : i32 to index
      %get3A_4587 = arith.constant 16 : index
      %get3A_4588 = tpu.vector_load %arg11[%get3A_4586, %get3A_4587] {strides = array<i32>} : memref<128x64xf32, #tpu.memory_space<vmem>>, vector<1x16xf32>,
      %get3A_4589 = vector.shape_cast %get3A_4588 : vector<1x16xf32> to vector<16xf32>
      %mul3A_4590 = vector.broadcast %squeeze3A_4576 : f32 to vector<16xf32>
      %mul3A_4591 = arith.mulf %mul3A_4590, %get3A_4589 : vector<16xf32>
      %add3A_4592 = arith.addf %add3A_4558, %mul3A_4591 : vector<16xf32>
      %get3A_4593 = arith.constant 123 : i32
      %get3A_4594 = arith.index_cast %get3A_4593 : i32 to index
      %get3A_4595 = arith.constant 32 : index
      %get3A_4596 = tpu.vector_load %arg11[%get3A_4594, %get3A_4595] {strides = array<i32>} : memref<128x64xf32, #tpu.memory_space<vmem>>, vector<1x16xf32>,
      %get3A_4597 = vector.shape_cast %get3A_4596 : vector<1x16xf32> to vector<16xf32>
      %mul3A_4598 = vector.broadcast %squeeze3A_4576 : f32 to vector<16xf32>
      %mul3A_4599 = arith.mulf %mul3A_4598, %get3A_4597 : vector<16xf32>
      %add3A_4600 = arith.addf %add3A_4566, %mul3A_4599 : vector<16xf32>
      %get3A_4601 = arith.constant 123 : i32
      %get3A_4602 = arith.index_cast %get3A_4601 : i32 to index
      %get3A_4603 = arith.constant 48 : index
      %get3A_4604 = tpu.vector_load %arg11[%get3A_4602, %get3A_4603] {strides = array<i32>} : memref<128x64xf32, #tpu.memory_space<vmem>>, vector<1x16xf32>,
      %get3A_4605 = vector.shape_cast %get3A_4604 : vector<1x16xf32> to vector<16xf32>
      %mul3A_4606 = vector.broadcast %squeeze3A_4576 : f32 to vector<16xf32>
      %mul3A_4607 = arith.mulf %mul3A_4606, %get3A_4605 : vector<16xf32>
      %add3A_4608 = arith.addf %add3A_4574, %mul3A_4607 : vector<16xf32>
      %slice3A_4609 = vector.extract_strided_slice %get3A_4192 {offsets = [12], sizes = [1], strides = [1]} : vector<16xf32> to vector<1xf32>
      %squeeze3A_4610 = vector.extract %slice3A_4609[0] : f32 from vector<1xf32>
      %get3A_4611 = arith.constant 124 : i32
      %get3A_4612 = arith.index_cast %get3A_4611 : i32 to index
      %get3A_4613 = arith.constant 0 : index
      %get3A_4614 = tpu.vector_load %arg11[%get3A_4612, %get3A_4613] {strides = array<i32>} : memref<128x64xf32, #tpu.memory_space<vmem>>, vector<1x16xf32>,
      %get3A_4615 = vector.shape_cast %get3A_4614 : vector<1x16xf32> to vector<16xf32>
      %mul3A_4616 = vector.broadcast %squeeze3A_4610 : f32 to vector<16xf32>
      %mul3A_4617 = arith.mulf %mul3A_4616, %get3A_4615 : vector<16xf32>
      %add3A_4618 = arith.addf %add3A_4584, %mul3A_4617 : vector<16xf32>
      %get3A_4619 = arith.constant 124 : i32
      %get3A_4620 = arith.index_cast %get3A_4619 : i32 to index
      %get3A_4621 = arith.constant 16 : index
      %get3A_4622 = tpu.vector_load %arg11[%get3A_4620, %get3A_4621] {strides = array<i32>} : memref<128x64xf32, #tpu.memory_space<vmem>>, vector<1x16xf32>,
      %get3A_4623 = vector.shape_cast %get3A_4622 : vector<1x16xf32> to vector<16xf32>
      %mul3A_4624 = vector.broadcast %squeeze3A_4610 : f32 to vector<16xf32>
      %mul3A_4625 = arith.mulf %mul3A_4624, %get3A_4623 : vector<16xf32>
      %add3A_4626 = arith.addf %add3A_4592, %mul3A_4625 : vector<16xf32>
      %get3A_4627 = arith.constant 124 : i32
      %get3A_4628 = arith.index_cast %get3A_4627 : i32 to index
      %get3A_4629 = arith.constant 32 : index
      %get3A_4630 = tpu.vector_load %arg11[%get3A_4628, %get3A_4629] {strides = array<i32>} : memref<128x64xf32, #tpu.memory_space<vmem>>, vector<1x16xf32>,
      %get3A_4631 = vector.shape_cast %get3A_4630 : vector<1x16xf32> to vector<16xf32>
      %mul3A_4632 = vector.broadcast %squeeze3A_4610 : f32 to vector<16xf32>
      %mul3A_4633 = arith.mulf %mul3A_4632, %get3A_4631 : vector<16xf32>
      %add3A_4634 = arith.addf %add3A_4600, %mul3A_4633 : vector<16xf32>
      %get3A_4635 = arith.constant 124 : i32
      %get3A_4636 = arith.index_cast %get3A_4635 : i32 to index
      %get3A_4637 = arith.constant 48 : index
      %get3A_4638 = tpu.vector_load %arg11[%get3A_4636, %get3A_4637] {strides = array<i32>} : memref<128x64xf32, #tpu.memory_space<vmem>>, vector<1x16xf32>,
      %get3A_4639 = vector.shape_cast %get3A_4638 : vector<1x16xf32> to vector<16xf32>
      %mul3A_4640 = vector.broadcast %squeeze3A_4610 : f32 to vector<16xf32>
      %mul3A_4641 = arith.mulf %mul3A_4640, %get3A_4639 : vector<16xf32>
      %add3A_4642 = arith.addf %add3A_4608, %mul3A_4641 : vector<16xf32>
      %slice3A_4643 = vector.extract_strided_slice %get3A_4192 {offsets = [13], sizes = [1], strides = [1]} : vector<16xf32> to vector<1xf32>
      %squeeze3A_4644 = vector.extract %slice3A_4643[0] : f32 from vector<1xf32>
      %get3A_4645 = arith.constant 125 : i32
      %get3A_4646 = arith.index_cast %get3A_4645 : i32 to index
      %get3A_4647 = arith.constant 0 : index
      %get3A_4648 = tpu.vector_load %arg11[%get3A_4646, %get3A_4647] {strides = array<i32>} : memref<128x64xf32, #tpu.memory_space<vmem>>, vector<1x16xf32>,
      %get3A_4649 = vector.shape_cast %get3A_4648 : vector<1x16xf32> to vector<16xf32>
      %mul3A_4650 = vector.broadcast %squeeze3A_4644 : f32 to vector<16xf32>
      %mul3A_4651 = arith.mulf %mul3A_4650, %get3A_4649 : vector<16xf32>
      %add3A_4652 = arith.addf %add3A_4618, %mul3A_4651 : vector<16xf32>
      %get3A_4653 = arith.constant 125 : i32
      %get3A_4654 = arith.index_cast %get3A_4653 : i32 to index
      %get3A_4655 = arith.constant 16 : index
      %get3A_4656 = tpu.vector_load %arg11[%get3A_4654, %get3A_4655] {strides = array<i32>} : memref<128x64xf32, #tpu.memory_space<vmem>>, vector<1x16xf32>,
      %get3A_4657 = vector.shape_cast %get3A_4656 : vector<1x16xf32> to vector<16xf32>
      %mul3A_4658 = vector.broadcast %squeeze3A_4644 : f32 to vector<16xf32>
      %mul3A_4659 = arith.mulf %mul3A_4658, %get3A_4657 : vector<16xf32>
      %add3A_4660 = arith.addf %add3A_4626, %mul3A_4659 : vector<16xf32>
      %get3A_4661 = arith.constant 125 : i32
      %get3A_4662 = arith.index_cast %get3A_4661 : i32 to index
      %get3A_4663 = arith.constant 32 : index
      %get3A_4664 = tpu.vector_load %arg11[%get3A_4662, %get3A_4663] {strides = array<i32>} : memref<128x64xf32, #tpu.memory_space<vmem>>, vector<1x16xf32>,
      %get3A_4665 = vector.shape_cast %get3A_4664 : vector<1x16xf32> to vector<16xf32>
      %mul3A_4666 = vector.broadcast %squeeze3A_4644 : f32 to vector<16xf32>
      %mul3A_4667 = arith.mulf %mul3A_4666, %get3A_4665 : vector<16xf32>
      %add3A_4668 = arith.addf %add3A_4634, %mul3A_4667 : vector<16xf32>
      %get3A_4669 = arith.constant 125 : i32
      %get3A_4670 = arith.index_cast %get3A_4669 : i32 to index
      %get3A_4671 = arith.constant 48 : index
      %get3A_4672 = tpu.vector_load %arg11[%get3A_4670, %get3A_4671] {strides = array<i32>} : memref<128x64xf32, #tpu.memory_space<vmem>>, vector<1x16xf32>,
      %get3A_4673 = vector.shape_cast %get3A_4672 : vector<1x16xf32> to vector<16xf32>
      %mul3A_4674 = vector.broadcast %squeeze3A_4644 : f32 to vector<16xf32>
      %mul3A_4675 = arith.mulf %mul3A_4674, %get3A_4673 : vector<16xf32>
      %add3A_4676 = arith.addf %add3A_4642, %mul3A_4675 : vector<16xf32>
      %slice3A_4677 = vector.extract_strided_slice %get3A_4192 {offsets = [14], sizes = [1], strides = [1]} : vector<16xf32> to vector<1xf32>
      %squeeze3A_4678 = vector.extract %slice3A_4677[0] : f32 from vector<1xf32>
      %get3A_4679 = arith.constant 126 : i32
      %get3A_4680 = arith.index_cast %get3A_4679 : i32 to index
      %get3A_4681 = arith.constant 0 : index
      %get3A_4682 = tpu.vector_load %arg11[%get3A_4680, %get3A_4681] {strides = array<i32>} : memref<128x64xf32, #tpu.memory_space<vmem>>, vector<1x16xf32>,
      %get3A_4683 = vector.shape_cast %get3A_4682 : vector<1x16xf32> to vector<16xf32>
      %mul3A_4684 = vector.broadcast %squeeze3A_4678 : f32 to vector<16xf32>
      %mul3A_4685 = arith.mulf %mul3A_4684, %get3A_4683 : vector<16xf32>
      %add3A_4686 = arith.addf %add3A_4652, %mul3A_4685 : vector<16xf32>
      %get3A_4687 = arith.constant 126 : i32
      %get3A_4688 = arith.index_cast %get3A_4687 : i32 to index
      %get3A_4689 = arith.constant 16 : index
      %get3A_4690 = tpu.vector_load %arg11[%get3A_4688, %get3A_4689] {strides = array<i32>} : memref<128x64xf32, #tpu.memory_space<vmem>>, vector<1x16xf32>,
      %get3A_4691 = vector.shape_cast %get3A_4690 : vector<1x16xf32> to vector<16xf32>
      %mul3A_4692 = vector.broadcast %squeeze3A_4678 : f32 to vector<16xf32>
      %mul3A_4693 = arith.mulf %mul3A_4692, %get3A_4691 : vector<16xf32>
      %add3A_4694 = arith.addf %add3A_4660, %mul3A_4693 : vector<16xf32>
      %get3A_4695 = arith.constant 126 : i32
      %get3A_4696 = arith.index_cast %get3A_4695 : i32 to index
      %get3A_4697 = arith.constant 32 : index
      %get3A_4698 = tpu.vector_load %arg11[%get3A_4696, %get3A_4697] {strides = array<i32>} : memref<128x64xf32, #tpu.memory_space<vmem>>, vector<1x16xf32>,
      %get3A_4699 = vector.shape_cast %get3A_4698 : vector<1x16xf32> to vector<16xf32>
      %mul3A_4700 = vector.broadcast %squeeze3A_4678 : f32 to vector<16xf32>
      %mul3A_4701 = arith.mulf %mul3A_4700, %get3A_4699 : vector<16xf32>
      %add3A_4702 = arith.addf %add3A_4668, %mul3A_4701 : vector<16xf32>
      %get3A_4703 = arith.constant 126 : i32
      %get3A_4704 = arith.index_cast %get3A_4703 : i32 to index
      %get3A_4705 = arith.constant 48 : index
      %get3A_4706 = tpu.vector_load %arg11[%get3A_4704, %get3A_4705] {strides = array<i32>} : memref<128x64xf32, #tpu.memory_space<vmem>>, vector<1x16xf32>,
      %get3A_4707 = vector.shape_cast %get3A_4706 : vector<1x16xf32> to vector<16xf32>
      %mul3A_4708 = vector.broadcast %squeeze3A_4678 : f32 to vector<16xf32>
      %mul3A_4709 = arith.mulf %mul3A_4708, %get3A_4707 : vector<16xf32>
      %add3A_4710 = arith.addf %add3A_4676, %mul3A_4709 : vector<16xf32>
      %slice3A_4711 = vector.extract_strided_slice %get3A_4192 {offsets = [15], sizes = [1], strides = [1]} : vector<16xf32> to vector<1xf32>
      %squeeze3A_4712 = vector.extract %slice3A_4711[0] : f32 from vector<1xf32>
      %get3A_4713 = arith.constant 127 : i32
      %get3A_4714 = arith.index_cast %get3A_4713 : i32 to index
      %get3A_4715 = arith.constant 0 : index
      %get3A_4716 = tpu.vector_load %arg11[%get3A_4714, %get3A_4715] {strides = array<i32>} : memref<128x64xf32, #tpu.memory_space<vmem>>, vector<1x16xf32>,
      %get3A_4717 = vector.shape_cast %get3A_4716 : vector<1x16xf32> to vector<16xf32>
      %mul3A_4718 = vector.broadcast %squeeze3A_4712 : f32 to vector<16xf32>
      %mul3A_4719 = arith.mulf %mul3A_4718, %get3A_4717 : vector<16xf32>
      %add3A_4720 = arith.addf %add3A_4686, %mul3A_4719 : vector<16xf32>
      %get3A_4721 = arith.constant 127 : i32
      %get3A_4722 = arith.index_cast %get3A_4721 : i32 to index
      %get3A_4723 = arith.constant 16 : index
      %get3A_4724 = tpu.vector_load %arg11[%get3A_4722, %get3A_4723] {strides = array<i32>} : memref<128x64xf32, #tpu.memory_space<vmem>>, vector<1x16xf32>,
      %get3A_4725 = vector.shape_cast %get3A_4724 : vector<1x16xf32> to vector<16xf32>
      %mul3A_4726 = vector.broadcast %squeeze3A_4712 : f32 to vector<16xf32>
      %mul3A_4727 = arith.mulf %mul3A_4726, %get3A_4725 : vector<16xf32>
      %add3A_4728 = arith.addf %add3A_4694, %mul3A_4727 : vector<16xf32>
      %get3A_4729 = arith.constant 127 : i32
      %get3A_4730 = arith.index_cast %get3A_4729 : i32 to index
      %get3A_4731 = arith.constant 32 : index
      %get3A_4732 = tpu.vector_load %arg11[%get3A_4730, %get3A_4731] {strides = array<i32>} : memref<128x64xf32, #tpu.memory_space<vmem>>, vector<1x16xf32>,
      %get3A_4733 = vector.shape_cast %get3A_4732 : vector<1x16xf32> to vector<16xf32>
      %mul3A_4734 = vector.broadcast %squeeze3A_4712 : f32 to vector<16xf32>
      %mul3A_4735 = arith.mulf %mul3A_4734, %get3A_4733 : vector<16xf32>
      %add3A_4736 = arith.addf %add3A_4702, %mul3A_4735 : vector<16xf32>
      %get3A_4737 = arith.constant 127 : i32
      %get3A_4738 = arith.index_cast %get3A_4737 : i32 to index
      %get3A_4739 = arith.constant 48 : index
      %get3A_4740 = tpu.vector_load %arg11[%get3A_4738, %get3A_4739] {strides = array<i32>} : memref<128x64xf32, #tpu.memory_space<vmem>>, vector<1x16xf32>,
      %get3A_4741 = vector.shape_cast %get3A_4740 : vector<1x16xf32> to vector<16xf32>
      %mul3A_4742 = vector.broadcast %squeeze3A_4712 : f32 to vector<16xf32>
      %mul3A_4743 = arith.mulf %mul3A_4742, %get3A_4741 : vector<16xf32>
      %add3A_4744 = arith.addf %add3A_4710, %mul3A_4743 : vector<16xf32>
      %slice3A_4745 = vector.extract_strided_slice %select_n3A {offsets = [7], sizes = [1], strides = [1]} : vector<16xf32> to vector<1xf32>
      %squeeze3A_4746 = vector.extract %slice3A_4745[0] : f32 from vector<1xf32>
      %mul3A_4747 = vector.broadcast %squeeze3A_4746 : f32 to vector<16xf32>
      %mul3A_4748 = arith.mulf %add3A_4720, %mul3A_4747 : vector<16xf32>
      %swap3A_4749 = arith.constant 7 : i32
      %swap3A_4750 = arith.index_cast %swap3A_4749 : i32 to index
      %swap3A_4751 = arith.constant 0 : index
      %swap3A_4752 = tpu.vector_load %arg12[%swap3A_4750, %swap3A_4751] {strides = array<i32>} : memref<8x64xf32, #tpu.memory_space<vmem>>, vector<1x16xf32>,
      %swap3A_4753 = vector.shape_cast %swap3A_4752 : vector<1x16xf32> to vector<16xf32>
      %swap3A_4754 = vector.shape_cast %mul3A_4748 : vector<16xf32> to vector<1x16xf32>
      tpu.vector_store %arg12[%swap3A_4750, %swap3A_4751], %swap3A_4754 {strides = array<i32>} : memref<8x64xf32, #tpu.memory_space<vmem>>, vector<1x16xf32>,
      %mul3A_4755 = vector.broadcast %squeeze3A_4746 : f32 to vector<16xf32>
      %mul3A_4756 = arith.mulf %add3A_4728, %mul3A_4755 : vector<16xf32>
      %swap3A_4757 = arith.constant 7 : i32
      %swap3A_4758 = arith.index_cast %swap3A_4757 : i32 to index
      %swap3A_4759 = arith.constant 16 : index
      %swap3A_4760 = tpu.vector_load %arg12[%swap3A_4758, %swap3A_4759] {strides = array<i32>} : memref<8x64xf32, #tpu.memory_space<vmem>>, vector<1x16xf32>,
      %swap3A_4761 = vector.shape_cast %swap3A_4760 : vector<1x16xf32> to vector<16xf32>
      %swap3A_4762 = vector.shape_cast %mul3A_4756 : vector<16xf32> to vector<1x16xf32>
      tpu.vector_store %arg12[%swap3A_4758, %swap3A_4759], %swap3A_4762 {strides = array<i32>} : memref<8x64xf32, #tpu.memory_space<vmem>>, vector<1x16xf32>,
      %mul3A_4763 = vector.broadcast %squeeze3A_4746 : f32 to vector<16xf32>
      %mul3A_4764 = arith.mulf %add3A_4736, %mul3A_4763 : vector<16xf32>
      %swap3A_4765 = arith.constant 7 : i32
      %swap3A_4766 = arith.index_cast %swap3A_4765 : i32 to index
      %swap3A_4767 = arith.constant 32 : index
      %swap3A_4768 = tpu.vector_load %arg12[%swap3A_4766, %swap3A_4767] {strides = array<i32>} : memref<8x64xf32, #tpu.memory_space<vmem>>, vector<1x16xf32>,
      %swap3A_4769 = vector.shape_cast %swap3A_4768 : vector<1x16xf32> to vector<16xf32>
      %swap3A_4770 = vector.shape_cast %mul3A_4764 : vector<16xf32> to vector<1x16xf32>
      tpu.vector_store %arg12[%swap3A_4766, %swap3A_4767], %swap3A_4770 {strides = array<i32>} : memref<8x64xf32, #tpu.memory_space<vmem>>, vector<1x16xf32>,
      %mul3A_4771 = vector.broadcast %squeeze3A_4746 : f32 to vector<16xf32>
      %mul3A_4772 = arith.mulf %add3A_4744, %mul3A_4771 : vector<16xf32>
      %swap3A_4773 = arith.constant 7 : i32
      %swap3A_4774 = arith.index_cast %swap3A_4773 : i32 to index
      %swap3A_4775 = arith.constant 48 : index
      %swap3A_4776 = tpu.vector_load %arg12[%swap3A_4774, %swap3A_4775] {strides = array<i32>} : memref<8x64xf32, #tpu.memory_space<vmem>>, vector<1x16xf32>,
      %swap3A_4777 = vector.shape_cast %swap3A_4776 : vector<1x16xf32> to vector<16xf32>
      %swap3A_4778 = vector.shape_cast %mul3A_4772 : vector<16xf32> to vector<1x16xf32>
      tpu.vector_store %arg12[%swap3A_4774, %swap3A_4775], %swap3A_4778 {strides = array<i32>} : memref<8x64xf32, #tpu.memory_space<vmem>>, vector<1x16xf32>,
      %mul3A_4779 = arith.constant 8 : i32
      %mul3A_4780 = arith.muli %add3A_11, %mul3A_4779 : i32
      %add3A_4781 = arith.addi %mul3A_2, %mul3A_4780 : i32
      "tpu.region"() ({
        %run_scoped3A = tpu.sem_alloc : memref<!tpu.dma_semaphore, #tpu.memory_space<semaphore_mem>>
        %dma_start3A_4782 = arith.constant 256 : i32
        %dma_start3A_4783 = tpu.memref_slice %arg7[%add3A_4781, %dma_start3A_4782] : memref<16384x320xf32, #tpu.memory_space<hbm>> -> memref<8x64xf32, #tpu.memory_space<hbm>>
        %dma_start3A_4784 = arith.constant 256 : i32
        %dma_start3A_4785 = tpu.memref_slice %arg7[%add3A_4781, %dma_start3A_4784] : memref<16384x320xf32, #tpu.memory_space<hbm>> -> memref<8x64xf32, #tpu.memory_space<hbm>>
        tpu.enqueue_dma source(%arg12 : memref<8x64xf32, #tpu.memory_space<vmem>>) target(%dma_start3A_4785 : memref<8x64xf32, #tpu.memory_space<hbm>>) target_semaphore(%run_scoped3A : memref<!tpu.dma_semaphore, #tpu.memory_space<semaphore_mem>>)
        %dma_wait3A_4786 = arith.constant 256 : i32
        %dma_wait3A_4787 = tpu.memref_slice %arg7[%add3A_4781, %dma_wait3A_4786] : memref<16384x320xf32, #tpu.memory_space<hbm>> -> memref<8x64xf32, #tpu.memory_space<hbm>>
        %dma_wait3A_4788 = arith.constant 256 : i32
        %dma_wait3A_4789 = tpu.memref_slice %arg7[%add3A_4781, %dma_wait3A_4788] : memref<16384x320xf32, #tpu.memory_space<hbm>> -> memref<8x64xf32, #tpu.memory_space<hbm>>
        tpu.wait_dma2 semaphore(%run_scoped3A : memref<!tpu.dma_semaphore, #tpu.memory_space<semaphore_mem>>) src(%arg12 : memref<8x64xf32, #tpu.memory_space<vmem>>) dst(%dma_wait3A_4789 : memref<8x64xf32, #tpu.memory_space<hbm>>)
        tpu.yield
      }) : () -> ()
    }
    %scan3A_6 = arith.constant 64 : i32
    return
  }
}

</mosaic_0001>

<sc_bundles>
// kernel: kernel.3.cloned.1.call-start
scs
__scs_entry_jumppad:
0x0: {  	(pc) =	sbr.rel $0x88, $3  }
0x1: {  	(tag) =	ssettag $0x0;
	lr =	simm.s32 $0x1  }
0x2: {  	[smem:$0x3F9C] =	sst lr;
	_ =	strace $0xD0000000  }
0x3: {  	_ = 	snop  }
0x4: {  	_ = 	snop  }
0x5: {  	_ = 	snop  }
0x6: {  	_ = 	snop  }
0x7: {  	_ = 	snop  }
__scs_overlays_trampoline_lowered:
0x8: {  	[smem:$0x3FAB] =	sst s0  }
0x9: {  	[smem:$0x3FAC] =	sst s1  }
0xa: {  	[smem:$0x3FAD] =	sst s2  }
0xb: {  	[smem:$0x3FAE] =	sst s3  }
0xc: {  	[smem:$0x3FAF] =	sst s4  }
0xd: {  	[smem:$0x3FB0] =	sst s5  }
0xe: {  	[smem:$0x3FB1] =	sst s6  }
0xf: {  	[smem:$0x3FB2] =	sst s7  }
0x10: {  	[smem:$0x3FB3] =	sst s8  }
0x11: {  	[smem:$0x3FB4] =	sst s9;
	s0 =	simm.s32 @!p0 $0x0  }
0x12: {  	s1 =	sld [smem:$0x3F9A];
	s0 =	simm.s32 @p0 $0x1  }
0x13: {  	[smem:$0x3FB5] =	sst s0;
	s0 =	simm.s32 @!p1 $0x0  }
0x14: {  	s2 =	sld [smem:$0x3F99];
	s0 =	simm.s32 @p1 $0x1  }
0x15: {  	[smem:$0x3FB6] =	sst s0;
	s0 =	simm.s32 @!p2 $0x0  }
0x16: {  	s3 =	sld [smem:$0x3FDB];
	s0 =	simm.s32 @p2 $0x1  }
0x17: {  	s4 =	simm.s32 $0x1BF5;
	[smem:$0x3FB8] =	sst s0  }
0x18: {  	s0 =	sld [smem:$0x3F9B];
	_ =	swait.ge [sflag:s4], $0x0  }
0x19: {  	s7 =	sld [smem:$0x3F9C]  }
0x1a: {  	s8 =	sadd.s32 $0xFFFFE003, lr  }
0x1b: {  	s9 =	sadd.s32 $0xFFFFFEF7, lr;
	s5 =	simm.s32 $0xFFFFFFFF;
	p2 =	slt.u32 s8, $0xFFFFF086  }
0x1c: {  	p1 =	slt.u32 s9, $0xF7A;
	s5 =	simm.s32 @!p2 $0x0  }
0x1d: {  	s5 =	simm.s32 @p1 $0x1;
	p0 =	seq.s32 s7, s2  }
0x1e: {  	s7 =	smul.u32 @!p0 $0xF7A, s2;
	p2 =	seq.s32 @!p0 s5, $0x0  }
0x1f: {  	s9 =	smul.u32 $0xF7A, s1;
	s8 =	simm.s32 @!p0 $0x1BF5;
	p2 =	por !p2, p0  }
0x20: {  	[sflag:s8] =	ssyncset.s32 @!p0 $0xFFFFF086;
	s6 =	sadd.s32 @!p0 s3, s7;
	s7 =	simm.s32 @!p0 $0x108  }
0x21: {  	s3 =	sadd.s32 s3, s9;
	s6 =	sadd.s32 @!p0 $0x88, s6;
	s7 =	simm.s32 @p2 $0x1082  }
0x22: {  	[simem:s7], [sflag:s8] =	dma.local @!p0 [hbm:s6], $0xF7A  }
0x23: {  	s9 =	sor.u32 $0xD0000000, s2;
	s6 =	simm.s32 $0x108;
	_ =	swait.ge @!p0 [sflag:s8], $0x0  }
0x24: {  	s3 =	sadd.s32 $0x88, s3;
	s6 =	simm.s32 @!p1 $0x1082;
	[sflag:s4] =	ssyncset.s32 $0xFFFFF086  }
0x25: {  	[simem:s6], [sflag:s4] =	dma.local [hbm:s3], $0xF7A  }
0x26: {  	[smem:$0x3F9C] =	sst s1;
	(tag) =	ssettag s2;
	_ =	strace s9  }
0x27: {  	s1 =	sld [smem:$0x3FAC]  }
0x28: {  	s2 =	sld [smem:$0x3FAD]  }
0x29: {  	s4 =	sld [smem:$0x3FAF]  }
0x2a: {  	p0 =	seq.s32 s5, $0x0;
	s5 =	sld [smem:$0x3FB0]  }
0x2b: {  	s6 =	sld [smem:$0x3FB1]  }
0x2c: {  	s7 =	sld [smem:$0x3FB2]  }
0x2d: {  	s3 =	simm.s32 $0x108;
	s8 =	sld [smem:$0x3FB3]  }
0x2e: {  	s3 =	simm.s32 @!p0 $0x1082;
	s9 =	sld [smem:$0x3FB4]  }
0x2f: {  	lr =	sadd.s32 s0, s3;
	s0 =	sld [smem:$0x3FAB]  }
0x30: {  	s3 =	sld [smem:$0x3FAE]  }
0x31: {  	[smem:$0x3FB7] =	sst s10  }
0x32: {  	s10 =	sld [smem:$0x3FB5];
	_ =	sdelay $0x3  }
0x33: {  	p0 =	seq.s32 s10, $0x1;
	s10 =	sld [smem:$0x3FB7];
	_ =	sdelay $0x3  }
0x34: {  	[smem:$0x3FB7] =	sst s10  }
0x35: {  	s10 =	sld [smem:$0x3FB6];
	_ =	sdelay $0x3  }
0x36: {  	p1 =	seq.s32 s10, $0x1;
	s10 =	sld [smem:$0x3FB7];
	_ =	sdelay $0x3  }
0x37: {  	[smem:$0x3FB7] =	sst s10  }
0x38: {  	s10 =	sld [smem:$0x3FB8]  }
0x39: {  	_ = 	snop;
	(pc) =	sbr.ind lr, $3  }
0x3a: {  	_ = 	snop  }
0x3b: {  	_ = 	snop  }
0x3c: {  	p2 =	seq.s32 s10, $0x1;
	s10 =	sld [smem:$0x3FB7]  }
0x3d: {  	_ =	shalt  }
0x3e: {  	_ =	shalt  }
0x3f: {  	_ =	shalt  }
0x40: {  	_ =	shalt  }
0x41: {  	_ =	shalt  }
0x42: {  	_ =	shalt  }
0x43: {  	_ =	shalt  }
0x44: {  	_ =	shalt  }
0x45: {  	_ =	shalt  }
0x46: {  	_ =	shalt  }
0x47: {  	_ =	shalt  }
0x48: {  	_ =	shalt  }
0x49: {  	_ =	shalt  }
0x4a: {  	_ =	shalt  }
0x4b: {  	_ =	shalt  }
0x4c: {  	_ =	shalt  }
0x4d: {  	_ =	shalt  }
0x4e: {  	_ =	shalt  }
0x4f: {  	_ =	shalt  }
0x50: {  	_ =	shalt  }
0x51: {  	_ =	shalt  }
0x52: {  	_ =	shalt  }
0x53: {  	_ =	shalt  }
0x54: {  	_ =	shalt  }
0x55: {  	_ =	shalt  }
0x56: {  	_ =	shalt  }
0x57: {  	_ =	shalt  }
0x58: {  	_ =	shalt  }
0x59: {  	_ =	shalt  }
0x5a: {  	_ =	shalt  }
0x5b: {  	_ =	shalt  }
0x5c: {  	_ =	shalt  }
0x5d: {  	_ =	shalt  }
0x5e: {  	_ =	shalt  }
0x5f: {  	_ =	shalt  }
0x60: {  	_ =	shalt  }
0x61: {  	_ =	shalt  }
0x62: {  	_ =	shalt  }
0x63: {  	_ =	shalt  }
0x64: {  	_ =	shalt  }
0x65: {  	_ =	shalt  }
0x66: {  	_ =	shalt  }
0x67: {  	_ =	shalt  }
0x68: {  	_ =	shalt  }
0x69: {  	_ =	shalt  }
0x6a: {  	_ =	shalt  }
0x6b: {  	_ =	shalt  }
0x6c: {  	_ =	shalt  }
0x6d: {  	_ =	shalt  }
0x6e: {  	_ =	shalt  }
0x6f: {  	_ =	shalt  }
0x70: {  	_ =	shalt  }
0x71: {  	_ =	shalt  }
0x72: {  	_ =	shalt  }
0x73: {  	_ =	shalt  }
0x74: {  	_ =	shalt  }
0x75: {  	_ =	shalt  }
0x76: {  	_ =	shalt  }
0x77: {  	_ =	shalt  }
0x78: {  	_ =	shalt  }
0x79: {  	_ =	shalt  }
0x7a: {  	_ =	shalt  }
0x7b: {  	_ =	shalt  }
0x7c: {  	_ =	shalt  }
0x7d: {  	_ =	shalt  }
0x7e: {  	_ =	shalt  }
0x7f: {  	_ =	shalt  }
0x80: {  	_ =	shalt  }
0x81: {  	_ =	shalt  }
0x82: {  	_ =	shalt  }
0x83: {  	_ =	shalt  }
0x84: {  	_ =	shalt  }
0x85: {  	_ =	shalt  }
0x86: {  	_ =	shalt  }
0x87: {  	_ =	shalt  }
.Lfunc_end0:
.L_simem_size_0:
called_computation_lowered:
.L_overlay_start_0:
0x88: {  	s2 =	sld [smem:$0x3FD9]  }
0x89: {  	s3 =	sld [smem:$0x3FFE];
	_ =	sdelay $0x1  }
0x8a: {  	s1 =	srdreg.scid  }
0x8b: {  	s0 =	sand.u32 $0x1, s1  }
0x8c: {  	s17 =	sshll.u32 s0, $0xA;
	s2 =	sadd.s32 s3, s2  }
0x8d: {  	s2 =	sadd.s32 s2, s17  }
0x8e: {  	[smem:$0x3FC3] =	sst s2  }
0x8f: {  	_ = 	snop  }
0x90: {  	s2 =	sld [smem:$0x3FC5]  }
0x91: {  	s18 =	sld [smem:$0x3FD0];
	(tm) =	ssettm $0x1  }
0x92: {  	s4 =	sld [smem:$0x3FFB];
	_ =	sdelay $0x3  }
0x93: {  	_ =	strace s4  }
0x94: {  	s4 =	sld [smem:$0x3FFC];
	_ =	sdelay $0x3  }
0x95: {  	_ =	strace s4  }
0x96: {  	s4 =	sld [smem:$0x3FFD];
	_ =	sdelay $0x3  }
0x97: {  	_ =	strace s4  }
0x98: {  	_ =	strace $0x8FFFFFFF  }
0x99: {  	s19 =	sld [smem:$0x3FDB];
	_ =	sdelay $0x1  }
0x9a: {  	s5 =	simm.s32 $_scs_section_size  }
0x9b: {  	s6 =	simm.s32 $_size__tile_overlayer_lowered;
	s7 =	simm.s32 $_tile_overlayer_lowered  }
0x9c: {  	s22 =	simm.s32 $0x1BFF;
	s21 =	sshll.u32 s7, $0x1;
	s4 =	sadd.s32 s5, s19  }
0x9d: {  	s8 =	simm.s32 $0x0;
	s20 =	sshll.u32 s6, $0x1;
	s6 =	sadd.s32 s21, s4  }
0x9e: {  	[timem:s8], [sflag:s22] =	dma.local [hbm:s6], s20  }
0x9f: {  	_ =	swait.ge [sflag:s22], s20  }
0xa0: {  	s5 =	ssub.s32 $0x0, s20;
	[sflag:s22] =	ssyncset.done $0x0  }
0xa1: {  	[sflag:s22] =	ssyncadd.s32 s5;
	_ =	sdelay $0x1  }
0xa2: {  	s23 =	simm.s32 $0x1B8B  }
0xa3: {  	_ =	swait.ge [sflag:s23], $0x1  }
0xa4: {  	[sflag:s23] =	ssyncset.done $0x0  }
0xa5: {  	s25 =	simm.s32 $0x1B8E;
	s24 =	sld [smem:$0x3FFE];
	[sflag:s23] =	ssyncadd.s32 $0xFFFFFFFF  }
0xa6: {  	s26 =	simm.s32 $execute0_lowered;
	[smem:$0x3FD2] =	sst s25  }
0xa7: {  	s6 =	sshll.u32 s26, $0x1;
	_ =	strace $0x80000046;
	[dreg:$0x1] =	wrdreg $0xFFFFFFFF  }
0xa8: {  	s28 =	simm.s32 $_size_execute0_lowered;
	s4 =	sadd.s32 s4, s6;
	[dreg:$0x0] =	wrdreg $0x0  }
0xa9: {  	s6 =	sshll.u32 s28, $0x1;
	[dreg:$0x2] =	wrdreg s4  }
0xaa: {  	[dreg:$0x3] =	wrdreg s6  }
0xab: {  	[dreg:$0x4] =	wrdreg $0xC0  }
0xac: {  	_ =	task [dreg:s8], $0x5FFFF  }
0xad: {  	[dreg:$0x1] =	wrdreg $0xFFFFFFFF  }
0xae: {  	[dreg:$0x0] =	wrdreg $0x60  }
0xaf: {  	[dreg:$0x2] =	wrdreg s24  }
0xb0: {  	[dreg:$0x3] =	wrdreg s2  }
0xb1: {  	[dreg:$0x4] =	wrdreg s18  }
0xb2: {  	[dreg:$0x5] =	wrdreg $0x9  }
0xb3: {  	_ =	task.clear_ibuf [dreg:s8], $0x6FFFF;
	_ =	strace $0x90000046  }
0xb4: {  	s29 =	simm.s32 $0x9;
	_ =	strace $0x80000048  }
0xb5: {  	_ =	swait.ge [sflag:s29], $0x1  }
0xb6: {  	[sflag:s29] =	ssyncadd.s32 $0xFFFFFFFF  }
0xb7: {  	_ =	strace $0x90000048  }
0xb8: {  	_ =	sfence  }
0xb9: {  	s30 =	sld [smem:$0x0];
	_ =	sdelay $0x2  }
0xba: {  	s31 =	sshll.u32 s1, $0xD;
	s1 =	sshrl.u32 s1, $0x2  }
0xbb: {  	s3 =	sand.u32 $0x4000, s31;
	s1 =	sadd.s32 s1, s30  }
0xbc: {  	s0 =	sor.u32 s3, s0;
	s1 =	sshll.u32 s1, $0x11  }
0xbd: {  	s0 =	sor.u32 s1, s0  }
0xbe: {  	s0 =	sadd.s32 $0x8F2B, s0  }
0xbf: {  	[sflag:s0] =	ssyncadd.remote.s32 $0x1  }
0xc0: {  	_ =	sfence.sel $0xFFFF  }
0xc1: {  	[dreg:$0x0] =	wrdreg $0xFFFFFFFF;
	(pc) =	sbr.abs _section_cstart, $3  }
0xc2: {  	[dreg:$0x1] =	wrdreg $0xFFFFFFFF  }
0xc3: {  	_ =	task.clear_ibuf [dreg:s8], $0x2FFFF;
	_ =	strace $0x9FFFFFFF  }
0xc4: {  	(tm) =	ssettm $0x7FFFFFFF  }
0xc5: {  	_ =	shalt  }
tec
execute0_lowered:
.L_overlay_start_1:
0x0: {  	(tag) =	ssettag $0x1  }
0x1: {  	s3 =	rddreg [dreg:$0x0]  }
0x2: {  	s6 =	rddreg [dreg:$0x1]  }
0x3: {  	s7 =	rddreg [dreg:$0x2]  }
0x4: {  	s0 =	rddreg [dreg:$0x3]  }
0x5: {  	s4 =	srdreg.scid;
	s1 =	stileid.u32;
	s2 =	simm.s32 $0x0  }
0x6: {  	s15 =	simm.s32 $0x20;
	s16 =	simm.s32 $0x80;
	s17 =	simm.s32 $0x4210  }
0x7: {  	s18 =	simm.s32 $0x1;
	s19 =	simm.s32 $0x40;
	s20 =	simm.s32 $0x140  }
0x8: {  	s21 =	simm.s32 $0x6210;
	s22 =	simm.s32 $0x0;
	s5 =	sand.u32 $0x1, s4  }
0x9: {  	s26 =	sshll.u32 s1, $0x1;
	[smem:$0x7FF] =	sst s2;
	s13 =	smul.u32 $0xA000, s1  }
0xa: {  	s31 =	sshll.u32 s1, $0x6;
	s8 =	sor.u32 s5, s26;
	_ =	strace $0x80000047  }
0xb: {  	s10 =	ssub.s32 $0x2, s5;
	s14 =	smul.u32 $0x5000, s5;
	s4 =	sshll.u32 s8, $0xE  }
0xc: {  	s28 =	sshll.u32 s8, $0xA;
	s29 =	sshrl.u32 s10, $0x1;
	s12 =	smul.u32 $0x5000, s8  }
0xd: {  	s8 =	sshll.u32 s8, $0x6;
	s30 =	sadd.s32 s13, s7;
	s13 =	sor.u32 $0x1C02, s31  }
0xe: {  	s9 =	sadd.s32 s4, s3;
	s11 =	sadd.s32 s28, s3;
	s3 =	sadd.s32 $0xF42E00, s3  }
0xf: {  	s10 =	ssub.s32 s10, s29;
	s6 =	sadd.s32 s6, s8;
	s4 =	sadd.s32 $0x80A00, s11  }
0x10: {  	s5 =	sadd.s32 $0x88A00, s11;
	s7 =	sadd.s32 s7, s12;
	s8 =	sadd.s32 $0xA00, s9  }
0x11: {  	s11 =	sadd.s32 s14, s30;
	s9 =	smax.u32 s10, $0x1;
	s12 =	simm.s32 $0x2000  }
0x12: {  	v0 =	vimm.f32 $0.0e+00;
	s14 =	simm.s32 $0x28;
	s10 =	sadd.s32 $0x20, s11;
	s11 =	simm.s32 $0x2  }
.LBB2_1:
0x13: {  	[tilespmem:s2], [sflag:$0x2] =	stream.linear.gather [hbm4b:s4+s2], $0x2000, $0x38;
	[tilespmem:$0x6410] =	vst v63  }
0x14: {  	_ =	swait.ge [sflag:s11], $0x2000  }
0x15: {  	[sflag:s11] =	ssyncset.done $0x0  }
0x16: {  	[sflag:s11] =	ssyncadd.s32 $0xFFFFE000  }
0x17: {  	[tilespmem:s12], [sflag:$0x2] =	stream.linear.gather [hbm4b:s5+s2], $0x2000, $0x38;
	[tilespmem:$0x6410] =	vst v63  }
0x18: {  	_ =	swait.ge [sflag:s11], $0x2000  }
0x19: {  	[sflag:s11] =	ssyncset.done $0x0  }
0x1a: {  	s23 =	simm.s32 $0x4000;
	[sflag:s11] =	ssyncadd.s32 $0xFFFFE000  }
0x1b: {  	[tilespmem:s23], [sflag:$0x2] =	stream.linear.gather [hbm4b:s6+s2], $0x200, $0x38;
	[tilespmem:$0x6410] =	vst v63  }
0x1c: {  	_ =	swait.ge [sflag:s11], $0x200  }
0x1d: {  	[sflag:s11] =	ssyncset.done $0x0  }
0x1e: {  	[sflag:s11] =	ssyncadd.s32 $0xFFFFFE00  }
0x1f: {  	[hbm:s7@s14], [sflag:s13] =	dma.strided [hbm:s8@s15], $0x4000, s11, $0x10   }
0x20: {  	_ =	swait.ge [sflag:s11], $0x4000  }
0x21: {  	[sflag:s11] =	ssyncset.done $0x0  }
0x22: {  	s24 =	smov.u32 s10;
	s25 =	simm.s32 $0x0;
	[sflag:s11] =	ssyncadd.s32 $0xFFFFC000  }
.LBB2_2:
0x23: {  	s26 =	sshra.s32 s25, $0x2  }
0x24: {  	[tilespmem:s17], [sflag:$0x1] =	stream.indirect.gather [hbm4b:s3+s16], $0x40, s26, s16, $0xb8;
	[tilespmem:$0x6410] =	vst v63  }
0x25: {  	_ =	swait.ge [sflag:s18], $0x2000  }
0x26: {  	[sflag:s18] =	ssyncset.done $0x0  }
0x27: {  	[sflag:s18] =	ssyncadd.s32 $0xFFFFE000  }
0x28: {  	v1 =	vld [tilespmem:s23+$0x0]  }
0x29: {  	v2 =	vld [tilespmem:s26+$0x2000]  }
0x2a: {  	v3 =	vld [tilespmem:$0x4210]  }
0x2b: {  	v4 =	vld [tilespmem:$0x4220]  }
0x2c: {  	v5 =	vld [tilespmem:$0x4230]  }
0x2d: {  	v6 =	vld [tilespmem:$0x4240]  }
0x2e: {  	v7 =	vld [tilespmem:$0x4250]  }
0x2f: {  	v8 =	vld [tilespmem:$0x4260]  }
0x30: {  	v9 =	vld [tilespmem:$0x4270]  }
0x31: {  	v10 =	vld [tilespmem:$0x4280]  }
0x32: {  	v11 =	vld [tilespmem:$0x4290]  }
0x33: {  	v12 =	vld [tilespmem:$0x42A0]  }
0x34: {  	v13 =	vld [tilespmem:$0x42B0]  }
0x35: {  	v14 =	vld [tilespmem:$0x42C0]  }
0x36: {  	v15 =	vld [tilespmem:$0x42D0]  }
0x37: {  	v16 =	vld [tilespmem:$0x42E0]  }
0x38: {  	v17 =	vld [tilespmem:$0x42F0]  }
0x39: {  	v18 =	vld [tilespmem:$0x4300]  }
0x3a: {  	v19 =	vld [tilespmem:$0x4310]  }
0x3b: {  	v20 =	vld [tilespmem:$0x4320]  }
0x3c: {  	v22 =	vld [tilespmem:$0x4330]  }
0x3d: {  	v23 =	vld [tilespmem:$0x4340]  }
0x3e: {  	v24 =	vld [tilespmem:$0x4350]  }
0x3f: {  	v26 =	vld [tilespmem:$0x4360]  }
0x40: {  	v27 =	vld [tilespmem:$0x4370]  }
0x41: {  	v28 =	vld [tilespmem:$0x4380]  }
0x42: {  	v29 =	vld [tilespmem:$0x43A0]  }
0x43: {  	v54 =	vld [tilespmem:$0x43B0]  }
0x44: {  	v60 =	vld [tilespmem:$0x43E0];
	v21 =	vbroadcast v2, $0x0;
	v25 =	vbroadcast v2, $0x1  }
0x45: {  	v63 =	vld [tilespmem:$0x43F0];
	v52 =	vbroadcast v2, $0x2;
	v58 =	vbroadcast v2, $0x3  }
0x46: {  	v32 =	vld [tilespmem:$0x4400];
	v31 =	vbroadcast v2, $0x4;
	v39 =	vbroadcast v2, $0x5  }
0x47: {  	v34 =	vld [tilespmem:$0x4410];
	v47 =	vbroadcast v2, $0x6;
	v3 =	vmul.f32 v3, v21  }
0x48: {  	v37 =	vld [tilespmem:$0x4420];
	v4 =	vmul.f32 v4, v21;
	v5 =	vmul.f32 v5, v21  }
0x49: {  	v40 =	vld [tilespmem:$0x4430];
	v7 =	vmul.f32 v7, v25;
	v6 =	vmul.f32 v6, v21  }
0x4a: {  	v42 =	vld [tilespmem:$0x4440];
	v8 =	vmul.f32 v8, v25;
	v51 =	vmul.f32 v9, v25  }
0x4b: {  	v45 =	vld [tilespmem:$0x4450];
	v53 =	vmul.f32 v10, v25;
	v55 =	vmul.f32 v11, v52  }
0x4c: {  	v48 =	vld [tilespmem:$0x4460];
	v56 =	vmul.f32 v12, v52;
	v57 =	vmul.f32 v13, v52  }
0x4d: {  	v50 =	vld [tilespmem:$0x4470];
	v59 =	vmul.f32 v14, v52;
	v61 =	vmul.f32 v15, v58  }
0x4e: {  	v21 =	vld [tilespmem:$0x4390];
	v62 =	vmul.f32 v16, v58;
	v30 =	vmul.f32 v17, v58  }
0x4f: {  	v12 =	vld [tilespmem:$0x43C0];
	v33 =	vmul.f32 v18, v58;
	v35 =	vmul.f32 v19, v31  }
0x50: {  	v25 =	vld [tilespmem:$0x43D0];
	v36 =	vmul.f32 v20, v31;
	v38 =	vmul.f32 v22, v31  }
0x51: {  	v41 =	vmul.f32 v23, v31;
	v58 =	vld [tilespmem:$0x44A0];
	v3 =	vadd.f32 $0.0e+00, v3;
	v4 =	vadd.f32 $0.0e+00, v4  }
0x52: {  	v44 =	vmul.f32 v26, v39;
	v26 =	vld [tilespmem:$0x44D0];
	v5 =	vadd.f32 $0.0e+00, v5;
	v6 =	vadd.f32 $0.0e+00, v6  }
0x53: {  	v52 =	vmul.f32 v29, v47;
	v29 =	vld [tilespmem:$0x44E0];
	v3 =	vadd.f32 v7, v3;
	v4 =	vadd.f32 v8, v4  }
0x54: {  	v54 =	vmul.f32 v54, v47;
	v5 =	vadd.f32 v51, v5;
	v6 =	vadd.f32 v53, v6;
	v53 =	vld [tilespmem:$0x4480]  }
0x55: {  	v3 =	vadd.f32 v55, v3;
	v4 =	vadd.f32 v56, v4;
	v55 =	vbroadcast v2, $0x7;
	v56 =	vld [tilespmem:$0x4490]  }
0x56: {  	v51 =	vmul.f32 v21, v47;
	v5 =	vadd.f32 v57, v5;
	v57 =	vmul.f32 v12, v47;
	v47 =	vld [tilespmem:$0x4550]  }
0x57: {  	v43 =	vmul.f32 v24, v39;
	v3 =	vadd.f32 v61, v3;
	v9 =	vmul.f32 v60, v55;
	v60 =	vld [tilespmem:$0x44B0]  }
0x58: {  	v4 =	vadd.f32 v62, v4;
	v61 =	vmul.f32 v63, v55;
	v62 =	vbroadcast v2, $0x8;
	v63 =	vld [tilespmem:$0x44C0]  }
0x59: {  	v6 =	vadd.f32 v59, v6;
	v59 =	vmul.f32 v25, v55;
	v25 =	vmul.f32 v32, v55;
	v32 =	vld [tilespmem:$0x44F0]  }
0x5a: {  	vm0 =	vgt.s32 v1, $0x0;
	v46 =	vmul.f32 v27, v39;
	v27 =	vmul.f32 v34, v62;
	v34 =	vld [tilespmem:$0x4500]  }
0x5b: {  	v49 =	vmul.f32 v28, v39;
	v6 =	vadd.f32 v33, v6;
	v28 =	vmul.f32 v37, v62;
	v37 =	vld [tilespmem:$0x4510]  }
0x5c: {  	v5 =	vadd.f32 v30, v5;
	v4 =	vadd.f32 v36, v4;
	v30 =	vmul.f32 v40, v62;
	v40 =	vld [tilespmem:$0x4520]  }
0x5d: {  	v39 =	vbroadcast v2, $0xA;
	v6 =	vadd.f32 v41, v6;
	v33 =	vmul.f32 v42, v62;
	v42 =	vld [tilespmem:$0x4530]  }
0x5e: {  	v31 =	vbroadcast v2, $0x9;
	v24 =	vbroadcast v2, $0xE;
	v4 =	vadd.f32 v44, v4;
	v44 =	vld [tilespmem:$0x4540]  }
0x5f: {  	v12 =	vmul.f32 v58, v39;
	v3 =	vadd.f32 v35, v3;
	v6 =	vadd.f32 v49, v6;
	v49 =	vld [tilespmem:$0x4560]  }
0x60: {  	v35 =	vmul.f32 v45, v31;
	v36 =	vmul.f32 v48, v31;
	v4 =	vadd.f32 v52, v4;
	v52 =	vld [tilespmem:$0x4570]  }
0x61: {  	v5 =	vadd.f32 v38, v5;
	v38 =	vmul.f32 v50, v31;
	v41 =	vmul.f32 v53, v31;
	v55 =	vld [tilespmem:$0x4580]  }
0x62: {  	v62 =	vbroadcast v2, $0xD;
	v3 =	vadd.f32 v43, v3;
	v6 =	vadd.f32 v57, v6;
	v57 =	vld [tilespmem:$0x4590]  }
0x63: {  	v5 =	vadd.f32 v46, v5;
	v46 =	vbroadcast v2, $0xB;
	v45 =	vmul.f32 v60, v39;
	v60 =	vld [tilespmem:$0x45A0]  }
0x64: {  	v1 =	vsel vm0, $0x3F800000, v0;
	v43 =	vmul.f32 v56, v39;
	v48 =	vmul.f32 v63, v39;
	v63 =	vld [tilespmem:$0x45B0]  }
0x65: {  	v23 =	vmul.f32 v47, v62;
	v3 =	vadd.f32 v51, v3;
	v50 =	vmul.f32 v26, v46;
	v22 =	vld [tilespmem:$0x45C0]  }
0x66: {  	v5 =	vadd.f32 v54, v5;
	v51 =	vmul.f32 v29, v46;
	v53 =	vmul.f32 v32, v46;
	v29 =	vld [tilespmem:$0x45F0]  }
0x67: {  	v54 =	vbroadcast v2, $0xC;
	v2 =	vbroadcast v2, $0xF;
	v31 =	vld [tilespmem:$0x4600];
	v3 =	vadd.f32 v59, v3  }
0x68: {  	v39 =	vld [tilespmem:$0x4630];
	v56 =	vmul.f32 v34, v46;
	v4 =	vadd.f32 v9, v4;
	v5 =	vadd.f32 v61, v5  }
0x69: {  	v47 =	vld [tilespmem:$0x46B0];
	v6 =	vadd.f32 v25, v6;
	v58 =	vmul.f32 v37, v54;
	v3 =	vadd.f32 v27, v3  }
0x6a: {  	v46 =	vld [tilespmem:$0x46A0];
	v59 =	vmul.f32 v40, v54;
	v61 =	vmul.f32 v42, v54;
	v4 =	vadd.f32 v28, v4  }
0x6b: {  	v25 =	vld [tilespmem:$0x45D0];
	v37 =	vbroadcast v1, $0x0;
	v6 =	vadd.f32 v33, v6;
	v3 =	vadd.f32 v35, v3  }
0x6c: {  	v40 =	vld [tilespmem:$0x4640];
	v21 =	vmul.f32 v44, v54;
	v5 =	vadd.f32 v30, v5;
	v4 =	vadd.f32 v36, v4  }
0x6d: {  	v42 =	vld [tilespmem:$0x4660];
	v26 =	vmul.f32 v49, v62;
	v6 =	vadd.f32 v41, v6;
	v3 =	vadd.f32 v43, v3  }
0x6e: {  	v44 =	vld [tilespmem:$0x4680];
	v11 =	vmul.f32 v52, v62;
	v5 =	vadd.f32 v38, v5;
	v4 =	vadd.f32 v12, v4  }
0x6f: {  	v49 =	vld [tilespmem:$0x46D0];
	v28 =	vmul.f32 v55, v62;
	v6 =	vadd.f32 v48, v6;
	v3 =	vadd.f32 v50, v3  }
0x70: {  	v54 =	vld [tilespmem:$0x4720];
	v9 =	vmul.f32 v57, v24;
	v5 =	vadd.f32 v45, v5;
	v4 =	vadd.f32 v51, v4  }
0x71: {  	v27 =	vld [tilespmem:$0x45E0];
	v30 =	vmul.f32 v60, v24;
	v6 =	vadd.f32 v56, v6;
	v3 =	vadd.f32 v58, v3  }
0x72: {  	v32 =	vmul.f32 v63, v24;
	v52 =	vld [tilespmem:$0x4700];
	v5 =	vadd.f32 v53, v5;
	v4 =	vadd.f32 v59, v4  }
0x73: {  	v34 =	vmul.f32 v22, v24;
	v57 =	vld [tilespmem:$0x4740];
	v6 =	vadd.f32 v21, v6;
	v3 =	vadd.f32 v23, v3  }
0x74: {  	v60 =	vld [tilespmem:$0x4760];
	v36 =	vmul.f32 v29, v2;
	v5 =	vadd.f32 v61, v5;
	v4 =	vadd.f32 v26, v4  }
0x75: {  	v22 =	vld [tilespmem:$0x4DC0];
	v33 =	vmul.f32 v25, v2;
	v6 =	vadd.f32 v28, v6;
	v3 =	vadd.f32 v9, v3  }
0x76: {  	v38 =	vld [tilespmem:$0x4620];
	v35 =	vmul.f32 v27, v2;
	v5 =	vadd.f32 v11, v5;
	v4 =	vadd.f32 v30, v4  }
0x77: {  	v41 =	vld [tilespmem:$0x4650];
	v2 =	vmul.f32 v31, v2;
	v6 =	vadd.f32 v34, v6;
	v3 =	vadd.f32 v33, v3  }
0x78: {  	v29 =	vld [tilespmem:$0x47A0];
	v5 =	vadd.f32 v32, v5;
	v4 =	vadd.f32 v35, v4  }
0x79: {  	v25 =	vld [tilespmem:$0x4960];
	v2 =	vadd.f32 v2, v6;
	v3 =	vmul.f32 v3, v37  }
0x7a: {  	v43 =	vld [tilespmem:$0x4670];
	v5 =	vadd.f32 v36, v5;
	v4 =	vmul.f32 v4, v37  }
0x7b: {  	v45 =	vld [tilespmem:$0x4690];
	v2 =	vmul.f32 v2, v37;
	[tilespmem:$0x6210] =	vst v3  }
0x7c: {  	v48 =	vld [tilespmem:$0x46C0];
	v3 =	vmul.f32 v5, v37;
	[tilespmem:$0x6220] =	vst v4  }
0x7d: {  	v31 =	vld [tilespmem:$0x47B0];
	[tilespmem:$0x6240] =	vst v2  }
0x7e: {  	v50 =	vld [tilespmem:$0x46E0];
	[tilespmem:$0x6230] =	vst v3  }
0x7f: {  	v2 =	vld [tilespmem:s26+$0x2010]  }
0x80: {  	v51 =	vld [tilespmem:$0x46F0]  }
0x81: {  	v3 =	vld [tilespmem:$0x4610]  }
0x82: {  	v53 =	vld [tilespmem:$0x4710]  }
0x83: {  	v56 =	vld [tilespmem:$0x4730]  }
0x84: {  	v58 =	vld [tilespmem:$0x4750];
	v55 =	vbroadcast v2, $0x0;
	v59 =	vbroadcast v2, $0x1  }
0x85: {  	v61 =	vld [tilespmem:$0x4770];
	v63 =	vbroadcast v2, $0x2;
	v36 =	vbroadcast v2, $0x3  }
0x86: {  	v21 =	vld [tilespmem:$0x4790];
	v3 =	vmul.f32 v3, v55;
	v4 =	vmul.f32 v38, v55  }
0x87: {  	v28 =	vld [tilespmem:$0x4780];
	v5 =	vmul.f32 v39, v55;
	v7 =	vmul.f32 v41, v59  }
0x88: {  	v34 =	vld [tilespmem:$0x47C0];
	v6 =	vmul.f32 v40, v55;
	v8 =	vmul.f32 v42, v59  }
0x89: {  	v37 =	vld [tilespmem:$0x47D0];
	v62 =	vmul.f32 v43, v59;
	v30 =	vmul.f32 v44, v59  }
0x8a: {  	v32 =	vmul.f32 v45, v63;
	v33 =	vmul.f32 v46, v63;
	v39 =	vld [tilespmem:$0x47E0]  }
0x8b: {  	v35 =	vmul.f32 v47, v63;
	v38 =	vmul.f32 v48, v63;
	v42 =	vld [tilespmem:$0x47F0]  }
0x8c: {  	v40 =	vmul.f32 v49, v36;
	v41 =	vmul.f32 v50, v36;
	v45 =	vld [tilespmem:$0x4800]  }
0x8d: {  	v43 =	vmul.f32 v51, v36;
	v44 =	vbroadcast v2, $0x4;
	v47 =	vld [tilespmem:$0x4810]  }
0x8e: {  	v46 =	vmul.f32 v52, v36;
	v50 =	vld [tilespmem:$0x4820];
	v52 =	vbroadcast v2, $0x5  }
0x8f: {  	v55 =	vld [tilespmem:$0x4840];
	v3 =	vadd.f32 $0.0e+00, v3;
	v48 =	vmul.f32 v53, v44;
	v49 =	vmul.f32 v54, v44  }
0x90: {  	v63 =	vld [tilespmem:$0x4870];
	v4 =	vadd.f32 $0.0e+00, v4;
	v51 =	vmul.f32 v56, v44;
	v54 =	vmul.f32 v57, v44  }
0x91: {  	v5 =	vadd.f32 $0.0e+00, v5;
	v53 =	vld [tilespmem:$0x4830];
	v56 =	vmul.f32 v58, v52;
	v57 =	vmul.f32 v60, v52  }
0x92: {  	v6 =	vadd.f32 $0.0e+00, v6;
	v58 =	vld [tilespmem:$0x4850];
	v59 =	vmul.f32 v61, v52;
	v60 =	vbroadcast v2, $0x6  }
0x93: {  	v61 =	vld [tilespmem:$0x4860];
	v3 =	vadd.f32 v7, v3;
	v5 =	vadd.f32 v62, v5;
	v62 =	vmul.f32 v28, v52  }
0x94: {  	v6 =	vadd.f32 v30, v6;
	v28 =	vmul.f32 v21, v60;
	v29 =	vmul.f32 v29, v60;
	v30 =	vld [tilespmem:$0x4880]  }
0x95: {  	v4 =	vadd.f32 v8, v4;
	v31 =	vmul.f32 v31, v60;
	v34 =	vmul.f32 v34, v60;
	v60 =	vld [tilespmem:$0x4940]  }
0x96: {  	v21 =	vld [tilespmem:$0x4B90]  }
0x97: {  	v3 =	vadd.f32 v32, v3;
	v4 =	vadd.f32 v33, v4;
	v32 =	vbroadcast v2, $0x7;
	v33 =	vld [tilespmem:$0x4890]  }
0x98: {  	v5 =	vadd.f32 v35, v5;
	v35 =	vld [tilespmem:$0x48A0]  }
0x99: {  	v36 =	vmul.f32 v37, v32;
	v37 =	vld [tilespmem:$0x48B0]  }
0x9a: {  	v3 =	vadd.f32 v40, v3;
	v40 =	vld [tilespmem:$0x48C0]  }
0x9b: {  	v6 =	vadd.f32 v38, v6;
	v9 =	vmul.f32 v39, v32;
	v38 =	vmul.f32 v42, v32;
	v42 =	vld [tilespmem:$0x48D0]  }
0x9c: {  	v4 =	vadd.f32 v41, v4;
	v39 =	vbroadcast v2, $0x8;
	v41 =	vmul.f32 v45, v32;
	v45 =	vld [tilespmem:$0x48E0]  }
0x9d: {  	v3 =	vadd.f32 v48, v3;
	v48 =	vld [tilespmem:$0x48F0]  }
0x9e: {  	v5 =	vadd.f32 v43, v5;
	v6 =	vadd.f32 v46, v6;
	v44 =	vmul.f32 v50, v39;
	v50 =	vld [tilespmem:$0x4900]  }
0x9f: {  	v4 =	vadd.f32 v49, v4;
	v43 =	vmul.f32 v47, v39;
	v46 =	vmul.f32 v53, v39;
	v53 =	vld [tilespmem:$0x4910]  }
0xa0: {  	v5 =	vadd.f32 v51, v5;
	v47 =	vbroadcast v2, $0x9;
	v49 =	vmul.f32 v55, v39;
	v39 =	vld [tilespmem:$0x49B0]  }
0xa1: {  	v6 =	vadd.f32 v54, v6;
	v3 =	vadd.f32 v56, v3;
	v56 =	vld [tilespmem:$0x4920]  }
0xa2: {  	v55 =	vbroadcast v2, $0xA;
	v4 =	vadd.f32 v57, v4;
	v51 =	vmul.f32 v58, v47;
	v58 =	vld [tilespmem:$0x4930]  }
0xa3: {  	v5 =	vadd.f32 v59, v5;
	v52 =	vmul.f32 v61, v47;
	v54 =	vmul.f32 v63, v47;
	v63 =	vld [tilespmem:$0x4950]  }
0xa4: {  	v6 =	vadd.f32 v62, v6;
	v57 =	vmul.f32 v30, v47;
	v59 =	vmul.f32 v33, v55;
	v33 =	vld [tilespmem:$0x4990]  }
0xa5: {  	v12 =	vmul.f32 v35, v55;
	v30 =	vbroadcast v2, $0xC;
	v3 =	vadd.f32 v28, v3;
	v28 =	vld [tilespmem:$0x4970]  }
0xa6: {  	v62 =	vbroadcast v2, $0xB;
	v61 =	vmul.f32 v37, v55;
	v5 =	vadd.f32 v31, v5;
	v31 =	vld [tilespmem:$0x4980]  }
0xa7: {  	v24 =	vmul.f32 v40, v55;
	v40 =	vmul.f32 v60, v30;
	v60 =	vld [tilespmem:$0x4A50]  }
0xa8: {  	v4 =	vadd.f32 v29, v4;
	v26 =	vmul.f32 v42, v62;
	v29 =	vmul.f32 v48, v62;
	v48 =	vld [tilespmem:$0x49F0]  }
0xa9: {  	v6 =	vadd.f32 v34, v6;
	v27 =	vmul.f32 v45, v62;
	v32 =	vmul.f32 v50, v62;
	v50 =	vld [tilespmem:$0x4A00]  }
0xaa: {  	v34 =	vmul.f32 v53, v30;
	v62 =	vld [tilespmem:$0x4A70];
	v3 =	vadd.f32 v36, v3;
	v4 =	vadd.f32 v9, v4  }
0xab: {  	v5 =	vadd.f32 v38, v5;
	v6 =	vadd.f32 v41, v6;
	v36 =	vld [tilespmem:$0x49A0];
	v38 =	vbroadcast v2, $0xD  }
0xac: {  	v41 =	vld [tilespmem:$0x49C0];
	v35 =	vmul.f32 v56, v30;
	v37 =	vmul.f32 v58, v30;
	v3 =	vadd.f32 v43, v3  }
0xad: {  	v56 =	vbroadcast v1, $0x1;
	v58 =	vld [tilespmem:$0x4A30];
	v4 =	vadd.f32 v44, v4;
	v5 =	vadd.f32 v46, v5  }
0xae: {  	v6 =	vadd.f32 v49, v6;
	v42 =	vmul.f32 v63, v38;
	v44 =	vld [tilespmem:$0x49D0];
	v3 =	vadd.f32 v51, v3  }
0xaf: {  	v43 =	vbroadcast v2, $0xE;
	v45 =	vmul.f32 v25, v38;
	v46 =	vld [tilespmem:$0x49E0];
	v4 =	vadd.f32 v52, v4  }
0xb0: {  	v2 =	vbroadcast v2, $0xF;
	v63 =	vld [tilespmem:$0x4A80];
	v6 =	vadd.f32 v57, v6;
	v3 =	vadd.f32 v59, v3  }
0xb1: {  	v25 =	vld [tilespmem:$0x4BD0];
	v11 =	vmul.f32 v28, v38;
	v5 =	vadd.f32 v54, v5;
	v4 =	vadd.f32 v12, v4  }
0xb2: {  	v47 =	vmul.f32 v31, v38;
	v38 =	vld [tilespmem:$0x4AF0];
	v6 =	vadd.f32 v24, v6;
	v3 =	vadd.f32 v26, v3  }
0xb3: {  	v9 =	vmul.f32 v33, v43;
	v57 =	vld [tilespmem:$0x4A20];
	v5 =	vadd.f32 v61, v5;
	v4 =	vadd.f32 v27, v4  }
0xb4: {  	v51 =	vmul.f32 v39, v43;
	v33 =	vld [tilespmem:$0x4AA0];
	v6 =	vadd.f32 v32, v6;
	v3 =	vadd.f32 v34, v3  }
0xb5: {  	v55 =	vmul.f32 v48, v2;
	v39 =	vld [tilespmem:$0x4B00];
	v5 =	vadd.f32 v29, v5;
	v4 =	vadd.f32 v35, v4  }
0xb6: {  	v48 =	vld [tilespmem:$0x4B70];
	v49 =	vmul.f32 v36, v43;
	v6 =	vadd.f32 v40, v6;
	v3 =	vadd.f32 v42, v3  }
0xb7: {  	v53 =	vmul.f32 v41, v43;
	v36 =	vld [tilespmem:$0x4AD0];
	v5 =	vadd.f32 v37, v5;
	v4 =	vadd.f32 v45, v4  }
0xb8: {  	v41 =	vld [tilespmem:$0x4B20];
	v52 =	vmul.f32 v44, v2;
	v6 =	vadd.f32 v47, v6;
	v3 =	vadd.f32 v9, v3  }
0xb9: {  	v43 =	vld [tilespmem:$0x4B30];
	v54 =	vmul.f32 v46, v2;
	v5 =	vadd.f32 v11, v5;
	v4 =	vadd.f32 v49, v4  }
0xba: {  	v59 =	vld [tilespmem:$0x4A40];
	v2 =	vmul.f32 v50, v2;
	v6 =	vadd.f32 v53, v6;
	v3 =	vadd.f32 v52, v3  }
0xbb: {  	v61 =	vld [tilespmem:$0x4A60];
	v5 =	vadd.f32 v51, v5;
	v4 =	vadd.f32 v54, v4  }
0xbc: {  	v12 =	vld [tilespmem:$0x4BC0];
	v2 =	vadd.f32 v2, v6;
	v3 =	vmul.f32 v3, v56  }
0xbd: {  	v44 =	vld [tilespmem:$0x4B40];
	v5 =	vadd.f32 v55, v5;
	v4 =	vmul.f32 v4, v56  }
0xbe: {  	v32 =	vld [tilespmem:$0x4A90];
	v2 =	vmul.f32 v2, v56;
	[tilespmem:$0x6250] =	vst v3  }
0xbf: {  	v26 =	vld [tilespmem:$0x4CD0];
	v3 =	vmul.f32 v5, v56;
	[tilespmem:$0x6260] =	vst v4  }
0xc0: {  	v29 =	vld [tilespmem:$0x4CE0];
	[tilespmem:$0x6280] =	vst v2  }
0xc1: {  	v34 =	vld [tilespmem:$0x4AB0];
	[tilespmem:$0x6270] =	vst v3  }
0xc2: {  	v2 =	vld [tilespmem:s26+$0x2020]  }
0xc3: {  	v35 =	vld [tilespmem:$0x4AC0]  }
0xc4: {  	v3 =	vld [tilespmem:$0x4A10]  }
0xc5: {  	v37 =	vld [tilespmem:$0x4AE0]  }
0xc6: {  	v40 =	vld [tilespmem:$0x4B10]  }
0xc7: {  	v45 =	vld [tilespmem:$0x4B50];
	v42 =	vbroadcast v2, $0x0;
	v46 =	vbroadcast v2, $0x1  }
0xc8: {  	v47 =	vld [tilespmem:$0x4B60];
	v51 =	vbroadcast v2, $0x2;
	v31 =	vbroadcast v2, $0x4  }
0xc9: {  	v49 =	vld [tilespmem:$0x4B80];
	v3 =	vmul.f32 v3, v42;
	v4 =	vmul.f32 v57, v42  }
0xca: {  	v52 =	vld [tilespmem:$0x4BA0];
	v5 =	vmul.f32 v58, v42;
	v7 =	vmul.f32 v60, v46  }
0xcb: {  	v54 =	vld [tilespmem:$0x4BB0];
	v6 =	vmul.f32 v59, v42;
	v8 =	vmul.f32 v61, v46  }
0xcc: {  	v50 =	vmul.f32 v62, v46;
	v53 =	vmul.f32 v63, v46;
	v60 =	vld [tilespmem:$0x4BE0]  }
0xcd: {  	v55 =	vmul.f32 v32, v51;
	v56 =	vmul.f32 v33, v51;
	v63 =	vld [tilespmem:$0x4BF0]  }
0xce: {  	v57 =	vmul.f32 v34, v51;
	v58 =	vbroadcast v2, $0x3;
	v32 =	vld [tilespmem:$0x4C00]  }
0xcf: {  	v59 =	vmul.f32 v35, v51;
	v34 =	vld [tilespmem:$0x4C10];
	v35 =	vmul.f32 v40, v31  }
0xd0: {  	v40 =	vld [tilespmem:$0x4C30];
	v61 =	vmul.f32 v36, v58;
	v62 =	vmul.f32 v37, v58  }
0xd1: {  	v42 =	vld [tilespmem:$0x4C40];
	v3 =	vadd.f32 $0.0e+00, v3;
	v30 =	vmul.f32 v38, v58;
	v33 =	vmul.f32 v39, v58  }
0xd2: {  	v4 =	vadd.f32 $0.0e+00, v4;
	v36 =	vmul.f32 v41, v31;
	v37 =	vld [tilespmem:$0x4C20];
	v39 =	vbroadcast v2, $0x5  }
0xd3: {  	v5 =	vadd.f32 $0.0e+00, v5;
	v38 =	vmul.f32 v43, v31;
	v41 =	vmul.f32 v44, v31;
	v58 =	vld [tilespmem:$0x4CA0]  }
0xd4: {  	v6 =	vadd.f32 $0.0e+00, v6;
	v43 =	vmul.f32 v45, v39;
	v44 =	vmul.f32 v47, v39;
	v45 =	vld [tilespmem:$0x4C50]  }
0xd5: {  	v3 =	vadd.f32 v7, v3;
	v46 =	vmul.f32 v48, v39;
	v47 =	vbroadcast v2, $0x6;
	v48 =	vld [tilespmem:$0x4C60]  }
0xd6: {  	v4 =	vadd.f32 v8, v4;
	v5 =	vadd.f32 v50, v5;
	v50 =	vld [tilespmem:$0x4C70]  }
0xd7: {  	v6 =	vadd.f32 v53, v6;
	v53 =	vld [tilespmem:$0x4C80];
	v3 =	vadd.f32 v55, v3;
	v51 =	vmul.f32 v21, v47  }
0xd8: {  	v4 =	vadd.f32 v56, v4;
	v52 =	vmul.f32 v52, v47;
	v55 =	vbroadcast v2, $0x7;
	v56 =	vld [tilespmem:$0x4C90]  }
0xd9: {  	v5 =	vadd.f32 v57, v5;
	v54 =	vmul.f32 v54, v47;
	v57 =	vmul.f32 v12, v47;
	v47 =	vld [tilespmem:$0x4D50]  }
0xda: {  	v6 =	vadd.f32 v59, v6;
	v9 =	vmul.f32 v60, v55;
	v60 =	vld [tilespmem:$0x4CB0]  }
0xdb: {  	v3 =	vadd.f32 v61, v3;
	v59 =	vmul.f32 v25, v55;
	v61 =	vmul.f32 v63, v55;
	v63 =	vld [tilespmem:$0x4CC0]  }
0xdc: {  	v4 =	vadd.f32 v62, v4;
	v62 =	vbroadcast v2, $0x8;
	v25 =	vmul.f32 v32, v55;
	v32 =	vld [tilespmem:$0x4CF0]  }
0xdd: {  	v31 =	vbroadcast v2, $0x9;
	v55 =	vld [tilespmem:$0x4D80]  }
0xde: {  	v49 =	vmul.f32 v49, v39;
	v5 =	vadd.f32 v30, v5;
	v27 =	vmul.f32 v34, v62;
	v34 =	vld [tilespmem:$0x4D00]  }
0xdf: {  	v6 =	vadd.f32 v33, v6;
	v3 =	vadd.f32 v35, v3;
	v28 =	vmul.f32 v37, v62;
	v37 =	vld [tilespmem:$0x4D10]  }
0xe0: {  	v4 =	vadd.f32 v36, v4;
	v30 =	vmul.f32 v40, v62;
	v33 =	vmul.f32 v42, v62;
	v40 =	vld [tilespmem:$0x4D20]  }
0xe1: {  	v5 =	vadd.f32 v38, v5;
	v35 =	vmul.f32 v45, v31;
	v36 =	vmul.f32 v48, v31;
	v42 =	vld [tilespmem:$0x4D30]  }
0xe2: {  	v6 =	vadd.f32 v41, v6;
	v38 =	vmul.f32 v50, v31;
	v41 =	vmul.f32 v53, v31;
	v31 =	vld [tilespmem:$0x4E00]  }
0xe3: {  	v62 =	vbroadcast v2, $0xD;
	v4 =	vadd.f32 v44, v4;
	v44 =	vld [tilespmem:$0x4D40]  }
0xe4: {  	v39 =	vbroadcast v2, $0xA;
	v6 =	vadd.f32 v49, v6;
	v49 =	vld [tilespmem:$0x4D60]  }
0xe5: {  	v23 =	vmul.f32 v47, v62;
	v47 =	vld [tilespmem:$0x4EB0]  }
0xe6: {  	v24 =	vbroadcast v2, $0xE;
	v3 =	vadd.f32 v43, v3;
	v45 =	vmul.f32 v60, v39;
	v60 =	vld [tilespmem:$0x4DA0]  }
0xe7: {  	v5 =	vadd.f32 v46, v5;
	v46 =	vbroadcast v2, $0xB;
	v48 =	vmul.f32 v63, v39;
	v63 =	vld [tilespmem:$0x4DB0]  }
0xe8: {  	v12 =	vmul.f32 v58, v39;
	v43 =	vmul.f32 v56, v39;
	v39 =	vld [tilespmem:$0x4E30];
	v3 =	vadd.f32 v51, v3  }
0xe9: {  	v4 =	vadd.f32 v52, v4;
	v5 =	vadd.f32 v54, v5;
	v50 =	vmul.f32 v26, v46;
	v52 =	vld [tilespmem:$0x4D70]  }
0xea: {  	v6 =	vadd.f32 v57, v6;
	v51 =	vmul.f32 v29, v46;
	v53 =	vmul.f32 v32, v46;
	v57 =	vld [tilespmem:$0x4D90]  }
0xeb: {  	v54 =	vbroadcast v2, $0xC;
	v29 =	vld [tilespmem:$0x4DF0];
	v2 =	vbroadcast v2, $0xF;
	v3 =	vadd.f32 v59, v3  }
0xec: {  	v56 =	vmul.f32 v34, v46;
	v46 =	vld [tilespmem:$0x4EA0];
	v4 =	vadd.f32 v9, v4;
	v5 =	vadd.f32 v61, v5  }
0xed: {  	v34 =	vmul.f32 v22, v24;
	v6 =	vadd.f32 v25, v6;
	v25 =	vld [tilespmem:$0x4DD0];
	v3 =	vadd.f32 v27, v3  }
0xee: {  	v58 =	vmul.f32 v37, v54;
	v59 =	vmul.f32 v40, v54;
	v40 =	vld [tilespmem:$0x4E40];
	v4 =	vadd.f32 v28, v4  }
0xef: {  	v61 =	vmul.f32 v42, v54;
	v42 =	vld [tilespmem:$0x4E60];
	v6 =	vadd.f32 v33, v6;
	v3 =	vadd.f32 v35, v3  }
0xf0: {  	v21 =	vmul.f32 v44, v54;
	v44 =	vld [tilespmem:$0x4E80];
	v5 =	vadd.f32 v30, v5;
	v4 =	vadd.f32 v36, v4  }
0xf1: {  	v26 =	vmul.f32 v49, v62;
	v49 =	vld [tilespmem:$0x4ED0];
	v6 =	vadd.f32 v41, v6;
	v3 =	vadd.f32 v43, v3  }
0xf2: {  	v37 =	vbroadcast v1, $0x2;
	v54 =	vld [tilespmem:$0x4F20];
	v5 =	vadd.f32 v38, v5;
	v4 =	vadd.f32 v12, v4  }
0xf3: {  	v27 =	vld [tilespmem:$0x4DE0];
	v28 =	vmul.f32 v55, v62;
	v6 =	vadd.f32 v48, v6;
	v3 =	vadd.f32 v50, v3  }
0xf4: {  	v30 =	vmul.f32 v60, v24;
	v60 =	vld [tilespmem:$0x4F60];
	v5 =	vadd.f32 v45, v5;
	v4 =	vadd.f32 v51, v4  }
0xf5: {  	v11 =	vmul.f32 v52, v62;
	v52 =	vld [tilespmem:$0x4F00];
	v6 =	vadd.f32 v56, v6;
	v3 =	vadd.f32 v58, v3  }
0xf6: {  	v9 =	vmul.f32 v57, v24;
	v57 =	vld [tilespmem:$0x4F40];
	v5 =	vadd.f32 v53, v5;
	v4 =	vadd.f32 v59, v4  }
0xf7: {  	v32 =	vmul.f32 v63, v24;
	v24 =	vld [tilespmem:$0x5150];
	v6 =	vadd.f32 v21, v6;
	v3 =	vadd.f32 v23, v3  }
0xf8: {  	v36 =	vmul.f32 v29, v2;
	v38 =	vld [tilespmem:$0x4E20];
	v5 =	vadd.f32 v61, v5;
	v4 =	vadd.f32 v26, v4  }
0xf9: {  	v41 =	vld [tilespmem:$0x4E50];
	v33 =	vmul.f32 v25, v2;
	v6 =	vadd.f32 v28, v6;
	v3 =	vadd.f32 v9, v3  }
0xfa: {  	v29 =	vld [tilespmem:$0x4FA0];
	v35 =	vmul.f32 v27, v2;
	v5 =	vadd.f32 v11, v5;
	v4 =	vadd.f32 v30, v4  }
0xfb: {  	v43 =	vld [tilespmem:$0x4E70];
	v2 =	vmul.f32 v31, v2;
	v6 =	vadd.f32 v34, v6;
	v3 =	vadd.f32 v33, v3  }
0xfc: {  	v45 =	vld [tilespmem:$0x4E90];
	v5 =	vadd.f32 v32, v5;
	v4 =	vadd.f32 v35, v4  }
0xfd: {  	v48 =	vld [tilespmem:$0x4EC0];
	v2 =	vadd.f32 v2, v6;
	v3 =	vmul.f32 v3, v37  }
0xfe: {  	v12 =	vld [tilespmem:$0x4FC0];
	v5 =	vadd.f32 v36, v5;
	v4 =	vmul.f32 v4, v37  }
0xff: {  	v50 =	vld [tilespmem:$0x4EE0];
	v2 =	vmul.f32 v2, v37;
	[tilespmem:$0x6290] =	vst v3  }
0x100: {  	v51 =	vld [tilespmem:$0x4EF0];
	v3 =	vmul.f32 v5, v37;
	[tilespmem:$0x62A0] =	vst v4  }
0x101: {  	v53 =	vld [tilespmem:$0x4F10];
	[tilespmem:$0x62C0] =	vst v2  }
0x102: {  	v56 =	vld [tilespmem:$0x4F30];
	[tilespmem:$0x62B0] =	vst v3  }
0x103: {  	v2 =	vld [tilespmem:s26+$0x2030]  }
0x104: {  	v58 =	vld [tilespmem:$0x4F50]  }
0x105: {  	v3 =	vld [tilespmem:$0x4E10]  }
0x106: {  	v61 =	vld [tilespmem:$0x4F70]  }
0x107: {  	v21 =	vld [tilespmem:$0x4F90]  }
0x108: {  	v28 =	vld [tilespmem:$0x4F80];
	v55 =	vbroadcast v2, $0x0;
	v59 =	vbroadcast v2, $0x1  }
0x109: {  	v26 =	vld [tilespmem:$0x5160];
	v63 =	vbroadcast v2, $0x2;
	v36 =	vbroadcast v2, $0x3  }
0x10a: {  	v23 =	vld [tilespmem:$0x55C0];
	v3 =	vmul.f32 v3, v55;
	v4 =	vmul.f32 v38, v55  }
0x10b: {  	v32 =	vld [tilespmem:$0x4FB0];
	v5 =	vmul.f32 v39, v55;
	v7 =	vmul.f32 v41, v59  }
0x10c: {  	v37 =	vld [tilespmem:$0x4FD0];
	v6 =	vmul.f32 v40, v55;
	v8 =	vmul.f32 v42, v59  }
0x10d: {  	v62 =	vmul.f32 v43, v59;
	v31 =	vmul.f32 v44, v59;
	v39 =	vld [tilespmem:$0x4FE0]  }
0x10e: {  	v33 =	vmul.f32 v45, v63;
	v34 =	vmul.f32 v46, v63;
	v42 =	vld [tilespmem:$0x4FF0]  }
0x10f: {  	v35 =	vmul.f32 v47, v63;
	v38 =	vmul.f32 v48, v63;
	v45 =	vld [tilespmem:$0x5000]  }
0x110: {  	v40 =	vmul.f32 v49, v36;
	v41 =	vmul.f32 v50, v36;
	v47 =	vld [tilespmem:$0x5010]  }
0x111: {  	v43 =	vmul.f32 v51, v36;
	v44 =	vbroadcast v2, $0x4;
	v50 =	vld [tilespmem:$0x5020]  }
0x112: {  	v46 =	vmul.f32 v52, v36;
	v52 =	vbroadcast v2, $0x5;
	v55 =	vld [tilespmem:$0x5040]  }
0x113: {  	v63 =	vld [tilespmem:$0x5070];
	v3 =	vadd.f32 $0.0e+00, v3;
	v4 =	vadd.f32 $0.0e+00, v4;
	v48 =	vmul.f32 v53, v44  }
0x114: {  	v36 =	vld [tilespmem:$0x50A0];
	v5 =	vadd.f32 $0.0e+00, v5;
	v49 =	vmul.f32 v54, v44;
	v51 =	vmul.f32 v56, v44  }
0x115: {  	v6 =	vadd.f32 $0.0e+00, v6;
	v53 =	vld [tilespmem:$0x5030];
	v54 =	vmul.f32 v57, v44;
	v56 =	vmul.f32 v58, v52  }
0x116: {  	v57 =	vmul.f32 v60, v52;
	v58 =	vld [tilespmem:$0x5050];
	v60 =	vbroadcast v2, $0x6;
	v3 =	vadd.f32 v7, v3  }
0x117: {  	v59 =	vmul.f32 v61, v52;
	v61 =	vld [tilespmem:$0x5060];
	v4 =	vadd.f32 v8, v4;
	v5 =	vadd.f32 v62, v5  }
0x118: {  	v6 =	vadd.f32 v31, v6;
	v62 =	vmul.f32 v28, v52;
	v28 =	vmul.f32 v21, v60;
	v31 =	vld [tilespmem:$0x5080]  }
0x119: {  	v30 =	vmul.f32 v29, v60;
	v32 =	vmul.f32 v32, v60;
	v29 =	vld [tilespmem:$0x5170]  }
0x11a: {  	v21 =	vld [tilespmem:$0x5390];
	v3 =	vadd.f32 v33, v3;
	v4 =	vadd.f32 v34, v4;
	v33 =	vbroadcast v2, $0x7  }
0x11b: {  	v5 =	vadd.f32 v35, v5;
	v6 =	vadd.f32 v38, v6;
	v34 =	vld [tilespmem:$0x5090];
	v35 =	vmul.f32 v12, v60  }
0x11c: {  	v38 =	vld [tilespmem:$0x50B0];
	v3 =	vadd.f32 v40, v3;
	v4 =	vadd.f32 v41, v4;
	v37 =	vmul.f32 v37, v33  }
0x11d: {  	v5 =	vadd.f32 v43, v5;
	v9 =	vmul.f32 v39, v33;
	v40 =	vbroadcast v2, $0x8;
	v41 =	vld [tilespmem:$0x50C0]  }
0x11e: {  	v6 =	vadd.f32 v46, v6;
	v39 =	vmul.f32 v42, v33;
	v42 =	vmul.f32 v45, v33;
	v43 =	vld [tilespmem:$0x50D0]  }
0x11f: {  	v46 =	vld [tilespmem:$0x50E0];
	v3 =	vadd.f32 v48, v3;
	v4 =	vadd.f32 v49, v4;
	v44 =	vmul.f32 v47, v40  }
0x120: {  	v5 =	vadd.f32 v51, v5;
	v45 =	vmul.f32 v50, v40;
	v48 =	vbroadcast v2, $0x9;
	v49 =	vld [tilespmem:$0x50F0]  }
0x121: {  	v6 =	vadd.f32 v54, v6;
	v47 =	vmul.f32 v53, v40;
	v50 =	vmul.f32 v55, v40;
	v51 =	vld [tilespmem:$0x5100]  }
0x122: {  	v54 =	vld [tilespmem:$0x5110];
	v3 =	vadd.f32 v56, v3;
	v4 =	vadd.f32 v57, v4;
	v52 =	vmul.f32 v58, v48  }
0x123: {  	v40 =	vld [tilespmem:$0x51B0];
	v5 =	vadd.f32 v59, v5;
	v53 =	vmul.f32 v61, v48;
	v55 =	vmul.f32 v63, v48  }
0x124: {  	v6 =	vadd.f32 v62, v6;
	v56 =	vbroadcast v2, $0xA;
	v57 =	vld [tilespmem:$0x5120];
	v58 =	vmul.f32 v31, v48  }
0x125: {  	v59 =	vld [tilespmem:$0x5130];
	v63 =	vbroadcast v2, $0xB;
	v31 =	vbroadcast v2, $0xC;
	v3 =	vadd.f32 v28, v3  }
0x126: {  	v61 =	vld [tilespmem:$0x5140];
	v4 =	vadd.f32 v30, v4;
	v60 =	vmul.f32 v34, v56;
	v12 =	vmul.f32 v36, v56  }
0x127: {  	v5 =	vadd.f32 v32, v5;
	v62 =	vmul.f32 v38, v56;
	v25 =	vmul.f32 v41, v56;
	v32 =	vld [tilespmem:$0x5180]  }
0x128: {  	v6 =	vadd.f32 v35, v6;
	v27 =	vmul.f32 v43, v63;
	v28 =	vmul.f32 v46, v63;
	v34 =	vld [tilespmem:$0x5190]  }
0x129: {  	v30 =	vmul.f32 v49, v63;
	v33 =	vmul.f32 v51, v63;
	v49 =	vld [tilespmem:$0x51F0];
	v3 =	vadd.f32 v37, v3  }
0x12a: {  	v35 =	vmul.f32 v54, v31;
	v51 =	vld [tilespmem:$0x5200];
	v4 =	vadd.f32 v9, v4;
	v5 =	vadd.f32 v39, v5  }
0x12b: {  	v63 =	vld [tilespmem:$0x5270];
	v6 =	vadd.f32 v42, v6;
	v39 =	vbroadcast v2, $0xD;
	v36 =	vmul.f32 v57, v31  }
0x12c: {  	v37 =	vld [tilespmem:$0x51A0];
	v38 =	vmul.f32 v59, v31;
	v41 =	vmul.f32 v61, v31;
	v3 =	vadd.f32 v44, v3  }
0x12d: {  	v42 =	vld [tilespmem:$0x51C0];
	v57 =	vbroadcast v1, $0x3;
	v4 =	vadd.f32 v45, v4;
	v5 =	vadd.f32 v47, v5  }
0x12e: {  	v59 =	vld [tilespmem:$0x5230];
	v6 =	vadd.f32 v50, v6;
	v43 =	vmul.f32 v24, v39;
	v3 =	vadd.f32 v52, v3  }
0x12f: {  	v61 =	vld [tilespmem:$0x5250];
	v44 =	vbroadcast v2, $0xE;
	v46 =	vmul.f32 v26, v39;
	v4 =	vadd.f32 v53, v4  }
0x130: {  	v45 =	vld [tilespmem:$0x51D0];
	v11 =	vmul.f32 v29, v39;
	v6 =	vadd.f32 v58, v6;
	v3 =	vadd.f32 v60, v3  }
0x131: {  	v47 =	vld [tilespmem:$0x51E0];
	v2 =	vbroadcast v2, $0xF;
	v5 =	vadd.f32 v55, v5;
	v4 =	vadd.f32 v12, v4  }
0x132: {  	v48 =	vmul.f32 v32, v39;
	v32 =	vld [tilespmem:$0x5280];
	v6 =	vadd.f32 v25, v6;
	v3 =	vadd.f32 v27, v3  }
0x133: {  	v39 =	vld [tilespmem:$0x52F0];
	v9 =	vmul.f32 v34, v44;
	v5 =	vadd.f32 v62, v5;
	v4 =	vadd.f32 v28, v4  }
0x134: {  	v52 =	vmul.f32 v40, v44;
	v58 =	vld [tilespmem:$0x5220];
	v6 =	vadd.f32 v33, v6;
	v3 =	vadd.f32 v35, v3  }
0x135: {  	v56 =	vmul.f32 v49, v2;
	v34 =	vld [tilespmem:$0x52A0];
	v5 =	vadd.f32 v30, v5;
	v4 =	vadd.f32 v36, v4  }
0x136: {  	v40 =	vld [tilespmem:$0x5300];
	v50 =	vmul.f32 v37, v44;
	v6 =	vadd.f32 v41, v6;
	v3 =	vadd.f32 v43, v3  }
0x137: {  	v49 =	vld [tilespmem:$0x5370];
	v54 =	vmul.f32 v42, v44;
	v5 =	vadd.f32 v38, v5;
	v4 =	vadd.f32 v46, v4  }
0x138: {  	v37 =	vld [tilespmem:$0x52D0];
	v53 =	vmul.f32 v45, v2;
	v6 =	vadd.f32 v48, v6;
	v3 =	vadd.f32 v9, v3  }
0x139: {  	v42 =	vld [tilespmem:$0x5320];
	v55 =	vmul.f32 v47, v2;
	v5 =	vadd.f32 v11, v5;
	v4 =	vadd.f32 v50, v4  }
0x13a: {  	v44 =	vld [tilespmem:$0x5330];
	v2 =	vmul.f32 v51, v2;
	v6 =	vadd.f32 v54, v6;
	v3 =	vadd.f32 v53, v3  }
0x13b: {  	v60 =	vld [tilespmem:$0x5240];
	v5 =	vadd.f32 v52, v5;
	v4 =	vadd.f32 v55, v4  }
0x13c: {  	v62 =	vld [tilespmem:$0x5260];
	v2 =	vadd.f32 v2, v6;
	v3 =	vmul.f32 v3, v57  }
0x13d: {  	v12 =	vld [tilespmem:$0x53C0];
	v5 =	vadd.f32 v56, v5;
	v4 =	vmul.f32 v4, v57  }
0x13e: {  	v25 =	vld [tilespmem:$0x53D0];
	v2 =	vmul.f32 v2, v57;
	[tilespmem:$0x62D0] =	vst v3  }
0x13f: {  	v45 =	vld [tilespmem:$0x5340];
	v3 =	vmul.f32 v5, v57;
	[tilespmem:$0x62E0] =	vst v4  }
0x140: {  	v33 =	vld [tilespmem:$0x5290];
	[tilespmem:$0x6300] =	vst v2  }
0x141: {  	v30 =	vld [tilespmem:$0x53F0];
	[tilespmem:$0x62F0] =	vst v3  }
0x142: {  	v2 =	vld [tilespmem:s26+$0x2040]  }
0x143: {  	v27 =	vld [tilespmem:$0x54D0]  }
0x144: {  	v3 =	vld [tilespmem:$0x5210]  }
0x145: {  	v35 =	vld [tilespmem:$0x52B0]  }
0x146: {  	v36 =	vld [tilespmem:$0x52C0]  }
0x147: {  	v38 =	vld [tilespmem:$0x52E0];
	v43 =	vbroadcast v2, $0x0  }
0x148: {  	v41 =	vld [tilespmem:$0x5310];
	v47 =	vbroadcast v2, $0x1  }
0x149: {  	v46 =	vld [tilespmem:$0x5350];
	v52 =	vbroadcast v2, $0x2;
	v3 =	vmul.f32 v3, v43  }
0x14a: {  	v48 =	vld [tilespmem:$0x5360];
	v4 =	vmul.f32 v58, v43;
	v5 =	vmul.f32 v59, v43  }
0x14b: {  	v50 =	vld [tilespmem:$0x5380];
	v7 =	vmul.f32 v61, v47;
	v6 =	vmul.f32 v60, v43  }
0x14c: {  	v53 =	vld [tilespmem:$0x53A0];
	v8 =	vmul.f32 v62, v47;
	v51 =	vmul.f32 v63, v47  }
0x14d: {  	v55 =	vld [tilespmem:$0x53B0];
	v54 =	vmul.f32 v32, v47;
	v56 =	vmul.f32 v33, v52  }
0x14e: {  	v57 =	vmul.f32 v34, v52;
	v59 =	vbroadcast v2, $0x3;
	v61 =	vld [tilespmem:$0x53E0]  }
0x14f: {  	v58 =	vmul.f32 v35, v52;
	v60 =	vmul.f32 v36, v52;
	v33 =	vld [tilespmem:$0x5400]  }
0x150: {  	v32 =	vbroadcast v2, $0x4;
	v35 =	vld [tilespmem:$0x5410];
	v62 =	vmul.f32 v37, v59  }
0x151: {  	v43 =	vld [tilespmem:$0x5440];
	v63 =	vmul.f32 v38, v59;
	v31 =	vmul.f32 v39, v59  }
0x152: {  	v3 =	vadd.f32 $0.0e+00, v3;
	v34 =	vmul.f32 v40, v59;
	v36 =	vmul.f32 v41, v32;
	v38 =	vld [tilespmem:$0x5420]  }
0x153: {  	v4 =	vadd.f32 $0.0e+00, v4;
	v37 =	vmul.f32 v42, v32;
	v40 =	vbroadcast v2, $0x5;
	v41 =	vld [tilespmem:$0x5430]  }
0x154: {  	v5 =	vadd.f32 $0.0e+00, v5;
	v39 =	vmul.f32 v44, v32;
	v42 =	vmul.f32 v45, v32;
	v59 =	vld [tilespmem:$0x54A0]  }
0x155: {  	v6 =	vadd.f32 $0.0e+00, v6;
	v44 =	vmul.f32 v46, v40;
	v45 =	vmul.f32 v48, v40;
	v46 =	vld [tilespmem:$0x5450]  }
0x156: {  	v3 =	vadd.f32 v7, v3;
	v47 =	vmul.f32 v49, v40;
	v48 =	vbroadcast v2, $0x6;
	v49 =	vld [tilespmem:$0x5460]  }
0x157: {  	v4 =	vadd.f32 v8, v4;
	v5 =	vadd.f32 v51, v5;
	v51 =	vld [tilespmem:$0x5470]  }
0x158: {  	v6 =	vadd.f32 v54, v6;
	v54 =	vld [tilespmem:$0x5480];
	v3 =	vadd.f32 v56, v3;
	v52 =	vmul.f32 v21, v48  }
0x159: {  	v4 =	vadd.f32 v57, v4;
	v53 =	vmul.f32 v53, v48;
	v55 =	vmul.f32 v55, v48;
	v57 =	vld [tilespmem:$0x5490]  }
0x15a: {  	v5 =	vadd.f32 v58, v5;
	v56 =	vbroadcast v2, $0x7;
	v58 =	vmul.f32 v12, v48;
	v48 =	vld [tilespmem:$0x5550]  }
0x15b: {  	v21 =	vld [tilespmem:$0x55B0]  }
0x15c: {  	v32 =	vbroadcast v2, $0x9;
	v9 =	vmul.f32 v61, v56;
	v61 =	vld [tilespmem:$0x54B0]  }
0x15d: {  	v50 =	vmul.f32 v50, v40;
	v6 =	vadd.f32 v60, v6;
	v60 =	vmul.f32 v25, v56;
	v25 =	vld [tilespmem:$0x54C0]  }
0x15e: {  	v40 =	vbroadcast v2, $0xA;
	v3 =	vadd.f32 v62, v3;
	v62 =	vmul.f32 v30, v56;
	v30 =	vld [tilespmem:$0x54E0]  }
0x15f: {  	v4 =	vadd.f32 v63, v4;
	v63 =	vbroadcast v2, $0x8;
	v26 =	vmul.f32 v33, v56;
	v33 =	vld [tilespmem:$0x54F0]  }
0x160: {  	v12 =	vmul.f32 v59, v40;
	v5 =	vadd.f32 v31, v5;
	v6 =	vadd.f32 v34, v6;
	v56 =	vld [tilespmem:$0x5580]  }
0x161: {  	v3 =	vadd.f32 v36, v3;
	v28 =	vmul.f32 v35, v63;
	v29 =	vmul.f32 v38, v63;
	v35 =	vld [tilespmem:$0x5500]  }
0x162: {  	v4 =	vadd.f32 v37, v4;
	v31 =	vmul.f32 v41, v63;
	v34 =	vmul.f32 v43, v63;
	v38 =	vld [tilespmem:$0x5510]  }
0x163: {  	v5 =	vadd.f32 v39, v5;
	v36 =	vmul.f32 v46, v32;
	v37 =	vmul.f32 v49, v32;
	v41 =	vld [tilespmem:$0x5520]  }
0x164: {  	v6 =	vadd.f32 v42, v6;
	v39 =	vmul.f32 v51, v32;
	v42 =	vmul.f32 v54, v32;
	v43 =	vld [tilespmem:$0x5530]  }
0x165: {  	v63 =	vbroadcast v2, $0xD;
	v32 =	vld [tilespmem:$0x5600];
	v3 =	vadd.f32 v44, v3;
	v4 =	vadd.f32 v45, v4  }
0x166: {  	v5 =	vadd.f32 v47, v5;
	v44 =	vmul.f32 v57, v40;
	v45 =	vld [tilespmem:$0x5540];
	v47 =	vbroadcast v2, $0xB  }
0x167: {  	v6 =	vadd.f32 v50, v6;
	v50 =	vld [tilespmem:$0x5560];
	v24 =	vmul.f32 v48, v63;
	v46 =	vmul.f32 v61, v40  }
0x168: {  	v48 =	vld [tilespmem:$0x56B0];
	v49 =	vmul.f32 v25, v40;
	v25 =	vbroadcast v2, $0xE;
	v3 =	vadd.f32 v52, v3  }
0x169: {  	v61 =	vld [tilespmem:$0x55A0];
	v4 =	vadd.f32 v53, v4;
	v5 =	vadd.f32 v55, v5;
	v51 =	vmul.f32 v27, v47  }
0x16a: {  	v40 =	vld [tilespmem:$0x5630];
	v6 =	vadd.f32 v58, v6;
	v52 =	vmul.f32 v30, v47;
	v54 =	vmul.f32 v33, v47  }
0x16b: {  	v53 =	vld [tilespmem:$0x5570];
	v55 =	vbroadcast v2, $0xC;
	v2 =	vbroadcast v2, $0xF;
	v3 =	vadd.f32 v60, v3  }
0x16c: {  	v58 =	vld [tilespmem:$0x5590];
	v57 =	vmul.f32 v35, v47;
	v33 =	vmul.f32 v21, v25;
	v4 =	vadd.f32 v9, v4  }
0x16d: {  	v30 =	vld [tilespmem:$0x55F0];
	v35 =	vmul.f32 v23, v25;
	v6 =	vadd.f32 v26, v6;
	v3 =	vadd.f32 v28, v3  }
0x16e: {  	v47 =	vld [tilespmem:$0x56A0];
	v5 =	vadd.f32 v62, v5;
	v59 =	vmul.f32 v38, v55;
	v4 =	vadd.f32 v29, v4  }
0x16f: {  	v21 =	vld [tilespmem:$0x5790];
	v60 =	vmul.f32 v41, v55;
	v6 =	vadd.f32 v34, v6;
	v3 =	vadd.f32 v36, v3  }
0x170: {  	v23 =	vld [tilespmem:$0x5DB0];
	v62 =	vmul.f32 v43, v55;
	v5 =	vadd.f32 v31, v5;
	v4 =	vadd.f32 v37, v4  }
0x171: {  	v26 =	vld [tilespmem:$0x55D0];
	v38 =	vbroadcast v1, $0x4;
	v6 =	vadd.f32 v42, v6;
	v3 =	vadd.f32 v44, v3  }
0x172: {  	v41 =	vld [tilespmem:$0x5640];
	v22 =	vmul.f32 v45, v55;
	v5 =	vadd.f32 v39, v5;
	v4 =	vadd.f32 v12, v4  }
0x173: {  	v43 =	vld [tilespmem:$0x5660];
	v27 =	vmul.f32 v50, v63;
	v6 =	vadd.f32 v49, v6;
	v3 =	vadd.f32 v51, v3  }
0x174: {  	v45 =	vld [tilespmem:$0x5680];
	v29 =	vmul.f32 v56, v63;
	v5 =	vadd.f32 v46, v5;
	v4 =	vadd.f32 v52, v4  }
0x175: {  	v28 =	vld [tilespmem:$0x55E0];
	v31 =	vmul.f32 v61, v25;
	v6 =	vadd.f32 v57, v6;
	v3 =	vadd.f32 v59, v3  }
0x176: {  	v50 =	vld [tilespmem:$0x56D0];
	v11 =	vmul.f32 v53, v63;
	v5 =	vadd.f32 v54, v5;
	v4 =	vadd.f32 v60, v4  }
0x177: {  	v55 =	vld [tilespmem:$0x5720];
	v9 =	vmul.f32 v58, v25;
	v6 =	vadd.f32 v22, v6;
	v3 =	vadd.f32 v24, v3  }
0x178: {  	v61 =	vld [tilespmem:$0x5760];
	v37 =	vmul.f32 v30, v2;
	v5 =	vadd.f32 v62, v5;
	v4 =	vadd.f32 v27, v4  }
0x179: {  	v53 =	vld [tilespmem:$0x5700];
	v34 =	vmul.f32 v26, v2;
	v6 =	vadd.f32 v29, v6;
	v3 =	vadd.f32 v9, v3  }
0x17a: {  	v58 =	vld [tilespmem:$0x5740];
	v36 =	vmul.f32 v28, v2;
	v5 =	vadd.f32 v11, v5;
	v4 =	vadd.f32 v31, v4  }
0x17b: {  	v25 =	vld [tilespmem:$0x57D0];
	v2 =	vmul.f32 v32, v2;
	v6 =	vadd.f32 v35, v6;
	v3 =	vadd.f32 v34, v3  }
0x17c: {  	v39 =	vld [tilespmem:$0x5620];
	v5 =	vadd.f32 v33, v5;
	v4 =	vadd.f32 v36, v4  }
0x17d: {  	v42 =	vld [tilespmem:$0x5650];
	v2 =	vadd.f32 v2, v6;
	v3 =	vmul.f32 v3, v38  }
0x17e: {  	v44 =	vld [tilespmem:$0x5670];
	v5 =	vadd.f32 v37, v5;
	v4 =	vmul.f32 v4, v38  }
0x17f: {  	v46 =	vld [tilespmem:$0x5690];
	v2 =	vmul.f32 v2, v38;
	[tilespmem:$0x6310] =	vst v3  }
0x180: {  	v49 =	vld [tilespmem:$0x56C0];
	v3 =	vmul.f32 v5, v38;
	[tilespmem:$0x6320] =	vst v4  }
0x181: {  	v12 =	vld [tilespmem:$0x57C0];
	[tilespmem:$0x6340] =	vst v2  }
0x182: {  	v28 =	vld [tilespmem:$0x5780];
	[tilespmem:$0x6330] =	vst v3  }
0x183: {  	v2 =	vld [tilespmem:s26+$0x2050]  }
0x184: {  	v51 =	vld [tilespmem:$0x56E0]  }
0x185: {  	v3 =	vld [tilespmem:$0x5610]  }
0x186: {  	v52 =	vld [tilespmem:$0x56F0]  }
0x187: {  	v54 =	vld [tilespmem:$0x5710]  }
0x188: {  	v57 =	vld [tilespmem:$0x5730];
	v56 =	vbroadcast v2, $0x0;
	v60 =	vbroadcast v2, $0x1  }
0x189: {  	v59 =	vld [tilespmem:$0x5750];
	v32 =	vbroadcast v2, $0x2;
	v26 =	vbroadcast v2, $0xB  }
0x18a: {  	v62 =	vld [tilespmem:$0x5770];
	v3 =	vmul.f32 v3, v56;
	v4 =	vmul.f32 v39, v56  }
0x18b: {  	v24 =	vld [tilespmem:$0x5940];
	v5 =	vmul.f32 v40, v56;
	v7 =	vmul.f32 v42, v60  }
0x18c: {  	v27 =	vld [tilespmem:$0x5950];
	v6 =	vmul.f32 v41, v56;
	v8 =	vmul.f32 v43, v60  }
0x18d: {  	v29 =	vld [tilespmem:$0x5960];
	v63 =	vmul.f32 v44, v60;
	v34 =	vmul.f32 v45, v60  }
0x18e: {  	v33 =	vld [tilespmem:$0x57A0];
	v36 =	vmul.f32 v46, v32;
	v37 =	vmul.f32 v47, v32  }
0x18f: {  	v35 =	vld [tilespmem:$0x57B0];
	v38 =	vmul.f32 v48, v32;
	v39 =	vbroadcast v2, $0x3  }
0x190: {  	v31 =	vld [tilespmem:$0x5870];
	v40 =	vmul.f32 v49, v32;
	v46 =	vbroadcast v2, $0x4  }
0x191: {  	v41 =	vld [tilespmem:$0x57E0];
	v3 =	vadd.f32 $0.0e+00, v3;
	v42 =	vmul.f32 v50, v39;
	v43 =	vmul.f32 v51, v39  }
0x192: {  	v44 =	vld [tilespmem:$0x57F0];
	v4 =	vadd.f32 $0.0e+00, v4;
	v45 =	vmul.f32 v52, v39;
	v48 =	vmul.f32 v53, v39  }
0x193: {  	v47 =	vld [tilespmem:$0x5800];
	v5 =	vadd.f32 $0.0e+00, v5;
	v50 =	vmul.f32 v54, v46;
	v51 =	vmul.f32 v55, v46  }
0x194: {  	v49 =	vld [tilespmem:$0x5810];
	v6 =	vadd.f32 $0.0e+00, v6;
	v53 =	vmul.f32 v57, v46;
	v54 =	vbroadcast v2, $0x5  }
0x195: {  	v60 =	vld [tilespmem:$0x5850];
	v56 =	vmul.f32 v58, v46;
	v3 =	vadd.f32 v7, v3;
	v4 =	vadd.f32 v8, v4  }
0x196: {  	v52 =	vld [tilespmem:$0x5820];
	v5 =	vadd.f32 v63, v5;
	v58 =	vmul.f32 v59, v54;
	v59 =	vmul.f32 v61, v54  }
0x197: {  	v55 =	vld [tilespmem:$0x5830];
	v6 =	vadd.f32 v34, v6;
	v61 =	vmul.f32 v62, v54;
	v62 =	vbroadcast v2, $0x6  }
0x198: {  	v57 =	vld [tilespmem:$0x5840];
	v30 =	vmul.f32 v28, v54;
	v3 =	vadd.f32 v36, v3;
	v4 =	vadd.f32 v37, v4  }
0x199: {  	v54 =	vld [tilespmem:$0x5900];
	v5 =	vadd.f32 v38, v5;
	v32 =	vmul.f32 v21, v62;
	v33 =	vmul.f32 v33, v62  }
0x19a: {  	v39 =	vld [tilespmem:$0x58A0];
	v6 =	vadd.f32 v40, v6;
	v35 =	vmul.f32 v35, v62;
	v36 =	vbroadcast v2, $0x7  }
0x19b: {  	v46 =	vld [tilespmem:$0x58D0];
	v38 =	vmul.f32 v12, v62;
	v3 =	vadd.f32 v42, v3;
	v4 =	vadd.f32 v43, v4  }
0x19c: {  	v63 =	vld [tilespmem:$0x5860];
	v5 =	vadd.f32 v45, v5;
	v40 =	vmul.f32 v25, v36;
	v9 =	vmul.f32 v41, v36  }
0x19d: {  	v34 =	vld [tilespmem:$0x5880];
	v6 =	vadd.f32 v48, v6;
	v42 =	vmul.f32 v44, v36;
	v43 =	vbroadcast v2, $0x8  }
0x19e: {  	v37 =	vld [tilespmem:$0x5890];
	v45 =	vmul.f32 v47, v36;
	v36 =	vmul.f32 v54, v26;
	v3 =	vadd.f32 v50, v3  }
0x19f: {  	v62 =	vld [tilespmem:$0x5930];
	v4 =	vadd.f32 v51, v4;
	v5 =	vadd.f32 v53, v5;
	v47 =	vmul.f32 v49, v43  }
0x1a0: {  	v21 =	vld [tilespmem:$0x5B90];
	v6 =	vadd.f32 v56, v6;
	v48 =	vmul.f32 v52, v43;
	v51 =	vbroadcast v2, $0x9  }
0x1a1: {  	v41 =	vld [tilespmem:$0x58B0];
	v50 =	vmul.f32 v55, v43;
	v53 =	vmul.f32 v57, v43;
	v3 =	vadd.f32 v58, v3  }
0x1a2: {  	v44 =	vld [tilespmem:$0x58C0];
	v4 =	vadd.f32 v59, v4;
	v55 =	vmul.f32 v60, v51;
	v56 =	vmul.f32 v63, v51  }
0x1a3: {  	v49 =	vld [tilespmem:$0x58E0];
	v5 =	vadd.f32 v61, v5;
	v58 =	vmul.f32 v31, v51;
	v59 =	vbroadcast v2, $0xA  }
0x1a4: {  	v52 =	vld [tilespmem:$0x58F0];
	v6 =	vadd.f32 v30, v6;
	v61 =	vmul.f32 v34, v51;
	v30 =	vmul.f32 v46, v26  }
0x1a5: {  	v57 =	vld [tilespmem:$0x5910];
	v34 =	vbroadcast v2, $0xC;
	v3 =	vadd.f32 v32, v3;
	v63 =	vmul.f32 v37, v59  }
0x1a6: {  	v60 =	vld [tilespmem:$0x5920];
	v4 =	vadd.f32 v33, v4;
	v12 =	vmul.f32 v39, v59;
	v25 =	vmul.f32 v41, v59  }
0x1a7: {  	v54 =	vld [tilespmem:$0x5A00];
	v5 =	vadd.f32 v35, v5;
	v28 =	vmul.f32 v44, v59;
	v41 =	vmul.f32 v62, v34  }
0x1a8: {  	v43 =	vld [tilespmem:$0x59B0];
	v6 =	vadd.f32 v38, v6;
	v44 =	vmul.f32 v24, v34;
	v31 =	vmul.f32 v49, v26  }
0x1a9: {  	v32 =	vld [tilespmem:$0x5970];
	v33 =	vmul.f32 v52, v26;
	v3 =	vadd.f32 v40, v3;
	v4 =	vadd.f32 v9, v4  }
0x1aa: {  	v35 =	vld [tilespmem:$0x5980];
	v38 =	vmul.f32 v57, v34;
	v5 =	vadd.f32 v42, v5;
	v6 =	vadd.f32 v45, v6  }
0x1ab: {  	v37 =	vld [tilespmem:$0x5990];
	v42 =	vbroadcast v2, $0xD;
	v39 =	vmul.f32 v60, v34;
	v3 =	vadd.f32 v47, v3  }
0x1ac: {  	v62 =	vld [tilespmem:$0x5A30];
	v60 =	vbroadcast v1, $0x5;
	v4 =	vadd.f32 v48, v4;
	v5 =	vadd.f32 v50, v5  }
0x1ad: {  	v52 =	vld [tilespmem:$0x59F0];
	v6 =	vadd.f32 v53, v6;
	v46 =	vmul.f32 v27, v42;
	v3 =	vadd.f32 v55, v3  }
0x1ae: {  	v40 =	vld [tilespmem:$0x59A0];
	v47 =	vbroadcast v2, $0xE;
	v49 =	vmul.f32 v29, v42;
	v4 =	vadd.f32 v56, v4  }
0x1af: {  	v45 =	vld [tilespmem:$0x59C0];
	v2 =	vbroadcast v2, $0xF;
	v6 =	vadd.f32 v61, v6;
	v3 =	vadd.f32 v63, v3  }
0x1b0: {  	v34 =	vld [tilespmem:$0x5A80];
	v11 =	vmul.f32 v32, v42;
	v5 =	vadd.f32 v58, v5;
	v4 =	vadd.f32 v12, v4  }
0x1b1: {  	v48 =	vld [tilespmem:$0x59D0];
	v51 =	vmul.f32 v35, v42;
	v6 =	vadd.f32 v28, v6;
	v3 =	vadd.f32 v30, v3  }
0x1b2: {  	v50 =	vld [tilespmem:$0x59E0];
	v9 =	vmul.f32 v37, v47;
	v5 =	vadd.f32 v25, v5;
	v4 =	vadd.f32 v31, v4  }
0x1b3: {  	v27 =	vld [tilespmem:$0x5CC0];
	v55 =	vmul.f32 v43, v47;
	v6 =	vadd.f32 v36, v6;
	v3 =	vadd.f32 v38, v3  }
0x1b4: {  	v29 =	vld [tilespmem:$0x5CD0];
	v59 =	vmul.f32 v52, v2;
	v5 =	vadd.f32 v33, v5;
	v4 =	vadd.f32 v39, v4  }
0x1b5: {  	v32 =	vld [tilespmem:$0x5A60];
	v53 =	vmul.f32 v40, v47;
	v6 =	vadd.f32 v44, v6;
	v3 =	vadd.f32 v46, v3  }
0x1b6: {  	v35 =	vld [tilespmem:$0x5A90];
	v57 =	vmul.f32 v45, v47;
	v5 =	vadd.f32 v41, v5;
	v4 =	vadd.f32 v49, v4  }
0x1b7: {  	v42 =	vld [tilespmem:$0x5B00];
	v56 =	vmul.f32 v48, v2;
	v6 =	vadd.f32 v51, v6;
	v3 =	vadd.f32 v9, v3  }
0x1b8: {  	v61 =	vld [tilespmem:$0x5A20];
	v58 =	vmul.f32 v50, v2;
	v5 =	vadd.f32 v11, v5;
	v4 =	vadd.f32 v53, v4  }
0x1b9: {  	v37 =	vld [tilespmem:$0x5AB0];
	v2 =	vmul.f32 v54, v2;
	v6 =	vadd.f32 v57, v6;
	v3 =	vadd.f32 v56, v3  }
0x1ba: {  	v43 =	vld [tilespmem:$0x5B10];
	v5 =	vadd.f32 v55, v5;
	v4 =	vadd.f32 v58, v4  }
0x1bb: {  	v52 =	vld [tilespmem:$0x5B80];
	v2 =	vadd.f32 v2, v6;
	v3 =	vmul.f32 v3, v60  }
0x1bc: {  	v40 =	vld [tilespmem:$0x5AE0];
	v5 =	vadd.f32 v59, v5;
	v4 =	vmul.f32 v4, v60  }
0x1bd: {  	v47 =	vld [tilespmem:$0x5B40];
	v2 =	vmul.f32 v2, v60;
	[tilespmem:$0x6350] =	vst v3  }
0x1be: {  	v63 =	vld [tilespmem:$0x5A40];
	v3 =	vmul.f32 v5, v60;
	[tilespmem:$0x6360] =	vst v4  }
0x1bf: {  	v12 =	vld [tilespmem:$0x5BC0];
	[tilespmem:$0x6380] =	vst v2  }
0x1c0: {  	v25 =	vld [tilespmem:$0x5BD0];
	[tilespmem:$0x6370] =	vst v3  }
0x1c1: {  	v2 =	vld [tilespmem:s26+$0x2060]  }
0x1c2: {  	v48 =	vld [tilespmem:$0x5B50]  }
0x1c3: {  	v50 =	vld [tilespmem:$0x5B60]  }
0x1c4: {  	v3 =	vld [tilespmem:$0x5A10]  }
0x1c5: {  	v31 =	vld [tilespmem:$0x5A50]  }
0x1c6: {  	v33 =	vld [tilespmem:$0x5A70];
	v45 =	vbroadcast v2, $0x0  }
0x1c7: {  	v36 =	vld [tilespmem:$0x5AA0];
	v49 =	vbroadcast v2, $0x1;
	v54 =	vbroadcast v2, $0x2  }
0x1c8: {  	v38 =	vld [tilespmem:$0x5AC0];
	v26 =	vbroadcast v2, $0x8;
	v22 =	vbroadcast v2, $0xD  }
0x1c9: {  	v39 =	vld [tilespmem:$0x5AD0];
	v3 =	vmul.f32 v3, v45;
	v4 =	vmul.f32 v61, v45  }
0x1ca: {  	v41 =	vld [tilespmem:$0x5AF0];
	v5 =	vmul.f32 v62, v45;
	v7 =	vmul.f32 v31, v49  }
0x1cb: {  	v44 =	vld [tilespmem:$0x5B20];
	v6 =	vmul.f32 v63, v45;
	v8 =	vmul.f32 v32, v49  }
0x1cc: {  	v46 =	vld [tilespmem:$0x5B30];
	v53 =	vmul.f32 v33, v49;
	v56 =	vmul.f32 v34, v49  }
0x1cd: {  	v51 =	vld [tilespmem:$0x5B70];
	v58 =	vmul.f32 v35, v54;
	v59 =	vmul.f32 v36, v54  }
0x1ce: {  	v55 =	vld [tilespmem:$0x5BA0];
	v60 =	vmul.f32 v37, v54;
	v61 =	vbroadcast v2, $0x3  }
0x1cf: {  	v57 =	vld [tilespmem:$0x5BB0];
	v62 =	vmul.f32 v38, v54;
	v34 =	vbroadcast v2, $0x4  }
0x1d0: {  	v63 =	vld [tilespmem:$0x5BE0];
	v3 =	vadd.f32 $0.0e+00, v3;
	v30 =	vmul.f32 v39, v61;
	v31 =	vmul.f32 v40, v61  }
0x1d1: {  	v32 =	vld [tilespmem:$0x5BF0];
	v4 =	vadd.f32 $0.0e+00, v4;
	v33 =	vmul.f32 v41, v61;
	v36 =	vmul.f32 v42, v61  }
0x1d2: {  	v35 =	vld [tilespmem:$0x5C00];
	v5 =	vadd.f32 $0.0e+00, v5;
	v38 =	vmul.f32 v43, v34;
	v39 =	vmul.f32 v44, v34  }
0x1d3: {  	v37 =	vld [tilespmem:$0x5C10];
	v6 =	vadd.f32 $0.0e+00, v6;
	v41 =	vmul.f32 v46, v34;
	v42 =	vbroadcast v2, $0x5  }
0x1d4: {  	v45 =	vld [tilespmem:$0x5C40];
	v44 =	vmul.f32 v47, v34;
	v34 =	vbroadcast v2, $0x9;
	v3 =	vadd.f32 v7, v3  }
0x1d5: {  	v40 =	vld [tilespmem:$0x5C20];
	v4 =	vadd.f32 v8, v4;
	v46 =	vmul.f32 v48, v42;
	v47 =	vmul.f32 v50, v42  }
0x1d6: {  	v61 =	vld [tilespmem:$0x5CA0];
	v5 =	vadd.f32 v53, v5;
	v49 =	vmul.f32 v51, v42;
	v50 =	vbroadcast v2, $0x6  }
0x1d7: {  	v43 =	vld [tilespmem:$0x5C30];
	v6 =	vadd.f32 v56, v6;
	v52 =	vmul.f32 v52, v42;
	v42 =	vbroadcast v2, $0xA  }
0x1d8: {  	v48 =	vld [tilespmem:$0x5C50];
	v3 =	vadd.f32 v58, v3;
	v4 =	vadd.f32 v59, v4;
	v54 =	vmul.f32 v21, v50  }
0x1d9: {  	v51 =	vld [tilespmem:$0x5C60];
	v5 =	vadd.f32 v60, v5;
	v55 =	vmul.f32 v55, v50;
	v58 =	vbroadcast v2, $0x7  }
0x1da: {  	v53 =	vld [tilespmem:$0x5C70];
	v6 =	vadd.f32 v62, v6;
	v57 =	vmul.f32 v57, v50;
	v60 =	vmul.f32 v12, v50  }
0x1db: {  	v56 =	vld [tilespmem:$0x5C80];
	v12 =	vmul.f32 v61, v42;
	v3 =	vadd.f32 v30, v3;
	v62 =	vmul.f32 v25, v58  }
0x1dc: {  	v59 =	vld [tilespmem:$0x5C90];
	v4 =	vadd.f32 v31, v4;
	v9 =	vmul.f32 v63, v58;
	v25 =	vmul.f32 v32, v58  }
0x1dd: {  	v50 =	vld [tilespmem:$0x5D50];
	v5 =	vadd.f32 v33, v5;
	v28 =	vmul.f32 v35, v58;
	v30 =	vmul.f32 v37, v26  }
0x1de: {  	v6 =	vadd.f32 v36, v6;
	v63 =	vld [tilespmem:$0x5CB0];
	v31 =	vmul.f32 v40, v26;
	v33 =	vmul.f32 v43, v26  }
0x1df: {  	v32 =	vld [tilespmem:$0x5CE0];
	v36 =	vmul.f32 v45, v26;
	v3 =	vadd.f32 v38, v3;
	v4 =	vadd.f32 v39, v4  }
0x1e0: {  	v35 =	vld [tilespmem:$0x5CF0];
	v5 =	vadd.f32 v41, v5;
	v38 =	vmul.f32 v48, v34;
	v39 =	vmul.f32 v51, v34  }
0x1e1: {  	v37 =	vld [tilespmem:$0x5D00];
	v6 =	vadd.f32 v44, v6;
	v41 =	vmul.f32 v53, v34;
	v44 =	vmul.f32 v56, v34  }
0x1e2: {  	v40 =	vld [tilespmem:$0x5D10];
	v51 =	vmul.f32 v27, v42;
	v27 =	vbroadcast v2, $0xE  }
0x1e3: {  	v43 =	vld [tilespmem:$0x5D20];
	v26 =	vmul.f32 v50, v22;
	v3 =	vadd.f32 v46, v3;
	v4 =	vadd.f32 v47, v4  }
0x1e4: {  	v45 =	vld [tilespmem:$0x5D30];
	v5 =	vadd.f32 v49, v5;
	v6 =	vadd.f32 v52, v6;
	v49 =	vbroadcast v2, $0xB  }
0x1e5: {  	v58 =	vld [tilespmem:$0x5D80];
	v46 =	vmul.f32 v59, v42;
	v48 =	vmul.f32 v63, v42;
	v3 =	vadd.f32 v54, v3  }
0x1e6: {  	v34 =	vld [tilespmem:$0x5E00];
	v4 =	vadd.f32 v55, v4;
	v5 =	vadd.f32 v57, v5;
	v53 =	vmul.f32 v29, v49  }
0x1e7: {  	v50 =	vld [tilespmem:$0x5EB0];
	v6 =	vadd.f32 v60, v6;
	v54 =	vmul.f32 v32, v49;
	v56 =	vmul.f32 v35, v49  }
0x1e8: {  	v47 =	vld [tilespmem:$0x5D40];
	v57 =	vbroadcast v2, $0xC;
	v59 =	vmul.f32 v37, v49;
	v3 =	vadd.f32 v62, v3  }
0x1e9: {  	v52 =	vld [tilespmem:$0x5D60];
	v2 =	vbroadcast v2, $0xF;
	v4 =	vadd.f32 v9, v4;
	v5 =	vadd.f32 v25, v5  }
0x1ea: {  	v63 =	vld [tilespmem:$0x5DA0];
	v35 =	vmul.f32 v23, v27;
	v6 =	vadd.f32 v28, v6;
	v3 =	vadd.f32 v30, v3  }
0x1eb: {  	v42 =	vld [tilespmem:$0x5E30];
	v61 =	vmul.f32 v40, v57;
	v62 =	vmul.f32 v43, v57;
	v4 =	vadd.f32 v31, v4  }
0x1ec: {  	v55 =	vld [tilespmem:$0x5D70];
	v21 =	vmul.f32 v45, v57;
	v6 =	vadd.f32 v36, v6;
	v3 =	vadd.f32 v38, v3  }
0x1ed: {  	v60 =	vld [tilespmem:$0x5D90];
	v40 =	vbroadcast v1, $0x6;
	v5 =	vadd.f32 v33, v5;
	v4 =	vadd.f32 v39, v4  }
0x1ee: {  	v32 =	vld [tilespmem:$0x5DF0];
	v24 =	vmul.f32 v47, v57;
	v6 =	vadd.f32 v44, v6;
	v3 =	vadd.f32 v46, v3  }
0x1ef: {  	v49 =	vld [tilespmem:$0x5EA0];
	v29 =	vmul.f32 v52, v22;
	v5 =	vadd.f32 v41, v5;
	v4 =	vadd.f32 v12, v4  }
0x1f0: {  	v28 =	vld [tilespmem:$0x5DD0];
	v31 =	vmul.f32 v58, v22;
	v6 =	vadd.f32 v51, v6;
	v3 =	vadd.f32 v53, v3  }
0x1f1: {  	v25 =	vld [tilespmem:$0x5DC0];
	v33 =	vmul.f32 v63, v27;
	v5 =	vadd.f32 v48, v5;
	v4 =	vadd.f32 v54, v4  }
0x1f2: {  	v30 =	vld [tilespmem:$0x5DE0];
	v11 =	vmul.f32 v55, v22;
	v6 =	vadd.f32 v59, v6;
	v3 =	vadd.f32 v61, v3  }
0x1f3: {  	v43 =	vld [tilespmem:$0x5E40];
	v9 =	vmul.f32 v60, v27;
	v5 =	vadd.f32 v56, v5;
	v4 =	vadd.f32 v62, v4  }
0x1f4: {  	v45 =	vld [tilespmem:$0x5E60];
	v39 =	vmul.f32 v32, v2;
	v6 =	vadd.f32 v24, v6;
	v3 =	vadd.f32 v26, v3  }
0x1f5: {  	v47 =	vld [tilespmem:$0x5E80];
	v36 =	vmul.f32 v28, v2;
	v5 =	vadd.f32 v21, v5;
	v4 =	vadd.f32 v29, v4  }
0x1f6: {  	v52 =	vld [tilespmem:$0x5ED0];
	v37 =	vmul.f32 v25, v27;
	v6 =	vadd.f32 v31, v6;
	v3 =	vadd.f32 v9, v3  }
0x1f7: {  	v57 =	vld [tilespmem:$0x5F20];
	v38 =	vmul.f32 v30, v2;
	v5 =	vadd.f32 v11, v5;
	v4 =	vadd.f32 v33, v4  }
0x1f8: {  	v63 =	vld [tilespmem:$0x5F60];
	v2 =	vmul.f32 v34, v2;
	v6 =	vadd.f32 v37, v6;
	v3 =	vadd.f32 v36, v3  }
0x1f9: {  	v55 =	vld [tilespmem:$0x5F00];
	v5 =	vadd.f32 v35, v5;
	v4 =	vadd.f32 v38, v4  }
0x1fa: {  	v60 =	vld [tilespmem:$0x5F40];
	v2 =	vadd.f32 v2, v6;
	v3 =	vmul.f32 v3, v40  }
0x1fb: {  	v41 =	vld [tilespmem:$0x5E20];
	v5 =	vadd.f32 v39, v5;
	v4 =	vmul.f32 v4, v40  }
0x1fc: {  	v44 =	vld [tilespmem:$0x5E50];
	v2 =	vmul.f32 v2, v40;
	[tilespmem:$0x6390] =	vst v3  }
0x1fd: {  	v32 =	vld [tilespmem:$0x5F70];
	v3 =	vmul.f32 v5, v40;
	[tilespmem:$0x63A0] =	vst v4  }
0x1fe: {  	v25 =	vld [tilespmem:$0x5FD0];
	[tilespmem:$0x63C0] =	vst v2  }
0x1ff: {  	v28 =	vld [tilespmem:$0x6140];
	[tilespmem:$0x63B0] =	vst v3  }
0x200: {  	v2 =	vld [tilespmem:s26+$0x2070]  }
0x201: {  	v46 =	vld [tilespmem:$0x5E70]  }
0x202: {  	v3 =	vld [tilespmem:$0x5E10]  }
0x203: {  	v48 =	vld [tilespmem:$0x5E90]  }
0x204: {  	v51 =	vld [tilespmem:$0x5EC0]  }
0x205: {  	v1 =	vbroadcast v1, $0x7;
	v12 =	vld [tilespmem:$0x5FC0];
	v58 =	vbroadcast v2, $0x0  }
0x206: {  	v53 =	vld [tilespmem:$0x5EE0];
	v62 =	vbroadcast v2, $0x1;
	v35 =	vbroadcast v2, $0x2  }
0x207: {  	v54 =	vld [tilespmem:$0x5EF0];
	v31 =	vbroadcast v2, $0x6;
	v3 =	vmul.f32 v3, v58  }
0x208: {  	v21 =	vld [tilespmem:$0x5F90];
	v4 =	vmul.f32 v41, v58;
	v5 =	vmul.f32 v42, v58  }
0x209: {  	v36 =	vld [tilespmem:$0x5FA0];
	v7 =	vmul.f32 v44, v62;
	v6 =	vmul.f32 v43, v58  }
0x20a: {  	v38 =	vld [tilespmem:$0x5FB0];
	v8 =	vmul.f32 v45, v62;
	v34 =	vmul.f32 v46, v62  }
0x20b: {  	v56 =	vld [tilespmem:$0x5F10];
	v37 =	vmul.f32 v47, v62;
	v39 =	vmul.f32 v48, v35  }
0x20c: {  	v59 =	vld [tilespmem:$0x5F30];
	v40 =	vmul.f32 v49, v35;
	v41 =	vmul.f32 v50, v35  }
0x20d: {  	v61 =	vld [tilespmem:$0x5F50];
	v42 =	vbroadcast v2, $0x3;
	v43 =	vmul.f32 v51, v35  }
0x20e: {  	v33 =	vld [tilespmem:$0x5F80];
	v49 =	vbroadcast v2, $0x4;
	v35 =	vmul.f32 v21, v31  }
0x20f: {  	v44 =	vld [tilespmem:$0x5FE0];
	v36 =	vmul.f32 v36, v31;
	v38 =	vmul.f32 v38, v31;
	v3 =	vadd.f32 $0.0e+00, v3  }
0x210: {  	v47 =	vld [tilespmem:$0x5FF0];
	v4 =	vadd.f32 $0.0e+00, v4;
	v45 =	vmul.f32 v52, v42;
	v46 =	vmul.f32 v53, v42  }
0x211: {  	v50 =	vld [tilespmem:$0x6000];
	v5 =	vadd.f32 $0.0e+00, v5;
	v48 =	vmul.f32 v54, v42;
	v51 =	vmul.f32 v55, v42  }
0x212: {  	v58 =	vld [tilespmem:$0x6030];
	v6 =	vadd.f32 $0.0e+00, v6;
	v53 =	vmul.f32 v56, v49;
	v54 =	vmul.f32 v57, v49  }
0x213: {  	v52 =	vld [tilespmem:$0x6010];
	v56 =	vmul.f32 v59, v49;
	v57 =	vbroadcast v2, $0x5;
	v3 =	vadd.f32 v7, v3  }
0x214: {  	v55 =	vld [tilespmem:$0x6020];
	v59 =	vmul.f32 v60, v49;
	v4 =	vadd.f32 v8, v4;
	v5 =	vadd.f32 v34, v5  }
0x215: {  	v60 =	vld [tilespmem:$0x6040];
	v6 =	vadd.f32 v37, v6;
	v61 =	vmul.f32 v61, v57;
	v62 =	vmul.f32 v63, v57  }
0x216: {  	v42 =	vld [tilespmem:$0x60A0];
	v30 =	vmul.f32 v32, v57;
	v33 =	vmul.f32 v33, v57;
	v3 =	vadd.f32 v39, v3  }
0x217: {  	v49 =	vld [tilespmem:$0x60D0];
	v4 =	vadd.f32 v40, v4;
	v5 =	vadd.f32 v41, v5;
	v39 =	vbroadcast v2, $0x7  }
0x218: {  	v63 =	vld [tilespmem:$0x6050];
	v6 =	vadd.f32 v43, v6;
	v41 =	vmul.f32 v12, v31;
	v3 =	vadd.f32 v45, v3  }
0x219: {  	v32 =	vld [tilespmem:$0x6060];
	v4 =	vadd.f32 v46, v4;
	v5 =	vadd.f32 v48, v5;
	v43 =	vmul.f32 v25, v39  }
0x21a: {  	v34 =	vld [tilespmem:$0x6070];
	v6 =	vadd.f32 v51, v6;
	v9 =	vmul.f32 v44, v39;
	v46 =	vbroadcast v2, $0x8  }
0x21b: {  	v37 =	vld [tilespmem:$0x6080];
	v45 =	vmul.f32 v47, v39;
	v48 =	vmul.f32 v50, v39;
	v3 =	vadd.f32 v53, v3  }
0x21c: {  	v57 =	vld [tilespmem:$0x6100];
	v4 =	vadd.f32 v54, v4;
	v50 =	vmul.f32 v52, v46;
	v51 =	vmul.f32 v55, v46  }
0x21d: {  	v40 =	vld [tilespmem:$0x6090];
	v5 =	vadd.f32 v56, v5;
	v53 =	vmul.f32 v58, v46;
	v54 =	vbroadcast v2, $0x9  }
0x21e: {  	v44 =	vld [tilespmem:$0x60B0];
	v6 =	vadd.f32 v59, v6;
	v56 =	vmul.f32 v60, v46;
	v46 =	vbroadcast v2, $0xD  }
0x21f: {  	v47 =	vld [tilespmem:$0x60C0];
	v3 =	vadd.f32 v61, v3;
	v4 =	vadd.f32 v62, v4;
	v58 =	vmul.f32 v63, v54  }
0x220: {  	v52 =	vld [tilespmem:$0x60E0];
	v5 =	vadd.f32 v30, v5;
	v59 =	vmul.f32 v32, v54;
	v62 =	vbroadcast v2, $0xA  }
0x221: {  	v55 =	vld [tilespmem:$0x60F0];
	v6 =	vadd.f32 v33, v6;
	v61 =	vmul.f32 v34, v54;
	v25 =	vmul.f32 v37, v54  }
0x222: {  	v39 =	vld [tilespmem:$0x6180];
	v30 =	vbroadcast v2, $0xB;
	v3 =	vadd.f32 v35, v3;
	v27 =	vmul.f32 v40, v62  }
0x223: {  	v60 =	vld [tilespmem:$0x6110];
	v4 =	vadd.f32 v36, v4;
	v12 =	vmul.f32 v42, v62;
	v29 =	vmul.f32 v44, v62  }
0x224: {  	v26 =	vld [tilespmem:$0x6130];
	v5 =	vadd.f32 v38, v5;
	v32 =	vmul.f32 v47, v62;
	v34 =	vmul.f32 v49, v30  }
0x225: {  	v63 =	vld [tilespmem:$0x6120];
	v6 =	vadd.f32 v41, v6;
	v38 =	vbroadcast v2, $0xC;
	v40 =	vmul.f32 v57, v30  }
0x226: {  	v31 =	vld [tilespmem:$0x6150];
	v35 =	vmul.f32 v52, v30;
	v37 =	vmul.f32 v55, v30;
	v3 =	vadd.f32 v43, v3  }
0x227: {  	v55 =	vmul.f32 v39, v46;
	v4 =	vadd.f32 v9, v4;
	v5 =	vadd.f32 v45, v5  }
0x228: {  	v33 =	vld [tilespmem:$0x6160];
	v6 =	vadd.f32 v48, v6;
	v42 =	vmul.f32 v60, v38;
	v3 =	vadd.f32 v50, v3  }
0x229: {  	v45 =	vmul.f32 v26, v38;
	v48 =	vmul.f32 v28, v38;
	v4 =	vadd.f32 v51, v4  }
0x22a: {  	v36 =	vld [tilespmem:$0x6170];
	v43 =	vmul.f32 v63, v38;
	v5 =	vadd.f32 v53, v5;
	v3 =	vadd.f32 v58, v3  }
0x22b: {  	v41 =	vld [tilespmem:$0x6190];
	v6 =	vadd.f32 v56, v6;
	v50 =	vmul.f32 v31, v46;
	v4 =	vadd.f32 v59, v4  }
0x22c: {  	v44 =	vld [tilespmem:$0x61A0];
	v51 =	vbroadcast v2, $0xE;
	v5 =	vadd.f32 v61, v5;
	v3 =	vadd.f32 v27, v3  }
0x22d: {  	v47 =	vld [tilespmem:$0x61B0];
	v53 =	vmul.f32 v33, v46;
	v6 =	vadd.f32 v25, v6;
	v4 =	vadd.f32 v12, v4  }
0x22e: {  	v52 =	vld [tilespmem:$0x61D0];
	v2 =	vbroadcast v2, $0xF;
	v5 =	vadd.f32 v29, v5;
	v3 =	vadd.f32 v34, v3  }
0x22f: {  	v49 =	vld [tilespmem:$0x61C0];
	v11 =	vmul.f32 v36, v46;
	v6 =	vadd.f32 v32, v6;
	v4 =	vadd.f32 v35, v4  }
0x230: {  	v54 =	vld [tilespmem:$0x61E0];
	v9 =	vmul.f32 v41, v51;
	v5 =	vadd.f32 v37, v5;
	v3 =	vadd.f32 v42, v3  }
0x231: {  	v56 =	vld [tilespmem:$0x61F0];
	v57 =	vmul.f32 v44, v51;
	v6 =	vadd.f32 v40, v6;
	v4 =	vadd.f32 v43, v4  }
0x232: {  	v58 =	vld [tilespmem:$0x6200];
	v59 =	vmul.f32 v47, v51;
	v5 =	vadd.f32 v45, v5;
	v3 =	vadd.f32 v50, v3  }
0x233: {  	v60 =	vmul.f32 v52, v2;
	v6 =	vadd.f32 v48, v6;
	v4 =	vadd.f32 v53, v4  }
0x234: {  	v61 =	vmul.f32 v49, v51;
	v5 =	vadd.f32 v11, v5;
	v3 =	vadd.f32 v9, v3  }
0x235: {  	v62 =	vmul.f32 v54, v2;
	v6 =	vadd.f32 v55, v6;
	v4 =	vadd.f32 v57, v4  }
0x236: {  	v63 =	vmul.f32 v56, v2;
	v5 =	vadd.f32 v59, v5;
	v3 =	vadd.f32 v60, v3  }
0x237: {  	v2 =	vmul.f32 v58, v2;
	v6 =	vadd.f32 v61, v6;
	v4 =	vadd.f32 v62, v4  }
0x238: {  	v5 =	vadd.f32 v63, v5;
	v3 =	vmul.f32 v3, v1  }
0x239: {  	v2 =	vadd.f32 v2, v6;
	v4 =	vmul.f32 v4, v1  }
0x23a: {  	[tilespmem:$0x63D0] =	vst v3;
	v3 =	vmul.f32 v5, v1  }
0x23b: {  	[tilespmem:$0x63E0] =	vst v4;
	v1 =	vmul.f32 v2, v1  }
0x23c: {  	p0 =	sne.s32 s25, $0x7E00;
	[tilespmem:$0x63F0] =	vst v3  }
.Ltmp0:
0x23d: {  	[tilespmem:$0x6400] =	vst v1;
	(pc) =	sbr.rel @p0 .LBB2_2-.Ltmp0, $4  }
0x23e: {  	[hbm4b:s24+s19] =	stream.strided.scatter [tilespmem:s21], [sflag:$0x2], $0x200, s20, s19, $0x38;
	[tilespmem:$0x6410] =	vst v63  }
0x23f: {  	_ =	swait.ge [sflag:s11], $0x200  }
0x240: {  	s25 =	sadd.s32 $0x200, s25;
	[sflag:s11] =	ssyncset.done $0x0  }
0x241: {  	s23 =	sadd.s32 $0x8, s23;
	s24 =	sadd.s32 $0x140, s24;
	[sflag:s11] =	ssyncadd.s32 $0xFFFFFE00  }
0x242: {  	s22 =	sadd.s32 $0x1, s22  }
0x243: {  	p0 =	sne.s32 s22, s9  }
.Ltmp1:
0x244: {  	_ = 	snop;
	(pc) =	sbr.rel @p0 .LBB2_1-.Ltmp1, $1  }
0x245: {  	_ =	sdelay $0x3  }
0x246: {  	_ =	sfence.sel $0x180000  }
0x247: {  	[bflag:$0x0] =	sbarrier.arrive $0xFFFF  }
0x248: {  	p0 =	sne.s32 s1, $0x0;
	_ =	strace $0x90000047  }
0x249: {  	s0 =	sadd.s32 @!p0 $0x100000, s0;
	[bflag:$0x2] =	sbarrier.arrive $0xFFFF  }
0x24a: {  	[sflag:s0] =	ssyncadd.tile.s32 @!p0 $0x1;
	_ =	shalt  }
.Lfunc_end2:
_tile_overlayer_lowered:
.L_overlay_start_2:
0x24b: {  	(tag) =	ssettag $0x2  }
0x24c: {  	s0 =	rddreg [dreg:$0x0];
	s2 =	stileid.u32  }
0x24d: {  	s1 =	rddreg [dreg:$0x1];
	p0 =	sne.s32 s2, $0x0  }
0x24e: {  	s3 =	rddreg [dreg:$0x2];
	[bflag:$0x3] =	sbarrier.arrive $0xFFFF;
	s2 =	simm.s32 @!p0 $0x1C02  }
0x24f: {  	[timem:s3], [sflag:s2] =	dma.local @!p0 [hbm:s0], s1  }
0x250: {  	s0 =	simm.s32 @!p0 $0x2  }
0x251: {  	_ =	swait.ge @!p0 [sflag:s0], s1  }
0x252: {  	s1 =	ssub.s32 @!p0 $0x0, s1;
	[sflag:s0] =	ssyncset.done @!p0 $0x0  }
0x253: {  	[sflag:s0] =	ssyncadd.s32 @!p0 s1  }
0x254: {  	[bflag:$0x3] =	sbarrier.arrive $0xFFFF  }
0x255: {  	_ =	shalt  }

</sc_bundles>
